<compile_context>
chip_gen: v7x
topology: tpu7x:2x2x1
jax: 0.10.2.dev20260603
libtpu: 0.0.44.dev20260713+nightly
codegen_flags: <defaults>
</compile_context>

<pallas_src>
import functools

import jax
import jax.numpy as jnp
from jax import lax
from jax.experimental import pallas as pl
from jax.experimental.pallas import tpu as pltpu
from jax.experimental.pallas import tpu_sc as plsc

_N = 10000
_E = 320000
_HID = 64
_CH = 128
_NC = 2
_NS = 16
_NW = _NC * _NS
_CPT = 80
_EPT = _CPT * _CH
_E_PAD = _NW * _EPT
_ACC = 10240
_RPT = _ACC // _NS
_SS = 4
_NSC = _CPT // _SS
_SCH = _SS * _CH
_SS2 = 2
_NSC2 = _CPT // _SS2
_SCH2 = _SS2 * _CH
_NSC2_0 = 60
_SPAD2 = 1344

_mesh = plsc.VectorSubcoreMesh(core_axis_name="c", subcore_axis_name="s")
_sc_params = pltpu.CompilerParams(use_tc_tiling_on_sc=False)


def _wid(c, s):
    return c * _NS + s


@functools.partial(
    pl.kernel,
    out_type=jax.ShapeDtypeStruct((_NC, _ACC), jnp.float32),
    mesh=_mesh,
    compiler_params=_sc_params,
    scratch_types=[
        pltpu.VMEM((_EPT,), jnp.int32),
        pltpu.VMEM((_EPT,), jnp.float32),
        pltpu.VMEM_SHARED((_ACC,), jnp.float32),
    ],
)
def _sc_degree(dst_hbm, ones_hbm, zeros_hbm, out_hbm, dst_v, ones_v, acc):
    c = lax.axis_index("c")
    s = lax.axis_index("s")
    w = _wid(c, s)
    pltpu.sync_copy(zeros_hbm, acc.at[pl.ds(s * _RPT, _RPT)])
    pltpu.sync_copy(ones_hbm, ones_v)
    pltpu.sync_copy(dst_hbm.at[pl.ds(w * _EPT, _EPT)], dst_v)
    plsc.subcore_barrier()
    pltpu.sync_copy(ones_v, acc.at[dst_v], add=True)
    plsc.subcore_barrier()
    pltpu.sync_copy(acc.at[pl.ds(s * _RPT, _RPT)], out_hbm.at[c, pl.ds(s * _RPT, _RPT)])


@functools.partial(
    pl.kernel,
    out_type=jax.ShapeDtypeStruct((_NC, _ACC, 2 * _HID), jnp.float32),
    mesh=_mesh,
    compiler_params=_sc_params,
    scratch_types=[
        pltpu.VMEM((_NSC, _SCH), jnp.int32),
        pltpu.VMEM((_NSC, _SCH), jnp.int32),
        pltpu.VMEM((_SCH, _HID), jnp.float32),
        pltpu.VMEM((_SCH, _HID), jnp.float32),
        pltpu.VMEM_SHARED((_ACC, _HID), jnp.float32),
        pltpu.SemaphoreType.DMA,
        pltpu.SemaphoreType.DMA,
    ],
)
def _sc_scatter(y_hbm, src_hbm, dst_hbm, zeros_hbm, out_hbm,
                src_v, dst_v, rows_a, rows_b, acc, sem_a, sem_b):
    c = lax.axis_index("c")
    s = lax.axis_index("s")
    w = _wid(c, s)
    for k in range(_RPT // _CH):
        pltpu.sync_copy(zeros_hbm, acc.at[pl.ds(s * _RPT + k * _CH, _CH)])
    pltpu.sync_copy(src_hbm.at[pl.ds(w * _NSC, _NSC)], src_v)
    pltpu.sync_copy(dst_hbm.at[pl.ds(w * _NSC, _NSC)], dst_v)
    plsc.subcore_barrier()
    pltpu.async_copy(y_hbm.at[src_v.at[0]], rows_a, sem_a)

    @pl.loop(0, _NSC, step=2)
    def _chunks(j):
        pltpu.async_copy(y_hbm.at[src_v.at[j + 1]], rows_b, sem_b)
        pltpu.make_async_copy(y_hbm.at[src_v.at[j]], rows_a, sem_a).wait()
        pltpu.sync_copy(rows_a, acc.at[dst_v.at[j]], add=True)

        @pl.when(j + 2 < _NSC)
        def _prefetch():
            pltpu.async_copy(y_hbm.at[src_v.at[j + 2]], rows_a, sem_a)

        pltpu.make_async_copy(y_hbm.at[src_v.at[j + 1]], rows_b, sem_b).wait()
        pltpu.sync_copy(rows_b, acc.at[dst_v.at[j + 1]], add=True)

    plsc.subcore_barrier()
    pltpu.sync_copy(acc.at[pl.ds(s * _RPT, _RPT)],
                    out_hbm.at[c, pl.ds(s * _RPT, _RPT), pl.ds(0, _HID)])


@functools.partial(
    pl.kernel,
    out_type=jax.ShapeDtypeStruct((_E_PAD, 2 * _HID), jnp.float32),
    mesh=_mesh,
    compiler_params=_sc_params,
    scratch_types=[
        pltpu.VMEM((_NSC2_0, _SCH2), jnp.int32),
        pltpu.VMEM((_NSC2_0, _SCH2), jnp.int32),
        pltpu.VMEM((2, _SCH2, _HID), jnp.float32),
        pltpu.VMEM((2, _SCH2, _HID), jnp.float32),
        pltpu.SemaphoreType.DMA,
        pltpu.SemaphoreType.DMA,
        pltpu.SemaphoreType.DMA,
    ],
)
def _sc_zgather(zs_hbm, zd_hbm, src_hbm, dst_hbm, os_hbm,
                src_v, dst_v, buf_a, buf_b, sem_a, sem_b, sem_w):
    c = lax.axis_index("c")
    s = lax.axis_index("s")
    w = _wid(c, s)
    nsc2 = 60 - 40 * c
    sbase = c * 960 + s * nsc2
    base = sbase * _SCH2
    pltpu.sync_copy(src_hbm.at[pl.ds(sbase, _NSC2_0)], src_v)
    pltpu.sync_copy(dst_hbm.at[pl.ds(sbase, _NSC2_0)], dst_v)
    pltpu.async_copy(zs_hbm.at[src_v.at[0]], buf_a.at[0], sem_a)
    pltpu.async_copy(zd_hbm.at[dst_v.at[0]], buf_b.at[0], sem_b)

    @pl.loop(0, nsc2, step=2)
    def _chunks(j):
        for p in range(2):
            jj = j + p
            nxt = jj + 1
            @pl.when(jj >= 1)
            def _drain():
                prev = pl.ds(base + (jj - 1) * _SCH2, _SCH2)
                pltpu.make_async_copy(
                    buf_a.at[1 - p], os_hbm.at[prev, pl.ds(0, _HID)], sem_w).wait()
                pltpu.make_async_copy(
                    buf_b.at[1 - p], os_hbm.at[prev, pl.ds(_HID, _HID)], sem_w).wait()

            @pl.when(nxt < nsc2)
            def _prefetch():
                pltpu.async_copy(zs_hbm.at[src_v.at[nxt]], buf_a.at[1 - p], sem_a)
                pltpu.async_copy(zd_hbm.at[dst_v.at[nxt]], buf_b.at[1 - p], sem_b)

            pltpu.make_async_copy(zs_hbm.at[src_v.at[jj]], buf_a.at[p], sem_a).wait()
            pltpu.make_async_copy(zd_hbm.at[dst_v.at[jj]], buf_b.at[p], sem_b).wait()
            dst_rows = pl.ds(base + jj * _SCH2, _SCH2)
            pltpu.async_copy(buf_a.at[p], os_hbm.at[dst_rows, pl.ds(0, _HID)], sem_w)
            pltpu.async_copy(buf_b.at[p], os_hbm.at[dst_rows, pl.ds(_HID, _HID)], sem_w)

    sl = pl.ds(base + (nsc2 - 1) * _SCH2, _SCH2)
    pltpu.make_async_copy(buf_a.at[1], os_hbm.at[sl, pl.ds(0, _HID)], sem_w).wait()
    pltpu.make_async_copy(buf_b.at[1], os_hbm.at[sl, pl.ds(_HID, _HID)], sem_w).wait()


def _dot(a, b):
    return jnp.dot(a, b, preferred_element_type=jnp.float32)


def _tc0_body(degp_ref, x_ref, w_ref, dinv_ref, y0_ref):
    deg = degp_ref[0] + degp_ref[1] + 1.0
    dinv = lax.rsqrt(deg)
    dinv_ref[...] = dinv
    y0_ref[...] = _dot(x_ref[...], w_ref[...]) * dinv


def _tc_layer_body(sp_ref, y_ref, dinv_ref, zs_ref, zd_ref, b_ref,
                   w_ref, bs_ref, bd_ref, yo_ref, zso_ref, zdo_ref):
    dinv = dinv_ref[...]
    sp = sp_ref[0, :, :_HID] + sp_ref[1, :, :_HID]
    h = jnp.maximum(dinv * (sp + y_ref[...]) + b_ref[...], 0.0)
    yo_ref[...] = _dot(h, w_ref[...]) * dinv
    zso_ref[...] = zs_ref[...] + _dot(h, bs_ref[...])
    zdo_ref[...] = zd_ref[...] + _dot(h, bd_ref[...])


def _tc_edge_body(ea_ref, ez_ref, w1_ref, c_ref, w2_ref,
                  b1_ref, bf_ref, b2_ref, o_ref):
    t = jnp.maximum(_dot(ea_ref[...], w1_ref[...]) + b1_ref[...], 0.0)
    u = _dot(t, c_ref[...]) + bf_ref[...]
    ez = ez_ref[...]
    pre = u + ez[:, :_HID] + ez[:, _HID:]
    o_ref[...] = _dot(jnp.maximum(pre, 0.0), w2_ref[...]) + b2_ref[...]


_NB = 5
_NR = 2000


def _full(shape):
    return pl.BlockSpec(shape, lambda i: tuple(0 for _ in shape))


def _tc0(degp, x, w):
    return pl.pallas_call(
        _tc0_body,
        grid=(_NB,),
        in_specs=[
            pl.BlockSpec((_NC, _NR, 1), lambda i: (0, i, 0)),
            pl.BlockSpec((_NR, 128), lambda i: (i, 0)),
            _full((128, _HID)),
        ],
        out_specs=[
            pl.BlockSpec((_NR, 1), lambda i: (i, 0)),
            pl.BlockSpec((_NR, _HID), lambda i: (i, 0)),
        ],
        out_shape=[
            jax.ShapeDtypeStruct((_N, 1), jnp.float32),
            jax.ShapeDtypeStruct((_N, _HID), jnp.float32),
        ],
    )(degp, x, w)


def _tc_layer(sp, y, dinv, zs, zd, b, w, bs, bd):
    n64 = pl.BlockSpec((_NR, _HID), lambda i: (i, 0))
    return pl.pallas_call(
        _tc_layer_body,
        grid=(_NB,),
        in_specs=[
            pl.BlockSpec((_NC, _NR, 2 * _HID), lambda i: (0, i, 0)),
            n64,
            pl.BlockSpec((_NR, 1), lambda i: (i, 0)),
            n64, n64,
            _full((1, _HID)),
            _full((_HID, _HID)),
            _full((_HID, _HID)),
            _full((_HID, _HID)),
        ],
        out_specs=[n64, n64, n64],
        out_shape=[jax.ShapeDtypeStruct((_N, _HID), jnp.float32)] * 3,
    )(sp, y, dinv, zs, zd, b, w, bs, bd)


_EB = 625
_ER = 512


def _tc_edge(ea, ez, w1, cmat, w2, b1, bf, b2):
    return pl.pallas_call(
        _tc_edge_body,
        grid=(_EB,),
        in_specs=[
            pl.BlockSpec((_ER, 16), lambda i: (i, 0)),
            pl.BlockSpec((_ER, 2 * _HID), lambda i: (i, 0)),
            _full((16, _HID)),
            _full((_HID, _HID)),
            _full((_HID, 16)),
            _full((1, _HID)),
            _full((1, _HID)),
            _full((1, 16)),
        ],
        out_specs=pl.BlockSpec((_ER, 16), lambda i: (i, 0)),
        out_shape=jax.ShapeDtypeStruct((_E, 16), jnp.float32),
    )(ea, ez, w1, cmat, w2, b1, bf, b2)


def kernel(x, edge_index, edge_attr, cW0, cb0, cW1, cb1, cW2, cb2,
           epW1, epb1, epW2, epb2, fcW1, fcb1, fcW2, fcb2):
    f32 = jnp.float32
    src = edge_index[0]
    dst = edge_index[1]

    pad = _E_PAD - _E
    src_f = jnp.concatenate([src, jnp.zeros((pad,), jnp.int32)])
    dst_f = jnp.concatenate([dst, jnp.full((pad,), _N, jnp.int32)])
    xpad = jnp.zeros(((_SPAD2 * _SCH2 - _E_PAD),), jnp.int32)
    src_z = jnp.concatenate([src_f, xpad]).reshape(_SPAD2, _SCH2)
    dst_z = jnp.concatenate([dst_f, xpad]).reshape(_SPAD2, _SCH2)
    src_s = src_f.reshape(_NW * _NSC, _SCH)
    dst_s = dst_f.reshape(_NW * _NSC, _SCH)

    ones_ch = jnp.ones((_EPT,), f32)
    zeros_row = jnp.zeros((_RPT,), f32)
    zeros_ch64 = jnp.zeros((_CH, _HID), f32)

    degp = _sc_degree(dst_f, ones_ch, zeros_row)
    degp3 = degp[:, :_N].reshape(_NC, _N, 1)

    dinv, y0 = _tc0(degp3, x, cW0)

    zeros_n64 = jnp.zeros((_N, _HID), f32)
    sp0 = _sc_scatter(y0, src_s, dst_s, zeros_ch64)
    y1, zs1, zd1 = _tc_layer(sp0[:, :_N], y0, dinv, zeros_n64, zeros_n64,
                             cb0.reshape(1, _HID), cW1,
                             fcW1[0:64], fcW1[64:128])
    sp1 = _sc_scatter(y1, src_s, dst_s, zeros_ch64)
    y2, zs2, zd2 = _tc_layer(sp1[:, :_N], y1, dinv, zs1, zd1,
                             cb1.reshape(1, _HID), cW2,
                             fcW1[128:192], fcW1[192:256])
    sp2 = _sc_scatter(y2, src_s, dst_s, zeros_ch64)
    _, zsrc, zdst = _tc_layer(sp2[:, :_N], y2, dinv, zs2, zd2,
                              cb2.reshape(1, _HID), cW2,
                              fcW1[256:320], fcW1[320:384])

    Be = fcW1[384:448]
    cmat = epW2 @ Be
    biasf = (fcb1 + epb2 @ Be).reshape(1, _HID)

    ez = _sc_zgather(zsrc, zdst, src_z, dst_z)

    out = _tc_edge(edge_attr, ez, epW1, cmat, fcW2,
                   epb1.reshape(1, _HID), biasf, fcb2.reshape(1, 16))
    return out

# --- scband reference (transcript-rebuilt; emitter-appended) ---
"""Pipeline reference for scband-multi-scale-edge-gcn-23570780520955 (READ-ONLY COPY).

The authoritative reference and input builder live on the scoring server;
editing this copy changes nothing except your own understanding.
"""

import jax, jax.numpy as jnp
import numpy as np

N = 10000
E = 320000
IN_DIM = 128
EDGE_DIM = 16
HID = 64
OUT = 16


def gcn_conv(x, src, dst, W, b, n):
    # PyG GCNConv: add self-loops, symmetric normalization D^-1/2 (A+I) D^-1/2 X W + b
    loop = jnp.arange(n, dtype=src.dtype)
    s = jnp.concatenate([src, loop])
    d = jnp.concatenate([dst, loop])
    deg = jnp.zeros((n,), x.dtype).at[d].add(1.0)
    dinv = jnp.where(deg > 0, deg ** -0.5, 0.0)
    norm = dinv[s] * dinv[d]
    xw = x @ W
    msg = xw[s] * norm[:, None]
    out = jnp.zeros((n, W.shape[1]), x.dtype).at[d].add(msg)
    return out + b


def setup_inputs(seed: int = 0):
    key = jax.random.key(seed)
    ks = jax.random.split(key, 20)
    inp = {}
    inp['x'] = jax.random.normal(ks[0], (N, IN_DIM), jnp.float32)
    inp['edge_index'] = jax.random.randint(ks[1], (2, E), 0, N, jnp.int32)
    inp['edge_attr'] = jax.random.normal(ks[2], (E, EDGE_DIM), jnp.float32)
    dims = [IN_DIM, HID, HID]
    for i in range(3):
        inp['cW%d' % i] = jax.random.normal(ks[3 + 2 * i], (dims[i], HID), jnp.float32) * 0.05
        inp['cb%d' % i] = jnp.zeros((HID,), jnp.float32)
    inp['epW1'] = jax.random.normal(ks[10], (EDGE_DIM, HID), jnp.float32) * 0.05
    inp['epb1'] = jnp.zeros((HID,), jnp.float32)
    inp['epW2'] = jax.random.normal(ks[11], (HID, HID), jnp.float32) * 0.05
    inp['epb2'] = jnp.zeros((HID,), jnp.float32)
    inp['fcW1'] = jax.random.normal(ks[12], (HID * 7, HID), jnp.float32) * 0.05
    inp['fcb1'] = jnp.zeros((HID,), jnp.float32)
    inp['fcW2'] = jax.random.normal(ks[13], (HID, OUT), jnp.float32) * 0.05
    inp['fcb2'] = jnp.zeros((OUT,), jnp.float32)
    return inp


def reference(x, edge_index, edge_attr, cW0, cb0, cW1, cb1, cW2, cb2, epW1, epb1, epW2, epb2, fcW1, fcb1, fcW2, fcb2):
    src = edge_index[0]
    dst = edge_index[1]
    h = x
    combined = []
    for W, b in ((cW0, cb0), (cW1, cb1), (cW2, cb2)):
        h = jax.nn.relu(gcn_conv(h, src, dst, W, b, N))
        combined.append(h[src])
        combined.append(h[dst])
    e = jax.nn.relu(edge_attr @ epW1 + epb1) @ epW2 + epb2
    cat = jnp.concatenate(combined + [e], axis=1)
    out = jax.nn.relu(cat @ fcW1 + fcb1) @ fcW2 + fcb2
    return out

if __name__ == "__main__":
    import jax
    _d = setup_inputs()
    print(jax.jit(kernel)(*tuple(_d.values())))

</pallas_src>

<mosaic_0001>
#map = affine_map<(d0, d1) -> (0, 0)>
#map1 = affine_map<(d0, d1) -> (0, 0, 0)>
module attributes {stable_mosaic.version = 14 : i64} {
  func.func @_sc_scatter(%arg0: i32, %arg1: i32, %arg2: memref<10000x64xf32, #tpu.memory_space<hbm>>, %arg3: memref<640x512xi32, #tpu.memory_space<hbm>>, %arg4: memref<640x512xi32, #tpu.memory_space<hbm>>, %arg5: memref<128x64xf32, #tpu.memory_space<hbm>>, %arg6: memref<2x10240x128xf32, #tpu.memory_space<hbm>>, %arg7: memref<20x512xi32, #tpu.memory_space<vmem>>, %arg8: memref<20x512xi32, #tpu.memory_space<vmem>>, %arg9: memref<512x64xf32, #tpu.memory_space<vmem>>, %arg10: memref<512x64xf32, #tpu.memory_space<vmem>>, %arg11: memref<10240x64xf32, #tpu.memory_space<vmem_shared>>, %arg12: memref<!tpu.dma_semaphore, #tpu.memory_space<semaphore_mem>>, %arg13: memref<!tpu.dma_semaphore, #tpu.memory_space<semaphore_mem>>) attributes {dimension_semantics = [#tpu.dimension_semantics<core_parallel>, #tpu.dimension_semantics<subcore_parallel>], iteration_bounds = array<i64: 2, 16>, scalar_prefetch = 0 : i64, scratch_operands = 7 : i64, tpu.core_type = #tpu.core_type<sc_vector_subcore>, window_params = [{transform_indices = #map}, {transform_indices = #map}, {transform_indices = #map}, {transform_indices = #map}, {transform_indices = #map1}]} {
    %mul3A = arith.constant 16 : i32
    %mul3A_0 = arith.muli %arg0, %mul3A : i32
    %add3A = arith.addi %mul3A_0, %arg1 : i32
    %mul3A_1 = arith.constant 640 : i32
    %mul3A_2 = arith.muli %arg1, %mul3A_1 : i32
    %add3A_3 = arith.constant 0 : i32
    %add3A_4 = arith.addi %mul3A_2, %add3A_3 : i32
    "tpu.region"() ({
      %run_scoped3A = tpu.sem_alloc : memref<!tpu.dma_semaphore, #tpu.memory_space<semaphore_mem>>
      %dma_start3A_40 = arith.constant 0 : i32
      %dma_start3A_41 = tpu.memref_slice %arg11[%add3A_4, %dma_start3A_40] : memref<10240x64xf32, #tpu.memory_space<vmem_shared>> -> memref<128x64xf32, #tpu.memory_space<vmem_shared>>
      tpu.enqueue_dma source(%arg5 : memref<128x64xf32, #tpu.memory_space<hbm>>) target(%dma_start3A_41 : memref<128x64xf32, #tpu.memory_space<vmem_shared>>) target_semaphore(%run_scoped3A : memref<!tpu.dma_semaphore, #tpu.memory_space<semaphore_mem>>)
      %dma_wait3A = arith.constant 0 : i32
      %dma_wait3A_42 = tpu.memref_slice %arg11[%add3A_4, %dma_wait3A] : memref<10240x64xf32, #tpu.memory_space<vmem_shared>> -> memref<128x64xf32, #tpu.memory_space<vmem_shared>>
      tpu.wait_dma2 semaphore(%run_scoped3A : memref<!tpu.dma_semaphore, #tpu.memory_space<semaphore_mem>>) src(%arg5 : memref<128x64xf32, #tpu.memory_space<hbm>>) dst(%dma_wait3A_42 : memref<128x64xf32, #tpu.memory_space<vmem_shared>>)
      tpu.yield
    }) : () -> ()
    %mul3A_5 = arith.constant 640 : i32
    %mul3A_6 = arith.muli %arg1, %mul3A_5 : i32
    %add3A_7 = arith.constant 128 : i32
    %add3A_8 = arith.addi %mul3A_6, %add3A_7 : i32
    "tpu.region"() ({
      %run_scoped3A = tpu.sem_alloc : memref<!tpu.dma_semaphore, #tpu.memory_space<semaphore_mem>>
      %dma_start3A_40 = arith.constant 0 : i32
      %dma_start3A_41 = tpu.memref_slice %arg11[%add3A_8, %dma_start3A_40] : memref<10240x64xf32, #tpu.memory_space<vmem_shared>> -> memref<128x64xf32, #tpu.memory_space<vmem_shared>>
      tpu.enqueue_dma source(%arg5 : memref<128x64xf32, #tpu.memory_space<hbm>>) target(%dma_start3A_41 : memref<128x64xf32, #tpu.memory_space<vmem_shared>>) target_semaphore(%run_scoped3A : memref<!tpu.dma_semaphore, #tpu.memory_space<semaphore_mem>>)
      %dma_wait3A = arith.constant 0 : i32
      %dma_wait3A_42 = tpu.memref_slice %arg11[%add3A_8, %dma_wait3A] : memref<10240x64xf32, #tpu.memory_space<vmem_shared>> -> memref<128x64xf32, #tpu.memory_space<vmem_shared>>
      tpu.wait_dma2 semaphore(%run_scoped3A : memref<!tpu.dma_semaphore, #tpu.memory_space<semaphore_mem>>) src(%arg5 : memref<128x64xf32, #tpu.memory_space<hbm>>) dst(%dma_wait3A_42 : memref<128x64xf32, #tpu.memory_space<vmem_shared>>)
      tpu.yield
    }) : () -> ()
    %mul3A_9 = arith.constant 640 : i32
    %mul3A_10 = arith.muli %arg1, %mul3A_9 : i32
    %add3A_11 = arith.constant 256 : i32
    %add3A_12 = arith.addi %mul3A_10, %add3A_11 : i32
    "tpu.region"() ({
      %run_scoped3A = tpu.sem_alloc : memref<!tpu.dma_semaphore, #tpu.memory_space<semaphore_mem>>
      %dma_start3A_40 = arith.constant 0 : i32
      %dma_start3A_41 = tpu.memref_slice %arg11[%add3A_12, %dma_start3A_40] : memref<10240x64xf32, #tpu.memory_space<vmem_shared>> -> memref<128x64xf32, #tpu.memory_space<vmem_shared>>
      tpu.enqueue_dma source(%arg5 : memref<128x64xf32, #tpu.memory_space<hbm>>) target(%dma_start3A_41 : memref<128x64xf32, #tpu.memory_space<vmem_shared>>) target_semaphore(%run_scoped3A : memref<!tpu.dma_semaphore, #tpu.memory_space<semaphore_mem>>)
      %dma_wait3A = arith.constant 0 : i32
      %dma_wait3A_42 = tpu.memref_slice %arg11[%add3A_12, %dma_wait3A] : memref<10240x64xf32, #tpu.memory_space<vmem_shared>> -> memref<128x64xf32, #tpu.memory_space<vmem_shared>>
      tpu.wait_dma2 semaphore(%run_scoped3A : memref<!tpu.dma_semaphore, #tpu.memory_space<semaphore_mem>>) src(%arg5 : memref<128x64xf32, #tpu.memory_space<hbm>>) dst(%dma_wait3A_42 : memref<128x64xf32, #tpu.memory_space<vmem_shared>>)
      tpu.yield
    }) : () -> ()
    %mul3A_13 = arith.constant 640 : i32
    %mul3A_14 = arith.muli %arg1, %mul3A_13 : i32
    %add3A_15 = arith.constant 384 : i32
    %add3A_16 = arith.addi %mul3A_14, %add3A_15 : i32
    "tpu.region"() ({
      %run_scoped3A = tpu.sem_alloc : memref<!tpu.dma_semaphore, #tpu.memory_space<semaphore_mem>>
      %dma_start3A_40 = arith.constant 0 : i32
      %dma_start3A_41 = tpu.memref_slice %arg11[%add3A_16, %dma_start3A_40] : memref<10240x64xf32, #tpu.memory_space<vmem_shared>> -> memref<128x64xf32, #tpu.memory_space<vmem_shared>>
      tpu.enqueue_dma source(%arg5 : memref<128x64xf32, #tpu.memory_space<hbm>>) target(%dma_start3A_41 : memref<128x64xf32, #tpu.memory_space<vmem_shared>>) target_semaphore(%run_scoped3A : memref<!tpu.dma_semaphore, #tpu.memory_space<semaphore_mem>>)
      %dma_wait3A = arith.constant 0 : i32
      %dma_wait3A_42 = tpu.memref_slice %arg11[%add3A_16, %dma_wait3A] : memref<10240x64xf32, #tpu.memory_space<vmem_shared>> -> memref<128x64xf32, #tpu.memory_space<vmem_shared>>
      tpu.wait_dma2 semaphore(%run_scoped3A : memref<!tpu.dma_semaphore, #tpu.memory_space<semaphore_mem>>) src(%arg5 : memref<128x64xf32, #tpu.memory_space<hbm>>) dst(%dma_wait3A_42 : memref<128x64xf32, #tpu.memory_space<vmem_shared>>)
      tpu.yield
    }) : () -> ()
    %mul3A_17 = arith.constant 640 : i32
    %mul3A_18 = arith.muli %arg1, %mul3A_17 : i32
    %add3A_19 = arith.constant 512 : i32
    %add3A_20 = arith.addi %mul3A_18, %add3A_19 : i32
    "tpu.region"() ({
      %run_scoped3A = tpu.sem_alloc : memref<!tpu.dma_semaphore, #tpu.memory_space<semaphore_mem>>
      %dma_start3A_40 = arith.constant 0 : i32
      %dma_start3A_41 = tpu.memref_slice %arg11[%add3A_20, %dma_start3A_40] : memref<10240x64xf32, #tpu.memory_space<vmem_shared>> -> memref<128x64xf32, #tpu.memory_space<vmem_shared>>
      tpu.enqueue_dma source(%arg5 : memref<128x64xf32, #tpu.memory_space<hbm>>) target(%dma_start3A_41 : memref<128x64xf32, #tpu.memory_space<vmem_shared>>) target_semaphore(%run_scoped3A : memref<!tpu.dma_semaphore, #tpu.memory_space<semaphore_mem>>)
      %dma_wait3A = arith.constant 0 : i32
      %dma_wait3A_42 = tpu.memref_slice %arg11[%add3A_20, %dma_wait3A] : memref<10240x64xf32, #tpu.memory_space<vmem_shared>> -> memref<128x64xf32, #tpu.memory_space<vmem_shared>>
      tpu.wait_dma2 semaphore(%run_scoped3A : memref<!tpu.dma_semaphore, #tpu.memory_space<semaphore_mem>>) src(%arg5 : memref<128x64xf32, #tpu.memory_space<hbm>>) dst(%dma_wait3A_42 : memref<128x64xf32, #tpu.memory_space<vmem_shared>>)
      tpu.yield
    }) : () -> ()
    %mul3A_21 = arith.constant 20 : i32
    %mul3A_22 = arith.muli %add3A, %mul3A_21 : i32
    "tpu.region"() ({
      %run_scoped3A = tpu.sem_alloc : memref<!tpu.dma_semaphore, #tpu.memory_space<semaphore_mem>>
      %dma_start3A_40 = arith.constant 0 : i32
      %dma_start3A_41 = tpu.memref_slice %arg3[%mul3A_22, %dma_start3A_40] : memref<640x512xi32, #tpu.memory_space<hbm>> -> memref<20x512xi32, #tpu.memory_space<hbm>>
      %dma_start3A_42 = arith.constant 0 : i32
      %dma_start3A_43 = tpu.memref_slice %arg3[%mul3A_22, %dma_start3A_42] : memref<640x512xi32, #tpu.memory_space<hbm>> -> memref<20x512xi32, #tpu.memory_space<hbm>>
      tpu.enqueue_dma source(%dma_start3A_43 : memref<20x512xi32, #tpu.memory_space<hbm>>) target(%arg7 : memref<20x512xi32, #tpu.memory_space<vmem>>) target_semaphore(%run_scoped3A : memref<!tpu.dma_semaphore, #tpu.memory_space<semaphore_mem>>)
      %dma_wait3A = arith.constant 0 : i32
      %dma_wait3A_44 = tpu.memref_slice %arg3[%mul3A_22, %dma_wait3A] : memref<640x512xi32, #tpu.memory_space<hbm>> -> memref<20x512xi32, #tpu.memory_space<hbm>>
      %dma_wait3A_45 = arith.constant 0 : i32
      %dma_wait3A_46 = tpu.memref_slice %arg3[%mul3A_22, %dma_wait3A_45] : memref<640x512xi32, #tpu.memory_space<hbm>> -> memref<20x512xi32, #tpu.memory_space<hbm>>
      tpu.wait_dma2 semaphore(%run_scoped3A : memref<!tpu.dma_semaphore, #tpu.memory_space<semaphore_mem>>) src(%dma_wait3A_46 : memref<20x512xi32, #tpu.memory_space<hbm>>) dst(%arg7 : memref<20x512xi32, #tpu.memory_space<vmem>>)
      tpu.yield
    }) : () -> ()
    %mul3A_23 = arith.constant 20 : i32
    %mul3A_24 = arith.muli %add3A, %mul3A_23 : i32
    "tpu.region"() ({
      %run_scoped3A = tpu.sem_alloc : memref<!tpu.dma_semaphore, #tpu.memory_space<semaphore_mem>>
      %dma_start3A_40 = arith.constant 0 : i32
      %dma_start3A_41 = tpu.memref_slice %arg4[%mul3A_24, %dma_start3A_40] : memref<640x512xi32, #tpu.memory_space<hbm>> -> memref<20x512xi32, #tpu.memory_space<hbm>>
      %dma_start3A_42 = arith.constant 0 : i32
      %dma_start3A_43 = tpu.memref_slice %arg4[%mul3A_24, %dma_start3A_42] : memref<640x512xi32, #tpu.memory_space<hbm>> -> memref<20x512xi32, #tpu.memory_space<hbm>>
      tpu.enqueue_dma source(%dma_start3A_43 : memref<20x512xi32, #tpu.memory_space<hbm>>) target(%arg8 : memref<20x512xi32, #tpu.memory_space<vmem>>) target_semaphore(%run_scoped3A : memref<!tpu.dma_semaphore, #tpu.memory_space<semaphore_mem>>)
      %dma_wait3A = arith.constant 0 : i32
      %dma_wait3A_44 = tpu.memref_slice %arg4[%mul3A_24, %dma_wait3A] : memref<640x512xi32, #tpu.memory_space<hbm>> -> memref<20x512xi32, #tpu.memory_space<hbm>>
      %dma_wait3A_45 = arith.constant 0 : i32
      %dma_wait3A_46 = tpu.memref_slice %arg4[%mul3A_24, %dma_wait3A_45] : memref<640x512xi32, #tpu.memory_space<hbm>> -> memref<20x512xi32, #tpu.memory_space<hbm>>
      tpu.wait_dma2 semaphore(%run_scoped3A : memref<!tpu.dma_semaphore, #tpu.memory_space<semaphore_mem>>) src(%dma_wait3A_46 : memref<20x512xi32, #tpu.memory_space<hbm>>) dst(%arg8 : memref<20x512xi32, #tpu.memory_space<vmem>>)
      tpu.yield
    }) : () -> ()
    %barrier3A = arith.constant 0 : index
    tpu.barrier barrier_id(%barrier3A)
    %dma_start3A = arith.constant 0 : i32
    %dma_start3A_25 = arith.constant 0 : i32
    %dma_start3A_26 = tpu.memref_slice %arg7[%dma_start3A, %dma_start3A_25] : memref<20x512xi32, #tpu.memory_space<vmem>> -> memref<1x512xi32, #tpu.memory_space<vmem>>
    %dma_start3A_27 = tpu.memref_squeeze %dma_start3A_26 : memref<1x512xi32, #tpu.memory_space<vmem>> -> memref<512xi32, #tpu.memory_space<vmem>>
    %dma_start3A_28 = arith.constant 0 : i32
    %dma_start3A_29 = arith.constant 0 : i32
    %dma_start3A_30 = tpu.memref_slice %arg2[%dma_start3A_28, %dma_start3A_29] : memref<10000x64xf32, #tpu.memory_space<hbm>> -> memref<10000x64xf32, #tpu.memory_space<hbm>>
    tpu.enqueue_indirect_dma source(%dma_start3A_30 : memref<10000x64xf32, #tpu.memory_space<hbm>>) target(%arg9 : memref<512x64xf32, #tpu.memory_space<vmem>>) offsets(%dma_start3A_27 : memref<512xi32, #tpu.memory_space<vmem>>) semaphore(%arg12 : memref<!tpu.dma_semaphore, #tpu.memory_space<semaphore_mem>>)
    %scan3A = arith.constant 0 : i32
    %scan3A_31 = arith.constant 10 : i32
    %scan3A_32 = arith.addi %scan3A, %scan3A_31 : i32
    %scan3A_33 = arith.constant 1 : i32
    scf.for %scan3A_40 = %scan3A to %scan3A_32 step %scan3A_33  : i32 {
      %mul3A_41 = arith.constant 2 : i32
      %mul3A_42 = arith.muli %scan3A_40, %mul3A_41 : i32
      %add3A_43 = arith.constant 0 : i32
      %add3A_44 = arith.addi %add3A_43, %mul3A_42 : i32
      %add3A_45 = arith.constant 1 : i32
      %add3A_46 = arith.addi %add3A_44, %add3A_45 : i32
      %dma_start3A_47 = arith.constant 0 : i32
      %dma_start3A_48 = tpu.memref_slice %arg7[%add3A_46, %dma_start3A_47] : memref<20x512xi32, #tpu.memory_space<vmem>> -> memref<1x512xi32, #tpu.memory_space<vmem>>
      %dma_start3A_49 = tpu.memref_squeeze %dma_start3A_48 : memref<1x512xi32, #tpu.memory_space<vmem>> -> memref<512xi32, #tpu.memory_space<vmem>>
      %dma_start3A_50 = arith.constant 0 : i32
      %dma_start3A_51 = arith.constant 0 : i32
      %dma_start3A_52 = tpu.memref_slice %arg2[%dma_start3A_50, %dma_start3A_51] : memref<10000x64xf32, #tpu.memory_space<hbm>> -> memref<10000x64xf32, #tpu.memory_space<hbm>>
      tpu.enqueue_indirect_dma source(%dma_start3A_52 : memref<10000x64xf32, #tpu.memory_space<hbm>>) target(%arg10 : memref<512x64xf32, #tpu.memory_space<vmem>>) offsets(%dma_start3A_49 : memref<512xi32, #tpu.memory_space<vmem>>) semaphore(%arg13 : memref<!tpu.dma_semaphore, #tpu.memory_space<semaphore_mem>>)
      %dma_wait3A = arith.constant 0 : i32
      %dma_wait3A_53 = tpu.memref_slice %arg7[%add3A_44, %dma_wait3A] : memref<20x512xi32, #tpu.memory_space<vmem>> -> memref<1x512xi32, #tpu.memory_space<vmem>>
      %dma_wait3A_54 = tpu.memref_squeeze %dma_wait3A_53 : memref<1x512xi32, #tpu.memory_space<vmem>> -> memref<512xi32, #tpu.memory_space<vmem>>
      %dma_wait3A_55 = arith.constant 0 : i32
      %dma_wait3A_56 = arith.constant 0 : i32
      %dma_wait3A_57 = tpu.memref_slice %arg2[%dma_wait3A_55, %dma_wait3A_56] : memref<10000x64xf32, #tpu.memory_space<hbm>> -> memref<10000x64xf32, #tpu.memory_space<hbm>>
      tpu.wait_indirect_dma semaphore(%arg12 : memref<!tpu.dma_semaphore, #tpu.memory_space<semaphore_mem>>) src(%dma_wait3A_57 : memref<10000x64xf32, #tpu.memory_space<hbm>>) dst(%arg9 : memref<512x64xf32, #tpu.memory_space<vmem>>)
      "tpu.region"() ({
        %run_scoped3A = tpu.sem_alloc : memref<!tpu.dma_semaphore, #tpu.memory_space<semaphore_mem>>
        %dma_start3A_72 = arith.constant 0 : i32
        %dma_start3A_73 = tpu.memref_slice %arg8[%add3A_44, %dma_start3A_72] : memref<20x512xi32, #tpu.memory_space<vmem>> -> memref<1x512xi32, #tpu.memory_space<vmem>>
        %dma_start3A_74 = tpu.memref_squeeze %dma_start3A_73 : memref<1x512xi32, #tpu.memory_space<vmem>> -> memref<512xi32, #tpu.memory_space<vmem>>
        %dma_start3A_75 = arith.constant 0 : i32
        %dma_start3A_76 = arith.constant 0 : i32
        %dma_start3A_77 = tpu.memref_slice %arg11[%dma_start3A_75, %dma_start3A_76] : memref<10240x64xf32, #tpu.memory_space<vmem_shared>> -> memref<10240x64xf32, #tpu.memory_space<vmem_shared>>
        tpu.enqueue_indirect_dma source(%arg9 : memref<512x64xf32, #tpu.memory_space<vmem>>) target(%dma_start3A_77 : memref<10240x64xf32, #tpu.memory_space<vmem_shared>>) offsets(%dma_start3A_74 : memref<512xi32, #tpu.memory_space<vmem>>) semaphore(%run_scoped3A : memref<!tpu.dma_semaphore, #tpu.memory_space<semaphore_mem>>) {add = true}
        %dma_wait3A_78 = arith.constant 0 : i32
        %dma_wait3A_79 = tpu.memref_slice %arg8[%add3A_44, %dma_wait3A_78] : memref<20x512xi32, #tpu.memory_space<vmem>> -> memref<1x512xi32, #tpu.memory_space<vmem>>
        %dma_wait3A_80 = tpu.memref_squeeze %dma_wait3A_79 : memref<1x512xi32, #tpu.memory_space<vmem>> -> memref<512xi32, #tpu.memory_space<vmem>>
        %dma_wait3A_81 = arith.constant 0 : i32
        %dma_wait3A_82 = arith.constant 0 : i32
        %dma_wait3A_83 = tpu.memref_slice %arg11[%dma_wait3A_81, %dma_wait3A_82] : memref<10240x64xf32, #tpu.memory_space<vmem_shared>> -> memref<10240x64xf32, #tpu.memory_space<vmem_shared>>
        tpu.wait_indirect_dma semaphore(%run_scoped3A : memref<!tpu.dma_semaphore, #tpu.memory_space<semaphore_mem>>) src(%arg9 : memref<512x64xf32, #tpu.memory_space<vmem>>) dst(%dma_wait3A_83 : memref<10240x64xf32, #tpu.memory_space<vmem_shared>>)
        tpu.yield
      }) : () -> ()
      %add3A_58 = arith.constant 2 : i32
      %add3A_59 = arith.addi %add3A_44, %add3A_58 : i32
      %lt3A = arith.constant 20 : i32
      %lt3A_60 = arith.cmpi slt, %add3A_59, %lt3A : i32
      %convert_element_type3A = arith.extui %lt3A_60 : i1 to i32
      %cond3A = arith.constant 0 : i32
      %cond3A_61 = arith.cmpi ne, %convert_element_type3A, %cond3A : i32
      scf.if %cond3A_61 {
        %add3A_72 = arith.constant 2 : i32
        %add3A_73 = arith.addi %add3A_44, %add3A_72 : i32
        %dma_start3A_74 = arith.constant 0 : i32
        %dma_start3A_75 = tpu.memref_slice %arg7[%add3A_73, %dma_start3A_74] : memref<20x512xi32, #tpu.memory_space<vmem>> -> memref<1x512xi32, #tpu.memory_space<vmem>>
        %dma_start3A_76 = tpu.memref_squeeze %dma_start3A_75 : memref<1x512xi32, #tpu.memory_space<vmem>> -> memref<512xi32, #tpu.memory_space<vmem>>
        %dma_start3A_77 = arith.constant 0 : i32
        %dma_start3A_78 = arith.constant 0 : i32
        %dma_start3A_79 = tpu.memref_slice %arg2[%dma_start3A_77, %dma_start3A_78] : memref<10000x64xf32, #tpu.memory_space<hbm>> -> memref<10000x64xf32, #tpu.memory_space<hbm>>
        tpu.enqueue_indirect_dma source(%dma_start3A_79 : memref<10000x64xf32, #tpu.memory_space<hbm>>) target(%arg9 : memref<512x64xf32, #tpu.memory_space<vmem>>) offsets(%dma_start3A_76 : memref<512xi32, #tpu.memory_space<vmem>>) semaphore(%arg12 : memref<!tpu.dma_semaphore, #tpu.memory_space<semaphore_mem>>)
      } else {
      }
      %add3A_62 = arith.constant 1 : i32
      %add3A_63 = arith.addi %add3A_44, %add3A_62 : i32
      %dma_wait3A_64 = arith.constant 0 : i32
      %dma_wait3A_65 = tpu.memref_slice %arg7[%add3A_63, %dma_wait3A_64] : memref<20x512xi32, #tpu.memory_space<vmem>> -> memref<1x512xi32, #tpu.memory_space<vmem>>
      %dma_wait3A_66 = tpu.memref_squeeze %dma_wait3A_65 : memref<1x512xi32, #tpu.memory_space<vmem>> -> memref<512xi32, #tpu.memory_space<vmem>>
      %dma_wait3A_67 = arith.constant 0 : i32
      %dma_wait3A_68 = arith.constant 0 : i32
      %dma_wait3A_69 = tpu.memref_slice %arg2[%dma_wait3A_67, %dma_wait3A_68] : memref<10000x64xf32, #tpu.memory_space<hbm>> -> memref<10000x64xf32, #tpu.memory_space<hbm>>
      tpu.wait_indirect_dma semaphore(%arg13 : memref<!tpu.dma_semaphore, #tpu.memory_space<semaphore_mem>>) src(%dma_wait3A_69 : memref<10000x64xf32, #tpu.memory_space<hbm>>) dst(%arg10 : memref<512x64xf32, #tpu.memory_space<vmem>>)
      %add3A_70 = arith.constant 1 : i32
      %add3A_71 = arith.addi %add3A_44, %add3A_70 : i32
      "tpu.region"() ({
        %run_scoped3A = tpu.sem_alloc : memref<!tpu.dma_semaphore, #tpu.memory_space<semaphore_mem>>
        %dma_start3A_72 = arith.constant 0 : i32
        %dma_start3A_73 = tpu.memref_slice %arg8[%add3A_71, %dma_start3A_72] : memref<20x512xi32, #tpu.memory_space<vmem>> -> memref<1x512xi32, #tpu.memory_space<vmem>>
        %dma_start3A_74 = tpu.memref_squeeze %dma_start3A_73 : memref<1x512xi32, #tpu.memory_space<vmem>> -> memref<512xi32, #tpu.memory_space<vmem>>
        %dma_start3A_75 = arith.constant 0 : i32
        %dma_start3A_76 = arith.constant 0 : i32
        %dma_start3A_77 = tpu.memref_slice %arg11[%dma_start3A_75, %dma_start3A_76] : memref<10240x64xf32, #tpu.memory_space<vmem_shared>> -> memref<10240x64xf32, #tpu.memory_space<vmem_shared>>
        tpu.enqueue_indirect_dma source(%arg10 : memref<512x64xf32, #tpu.memory_space<vmem>>) target(%dma_start3A_77 : memref<10240x64xf32, #tpu.memory_space<vmem_shared>>) offsets(%dma_start3A_74 : memref<512xi32, #tpu.memory_space<vmem>>) semaphore(%run_scoped3A : memref<!tpu.dma_semaphore, #tpu.memory_space<semaphore_mem>>) {add = true}
        %dma_wait3A_78 = arith.constant 0 : i32
        %dma_wait3A_79 = tpu.memref_slice %arg8[%add3A_71, %dma_wait3A_78] : memref<20x512xi32, #tpu.memory_space<vmem>> -> memref<1x512xi32, #tpu.memory_space<vmem>>
        %dma_wait3A_80 = tpu.memref_squeeze %dma_wait3A_79 : memref<1x512xi32, #tpu.memory_space<vmem>> -> memref<512xi32, #tpu.memory_space<vmem>>
        %dma_wait3A_81 = arith.constant 0 : i32
        %dma_wait3A_82 = arith.constant 0 : i32
        %dma_wait3A_83 = tpu.memref_slice %arg11[%dma_wait3A_81, %dma_wait3A_82] : memref<10240x64xf32, #tpu.memory_space<vmem_shared>> -> memref<10240x64xf32, #tpu.memory_space<vmem_shared>>
        tpu.wait_indirect_dma semaphore(%run_scoped3A : memref<!tpu.dma_semaphore, #tpu.memory_space<semaphore_mem>>) src(%arg10 : memref<512x64xf32, #tpu.memory_space<vmem>>) dst(%dma_wait3A_83 : memref<10240x64xf32, #tpu.memory_space<vmem_shared>>)
        tpu.yield
      }) : () -> ()
    }
    %scan3A_34 = arith.constant 10 : i32
    %barrier3A_35 = arith.constant 0 : index
    tpu.barrier barrier_id(%barrier3A_35)
    %mul3A_36 = arith.constant 640 : i32
    %mul3A_37 = arith.muli %arg1, %mul3A_36 : i32
    %mul3A_38 = arith.constant 640 : i32
    %mul3A_39 = arith.muli %arg1, %mul3A_38 : i32
    "tpu.region"() ({
      %run_scoped3A = tpu.sem_alloc : memref<!tpu.dma_semaphore, #tpu.memory_space<semaphore_mem>>
      %dma_start3A_40 = arith.constant 0 : i32
      %dma_start3A_41 = tpu.memref_slice %arg6[%arg0, %mul3A_39, %dma_start3A_40] : memref<2x10240x128xf32, #tpu.memory_space<hbm>> -> memref<1x640x64xf32, #tpu.memory_space<hbm>>
      %dma_start3A_42 = tpu.memref_squeeze %dma_start3A_41 : memref<1x640x64xf32, #tpu.memory_space<hbm>> -> memref<640x64xf32, #tpu.memory_space<hbm>>
      %dma_start3A_43 = arith.constant 0 : i32
      %dma_start3A_44 = tpu.memref_slice %arg11[%mul3A_37, %dma_start3A_43] : memref<10240x64xf32, #tpu.memory_space<vmem_shared>> -> memref<640x64xf32, #tpu.memory_space<vmem_shared>>
      tpu.enqueue_dma source(%dma_start3A_44 : memref<640x64xf32, #tpu.memory_space<vmem_shared>>) target(%dma_start3A_42 : memref<640x64xf32, #tpu.memory_space<hbm>>) target_semaphore(%run_scoped3A : memref<!tpu.dma_semaphore, #tpu.memory_space<semaphore_mem>>)
      %dma_wait3A = arith.constant 0 : i32
      %dma_wait3A_45 = tpu.memref_slice %arg6[%arg0, %mul3A_39, %dma_wait3A] : memref<2x10240x128xf32, #tpu.memory_space<hbm>> -> memref<1x640x64xf32, #tpu.memory_space<hbm>>
      %dma_wait3A_46 = tpu.memref_squeeze %dma_wait3A_45 : memref<1x640x64xf32, #tpu.memory_space<hbm>> -> memref<640x64xf32, #tpu.memory_space<hbm>>
      %dma_wait3A_47 = arith.constant 0 : i32
      %dma_wait3A_48 = tpu.memref_slice %arg11[%mul3A_37, %dma_wait3A_47] : memref<10240x64xf32, #tpu.memory_space<vmem_shared>> -> memref<640x64xf32, #tpu.memory_space<vmem_shared>>
      tpu.wait_dma2 semaphore(%run_scoped3A : memref<!tpu.dma_semaphore, #tpu.memory_space<semaphore_mem>>) src(%dma_wait3A_48 : memref<640x64xf32, #tpu.memory_space<vmem_shared>>) dst(%dma_wait3A_46 : memref<640x64xf32, #tpu.memory_space<hbm>>)
      tpu.yield
    }) : () -> ()
    return
  }
}

#map = affine_map<(d0, d1) -> (0)>
#map1 = affine_map<(d0, d1) -> (0, 0)>
module attributes {stable_mosaic.version = 14 : i64} {
  func.func @_sc_degree(%arg0: i32, %arg1: i32, %arg2: memref<327680xi32, #tpu.memory_space<hbm>>, %arg3: memref<10240xf32, #tpu.memory_space<hbm>>, %arg4: memref<640xf32, #tpu.memory_space<hbm>>, %arg5: memref<2x10240xf32, #tpu.memory_space<hbm>>, %arg6: memref<10240xi32, #tpu.memory_space<vmem>>, %arg7: memref<10240xf32, #tpu.memory_space<vmem>>, %arg8: memref<10240xf32, #tpu.memory_space<vmem_shared>>) attributes {dimension_semantics = [#tpu.dimension_semantics<core_parallel>, #tpu.dimension_semantics<subcore_parallel>], iteration_bounds = array<i64: 2, 16>, scalar_prefetch = 0 : i64, scratch_operands = 3 : i64, tpu.core_type = #tpu.core_type<sc_vector_subcore>, window_params = [{transform_indices = #map}, {transform_indices = #map}, {transform_indices = #map}, {transform_indices = #map1}]} {
    %mul3A = arith.constant 16 : i32
    %mul3A_0 = arith.muli %arg0, %mul3A : i32
    %add3A = arith.addi %mul3A_0, %arg1 : i32
    %mul3A_1 = arith.constant 640 : i32
    %mul3A_2 = arith.muli %arg1, %mul3A_1 : i32
    "tpu.region"() ({
      %run_scoped3A = tpu.sem_alloc : memref<!tpu.dma_semaphore, #tpu.memory_space<semaphore_mem>>
      %dma_start3A = tpu.memref_slice %arg8[%mul3A_2] : memref<10240xf32, #tpu.memory_space<vmem_shared>> -> memref<640xf32, #tpu.memory_space<vmem_shared>>
      tpu.enqueue_dma source(%arg4 : memref<640xf32, #tpu.memory_space<hbm>>) target(%dma_start3A : memref<640xf32, #tpu.memory_space<vmem_shared>>) target_semaphore(%run_scoped3A : memref<!tpu.dma_semaphore, #tpu.memory_space<semaphore_mem>>)
      %dma_wait3A = tpu.memref_slice %arg8[%mul3A_2] : memref<10240xf32, #tpu.memory_space<vmem_shared>> -> memref<640xf32, #tpu.memory_space<vmem_shared>>
      tpu.wait_dma2 semaphore(%run_scoped3A : memref<!tpu.dma_semaphore, #tpu.memory_space<semaphore_mem>>) src(%arg4 : memref<640xf32, #tpu.memory_space<hbm>>) dst(%dma_wait3A : memref<640xf32, #tpu.memory_space<vmem_shared>>)
      tpu.yield
    }) : () -> ()
    "tpu.region"() ({
      %run_scoped3A = tpu.sem_alloc : memref<!tpu.dma_semaphore, #tpu.memory_space<semaphore_mem>>
      tpu.enqueue_dma source(%arg3 : memref<10240xf32, #tpu.memory_space<hbm>>) target(%arg7 : memref<10240xf32, #tpu.memory_space<vmem>>) target_semaphore(%run_scoped3A : memref<!tpu.dma_semaphore, #tpu.memory_space<semaphore_mem>>)
      tpu.wait_dma2 semaphore(%run_scoped3A : memref<!tpu.dma_semaphore, #tpu.memory_space<semaphore_mem>>) src(%arg3 : memref<10240xf32, #tpu.memory_space<hbm>>) dst(%arg7 : memref<10240xf32, #tpu.memory_space<vmem>>)
      tpu.yield
    }) : () -> ()
    %mul3A_3 = arith.constant 10240 : i32
    %mul3A_4 = arith.muli %add3A, %mul3A_3 : i32
    "tpu.region"() ({
      %run_scoped3A = tpu.sem_alloc : memref<!tpu.dma_semaphore, #tpu.memory_space<semaphore_mem>>
      %dma_start3A = tpu.memref_slice %arg2[%mul3A_4] : memref<327680xi32, #tpu.memory_space<hbm>> -> memref<10240xi32, #tpu.memory_space<hbm>>
      %dma_start3A_10 = tpu.memref_slice %arg2[%mul3A_4] : memref<327680xi32, #tpu.memory_space<hbm>> -> memref<10240xi32, #tpu.memory_space<hbm>>
      tpu.enqueue_dma source(%dma_start3A_10 : memref<10240xi32, #tpu.memory_space<hbm>>) target(%arg6 : memref<10240xi32, #tpu.memory_space<vmem>>) target_semaphore(%run_scoped3A : memref<!tpu.dma_semaphore, #tpu.memory_space<semaphore_mem>>)
      %dma_wait3A = tpu.memref_slice %arg2[%mul3A_4] : memref<327680xi32, #tpu.memory_space<hbm>> -> memref<10240xi32, #tpu.memory_space<hbm>>
      %dma_wait3A_11 = tpu.memref_slice %arg2[%mul3A_4] : memref<327680xi32, #tpu.memory_space<hbm>> -> memref<10240xi32, #tpu.memory_space<hbm>>
      tpu.wait_dma2 semaphore(%run_scoped3A : memref<!tpu.dma_semaphore, #tpu.memory_space<semaphore_mem>>) src(%dma_wait3A_11 : memref<10240xi32, #tpu.memory_space<hbm>>) dst(%arg6 : memref<10240xi32, #tpu.memory_space<vmem>>)
      tpu.yield
    }) : () -> ()
    %barrier3A = arith.constant 0 : index
    tpu.barrier barrier_id(%barrier3A)
    "tpu.region"() ({
      %run_scoped3A = tpu.sem_alloc : memref<!tpu.dma_semaphore, #tpu.memory_space<semaphore_mem>>
      %dma_start3A = arith.constant 0 : i32
      %dma_start3A_10 = tpu.memref_slice %arg8[%dma_start3A] : memref<10240xf32, #tpu.memory_space<vmem_shared>> -> memref<10240xf32, #tpu.memory_space<vmem_shared>>
      tpu.enqueue_indirect_dma source(%arg7 : memref<10240xf32, #tpu.memory_space<vmem>>) target(%dma_start3A_10 : memref<10240xf32, #tpu.memory_space<vmem_shared>>) offsets(%arg6 : memref<10240xi32, #tpu.memory_space<vmem>>) semaphore(%run_scoped3A : memref<!tpu.dma_semaphore, #tpu.memory_space<semaphore_mem>>) {add = true}
      %dma_wait3A = arith.constant 0 : i32
      %dma_wait3A_11 = tpu.memref_slice %arg8[%dma_wait3A] : memref<10240xf32, #tpu.memory_space<vmem_shared>> -> memref<10240xf32, #tpu.memory_space<vmem_shared>>
      tpu.wait_indirect_dma semaphore(%run_scoped3A : memref<!tpu.dma_semaphore, #tpu.memory_space<semaphore_mem>>) src(%arg7 : memref<10240xf32, #tpu.memory_space<vmem>>) dst(%dma_wait3A_11 : memref<10240xf32, #tpu.memory_space<vmem_shared>>)
      tpu.yield
    }) : () -> ()
    %barrier3A_5 = arith.constant 0 : index
    tpu.barrier barrier_id(%barrier3A_5)
    %mul3A_6 = arith.constant 640 : i32
    %mul3A_7 = arith.muli %arg1, %mul3A_6 : i32
    %mul3A_8 = arith.constant 640 : i32
    %mul3A_9 = arith.muli %arg1, %mul3A_8 : i32
    "tpu.region"() ({
      %run_scoped3A = tpu.sem_alloc : memref<!tpu.dma_semaphore, #tpu.memory_space<semaphore_mem>>
      %dma_start3A = tpu.memref_slice %arg5[%arg0, %mul3A_9] : memref<2x10240xf32, #tpu.memory_space<hbm>> -> memref<1x640xf32, #tpu.memory_space<hbm>>
      %dma_start3A_10 = tpu.memref_squeeze %dma_start3A : memref<1x640xf32, #tpu.memory_space<hbm>> -> memref<640xf32, #tpu.memory_space<hbm>>
      %dma_start3A_11 = tpu.memref_slice %arg8[%mul3A_7] : memref<10240xf32, #tpu.memory_space<vmem_shared>> -> memref<640xf32, #tpu.memory_space<vmem_shared>>
      tpu.enqueue_dma source(%dma_start3A_11 : memref<640xf32, #tpu.memory_space<vmem_shared>>) target(%dma_start3A_10 : memref<640xf32, #tpu.memory_space<hbm>>) target_semaphore(%run_scoped3A : memref<!tpu.dma_semaphore, #tpu.memory_space<semaphore_mem>>)
      %dma_wait3A = tpu.memref_slice %arg5[%arg0, %mul3A_9] : memref<2x10240xf32, #tpu.memory_space<hbm>> -> memref<1x640xf32, #tpu.memory_space<hbm>>
      %dma_wait3A_12 = tpu.memref_squeeze %dma_wait3A : memref<1x640xf32, #tpu.memory_space<hbm>> -> memref<640xf32, #tpu.memory_space<hbm>>
      %dma_wait3A_13 = tpu.memref_slice %arg8[%mul3A_7] : memref<10240xf32, #tpu.memory_space<vmem_shared>> -> memref<640xf32, #tpu.memory_space<vmem_shared>>
      tpu.wait_dma2 semaphore(%run_scoped3A : memref<!tpu.dma_semaphore, #tpu.memory_space<semaphore_mem>>) src(%dma_wait3A_13 : memref<640xf32, #tpu.memory_space<vmem_shared>>) dst(%dma_wait3A_12 : memref<640xf32, #tpu.memory_space<hbm>>)
      tpu.yield
    }) : () -> ()
    return
  }
}

#map = affine_map<(d0, d1) -> (0, 0)>
#map1 = affine_map<(d0, d1) -> (0, 0, 0)>
module attributes {stable_mosaic.version = 14 : i64} {
  func.func @_sc_scatter(%arg0: i32, %arg1: i32, %arg2: memref<10000x64xf32, #tpu.memory_space<hbm>>, %arg3: memref<640x512xi32, #tpu.memory_space<hbm>>, %arg4: memref<640x512xi32, #tpu.memory_space<hbm>>, %arg5: memref<128x64xf32, #tpu.memory_space<hbm>>, %arg6: memref<2x10240x128xf32, #tpu.memory_space<hbm>>, %arg7: memref<20x512xi32, #tpu.memory_space<vmem>>, %arg8: memref<20x512xi32, #tpu.memory_space<vmem>>, %arg9: memref<512x64xf32, #tpu.memory_space<vmem>>, %arg10: memref<512x64xf32, #tpu.memory_space<vmem>>, %arg11: memref<10240x64xf32, #tpu.memory_space<vmem_shared>>, %arg12: memref<!tpu.dma_semaphore, #tpu.memory_space<semaphore_mem>>, %arg13: memref<!tpu.dma_semaphore, #tpu.memory_space<semaphore_mem>>) attributes {dimension_semantics = [#tpu.dimension_semantics<core_parallel>, #tpu.dimension_semantics<subcore_parallel>], iteration_bounds = array<i64: 2, 16>, scalar_prefetch = 0 : i64, scratch_operands = 7 : i64, tpu.core_type = #tpu.core_type<sc_vector_subcore>, window_params = [{transform_indices = #map}, {transform_indices = #map}, {transform_indices = #map}, {transform_indices = #map}, {transform_indices = #map1}]} {
    %mul3A = arith.constant 16 : i32
    %mul3A_0 = arith.muli %arg0, %mul3A : i32
    %add3A = arith.addi %mul3A_0, %arg1 : i32
    %mul3A_1 = arith.constant 640 : i32
    %mul3A_2 = arith.muli %arg1, %mul3A_1 : i32
    %add3A_3 = arith.constant 0 : i32
    %add3A_4 = arith.addi %mul3A_2, %add3A_3 : i32
    "tpu.region"() ({
      %run_scoped3A = tpu.sem_alloc : memref<!tpu.dma_semaphore, #tpu.memory_space<semaphore_mem>>
      %dma_start3A_40 = arith.constant 0 : i32
      %dma_start3A_41 = tpu.memref_slice %arg11[%add3A_4, %dma_start3A_40] : memref<10240x64xf32, #tpu.memory_space<vmem_shared>> -> memref<128x64xf32, #tpu.memory_space<vmem_shared>>
      tpu.enqueue_dma source(%arg5 : memref<128x64xf32, #tpu.memory_space<hbm>>) target(%dma_start3A_41 : memref<128x64xf32, #tpu.memory_space<vmem_shared>>) target_semaphore(%run_scoped3A : memref<!tpu.dma_semaphore, #tpu.memory_space<semaphore_mem>>)
      %dma_wait3A = arith.constant 0 : i32
      %dma_wait3A_42 = tpu.memref_slice %arg11[%add3A_4, %dma_wait3A] : memref<10240x64xf32, #tpu.memory_space<vmem_shared>> -> memref<128x64xf32, #tpu.memory_space<vmem_shared>>
      tpu.wait_dma2 semaphore(%run_scoped3A : memref<!tpu.dma_semaphore, #tpu.memory_space<semaphore_mem>>) src(%arg5 : memref<128x64xf32, #tpu.memory_space<hbm>>) dst(%dma_wait3A_42 : memref<128x64xf32, #tpu.memory_space<vmem_shared>>)
      tpu.yield
    }) : () -> ()
    %mul3A_5 = arith.constant 640 : i32
    %mul3A_6 = arith.muli %arg1, %mul3A_5 : i32
    %add3A_7 = arith.constant 128 : i32
    %add3A_8 = arith.addi %mul3A_6, %add3A_7 : i32
    "tpu.region"() ({
      %run_scoped3A = tpu.sem_alloc : memref<!tpu.dma_semaphore, #tpu.memory_space<semaphore_mem>>
      %dma_start3A_40 = arith.constant 0 : i32
      %dma_start3A_41 = tpu.memref_slice %arg11[%add3A_8, %dma_start3A_40] : memref<10240x64xf32, #tpu.memory_space<vmem_shared>> -> memref<128x64xf32, #tpu.memory_space<vmem_shared>>
      tpu.enqueue_dma source(%arg5 : memref<128x64xf32, #tpu.memory_space<hbm>>) target(%dma_start3A_41 : memref<128x64xf32, #tpu.memory_space<vmem_shared>>) target_semaphore(%run_scoped3A : memref<!tpu.dma_semaphore, #tpu.memory_space<semaphore_mem>>)
      %dma_wait3A = arith.constant 0 : i32
      %dma_wait3A_42 = tpu.memref_slice %arg11[%add3A_8, %dma_wait3A] : memref<10240x64xf32, #tpu.memory_space<vmem_shared>> -> memref<128x64xf32, #tpu.memory_space<vmem_shared>>
      tpu.wait_dma2 semaphore(%run_scoped3A : memref<!tpu.dma_semaphore, #tpu.memory_space<semaphore_mem>>) src(%arg5 : memref<128x64xf32, #tpu.memory_space<hbm>>) dst(%dma_wait3A_42 : memref<128x64xf32, #tpu.memory_space<vmem_shared>>)
      tpu.yield
    }) : () -> ()
    %mul3A_9 = arith.constant 640 : i32
    %mul3A_10 = arith.muli %arg1, %mul3A_9 : i32
    %add3A_11 = arith.constant 256 : i32
    %add3A_12 = arith.addi %mul3A_10, %add3A_11 : i32
    "tpu.region"() ({
      %run_scoped3A = tpu.sem_alloc : memref<!tpu.dma_semaphore, #tpu.memory_space<semaphore_mem>>
      %dma_start3A_40 = arith.constant 0 : i32
      %dma_start3A_41 = tpu.memref_slice %arg11[%add3A_12, %dma_start3A_40] : memref<10240x64xf32, #tpu.memory_space<vmem_shared>> -> memref<128x64xf32, #tpu.memory_space<vmem_shared>>
      tpu.enqueue_dma source(%arg5 : memref<128x64xf32, #tpu.memory_space<hbm>>) target(%dma_start3A_41 : memref<128x64xf32, #tpu.memory_space<vmem_shared>>) target_semaphore(%run_scoped3A : memref<!tpu.dma_semaphore, #tpu.memory_space<semaphore_mem>>)
      %dma_wait3A = arith.constant 0 : i32
      %dma_wait3A_42 = tpu.memref_slice %arg11[%add3A_12, %dma_wait3A] : memref<10240x64xf32, #tpu.memory_space<vmem_shared>> -> memref<128x64xf32, #tpu.memory_space<vmem_shared>>
      tpu.wait_dma2 semaphore(%run_scoped3A : memref<!tpu.dma_semaphore, #tpu.memory_space<semaphore_mem>>) src(%arg5 : memref<128x64xf32, #tpu.memory_space<hbm>>) dst(%dma_wait3A_42 : memref<128x64xf32, #tpu.memory_space<vmem_shared>>)
      tpu.yield
    }) : () -> ()
    %mul3A_13 = arith.constant 640 : i32
    %mul3A_14 = arith.muli %arg1, %mul3A_13 : i32
    %add3A_15 = arith.constant 384 : i32
    %add3A_16 = arith.addi %mul3A_14, %add3A_15 : i32
    "tpu.region"() ({
      %run_scoped3A = tpu.sem_alloc : memref<!tpu.dma_semaphore, #tpu.memory_space<semaphore_mem>>
      %dma_start3A_40 = arith.constant 0 : i32
      %dma_start3A_41 = tpu.memref_slice %arg11[%add3A_16, %dma_start3A_40] : memref<10240x64xf32, #tpu.memory_space<vmem_shared>> -> memref<128x64xf32, #tpu.memory_space<vmem_shared>>
      tpu.enqueue_dma source(%arg5 : memref<128x64xf32, #tpu.memory_space<hbm>>) target(%dma_start3A_41 : memref<128x64xf32, #tpu.memory_space<vmem_shared>>) target_semaphore(%run_scoped3A : memref<!tpu.dma_semaphore, #tpu.memory_space<semaphore_mem>>)
      %dma_wait3A = arith.constant 0 : i32
      %dma_wait3A_42 = tpu.memref_slice %arg11[%add3A_16, %dma_wait3A] : memref<10240x64xf32, #tpu.memory_space<vmem_shared>> -> memref<128x64xf32, #tpu.memory_space<vmem_shared>>
      tpu.wait_dma2 semaphore(%run_scoped3A : memref<!tpu.dma_semaphore, #tpu.memory_space<semaphore_mem>>) src(%arg5 : memref<128x64xf32, #tpu.memory_space<hbm>>) dst(%dma_wait3A_42 : memref<128x64xf32, #tpu.memory_space<vmem_shared>>)
      tpu.yield
    }) : () -> ()
    %mul3A_17 = arith.constant 640 : i32
    %mul3A_18 = arith.muli %arg1, %mul3A_17 : i32
    %add3A_19 = arith.constant 512 : i32
    %add3A_20 = arith.addi %mul3A_18, %add3A_19 : i32
    "tpu.region"() ({
      %run_scoped3A = tpu.sem_alloc : memref<!tpu.dma_semaphore, #tpu.memory_space<semaphore_mem>>
      %dma_start3A_40 = arith.constant 0 : i32
      %dma_start3A_41 = tpu.memref_slice %arg11[%add3A_20, %dma_start3A_40] : memref<10240x64xf32, #tpu.memory_space<vmem_shared>> -> memref<128x64xf32, #tpu.memory_space<vmem_shared>>
      tpu.enqueue_dma source(%arg5 : memref<128x64xf32, #tpu.memory_space<hbm>>) target(%dma_start3A_41 : memref<128x64xf32, #tpu.memory_space<vmem_shared>>) target_semaphore(%run_scoped3A : memref<!tpu.dma_semaphore, #tpu.memory_space<semaphore_mem>>)
      %dma_wait3A = arith.constant 0 : i32
      %dma_wait3A_42 = tpu.memref_slice %arg11[%add3A_20, %dma_wait3A] : memref<10240x64xf32, #tpu.memory_space<vmem_shared>> -> memref<128x64xf32, #tpu.memory_space<vmem_shared>>
      tpu.wait_dma2 semaphore(%run_scoped3A : memref<!tpu.dma_semaphore, #tpu.memory_space<semaphore_mem>>) src(%arg5 : memref<128x64xf32, #tpu.memory_space<hbm>>) dst(%dma_wait3A_42 : memref<128x64xf32, #tpu.memory_space<vmem_shared>>)
      tpu.yield
    }) : () -> ()
    %mul3A_21 = arith.constant 20 : i32
    %mul3A_22 = arith.muli %add3A, %mul3A_21 : i32
    "tpu.region"() ({
      %run_scoped3A = tpu.sem_alloc : memref<!tpu.dma_semaphore, #tpu.memory_space<semaphore_mem>>
      %dma_start3A_40 = arith.constant 0 : i32
      %dma_start3A_41 = tpu.memref_slice %arg3[%mul3A_22, %dma_start3A_40] : memref<640x512xi32, #tpu.memory_space<hbm>> -> memref<20x512xi32, #tpu.memory_space<hbm>>
      %dma_start3A_42 = arith.constant 0 : i32
      %dma_start3A_43 = tpu.memref_slice %arg3[%mul3A_22, %dma_start3A_42] : memref<640x512xi32, #tpu.memory_space<hbm>> -> memref<20x512xi32, #tpu.memory_space<hbm>>
      tpu.enqueue_dma source(%dma_start3A_43 : memref<20x512xi32, #tpu.memory_space<hbm>>) target(%arg7 : memref<20x512xi32, #tpu.memory_space<vmem>>) target_semaphore(%run_scoped3A : memref<!tpu.dma_semaphore, #tpu.memory_space<semaphore_mem>>)
      %dma_wait3A = arith.constant 0 : i32
      %dma_wait3A_44 = tpu.memref_slice %arg3[%mul3A_22, %dma_wait3A] : memref<640x512xi32, #tpu.memory_space<hbm>> -> memref<20x512xi32, #tpu.memory_space<hbm>>
      %dma_wait3A_45 = arith.constant 0 : i32
      %dma_wait3A_46 = tpu.memref_slice %arg3[%mul3A_22, %dma_wait3A_45] : memref<640x512xi32, #tpu.memory_space<hbm>> -> memref<20x512xi32, #tpu.memory_space<hbm>>
      tpu.wait_dma2 semaphore(%run_scoped3A : memref<!tpu.dma_semaphore, #tpu.memory_space<semaphore_mem>>) src(%dma_wait3A_46 : memref<20x512xi32, #tpu.memory_space<hbm>>) dst(%arg7 : memref<20x512xi32, #tpu.memory_space<vmem>>)
      tpu.yield
    }) : () -> ()
    %mul3A_23 = arith.constant 20 : i32
    %mul3A_24 = arith.muli %add3A, %mul3A_23 : i32
    "tpu.region"() ({
      %run_scoped3A = tpu.sem_alloc : memref<!tpu.dma_semaphore, #tpu.memory_space<semaphore_mem>>
      %dma_start3A_40 = arith.constant 0 : i32
      %dma_start3A_41 = tpu.memref_slice %arg4[%mul3A_24, %dma_start3A_40] : memref<640x512xi32, #tpu.memory_space<hbm>> -> memref<20x512xi32, #tpu.memory_space<hbm>>
      %dma_start3A_42 = arith.constant 0 : i32
      %dma_start3A_43 = tpu.memref_slice %arg4[%mul3A_24, %dma_start3A_42] : memref<640x512xi32, #tpu.memory_space<hbm>> -> memref<20x512xi32, #tpu.memory_space<hbm>>
      tpu.enqueue_dma source(%dma_start3A_43 : memref<20x512xi32, #tpu.memory_space<hbm>>) target(%arg8 : memref<20x512xi32, #tpu.memory_space<vmem>>) target_semaphore(%run_scoped3A : memref<!tpu.dma_semaphore, #tpu.memory_space<semaphore_mem>>)
      %dma_wait3A = arith.constant 0 : i32
      %dma_wait3A_44 = tpu.memref_slice %arg4[%mul3A_24, %dma_wait3A] : memref<640x512xi32, #tpu.memory_space<hbm>> -> memref<20x512xi32, #tpu.memory_space<hbm>>
      %dma_wait3A_45 = arith.constant 0 : i32
      %dma_wait3A_46 = tpu.memref_slice %arg4[%mul3A_24, %dma_wait3A_45] : memref<640x512xi32, #tpu.memory_space<hbm>> -> memref<20x512xi32, #tpu.memory_space<hbm>>
      tpu.wait_dma2 semaphore(%run_scoped3A : memref<!tpu.dma_semaphore, #tpu.memory_space<semaphore_mem>>) src(%dma_wait3A_46 : memref<20x512xi32, #tpu.memory_space<hbm>>) dst(%arg8 : memref<20x512xi32, #tpu.memory_space<vmem>>)
      tpu.yield
    }) : () -> ()
    %barrier3A = arith.constant 0 : index
    tpu.barrier barrier_id(%barrier3A)
    %dma_start3A = arith.constant 0 : i32
    %dma_start3A_25 = arith.constant 0 : i32
    %dma_start3A_26 = tpu.memref_slice %arg7[%dma_start3A, %dma_start3A_25] : memref<20x512xi32, #tpu.memory_space<vmem>> -> memref<1x512xi32, #tpu.memory_space<vmem>>
    %dma_start3A_27 = tpu.memref_squeeze %dma_start3A_26 : memref<1x512xi32, #tpu.memory_space<vmem>> -> memref<512xi32, #tpu.memory_space<vmem>>
    %dma_start3A_28 = arith.constant 0 : i32
    %dma_start3A_29 = arith.constant 0 : i32
    %dma_start3A_30 = tpu.memref_slice %arg2[%dma_start3A_28, %dma_start3A_29] : memref<10000x64xf32, #tpu.memory_space<hbm>> -> memref<10000x64xf32, #tpu.memory_space<hbm>>
    tpu.enqueue_indirect_dma source(%dma_start3A_30 : memref<10000x64xf32, #tpu.memory_space<hbm>>) target(%arg9 : memref<512x64xf32, #tpu.memory_space<vmem>>) offsets(%dma_start3A_27 : memref<512xi32, #tpu.memory_space<vmem>>) semaphore(%arg12 : memref<!tpu.dma_semaphore, #tpu.memory_space<semaphore_mem>>)
    %scan3A = arith.constant 0 : i32
    %scan3A_31 = arith.constant 10 : i32
    %scan3A_32 = arith.addi %scan3A, %scan3A_31 : i32
    %scan3A_33 = arith.constant 1 : i32
    scf.for %scan3A_40 = %scan3A to %scan3A_32 step %scan3A_33  : i32 {
      %mul3A_41 = arith.constant 2 : i32
      %mul3A_42 = arith.muli %scan3A_40, %mul3A_41 : i32
      %add3A_43 = arith.constant 0 : i32
      %add3A_44 = arith.addi %add3A_43, %mul3A_42 : i32
      %add3A_45 = arith.constant 1 : i32
      %add3A_46 = arith.addi %add3A_44, %add3A_45 : i32
      %dma_start3A_47 = arith.constant 0 : i32
      %dma_start3A_48 = tpu.memref_slice %arg7[%add3A_46, %dma_start3A_47] : memref<20x512xi32, #tpu.memory_space<vmem>> -> memref<1x512xi32, #tpu.memory_space<vmem>>
      %dma_start3A_49 = tpu.memref_squeeze %dma_start3A_48 : memref<1x512xi32, #tpu.memory_space<vmem>> -> memref<512xi32, #tpu.memory_space<vmem>>
      %dma_start3A_50 = arith.constant 0 : i32
      %dma_start3A_51 = arith.constant 0 : i32
      %dma_start3A_52 = tpu.memref_slice %arg2[%dma_start3A_50, %dma_start3A_51] : memref<10000x64xf32, #tpu.memory_space<hbm>> -> memref<10000x64xf32, #tpu.memory_space<hbm>>
      tpu.enqueue_indirect_dma source(%dma_start3A_52 : memref<10000x64xf32, #tpu.memory_space<hbm>>) target(%arg10 : memref<512x64xf32, #tpu.memory_space<vmem>>) offsets(%dma_start3A_49 : memref<512xi32, #tpu.memory_space<vmem>>) semaphore(%arg13 : memref<!tpu.dma_semaphore, #tpu.memory_space<semaphore_mem>>)
      %dma_wait3A = arith.constant 0 : i32
      %dma_wait3A_53 = tpu.memref_slice %arg7[%add3A_44, %dma_wait3A] : memref<20x512xi32, #tpu.memory_space<vmem>> -> memref<1x512xi32, #tpu.memory_space<vmem>>
      %dma_wait3A_54 = tpu.memref_squeeze %dma_wait3A_53 : memref<1x512xi32, #tpu.memory_space<vmem>> -> memref<512xi32, #tpu.memory_space<vmem>>
      %dma_wait3A_55 = arith.constant 0 : i32
      %dma_wait3A_56 = arith.constant 0 : i32
      %dma_wait3A_57 = tpu.memref_slice %arg2[%dma_wait3A_55, %dma_wait3A_56] : memref<10000x64xf32, #tpu.memory_space<hbm>> -> memref<10000x64xf32, #tpu.memory_space<hbm>>
      tpu.wait_indirect_dma semaphore(%arg12 : memref<!tpu.dma_semaphore, #tpu.memory_space<semaphore_mem>>) src(%dma_wait3A_57 : memref<10000x64xf32, #tpu.memory_space<hbm>>) dst(%arg9 : memref<512x64xf32, #tpu.memory_space<vmem>>)
      "tpu.region"() ({
        %run_scoped3A = tpu.sem_alloc : memref<!tpu.dma_semaphore, #tpu.memory_space<semaphore_mem>>
        %dma_start3A_72 = arith.constant 0 : i32
        %dma_start3A_73 = tpu.memref_slice %arg8[%add3A_44, %dma_start3A_72] : memref<20x512xi32, #tpu.memory_space<vmem>> -> memref<1x512xi32, #tpu.memory_space<vmem>>
        %dma_start3A_74 = tpu.memref_squeeze %dma_start3A_73 : memref<1x512xi32, #tpu.memory_space<vmem>> -> memref<512xi32, #tpu.memory_space<vmem>>
        %dma_start3A_75 = arith.constant 0 : i32
        %dma_start3A_76 = arith.constant 0 : i32
        %dma_start3A_77 = tpu.memref_slice %arg11[%dma_start3A_75, %dma_start3A_76] : memref<10240x64xf32, #tpu.memory_space<vmem_shared>> -> memref<10240x64xf32, #tpu.memory_space<vmem_shared>>
        tpu.enqueue_indirect_dma source(%arg9 : memref<512x64xf32, #tpu.memory_space<vmem>>) target(%dma_start3A_77 : memref<10240x64xf32, #tpu.memory_space<vmem_shared>>) offsets(%dma_start3A_74 : memref<512xi32, #tpu.memory_space<vmem>>) semaphore(%run_scoped3A : memref<!tpu.dma_semaphore, #tpu.memory_space<semaphore_mem>>) {add = true}
        %dma_wait3A_78 = arith.constant 0 : i32
        %dma_wait3A_79 = tpu.memref_slice %arg8[%add3A_44, %dma_wait3A_78] : memref<20x512xi32, #tpu.memory_space<vmem>> -> memref<1x512xi32, #tpu.memory_space<vmem>>
        %dma_wait3A_80 = tpu.memref_squeeze %dma_wait3A_79 : memref<1x512xi32, #tpu.memory_space<vmem>> -> memref<512xi32, #tpu.memory_space<vmem>>
        %dma_wait3A_81 = arith.constant 0 : i32
        %dma_wait3A_82 = arith.constant 0 : i32
        %dma_wait3A_83 = tpu.memref_slice %arg11[%dma_wait3A_81, %dma_wait3A_82] : memref<10240x64xf32, #tpu.memory_space<vmem_shared>> -> memref<10240x64xf32, #tpu.memory_space<vmem_shared>>
        tpu.wait_indirect_dma semaphore(%run_scoped3A : memref<!tpu.dma_semaphore, #tpu.memory_space<semaphore_mem>>) src(%arg9 : memref<512x64xf32, #tpu.memory_space<vmem>>) dst(%dma_wait3A_83 : memref<10240x64xf32, #tpu.memory_space<vmem_shared>>)
        tpu.yield
      }) : () -> ()
      %add3A_58 = arith.constant 2 : i32
      %add3A_59 = arith.addi %add3A_44, %add3A_58 : i32
      %lt3A = arith.constant 20 : i32
      %lt3A_60 = arith.cmpi slt, %add3A_59, %lt3A : i32
      %convert_element_type3A = arith.extui %lt3A_60 : i1 to i32
      %cond3A = arith.constant 0 : i32
      %cond3A_61 = arith.cmpi ne, %convert_element_type3A, %cond3A : i32
      scf.if %cond3A_61 {
        %add3A_72 = arith.constant 2 : i32
        %add3A_73 = arith.addi %add3A_44, %add3A_72 : i32
        %dma_start3A_74 = arith.constant 0 : i32
        %dma_start3A_75 = tpu.memref_slice %arg7[%add3A_73, %dma_start3A_74] : memref<20x512xi32, #tpu.memory_space<vmem>> -> memref<1x512xi32, #tpu.memory_space<vmem>>
        %dma_start3A_76 = tpu.memref_squeeze %dma_start3A_75 : memref<1x512xi32, #tpu.memory_space<vmem>> -> memref<512xi32, #tpu.memory_space<vmem>>
        %dma_start3A_77 = arith.constant 0 : i32
        %dma_start3A_78 = arith.constant 0 : i32
        %dma_start3A_79 = tpu.memref_slice %arg2[%dma_start3A_77, %dma_start3A_78] : memref<10000x64xf32, #tpu.memory_space<hbm>> -> memref<10000x64xf32, #tpu.memory_space<hbm>>
        tpu.enqueue_indirect_dma source(%dma_start3A_79 : memref<10000x64xf32, #tpu.memory_space<hbm>>) target(%arg9 : memref<512x64xf32, #tpu.memory_space<vmem>>) offsets(%dma_start3A_76 : memref<512xi32, #tpu.memory_space<vmem>>) semaphore(%arg12 : memref<!tpu.dma_semaphore, #tpu.memory_space<semaphore_mem>>)
      } else {
      }
      %add3A_62 = arith.constant 1 : i32
      %add3A_63 = arith.addi %add3A_44, %add3A_62 : i32
      %dma_wait3A_64 = arith.constant 0 : i32
      %dma_wait3A_65 = tpu.memref_slice %arg7[%add3A_63, %dma_wait3A_64] : memref<20x512xi32, #tpu.memory_space<vmem>> -> memref<1x512xi32, #tpu.memory_space<vmem>>
      %dma_wait3A_66 = tpu.memref_squeeze %dma_wait3A_65 : memref<1x512xi32, #tpu.memory_space<vmem>> -> memref<512xi32, #tpu.memory_space<vmem>>
      %dma_wait3A_67 = arith.constant 0 : i32
      %dma_wait3A_68 = arith.constant 0 : i32
      %dma_wait3A_69 = tpu.memref_slice %arg2[%dma_wait3A_67, %dma_wait3A_68] : memref<10000x64xf32, #tpu.memory_space<hbm>> -> memref<10000x64xf32, #tpu.memory_space<hbm>>
      tpu.wait_indirect_dma semaphore(%arg13 : memref<!tpu.dma_semaphore, #tpu.memory_space<semaphore_mem>>) src(%dma_wait3A_69 : memref<10000x64xf32, #tpu.memory_space<hbm>>) dst(%arg10 : memref<512x64xf32, #tpu.memory_space<vmem>>)
      %add3A_70 = arith.constant 1 : i32
      %add3A_71 = arith.addi %add3A_44, %add3A_70 : i32
      "tpu.region"() ({
        %run_scoped3A = tpu.sem_alloc : memref<!tpu.dma_semaphore, #tpu.memory_space<semaphore_mem>>
        %dma_start3A_72 = arith.constant 0 : i32
        %dma_start3A_73 = tpu.memref_slice %arg8[%add3A_71, %dma_start3A_72] : memref<20x512xi32, #tpu.memory_space<vmem>> -> memref<1x512xi32, #tpu.memory_space<vmem>>
        %dma_start3A_74 = tpu.memref_squeeze %dma_start3A_73 : memref<1x512xi32, #tpu.memory_space<vmem>> -> memref<512xi32, #tpu.memory_space<vmem>>
        %dma_start3A_75 = arith.constant 0 : i32
        %dma_start3A_76 = arith.constant 0 : i32
        %dma_start3A_77 = tpu.memref_slice %arg11[%dma_start3A_75, %dma_start3A_76] : memref<10240x64xf32, #tpu.memory_space<vmem_shared>> -> memref<10240x64xf32, #tpu.memory_space<vmem_shared>>
        tpu.enqueue_indirect_dma source(%arg10 : memref<512x64xf32, #tpu.memory_space<vmem>>) target(%dma_start3A_77 : memref<10240x64xf32, #tpu.memory_space<vmem_shared>>) offsets(%dma_start3A_74 : memref<512xi32, #tpu.memory_space<vmem>>) semaphore(%run_scoped3A : memref<!tpu.dma_semaphore, #tpu.memory_space<semaphore_mem>>) {add = true}
        %dma_wait3A_78 = arith.constant 0 : i32
        %dma_wait3A_79 = tpu.memref_slice %arg8[%add3A_71, %dma_wait3A_78] : memref<20x512xi32, #tpu.memory_space<vmem>> -> memref<1x512xi32, #tpu.memory_space<vmem>>
        %dma_wait3A_80 = tpu.memref_squeeze %dma_wait3A_79 : memref<1x512xi32, #tpu.memory_space<vmem>> -> memref<512xi32, #tpu.memory_space<vmem>>
        %dma_wait3A_81 = arith.constant 0 : i32
        %dma_wait3A_82 = arith.constant 0 : i32
        %dma_wait3A_83 = tpu.memref_slice %arg11[%dma_wait3A_81, %dma_wait3A_82] : memref<10240x64xf32, #tpu.memory_space<vmem_shared>> -> memref<10240x64xf32, #tpu.memory_space<vmem_shared>>
        tpu.wait_indirect_dma semaphore(%run_scoped3A : memref<!tpu.dma_semaphore, #tpu.memory_space<semaphore_mem>>) src(%arg10 : memref<512x64xf32, #tpu.memory_space<vmem>>) dst(%dma_wait3A_83 : memref<10240x64xf32, #tpu.memory_space<vmem_shared>>)
        tpu.yield
      }) : () -> ()
    }
    %scan3A_34 = arith.constant 10 : i32
    %barrier3A_35 = arith.constant 0 : index
    tpu.barrier barrier_id(%barrier3A_35)
    %mul3A_36 = arith.constant 640 : i32
    %mul3A_37 = arith.muli %arg1, %mul3A_36 : i32
    %mul3A_38 = arith.constant 640 : i32
    %mul3A_39 = arith.muli %arg1, %mul3A_38 : i32
    "tpu.region"() ({
      %run_scoped3A = tpu.sem_alloc : memref<!tpu.dma_semaphore, #tpu.memory_space<semaphore_mem>>
      %dma_start3A_40 = arith.constant 0 : i32
      %dma_start3A_41 = tpu.memref_slice %arg6[%arg0, %mul3A_39, %dma_start3A_40] : memref<2x10240x128xf32, #tpu.memory_space<hbm>> -> memref<1x640x64xf32, #tpu.memory_space<hbm>>
      %dma_start3A_42 = tpu.memref_squeeze %dma_start3A_41 : memref<1x640x64xf32, #tpu.memory_space<hbm>> -> memref<640x64xf32, #tpu.memory_space<hbm>>
      %dma_start3A_43 = arith.constant 0 : i32
      %dma_start3A_44 = tpu.memref_slice %arg11[%mul3A_37, %dma_start3A_43] : memref<10240x64xf32, #tpu.memory_space<vmem_shared>> -> memref<640x64xf32, #tpu.memory_space<vmem_shared>>
      tpu.enqueue_dma source(%dma_start3A_44 : memref<640x64xf32, #tpu.memory_space<vmem_shared>>) target(%dma_start3A_42 : memref<640x64xf32, #tpu.memory_space<hbm>>) target_semaphore(%run_scoped3A : memref<!tpu.dma_semaphore, #tpu.memory_space<semaphore_mem>>)
      %dma_wait3A = arith.constant 0 : i32
      %dma_wait3A_45 = tpu.memref_slice %arg6[%arg0, %mul3A_39, %dma_wait3A] : memref<2x10240x128xf32, #tpu.memory_space<hbm>> -> memref<1x640x64xf32, #tpu.memory_space<hbm>>
      %dma_wait3A_46 = tpu.memref_squeeze %dma_wait3A_45 : memref<1x640x64xf32, #tpu.memory_space<hbm>> -> memref<640x64xf32, #tpu.memory_space<hbm>>
      %dma_wait3A_47 = arith.constant 0 : i32
      %dma_wait3A_48 = tpu.memref_slice %arg11[%mul3A_37, %dma_wait3A_47] : memref<10240x64xf32, #tpu.memory_space<vmem_shared>> -> memref<640x64xf32, #tpu.memory_space<vmem_shared>>
      tpu.wait_dma2 semaphore(%run_scoped3A : memref<!tpu.dma_semaphore, #tpu.memory_space<semaphore_mem>>) src(%dma_wait3A_48 : memref<640x64xf32, #tpu.memory_space<vmem_shared>>) dst(%dma_wait3A_46 : memref<640x64xf32, #tpu.memory_space<hbm>>)
      tpu.yield
    }) : () -> ()
    return
  }
}

#map = affine_map<(d0, d1) -> (0, 0)>
#map1 = affine_map<(d0, d1) -> (0, 0, 0)>
module attributes {stable_mosaic.version = 14 : i64} {
  func.func @_sc_scatter(%arg0: i32, %arg1: i32, %arg2: memref<10000x64xf32, #tpu.memory_space<hbm>>, %arg3: memref<640x512xi32, #tpu.memory_space<hbm>>, %arg4: memref<640x512xi32, #tpu.memory_space<hbm>>, %arg5: memref<128x64xf32, #tpu.memory_space<hbm>>, %arg6: memref<2x10240x128xf32, #tpu.memory_space<hbm>>, %arg7: memref<20x512xi32, #tpu.memory_space<vmem>>, %arg8: memref<20x512xi32, #tpu.memory_space<vmem>>, %arg9: memref<512x64xf32, #tpu.memory_space<vmem>>, %arg10: memref<512x64xf32, #tpu.memory_space<vmem>>, %arg11: memref<10240x64xf32, #tpu.memory_space<vmem_shared>>, %arg12: memref<!tpu.dma_semaphore, #tpu.memory_space<semaphore_mem>>, %arg13: memref<!tpu.dma_semaphore, #tpu.memory_space<semaphore_mem>>) attributes {dimension_semantics = [#tpu.dimension_semantics<core_parallel>, #tpu.dimension_semantics<subcore_parallel>], iteration_bounds = array<i64: 2, 16>, scalar_prefetch = 0 : i64, scratch_operands = 7 : i64, tpu.core_type = #tpu.core_type<sc_vector_subcore>, window_params = [{transform_indices = #map}, {transform_indices = #map}, {transform_indices = #map}, {transform_indices = #map}, {transform_indices = #map1}]} {
    %mul3A = arith.constant 16 : i32
    %mul3A_0 = arith.muli %arg0, %mul3A : i32
    %add3A = arith.addi %mul3A_0, %arg1 : i32
    %mul3A_1 = arith.constant 640 : i32
    %mul3A_2 = arith.muli %arg1, %mul3A_1 : i32
    %add3A_3 = arith.constant 0 : i32
    %add3A_4 = arith.addi %mul3A_2, %add3A_3 : i32
    "tpu.region"() ({
      %run_scoped3A = tpu.sem_alloc : memref<!tpu.dma_semaphore, #tpu.memory_space<semaphore_mem>>
      %dma_start3A_40 = arith.constant 0 : i32
      %dma_start3A_41 = tpu.memref_slice %arg11[%add3A_4, %dma_start3A_40] : memref<10240x64xf32, #tpu.memory_space<vmem_shared>> -> memref<128x64xf32, #tpu.memory_space<vmem_shared>>
      tpu.enqueue_dma source(%arg5 : memref<128x64xf32, #tpu.memory_space<hbm>>) target(%dma_start3A_41 : memref<128x64xf32, #tpu.memory_space<vmem_shared>>) target_semaphore(%run_scoped3A : memref<!tpu.dma_semaphore, #tpu.memory_space<semaphore_mem>>)
      %dma_wait3A = arith.constant 0 : i32
      %dma_wait3A_42 = tpu.memref_slice %arg11[%add3A_4, %dma_wait3A] : memref<10240x64xf32, #tpu.memory_space<vmem_shared>> -> memref<128x64xf32, #tpu.memory_space<vmem_shared>>
      tpu.wait_dma2 semaphore(%run_scoped3A : memref<!tpu.dma_semaphore, #tpu.memory_space<semaphore_mem>>) src(%arg5 : memref<128x64xf32, #tpu.memory_space<hbm>>) dst(%dma_wait3A_42 : memref<128x64xf32, #tpu.memory_space<vmem_shared>>)
      tpu.yield
    }) : () -> ()
    %mul3A_5 = arith.constant 640 : i32
    %mul3A_6 = arith.muli %arg1, %mul3A_5 : i32
    %add3A_7 = arith.constant 128 : i32
    %add3A_8 = arith.addi %mul3A_6, %add3A_7 : i32
    "tpu.region"() ({
      %run_scoped3A = tpu.sem_alloc : memref<!tpu.dma_semaphore, #tpu.memory_space<semaphore_mem>>
      %dma_start3A_40 = arith.constant 0 : i32
      %dma_start3A_41 = tpu.memref_slice %arg11[%add3A_8, %dma_start3A_40] : memref<10240x64xf32, #tpu.memory_space<vmem_shared>> -> memref<128x64xf32, #tpu.memory_space<vmem_shared>>
      tpu.enqueue_dma source(%arg5 : memref<128x64xf32, #tpu.memory_space<hbm>>) target(%dma_start3A_41 : memref<128x64xf32, #tpu.memory_space<vmem_shared>>) target_semaphore(%run_scoped3A : memref<!tpu.dma_semaphore, #tpu.memory_space<semaphore_mem>>)
      %dma_wait3A = arith.constant 0 : i32
      %dma_wait3A_42 = tpu.memref_slice %arg11[%add3A_8, %dma_wait3A] : memref<10240x64xf32, #tpu.memory_space<vmem_shared>> -> memref<128x64xf32, #tpu.memory_space<vmem_shared>>
      tpu.wait_dma2 semaphore(%run_scoped3A : memref<!tpu.dma_semaphore, #tpu.memory_space<semaphore_mem>>) src(%arg5 : memref<128x64xf32, #tpu.memory_space<hbm>>) dst(%dma_wait3A_42 : memref<128x64xf32, #tpu.memory_space<vmem_shared>>)
      tpu.yield
    }) : () -> ()
    %mul3A_9 = arith.constant 640 : i32
    %mul3A_10 = arith.muli %arg1, %mul3A_9 : i32
    %add3A_11 = arith.constant 256 : i32
    %add3A_12 = arith.addi %mul3A_10, %add3A_11 : i32
    "tpu.region"() ({
      %run_scoped3A = tpu.sem_alloc : memref<!tpu.dma_semaphore, #tpu.memory_space<semaphore_mem>>
      %dma_start3A_40 = arith.constant 0 : i32
      %dma_start3A_41 = tpu.memref_slice %arg11[%add3A_12, %dma_start3A_40] : memref<10240x64xf32, #tpu.memory_space<vmem_shared>> -> memref<128x64xf32, #tpu.memory_space<vmem_shared>>
      tpu.enqueue_dma source(%arg5 : memref<128x64xf32, #tpu.memory_space<hbm>>) target(%dma_start3A_41 : memref<128x64xf32, #tpu.memory_space<vmem_shared>>) target_semaphore(%run_scoped3A : memref<!tpu.dma_semaphore, #tpu.memory_space<semaphore_mem>>)
      %dma_wait3A = arith.constant 0 : i32
      %dma_wait3A_42 = tpu.memref_slice %arg11[%add3A_12, %dma_wait3A] : memref<10240x64xf32, #tpu.memory_space<vmem_shared>> -> memref<128x64xf32, #tpu.memory_space<vmem_shared>>
      tpu.wait_dma2 semaphore(%run_scoped3A : memref<!tpu.dma_semaphore, #tpu.memory_space<semaphore_mem>>) src(%arg5 : memref<128x64xf32, #tpu.memory_space<hbm>>) dst(%dma_wait3A_42 : memref<128x64xf32, #tpu.memory_space<vmem_shared>>)
      tpu.yield
    }) : () -> ()
    %mul3A_13 = arith.constant 640 : i32
    %mul3A_14 = arith.muli %arg1, %mul3A_13 : i32
    %add3A_15 = arith.constant 384 : i32
    %add3A_16 = arith.addi %mul3A_14, %add3A_15 : i32
    "tpu.region"() ({
      %run_scoped3A = tpu.sem_alloc : memref<!tpu.dma_semaphore, #tpu.memory_space<semaphore_mem>>
      %dma_start3A_40 = arith.constant 0 : i32
      %dma_start3A_41 = tpu.memref_slice %arg11[%add3A_16, %dma_start3A_40] : memref<10240x64xf32, #tpu.memory_space<vmem_shared>> -> memref<128x64xf32, #tpu.memory_space<vmem_shared>>
      tpu.enqueue_dma source(%arg5 : memref<128x64xf32, #tpu.memory_space<hbm>>) target(%dma_start3A_41 : memref<128x64xf32, #tpu.memory_space<vmem_shared>>) target_semaphore(%run_scoped3A : memref<!tpu.dma_semaphore, #tpu.memory_space<semaphore_mem>>)
      %dma_wait3A = arith.constant 0 : i32
      %dma_wait3A_42 = tpu.memref_slice %arg11[%add3A_16, %dma_wait3A] : memref<10240x64xf32, #tpu.memory_space<vmem_shared>> -> memref<128x64xf32, #tpu.memory_space<vmem_shared>>
      tpu.wait_dma2 semaphore(%run_scoped3A : memref<!tpu.dma_semaphore, #tpu.memory_space<semaphore_mem>>) src(%arg5 : memref<128x64xf32, #tpu.memory_space<hbm>>) dst(%dma_wait3A_42 : memref<128x64xf32, #tpu.memory_space<vmem_shared>>)
      tpu.yield
    }) : () -> ()
    %mul3A_17 = arith.constant 640 : i32
    %mul3A_18 = arith.muli %arg1, %mul3A_17 : i32
    %add3A_19 = arith.constant 512 : i32
    %add3A_20 = arith.addi %mul3A_18, %add3A_19 : i32
    "tpu.region"() ({
      %run_scoped3A = tpu.sem_alloc : memref<!tpu.dma_semaphore, #tpu.memory_space<semaphore_mem>>
      %dma_start3A_40 = arith.constant 0 : i32
      %dma_start3A_41 = tpu.memref_slice %arg11[%add3A_20, %dma_start3A_40] : memref<10240x64xf32, #tpu.memory_space<vmem_shared>> -> memref<128x64xf32, #tpu.memory_space<vmem_shared>>
      tpu.enqueue_dma source(%arg5 : memref<128x64xf32, #tpu.memory_space<hbm>>) target(%dma_start3A_41 : memref<128x64xf32, #tpu.memory_space<vmem_shared>>) target_semaphore(%run_scoped3A : memref<!tpu.dma_semaphore, #tpu.memory_space<semaphore_mem>>)
      %dma_wait3A = arith.constant 0 : i32
      %dma_wait3A_42 = tpu.memref_slice %arg11[%add3A_20, %dma_wait3A] : memref<10240x64xf32, #tpu.memory_space<vmem_shared>> -> memref<128x64xf32, #tpu.memory_space<vmem_shared>>
      tpu.wait_dma2 semaphore(%run_scoped3A : memref<!tpu.dma_semaphore, #tpu.memory_space<semaphore_mem>>) src(%arg5 : memref<128x64xf32, #tpu.memory_space<hbm>>) dst(%dma_wait3A_42 : memref<128x64xf32, #tpu.memory_space<vmem_shared>>)
      tpu.yield
    }) : () -> ()
    %mul3A_21 = arith.constant 20 : i32
    %mul3A_22 = arith.muli %add3A, %mul3A_21 : i32
    "tpu.region"() ({
      %run_scoped3A = tpu.sem_alloc : memref<!tpu.dma_semaphore, #tpu.memory_space<semaphore_mem>>
      %dma_start3A_40 = arith.constant 0 : i32
      %dma_start3A_41 = tpu.memref_slice %arg3[%mul3A_22, %dma_start3A_40] : memref<640x512xi32, #tpu.memory_space<hbm>> -> memref<20x512xi32, #tpu.memory_space<hbm>>
      %dma_start3A_42 = arith.constant 0 : i32
      %dma_start3A_43 = tpu.memref_slice %arg3[%mul3A_22, %dma_start3A_42] : memref<640x512xi32, #tpu.memory_space<hbm>> -> memref<20x512xi32, #tpu.memory_space<hbm>>
      tpu.enqueue_dma source(%dma_start3A_43 : memref<20x512xi32, #tpu.memory_space<hbm>>) target(%arg7 : memref<20x512xi32, #tpu.memory_space<vmem>>) target_semaphore(%run_scoped3A : memref<!tpu.dma_semaphore, #tpu.memory_space<semaphore_mem>>)
      %dma_wait3A = arith.constant 0 : i32
      %dma_wait3A_44 = tpu.memref_slice %arg3[%mul3A_22, %dma_wait3A] : memref<640x512xi32, #tpu.memory_space<hbm>> -> memref<20x512xi32, #tpu.memory_space<hbm>>
      %dma_wait3A_45 = arith.constant 0 : i32
      %dma_wait3A_46 = tpu.memref_slice %arg3[%mul3A_22, %dma_wait3A_45] : memref<640x512xi32, #tpu.memory_space<hbm>> -> memref<20x512xi32, #tpu.memory_space<hbm>>
      tpu.wait_dma2 semaphore(%run_scoped3A : memref<!tpu.dma_semaphore, #tpu.memory_space<semaphore_mem>>) src(%dma_wait3A_46 : memref<20x512xi32, #tpu.memory_space<hbm>>) dst(%arg7 : memref<20x512xi32, #tpu.memory_space<vmem>>)
      tpu.yield
    }) : () -> ()
    %mul3A_23 = arith.constant 20 : i32
    %mul3A_24 = arith.muli %add3A, %mul3A_23 : i32
    "tpu.region"() ({
      %run_scoped3A = tpu.sem_alloc : memref<!tpu.dma_semaphore, #tpu.memory_space<semaphore_mem>>
      %dma_start3A_40 = arith.constant 0 : i32
      %dma_start3A_41 = tpu.memref_slice %arg4[%mul3A_24, %dma_start3A_40] : memref<640x512xi32, #tpu.memory_space<hbm>> -> memref<20x512xi32, #tpu.memory_space<hbm>>
      %dma_start3A_42 = arith.constant 0 : i32
      %dma_start3A_43 = tpu.memref_slice %arg4[%mul3A_24, %dma_start3A_42] : memref<640x512xi32, #tpu.memory_space<hbm>> -> memref<20x512xi32, #tpu.memory_space<hbm>>
      tpu.enqueue_dma source(%dma_start3A_43 : memref<20x512xi32, #tpu.memory_space<hbm>>) target(%arg8 : memref<20x512xi32, #tpu.memory_space<vmem>>) target_semaphore(%run_scoped3A : memref<!tpu.dma_semaphore, #tpu.memory_space<semaphore_mem>>)
      %dma_wait3A = arith.constant 0 : i32
      %dma_wait3A_44 = tpu.memref_slice %arg4[%mul3A_24, %dma_wait3A] : memref<640x512xi32, #tpu.memory_space<hbm>> -> memref<20x512xi32, #tpu.memory_space<hbm>>
      %dma_wait3A_45 = arith.constant 0 : i32
      %dma_wait3A_46 = tpu.memref_slice %arg4[%mul3A_24, %dma_wait3A_45] : memref<640x512xi32, #tpu.memory_space<hbm>> -> memref<20x512xi32, #tpu.memory_space<hbm>>
      tpu.wait_dma2 semaphore(%run_scoped3A : memref<!tpu.dma_semaphore, #tpu.memory_space<semaphore_mem>>) src(%dma_wait3A_46 : memref<20x512xi32, #tpu.memory_space<hbm>>) dst(%arg8 : memref<20x512xi32, #tpu.memory_space<vmem>>)
      tpu.yield
    }) : () -> ()
    %barrier3A = arith.constant 0 : index
    tpu.barrier barrier_id(%barrier3A)
    %dma_start3A = arith.constant 0 : i32
    %dma_start3A_25 = arith.constant 0 : i32
    %dma_start3A_26 = tpu.memref_slice %arg7[%dma_start3A, %dma_start3A_25] : memref<20x512xi32, #tpu.memory_space<vmem>> -> memref<1x512xi32, #tpu.memory_space<vmem>>
    %dma_start3A_27 = tpu.memref_squeeze %dma_start3A_26 : memref<1x512xi32, #tpu.memory_space<vmem>> -> memref<512xi32, #tpu.memory_space<vmem>>
    %dma_start3A_28 = arith.constant 0 : i32
    %dma_start3A_29 = arith.constant 0 : i32
    %dma_start3A_30 = tpu.memref_slice %arg2[%dma_start3A_28, %dma_start3A_29] : memref<10000x64xf32, #tpu.memory_space<hbm>> -> memref<10000x64xf32, #tpu.memory_space<hbm>>
    tpu.enqueue_indirect_dma source(%dma_start3A_30 : memref<10000x64xf32, #tpu.memory_space<hbm>>) target(%arg9 : memref<512x64xf32, #tpu.memory_space<vmem>>) offsets(%dma_start3A_27 : memref<512xi32, #tpu.memory_space<vmem>>) semaphore(%arg12 : memref<!tpu.dma_semaphore, #tpu.memory_space<semaphore_mem>>)
    %scan3A = arith.constant 0 : i32
    %scan3A_31 = arith.constant 10 : i32
    %scan3A_32 = arith.addi %scan3A, %scan3A_31 : i32
    %scan3A_33 = arith.constant 1 : i32
    scf.for %scan3A_40 = %scan3A to %scan3A_32 step %scan3A_33  : i32 {
      %mul3A_41 = arith.constant 2 : i32
      %mul3A_42 = arith.muli %scan3A_40, %mul3A_41 : i32
      %add3A_43 = arith.constant 0 : i32
      %add3A_44 = arith.addi %add3A_43, %mul3A_42 : i32
      %add3A_45 = arith.constant 1 : i32
      %add3A_46 = arith.addi %add3A_44, %add3A_45 : i32
      %dma_start3A_47 = arith.constant 0 : i32
      %dma_start3A_48 = tpu.memref_slice %arg7[%add3A_46, %dma_start3A_47] : memref<20x512xi32, #tpu.memory_space<vmem>> -> memref<1x512xi32, #tpu.memory_space<vmem>>
      %dma_start3A_49 = tpu.memref_squeeze %dma_start3A_48 : memref<1x512xi32, #tpu.memory_space<vmem>> -> memref<512xi32, #tpu.memory_space<vmem>>
      %dma_start3A_50 = arith.constant 0 : i32
      %dma_start3A_51 = arith.constant 0 : i32
      %dma_start3A_52 = tpu.memref_slice %arg2[%dma_start3A_50, %dma_start3A_51] : memref<10000x64xf32, #tpu.memory_space<hbm>> -> memref<10000x64xf32, #tpu.memory_space<hbm>>
      tpu.enqueue_indirect_dma source(%dma_start3A_52 : memref<10000x64xf32, #tpu.memory_space<hbm>>) target(%arg10 : memref<512x64xf32, #tpu.memory_space<vmem>>) offsets(%dma_start3A_49 : memref<512xi32, #tpu.memory_space<vmem>>) semaphore(%arg13 : memref<!tpu.dma_semaphore, #tpu.memory_space<semaphore_mem>>)
      %dma_wait3A = arith.constant 0 : i32
      %dma_wait3A_53 = tpu.memref_slice %arg7[%add3A_44, %dma_wait3A] : memref<20x512xi32, #tpu.memory_space<vmem>> -> memref<1x512xi32, #tpu.memory_space<vmem>>
      %dma_wait3A_54 = tpu.memref_squeeze %dma_wait3A_53 : memref<1x512xi32, #tpu.memory_space<vmem>> -> memref<512xi32, #tpu.memory_space<vmem>>
      %dma_wait3A_55 = arith.constant 0 : i32
      %dma_wait3A_56 = arith.constant 0 : i32
      %dma_wait3A_57 = tpu.memref_slice %arg2[%dma_wait3A_55, %dma_wait3A_56] : memref<10000x64xf32, #tpu.memory_space<hbm>> -> memref<10000x64xf32, #tpu.memory_space<hbm>>
      tpu.wait_indirect_dma semaphore(%arg12 : memref<!tpu.dma_semaphore, #tpu.memory_space<semaphore_mem>>) src(%dma_wait3A_57 : memref<10000x64xf32, #tpu.memory_space<hbm>>) dst(%arg9 : memref<512x64xf32, #tpu.memory_space<vmem>>)
      "tpu.region"() ({
        %run_scoped3A = tpu.sem_alloc : memref<!tpu.dma_semaphore, #tpu.memory_space<semaphore_mem>>
        %dma_start3A_72 = arith.constant 0 : i32
        %dma_start3A_73 = tpu.memref_slice %arg8[%add3A_44, %dma_start3A_72] : memref<20x512xi32, #tpu.memory_space<vmem>> -> memref<1x512xi32, #tpu.memory_space<vmem>>
        %dma_start3A_74 = tpu.memref_squeeze %dma_start3A_73 : memref<1x512xi32, #tpu.memory_space<vmem>> -> memref<512xi32, #tpu.memory_space<vmem>>
        %dma_start3A_75 = arith.constant 0 : i32
        %dma_start3A_76 = arith.constant 0 : i32
        %dma_start3A_77 = tpu.memref_slice %arg11[%dma_start3A_75, %dma_start3A_76] : memref<10240x64xf32, #tpu.memory_space<vmem_shared>> -> memref<10240x64xf32, #tpu.memory_space<vmem_shared>>
        tpu.enqueue_indirect_dma source(%arg9 : memref<512x64xf32, #tpu.memory_space<vmem>>) target(%dma_start3A_77 : memref<10240x64xf32, #tpu.memory_space<vmem_shared>>) offsets(%dma_start3A_74 : memref<512xi32, #tpu.memory_space<vmem>>) semaphore(%run_scoped3A : memref<!tpu.dma_semaphore, #tpu.memory_space<semaphore_mem>>) {add = true}
        %dma_wait3A_78 = arith.constant 0 : i32
        %dma_wait3A_79 = tpu.memref_slice %arg8[%add3A_44, %dma_wait3A_78] : memref<20x512xi32, #tpu.memory_space<vmem>> -> memref<1x512xi32, #tpu.memory_space<vmem>>
        %dma_wait3A_80 = tpu.memref_squeeze %dma_wait3A_79 : memref<1x512xi32, #tpu.memory_space<vmem>> -> memref<512xi32, #tpu.memory_space<vmem>>
        %dma_wait3A_81 = arith.constant 0 : i32
        %dma_wait3A_82 = arith.constant 0 : i32
        %dma_wait3A_83 = tpu.memref_slice %arg11[%dma_wait3A_81, %dma_wait3A_82] : memref<10240x64xf32, #tpu.memory_space<vmem_shared>> -> memref<10240x64xf32, #tpu.memory_space<vmem_shared>>
        tpu.wait_indirect_dma semaphore(%run_scoped3A : memref<!tpu.dma_semaphore, #tpu.memory_space<semaphore_mem>>) src(%arg9 : memref<512x64xf32, #tpu.memory_space<vmem>>) dst(%dma_wait3A_83 : memref<10240x64xf32, #tpu.memory_space<vmem_shared>>)
        tpu.yield
      }) : () -> ()
      %add3A_58 = arith.constant 2 : i32
      %add3A_59 = arith.addi %add3A_44, %add3A_58 : i32
      %lt3A = arith.constant 20 : i32
      %lt3A_60 = arith.cmpi slt, %add3A_59, %lt3A : i32
      %convert_element_type3A = arith.extui %lt3A_60 : i1 to i32
      %cond3A = arith.constant 0 : i32
      %cond3A_61 = arith.cmpi ne, %convert_element_type3A, %cond3A : i32
      scf.if %cond3A_61 {
        %add3A_72 = arith.constant 2 : i32
        %add3A_73 = arith.addi %add3A_44, %add3A_72 : i32
        %dma_start3A_74 = arith.constant 0 : i32
        %dma_start3A_75 = tpu.memref_slice %arg7[%add3A_73, %dma_start3A_74] : memref<20x512xi32, #tpu.memory_space<vmem>> -> memref<1x512xi32, #tpu.memory_space<vmem>>
        %dma_start3A_76 = tpu.memref_squeeze %dma_start3A_75 : memref<1x512xi32, #tpu.memory_space<vmem>> -> memref<512xi32, #tpu.memory_space<vmem>>
        %dma_start3A_77 = arith.constant 0 : i32
        %dma_start3A_78 = arith.constant 0 : i32
        %dma_start3A_79 = tpu.memref_slice %arg2[%dma_start3A_77, %dma_start3A_78] : memref<10000x64xf32, #tpu.memory_space<hbm>> -> memref<10000x64xf32, #tpu.memory_space<hbm>>
        tpu.enqueue_indirect_dma source(%dma_start3A_79 : memref<10000x64xf32, #tpu.memory_space<hbm>>) target(%arg9 : memref<512x64xf32, #tpu.memory_space<vmem>>) offsets(%dma_start3A_76 : memref<512xi32, #tpu.memory_space<vmem>>) semaphore(%arg12 : memref<!tpu.dma_semaphore, #tpu.memory_space<semaphore_mem>>)
      } else {
      }
      %add3A_62 = arith.constant 1 : i32
      %add3A_63 = arith.addi %add3A_44, %add3A_62 : i32
      %dma_wait3A_64 = arith.constant 0 : i32
      %dma_wait3A_65 = tpu.memref_slice %arg7[%add3A_63, %dma_wait3A_64] : memref<20x512xi32, #tpu.memory_space<vmem>> -> memref<1x512xi32, #tpu.memory_space<vmem>>
      %dma_wait3A_66 = tpu.memref_squeeze %dma_wait3A_65 : memref<1x512xi32, #tpu.memory_space<vmem>> -> memref<512xi32, #tpu.memory_space<vmem>>
      %dma_wait3A_67 = arith.constant 0 : i32
      %dma_wait3A_68 = arith.constant 0 : i32
      %dma_wait3A_69 = tpu.memref_slice %arg2[%dma_wait3A_67, %dma_wait3A_68] : memref<10000x64xf32, #tpu.memory_space<hbm>> -> memref<10000x64xf32, #tpu.memory_space<hbm>>
      tpu.wait_indirect_dma semaphore(%arg13 : memref<!tpu.dma_semaphore, #tpu.memory_space<semaphore_mem>>) src(%dma_wait3A_69 : memref<10000x64xf32, #tpu.memory_space<hbm>>) dst(%arg10 : memref<512x64xf32, #tpu.memory_space<vmem>>)
      %add3A_70 = arith.constant 1 : i32
      %add3A_71 = arith.addi %add3A_44, %add3A_70 : i32
      "tpu.region"() ({
        %run_scoped3A = tpu.sem_alloc : memref<!tpu.dma_semaphore, #tpu.memory_space<semaphore_mem>>
        %dma_start3A_72 = arith.constant 0 : i32
        %dma_start3A_73 = tpu.memref_slice %arg8[%add3A_71, %dma_start3A_72] : memref<20x512xi32, #tpu.memory_space<vmem>> -> memref<1x512xi32, #tpu.memory_space<vmem>>
        %dma_start3A_74 = tpu.memref_squeeze %dma_start3A_73 : memref<1x512xi32, #tpu.memory_space<vmem>> -> memref<512xi32, #tpu.memory_space<vmem>>
        %dma_start3A_75 = arith.constant 0 : i32
        %dma_start3A_76 = arith.constant 0 : i32
        %dma_start3A_77 = tpu.memref_slice %arg11[%dma_start3A_75, %dma_start3A_76] : memref<10240x64xf32, #tpu.memory_space<vmem_shared>> -> memref<10240x64xf32, #tpu.memory_space<vmem_shared>>
        tpu.enqueue_indirect_dma source(%arg10 : memref<512x64xf32, #tpu.memory_space<vmem>>) target(%dma_start3A_77 : memref<10240x64xf32, #tpu.memory_space<vmem_shared>>) offsets(%dma_start3A_74 : memref<512xi32, #tpu.memory_space<vmem>>) semaphore(%run_scoped3A : memref<!tpu.dma_semaphore, #tpu.memory_space<semaphore_mem>>) {add = true}
        %dma_wait3A_78 = arith.constant 0 : i32
        %dma_wait3A_79 = tpu.memref_slice %arg8[%add3A_71, %dma_wait3A_78] : memref<20x512xi32, #tpu.memory_space<vmem>> -> memref<1x512xi32, #tpu.memory_space<vmem>>
        %dma_wait3A_80 = tpu.memref_squeeze %dma_wait3A_79 : memref<1x512xi32, #tpu.memory_space<vmem>> -> memref<512xi32, #tpu.memory_space<vmem>>
        %dma_wait3A_81 = arith.constant 0 : i32
        %dma_wait3A_82 = arith.constant 0 : i32
        %dma_wait3A_83 = tpu.memref_slice %arg11[%dma_wait3A_81, %dma_wait3A_82] : memref<10240x64xf32, #tpu.memory_space<vmem_shared>> -> memref<10240x64xf32, #tpu.memory_space<vmem_shared>>
        tpu.wait_indirect_dma semaphore(%run_scoped3A : memref<!tpu.dma_semaphore, #tpu.memory_space<semaphore_mem>>) src(%arg10 : memref<512x64xf32, #tpu.memory_space<vmem>>) dst(%dma_wait3A_83 : memref<10240x64xf32, #tpu.memory_space<vmem_shared>>)
        tpu.yield
      }) : () -> ()
    }
    %scan3A_34 = arith.constant 10 : i32
    %barrier3A_35 = arith.constant 0 : index
    tpu.barrier barrier_id(%barrier3A_35)
    %mul3A_36 = arith.constant 640 : i32
    %mul3A_37 = arith.muli %arg1, %mul3A_36 : i32
    %mul3A_38 = arith.constant 640 : i32
    %mul3A_39 = arith.muli %arg1, %mul3A_38 : i32
    "tpu.region"() ({
      %run_scoped3A = tpu.sem_alloc : memref<!tpu.dma_semaphore, #tpu.memory_space<semaphore_mem>>
      %dma_start3A_40 = arith.constant 0 : i32
      %dma_start3A_41 = tpu.memref_slice %arg6[%arg0, %mul3A_39, %dma_start3A_40] : memref<2x10240x128xf32, #tpu.memory_space<hbm>> -> memref<1x640x64xf32, #tpu.memory_space<hbm>>
      %dma_start3A_42 = tpu.memref_squeeze %dma_start3A_41 : memref<1x640x64xf32, #tpu.memory_space<hbm>> -> memref<640x64xf32, #tpu.memory_space<hbm>>
      %dma_start3A_43 = arith.constant 0 : i32
      %dma_start3A_44 = tpu.memref_slice %arg11[%mul3A_37, %dma_start3A_43] : memref<10240x64xf32, #tpu.memory_space<vmem_shared>> -> memref<640x64xf32, #tpu.memory_space<vmem_shared>>
      tpu.enqueue_dma source(%dma_start3A_44 : memref<640x64xf32, #tpu.memory_space<vmem_shared>>) target(%dma_start3A_42 : memref<640x64xf32, #tpu.memory_space<hbm>>) target_semaphore(%run_scoped3A : memref<!tpu.dma_semaphore, #tpu.memory_space<semaphore_mem>>)
      %dma_wait3A = arith.constant 0 : i32
      %dma_wait3A_45 = tpu.memref_slice %arg6[%arg0, %mul3A_39, %dma_wait3A] : memref<2x10240x128xf32, #tpu.memory_space<hbm>> -> memref<1x640x64xf32, #tpu.memory_space<hbm>>
      %dma_wait3A_46 = tpu.memref_squeeze %dma_wait3A_45 : memref<1x640x64xf32, #tpu.memory_space<hbm>> -> memref<640x64xf32, #tpu.memory_space<hbm>>
      %dma_wait3A_47 = arith.constant 0 : i32
      %dma_wait3A_48 = tpu.memref_slice %arg11[%mul3A_37, %dma_wait3A_47] : memref<10240x64xf32, #tpu.memory_space<vmem_shared>> -> memref<640x64xf32, #tpu.memory_space<vmem_shared>>
      tpu.wait_dma2 semaphore(%run_scoped3A : memref<!tpu.dma_semaphore, #tpu.memory_space<semaphore_mem>>) src(%dma_wait3A_48 : memref<640x64xf32, #tpu.memory_space<vmem_shared>>) dst(%dma_wait3A_46 : memref<640x64xf32, #tpu.memory_space<hbm>>)
      tpu.yield
    }) : () -> ()
    return
  }
}

#map = affine_map<(d0, d1) -> (0, 0)>
module attributes {stable_mosaic.version = 14 : i64} {
  func.func @_sc_zgather(%arg0: i32, %arg1: i32, %arg2: memref<10000x64xf32, #tpu.memory_space<hbm>>, %arg3: memref<10000x64xf32, #tpu.memory_space<hbm>>, %arg4: memref<1344x256xi32, #tpu.memory_space<hbm>>, %arg5: memref<1344x256xi32, #tpu.memory_space<hbm>>, %arg6: memref<327680x128xf32, #tpu.memory_space<hbm>>, %arg7: memref<60x256xi32, #tpu.memory_space<vmem>>, %arg8: memref<60x256xi32, #tpu.memory_space<vmem>>, %arg9: memref<2x256x64xf32, #tpu.memory_space<vmem>>, %arg10: memref<2x256x64xf32, #tpu.memory_space<vmem>>, %arg11: memref<!tpu.dma_semaphore, #tpu.memory_space<semaphore_mem>>, %arg12: memref<!tpu.dma_semaphore, #tpu.memory_space<semaphore_mem>>, %arg13: memref<!tpu.dma_semaphore, #tpu.memory_space<semaphore_mem>>) attributes {dimension_semantics = [#tpu.dimension_semantics<core_parallel>, #tpu.dimension_semantics<subcore_parallel>], iteration_bounds = array<i64: 2, 16>, scalar_prefetch = 0 : i64, scratch_operands = 7 : i64, tpu.core_type = #tpu.core_type<sc_vector_subcore>, window_params = [{transform_indices = #map}, {transform_indices = #map}, {transform_indices = #map}, {transform_indices = #map}, {transform_indices = #map}]} {
    %mul3A = arith.constant 16 : i32
    %mul3A_0 = arith.muli %arg0, %mul3A : i32
    %add3A = arith.addi %mul3A_0, %arg1 : i32
    %mul3A_1 = arith.constant 40 : i32
    %mul3A_2 = arith.muli %mul3A_1, %arg0 : i32
    %sub3A = arith.constant 60 : i32
    %sub3A_3 = arith.subi %sub3A, %mul3A_2 : i32
    %mul3A_4 = arith.constant 960 : i32
    %mul3A_5 = arith.muli %arg0, %mul3A_4 : i32
    %mul3A_6 = arith.muli %arg1, %sub3A_3 : i32
    %add3A_7 = arith.addi %mul3A_5, %mul3A_6 : i32
    %mul3A_8 = arith.constant 256 : i32
    %mul3A_9 = arith.muli %add3A_7, %mul3A_8 : i32
    "tpu.region"() ({
      %run_scoped3A = tpu.sem_alloc : memref<!tpu.dma_semaphore, #tpu.memory_space<semaphore_mem>>
      %dma_start3A_80 = arith.constant 0 : i32
      %dma_start3A_81 = tpu.memref_slice %arg4[%add3A_7, %dma_start3A_80] : memref<1344x256xi32, #tpu.memory_space<hbm>> -> memref<60x256xi32, #tpu.memory_space<hbm>>
      %dma_start3A_82 = arith.constant 0 : i32
      %dma_start3A_83 = tpu.memref_slice %arg4[%add3A_7, %dma_start3A_82] : memref<1344x256xi32, #tpu.memory_space<hbm>> -> memref<60x256xi32, #tpu.memory_space<hbm>>
      tpu.enqueue_dma source(%dma_start3A_83 : memref<60x256xi32, #tpu.memory_space<hbm>>) target(%arg7 : memref<60x256xi32, #tpu.memory_space<vmem>>) target_semaphore(%run_scoped3A : memref<!tpu.dma_semaphore, #tpu.memory_space<semaphore_mem>>)
      %dma_wait3A_84 = arith.constant 0 : i32
      %dma_wait3A_85 = tpu.memref_slice %arg4[%add3A_7, %dma_wait3A_84] : memref<1344x256xi32, #tpu.memory_space<hbm>> -> memref<60x256xi32, #tpu.memory_space<hbm>>
      %dma_wait3A_86 = arith.constant 0 : i32
      %dma_wait3A_87 = tpu.memref_slice %arg4[%add3A_7, %dma_wait3A_86] : memref<1344x256xi32, #tpu.memory_space<hbm>> -> memref<60x256xi32, #tpu.memory_space<hbm>>
      tpu.wait_dma2 semaphore(%run_scoped3A : memref<!tpu.dma_semaphore, #tpu.memory_space<semaphore_mem>>) src(%dma_wait3A_87 : memref<60x256xi32, #tpu.memory_space<hbm>>) dst(%arg7 : memref<60x256xi32, #tpu.memory_space<vmem>>)
      tpu.yield
    }) : () -> ()
    "tpu.region"() ({
      %run_scoped3A = tpu.sem_alloc : memref<!tpu.dma_semaphore, #tpu.memory_space<semaphore_mem>>
      %dma_start3A_80 = arith.constant 0 : i32
      %dma_start3A_81 = tpu.memref_slice %arg5[%add3A_7, %dma_start3A_80] : memref<1344x256xi32, #tpu.memory_space<hbm>> -> memref<60x256xi32, #tpu.memory_space<hbm>>
      %dma_start3A_82 = arith.constant 0 : i32
      %dma_start3A_83 = tpu.memref_slice %arg5[%add3A_7, %dma_start3A_82] : memref<1344x256xi32, #tpu.memory_space<hbm>> -> memref<60x256xi32, #tpu.memory_space<hbm>>
      tpu.enqueue_dma source(%dma_start3A_83 : memref<60x256xi32, #tpu.memory_space<hbm>>) target(%arg8 : memref<60x256xi32, #tpu.memory_space<vmem>>) target_semaphore(%run_scoped3A : memref<!tpu.dma_semaphore, #tpu.memory_space<semaphore_mem>>)
      %dma_wait3A_84 = arith.constant 0 : i32
      %dma_wait3A_85 = tpu.memref_slice %arg5[%add3A_7, %dma_wait3A_84] : memref<1344x256xi32, #tpu.memory_space<hbm>> -> memref<60x256xi32, #tpu.memory_space<hbm>>
      %dma_wait3A_86 = arith.constant 0 : i32
      %dma_wait3A_87 = tpu.memref_slice %arg5[%add3A_7, %dma_wait3A_86] : memref<1344x256xi32, #tpu.memory_space<hbm>> -> memref<60x256xi32, #tpu.memory_space<hbm>>
      tpu.wait_dma2 semaphore(%run_scoped3A : memref<!tpu.dma_semaphore, #tpu.memory_space<semaphore_mem>>) src(%dma_wait3A_87 : memref<60x256xi32, #tpu.memory_space<hbm>>) dst(%arg8 : memref<60x256xi32, #tpu.memory_space<vmem>>)
      tpu.yield
    }) : () -> ()
    %dma_start3A = arith.constant 0 : i32
    %dma_start3A_10 = arith.constant 0 : i32
    %dma_start3A_11 = arith.constant 0 : i32
    %dma_start3A_12 = arith.constant 0 : i32
    %dma_start3A_13 = tpu.memref_slice %arg9[%dma_start3A_10, %dma_start3A_11, %dma_start3A_12] : memref<2x256x64xf32, #tpu.memory_space<vmem>> -> memref<1x256x64xf32, #tpu.memory_space<vmem>>
    %dma_start3A_14 = tpu.memref_squeeze %dma_start3A_13 : memref<1x256x64xf32, #tpu.memory_space<vmem>> -> memref<256x64xf32, #tpu.memory_space<vmem>>
    %dma_start3A_15 = arith.constant 0 : i32
    %dma_start3A_16 = tpu.memref_slice %arg7[%dma_start3A, %dma_start3A_15] : memref<60x256xi32, #tpu.memory_space<vmem>> -> memref<1x256xi32, #tpu.memory_space<vmem>>
    %dma_start3A_17 = tpu.memref_squeeze %dma_start3A_16 : memref<1x256xi32, #tpu.memory_space<vmem>> -> memref<256xi32, #tpu.memory_space<vmem>>
    %dma_start3A_18 = arith.constant 0 : i32
    %dma_start3A_19 = arith.constant 0 : i32
    %dma_start3A_20 = tpu.memref_slice %arg2[%dma_start3A_18, %dma_start3A_19] : memref<10000x64xf32, #tpu.memory_space<hbm>> -> memref<10000x64xf32, #tpu.memory_space<hbm>>
    tpu.enqueue_indirect_dma source(%dma_start3A_20 : memref<10000x64xf32, #tpu.memory_space<hbm>>) target(%dma_start3A_14 : memref<256x64xf32, #tpu.memory_space<vmem>>) offsets(%dma_start3A_17 : memref<256xi32, #tpu.memory_space<vmem>>) semaphore(%arg11 : memref<!tpu.dma_semaphore, #tpu.memory_space<semaphore_mem>>)
    %dma_start3A_21 = arith.constant 0 : i32
    %dma_start3A_22 = arith.constant 0 : i32
    %dma_start3A_23 = arith.constant 0 : i32
    %dma_start3A_24 = arith.constant 0 : i32
    %dma_start3A_25 = tpu.memref_slice %arg10[%dma_start3A_22, %dma_start3A_23, %dma_start3A_24] : memref<2x256x64xf32, #tpu.memory_space<vmem>> -> memref<1x256x64xf32, #tpu.memory_space<vmem>>
    %dma_start3A_26 = tpu.memref_squeeze %dma_start3A_25 : memref<1x256x64xf32, #tpu.memory_space<vmem>> -> memref<256x64xf32, #tpu.memory_space<vmem>>
    %dma_start3A_27 = arith.constant 0 : i32
    %dma_start3A_28 = tpu.memref_slice %arg8[%dma_start3A_21, %dma_start3A_27] : memref<60x256xi32, #tpu.memory_space<vmem>> -> memref<1x256xi32, #tpu.memory_space<vmem>>
    %dma_start3A_29 = tpu.memref_squeeze %dma_start3A_28 : memref<1x256xi32, #tpu.memory_space<vmem>> -> memref<256xi32, #tpu.memory_space<vmem>>
    %dma_start3A_30 = arith.constant 0 : i32
    %dma_start3A_31 = arith.constant 0 : i32
    %dma_start3A_32 = tpu.memref_slice %arg3[%dma_start3A_30, %dma_start3A_31] : memref<10000x64xf32, #tpu.memory_space<hbm>> -> memref<10000x64xf32, #tpu.memory_space<hbm>>
    tpu.enqueue_indirect_dma source(%dma_start3A_32 : memref<10000x64xf32, #tpu.memory_space<hbm>>) target(%dma_start3A_26 : memref<256x64xf32, #tpu.memory_space<vmem>>) offsets(%dma_start3A_29 : memref<256xi32, #tpu.memory_space<vmem>>) semaphore(%arg12 : memref<!tpu.dma_semaphore, #tpu.memory_space<semaphore_mem>>)
    %sub3A_33 = arith.constant 0 : i32
    %sub3A_34 = arith.subi %sub3A_3, %sub3A_33 : i32
    %sub3A_35 = arith.constant 2 : i32
    %sub3A_36 = arith.constant 1 : i32
    %sub3A_37 = arith.subi %sub3A_35, %sub3A_36 : i32
    %add3A_38 = arith.addi %sub3A_34, %sub3A_37 : i32
    %div3A = arith.constant 2 : i32
    %div3A_39 = arith.divsi %add3A_38, %div3A : i32
    %while3A = arith.constant 2 : i32
    %while3A_40 = arith.constant 0 : i32
    %while3A_41 = arith.constant 0 : i32
    %while3A_42 = arith.subi %div3A_39, %while3A_41 : i32
    %while3A_43 = arith.addi %while3A_41, %while3A_42 : i32
    %while3A_44 = arith.constant 1 : i32
    %while3A_45 = arith.divsi %while3A_42, %while3A_44 : i32
    %while3A_46 = arith.muli %while3A_45, %while3A_44 : i32
    %while3A_47 = arith.addi %while3A_41, %while3A_46 : i32
    %while3A_48 = arith.constant 1 : i32
    scf.for %while3A_80 = %while3A_41 to %while3A_47 step %while3A_48  : i32 {
      %mul3A_81 = arith.muli %while3A_80, %while3A : i32
      %add3A_82 = arith.addi %while3A_40, %mul3A_81 : i32
      %add3A_83 = arith.constant 0 : i32
      %add3A_84 = arith.addi %add3A_82, %add3A_83 : i32
      %add3A_85 = arith.constant 1 : i32
      %add3A_86 = arith.addi %add3A_84, %add3A_85 : i32
      %ge3A = arith.constant 1 : i32
      %ge3A_87 = arith.cmpi sge, %add3A_84, %ge3A : i32
      %convert_element_type3A = arith.extui %ge3A_87 : i1 to i32
      %cond3A = arith.constant 0 : i32
      %cond3A_88 = arith.cmpi ne, %convert_element_type3A, %cond3A : i32
      scf.if %cond3A_88 {
        %sub3A_207 = arith.constant 1 : i32
        %sub3A_208 = arith.subi %add3A_84, %sub3A_207 : i32
        %mul3A_209 = arith.constant 256 : i32
        %mul3A_210 = arith.muli %sub3A_208, %mul3A_209 : i32
        %add3A_211 = arith.addi %mul3A_9, %mul3A_210 : i32
        %dma_wait3A_212 = arith.constant 1 : i32
        %dma_wait3A_213 = arith.constant 0 : i32
        %dma_wait3A_214 = arith.constant 0 : i32
        %dma_wait3A_215 = tpu.memref_slice %arg9[%dma_wait3A_212, %dma_wait3A_213, %dma_wait3A_214] : memref<2x256x64xf32, #tpu.memory_space<vmem>> -> memref<1x256x64xf32, #tpu.memory_space<vmem>>
        %dma_wait3A_216 = tpu.memref_squeeze %dma_wait3A_215 : memref<1x256x64xf32, #tpu.memory_space<vmem>> -> memref<256x64xf32, #tpu.memory_space<vmem>>
        %dma_wait3A_217 = arith.constant 0 : i32
        %dma_wait3A_218 = tpu.memref_slice %arg6[%add3A_211, %dma_wait3A_217] : memref<327680x128xf32, #tpu.memory_space<hbm>> -> memref<256x64xf32, #tpu.memory_space<hbm>>
        %dma_wait3A_219 = arith.constant 0 : i32
        %dma_wait3A_220 = tpu.memref_slice %arg6[%add3A_211, %dma_wait3A_219] : memref<327680x128xf32, #tpu.memory_space<hbm>> -> memref<256x64xf32, #tpu.memory_space<hbm>>
        %dma_wait3A_221 = arith.constant 0 : i32
        %dma_wait3A_222 = arith.constant 0 : i32
        %dma_wait3A_223 = tpu.memref_slice %arg9[%dma_wait3A_212, %dma_wait3A_221, %dma_wait3A_222] : memref<2x256x64xf32, #tpu.memory_space<vmem>> -> memref<1x256x64xf32, #tpu.memory_space<vmem>>
        %dma_wait3A_224 = tpu.memref_squeeze %dma_wait3A_223 : memref<1x256x64xf32, #tpu.memory_space<vmem>> -> memref<256x64xf32, #tpu.memory_space<vmem>>
        tpu.wait_dma2 semaphore(%arg13 : memref<!tpu.dma_semaphore, #tpu.memory_space<semaphore_mem>>) src(%dma_wait3A_224 : memref<256x64xf32, #tpu.memory_space<vmem>>) dst(%dma_wait3A_220 : memref<256x64xf32, #tpu.memory_space<hbm>>)
        %dma_wait3A_225 = arith.constant 1 : i32
        %dma_wait3A_226 = arith.constant 0 : i32
        %dma_wait3A_227 = arith.constant 0 : i32
        %dma_wait3A_228 = tpu.memref_slice %arg10[%dma_wait3A_225, %dma_wait3A_226, %dma_wait3A_227] : memref<2x256x64xf32, #tpu.memory_space<vmem>> -> memref<1x256x64xf32, #tpu.memory_space<vmem>>
        %dma_wait3A_229 = tpu.memref_squeeze %dma_wait3A_228 : memref<1x256x64xf32, #tpu.memory_space<vmem>> -> memref<256x64xf32, #tpu.memory_space<vmem>>
        %dma_wait3A_230 = arith.constant 64 : i32
        %dma_wait3A_231 = tpu.memref_slice %arg6[%add3A_211, %dma_wait3A_230] : memref<327680x128xf32, #tpu.memory_space<hbm>> -> memref<256x64xf32, #tpu.memory_space<hbm>>
        %dma_wait3A_232 = arith.constant 64 : i32
        %dma_wait3A_233 = tpu.memref_slice %arg6[%add3A_211, %dma_wait3A_232] : memref<327680x128xf32, #tpu.memory_space<hbm>> -> memref<256x64xf32, #tpu.memory_space<hbm>>
        %dma_wait3A_234 = arith.constant 0 : i32
        %dma_wait3A_235 = arith.constant 0 : i32
        %dma_wait3A_236 = tpu.memref_slice %arg10[%dma_wait3A_225, %dma_wait3A_234, %dma_wait3A_235] : memref<2x256x64xf32, #tpu.memory_space<vmem>> -> memref<1x256x64xf32, #tpu.memory_space<vmem>>
        %dma_wait3A_237 = tpu.memref_squeeze %dma_wait3A_236 : memref<1x256x64xf32, #tpu.memory_space<vmem>> -> memref<256x64xf32, #tpu.memory_space<vmem>>
        tpu.wait_dma2 semaphore(%arg13 : memref<!tpu.dma_semaphore, #tpu.memory_space<semaphore_mem>>) src(%dma_wait3A_237 : memref<256x64xf32, #tpu.memory_space<vmem>>) dst(%dma_wait3A_233 : memref<256x64xf32, #tpu.memory_space<hbm>>)
      } else {
      }
      %lt3A = arith.cmpi slt, %add3A_86, %sub3A_3 : i32
      %convert_element_type3A_89 = arith.extui %lt3A : i1 to i32
      %cond3A_90 = arith.constant 0 : i32
      %cond3A_91 = arith.cmpi ne, %convert_element_type3A_89, %cond3A_90 : i32
      scf.if %cond3A_91 {
        %dma_start3A_207 = arith.constant 1 : i32
        %dma_start3A_208 = arith.constant 0 : i32
        %dma_start3A_209 = arith.constant 0 : i32
        %dma_start3A_210 = tpu.memref_slice %arg9[%dma_start3A_207, %dma_start3A_208, %dma_start3A_209] : memref<2x256x64xf32, #tpu.memory_space<vmem>> -> memref<1x256x64xf32, #tpu.memory_space<vmem>>
        %dma_start3A_211 = tpu.memref_squeeze %dma_start3A_210 : memref<1x256x64xf32, #tpu.memory_space<vmem>> -> memref<256x64xf32, #tpu.memory_space<vmem>>
        %dma_start3A_212 = arith.constant 0 : i32
        %dma_start3A_213 = tpu.memref_slice %arg7[%add3A_86, %dma_start3A_212] : memref<60x256xi32, #tpu.memory_space<vmem>> -> memref<1x256xi32, #tpu.memory_space<vmem>>
        %dma_start3A_214 = tpu.memref_squeeze %dma_start3A_213 : memref<1x256xi32, #tpu.memory_space<vmem>> -> memref<256xi32, #tpu.memory_space<vmem>>
        %dma_start3A_215 = arith.constant 0 : i32
        %dma_start3A_216 = arith.constant 0 : i32
        %dma_start3A_217 = tpu.memref_slice %arg2[%dma_start3A_215, %dma_start3A_216] : memref<10000x64xf32, #tpu.memory_space<hbm>> -> memref<10000x64xf32, #tpu.memory_space<hbm>>
        tpu.enqueue_indirect_dma source(%dma_start3A_217 : memref<10000x64xf32, #tpu.memory_space<hbm>>) target(%dma_start3A_211 : memref<256x64xf32, #tpu.memory_space<vmem>>) offsets(%dma_start3A_214 : memref<256xi32, #tpu.memory_space<vmem>>) semaphore(%arg11 : memref<!tpu.dma_semaphore, #tpu.memory_space<semaphore_mem>>)
        %dma_start3A_218 = arith.constant 1 : i32
        %dma_start3A_219 = arith.constant 0 : i32
        %dma_start3A_220 = arith.constant 0 : i32
        %dma_start3A_221 = tpu.memref_slice %arg10[%dma_start3A_218, %dma_start3A_219, %dma_start3A_220] : memref<2x256x64xf32, #tpu.memory_space<vmem>> -> memref<1x256x64xf32, #tpu.memory_space<vmem>>
        %dma_start3A_222 = tpu.memref_squeeze %dma_start3A_221 : memref<1x256x64xf32, #tpu.memory_space<vmem>> -> memref<256x64xf32, #tpu.memory_space<vmem>>
        %dma_start3A_223 = arith.constant 0 : i32
        %dma_start3A_224 = tpu.memref_slice %arg8[%add3A_86, %dma_start3A_223] : memref<60x256xi32, #tpu.memory_space<vmem>> -> memref<1x256xi32, #tpu.memory_space<vmem>>
        %dma_start3A_225 = tpu.memref_squeeze %dma_start3A_224 : memref<1x256xi32, #tpu.memory_space<vmem>> -> memref<256xi32, #tpu.memory_space<vmem>>
        %dma_start3A_226 = arith.constant 0 : i32
        %dma_start3A_227 = arith.constant 0 : i32
        %dma_start3A_228 = tpu.memref_slice %arg3[%dma_start3A_226, %dma_start3A_227] : memref<10000x64xf32, #tpu.memory_space<hbm>> -> memref<10000x64xf32, #tpu.memory_space<hbm>>
        tpu.enqueue_indirect_dma source(%dma_start3A_228 : memref<10000x64xf32, #tpu.memory_space<hbm>>) target(%dma_start3A_222 : memref<256x64xf32, #tpu.memory_space<vmem>>) offsets(%dma_start3A_225 : memref<256xi32, #tpu.memory_space<vmem>>) semaphore(%arg12 : memref<!tpu.dma_semaphore, #tpu.memory_space<semaphore_mem>>)
      } else {
      }
      %dma_wait3A_92 = arith.constant 0 : i32
      %dma_wait3A_93 = arith.constant 0 : i32
      %dma_wait3A_94 = arith.constant 0 : i32
      %dma_wait3A_95 = tpu.memref_slice %arg9[%dma_wait3A_92, %dma_wait3A_93, %dma_wait3A_94] : memref<2x256x64xf32, #tpu.memory_space<vmem>> -> memref<1x256x64xf32, #tpu.memory_space<vmem>>
      %dma_wait3A_96 = tpu.memref_squeeze %dma_wait3A_95 : memref<1x256x64xf32, #tpu.memory_space<vmem>> -> memref<256x64xf32, #tpu.memory_space<vmem>>
      %dma_wait3A_97 = arith.constant 0 : i32
      %dma_wait3A_98 = tpu.memref_slice %arg7[%add3A_84, %dma_wait3A_97] : memref<60x256xi32, #tpu.memory_space<vmem>> -> memref<1x256xi32, #tpu.memory_space<vmem>>
      %dma_wait3A_99 = tpu.memref_squeeze %dma_wait3A_98 : memref<1x256xi32, #tpu.memory_space<vmem>> -> memref<256xi32, #tpu.memory_space<vmem>>
      %dma_wait3A_100 = arith.constant 0 : i32
      %dma_wait3A_101 = arith.constant 0 : i32
      %dma_wait3A_102 = tpu.memref_slice %arg2[%dma_wait3A_100, %dma_wait3A_101] : memref<10000x64xf32, #tpu.memory_space<hbm>> -> memref<10000x64xf32, #tpu.memory_space<hbm>>
      tpu.wait_indirect_dma semaphore(%arg11 : memref<!tpu.dma_semaphore, #tpu.memory_space<semaphore_mem>>) src(%dma_wait3A_102 : memref<10000x64xf32, #tpu.memory_space<hbm>>) dst(%dma_wait3A_96 : memref<256x64xf32, #tpu.memory_space<vmem>>)
      %dma_wait3A_103 = arith.constant 0 : i32
      %dma_wait3A_104 = arith.constant 0 : i32
      %dma_wait3A_105 = arith.constant 0 : i32
      %dma_wait3A_106 = tpu.memref_slice %arg10[%dma_wait3A_103, %dma_wait3A_104, %dma_wait3A_105] : memref<2x256x64xf32, #tpu.memory_space<vmem>> -> memref<1x256x64xf32, #tpu.memory_space<vmem>>
      %dma_wait3A_107 = tpu.memref_squeeze %dma_wait3A_106 : memref<1x256x64xf32, #tpu.memory_space<vmem>> -> memref<256x64xf32, #tpu.memory_space<vmem>>
      %dma_wait3A_108 = arith.constant 0 : i32
      %dma_wait3A_109 = tpu.memref_slice %arg8[%add3A_84, %dma_wait3A_108] : memref<60x256xi32, #tpu.memory_space<vmem>> -> memref<1x256xi32, #tpu.memory_space<vmem>>
      %dma_wait3A_110 = tpu.memref_squeeze %dma_wait3A_109 : memref<1x256xi32, #tpu.memory_space<vmem>> -> memref<256xi32, #tpu.memory_space<vmem>>
      %dma_wait3A_111 = arith.constant 0 : i32
      %dma_wait3A_112 = arith.constant 0 : i32
      %dma_wait3A_113 = tpu.memref_slice %arg3[%dma_wait3A_111, %dma_wait3A_112] : memref<10000x64xf32, #tpu.memory_space<hbm>> -> memref<10000x64xf32, #tpu.memory_space<hbm>>
      tpu.wait_indirect_dma semaphore(%arg12 : memref<!tpu.dma_semaphore, #tpu.memory_space<semaphore_mem>>) src(%dma_wait3A_113 : memref<10000x64xf32, #tpu.memory_space<hbm>>) dst(%dma_wait3A_107 : memref<256x64xf32, #tpu.memory_space<vmem>>)
      %mul3A_114 = arith.constant 256 : i32
      %mul3A_115 = arith.muli %add3A_84, %mul3A_114 : i32
      %add3A_116 = arith.addi %mul3A_9, %mul3A_115 : i32
      %dma_start3A_117 = arith.constant 0 : i32
      %dma_start3A_118 = arith.constant 0 : i32
      %dma_start3A_119 = arith.constant 0 : i32
      %dma_start3A_120 = tpu.memref_slice %arg9[%dma_start3A_117, %dma_start3A_118, %dma_start3A_119] : memref<2x256x64xf32, #tpu.memory_space<vmem>> -> memref<1x256x64xf32, #tpu.memory_space<vmem>>
      %dma_start3A_121 = tpu.memref_squeeze %dma_start3A_120 : memref<1x256x64xf32, #tpu.memory_space<vmem>> -> memref<256x64xf32, #tpu.memory_space<vmem>>
      %dma_start3A_122 = arith.constant 0 : i32
      %dma_start3A_123 = tpu.memref_slice %arg6[%add3A_116, %dma_start3A_122] : memref<327680x128xf32, #tpu.memory_space<hbm>> -> memref<256x64xf32, #tpu.memory_space<hbm>>
      %dma_start3A_124 = arith.constant 0 : i32
      %dma_start3A_125 = tpu.memref_slice %arg6[%add3A_116, %dma_start3A_124] : memref<327680x128xf32, #tpu.memory_space<hbm>> -> memref<256x64xf32, #tpu.memory_space<hbm>>
      %dma_start3A_126 = arith.constant 0 : i32
      %dma_start3A_127 = arith.constant 0 : i32
      %dma_start3A_128 = tpu.memref_slice %arg9[%dma_start3A_117, %dma_start3A_126, %dma_start3A_127] : memref<2x256x64xf32, #tpu.memory_space<vmem>> -> memref<1x256x64xf32, #tpu.memory_space<vmem>>
      %dma_start3A_129 = tpu.memref_squeeze %dma_start3A_128 : memref<1x256x64xf32, #tpu.memory_space<vmem>> -> memref<256x64xf32, #tpu.memory_space<vmem>>
      tpu.enqueue_dma source(%dma_start3A_129 : memref<256x64xf32, #tpu.memory_space<vmem>>) target(%dma_start3A_125 : memref<256x64xf32, #tpu.memory_space<hbm>>) target_semaphore(%arg13 : memref<!tpu.dma_semaphore, #tpu.memory_space<semaphore_mem>>)
      %dma_start3A_130 = arith.constant 0 : i32
      %dma_start3A_131 = arith.constant 0 : i32
      %dma_start3A_132 = arith.constant 0 : i32
      %dma_start3A_133 = tpu.memref_slice %arg10[%dma_start3A_130, %dma_start3A_131, %dma_start3A_132] : memref<2x256x64xf32, #tpu.memory_space<vmem>> -> memref<1x256x64xf32, #tpu.memory_space<vmem>>
      %dma_start3A_134 = tpu.memref_squeeze %dma_start3A_133 : memref<1x256x64xf32, #tpu.memory_space<vmem>> -> memref<256x64xf32, #tpu.memory_space<vmem>>
      %dma_start3A_135 = arith.constant 64 : i32
      %dma_start3A_136 = tpu.memref_slice %arg6[%add3A_116, %dma_start3A_135] : memref<327680x128xf32, #tpu.memory_space<hbm>> -> memref<256x64xf32, #tpu.memory_space<hbm>>
      %dma_start3A_137 = arith.constant 64 : i32
      %dma_start3A_138 = tpu.memref_slice %arg6[%add3A_116, %dma_start3A_137] : memref<327680x128xf32, #tpu.memory_space<hbm>> -> memref<256x64xf32, #tpu.memory_space<hbm>>
      %dma_start3A_139 = arith.constant 0 : i32
      %dma_start3A_140 = arith.constant 0 : i32
      %dma_start3A_141 = tpu.memref_slice %arg10[%dma_start3A_130, %dma_start3A_139, %dma_start3A_140] : memref<2x256x64xf32, #tpu.memory_space<vmem>> -> memref<1x256x64xf32, #tpu.memory_space<vmem>>
      %dma_start3A_142 = tpu.memref_squeeze %dma_start3A_141 : memref<1x256x64xf32, #tpu.memory_space<vmem>> -> memref<256x64xf32, #tpu.memory_space<vmem>>
      tpu.enqueue_dma source(%dma_start3A_142 : memref<256x64xf32, #tpu.memory_space<vmem>>) target(%dma_start3A_138 : memref<256x64xf32, #tpu.memory_space<hbm>>) target_semaphore(%arg13 : memref<!tpu.dma_semaphore, #tpu.memory_space<semaphore_mem>>)
      %add3A_143 = arith.constant 1 : i32
      %add3A_144 = arith.addi %add3A_82, %add3A_143 : i32
      %add3A_145 = arith.constant 1 : i32
      %add3A_146 = arith.addi %add3A_144, %add3A_145 : i32
      %ge3A_147 = arith.constant 1 : i32
      %ge3A_148 = arith.cmpi sge, %add3A_144, %ge3A_147 : i32
      %convert_element_type3A_149 = arith.extui %ge3A_148 : i1 to i32
      %cond3A_150 = arith.constant 0 : i32
      %cond3A_151 = arith.cmpi ne, %convert_element_type3A_149, %cond3A_150 : i32
      scf.if %cond3A_151 {
        %sub3A_207 = arith.constant 1 : i32
        %sub3A_208 = arith.subi %add3A_144, %sub3A_207 : i32
        %mul3A_209 = arith.constant 256 : i32
        %mul3A_210 = arith.muli %sub3A_208, %mul3A_209 : i32
        %add3A_211 = arith.addi %mul3A_9, %mul3A_210 : i32
        %dma_wait3A_212 = arith.constant 0 : i32
        %dma_wait3A_213 = arith.constant 0 : i32
        %dma_wait3A_214 = arith.constant 0 : i32
        %dma_wait3A_215 = tpu.memref_slice %arg9[%dma_wait3A_212, %dma_wait3A_213, %dma_wait3A_214] : memref<2x256x64xf32, #tpu.memory_space<vmem>> -> memref<1x256x64xf32, #tpu.memory_space<vmem>>
        %dma_wait3A_216 = tpu.memref_squeeze %dma_wait3A_215 : memref<1x256x64xf32, #tpu.memory_space<vmem>> -> memref<256x64xf32, #tpu.memory_space<vmem>>
        %dma_wait3A_217 = arith.constant 0 : i32
        %dma_wait3A_218 = tpu.memref_slice %arg6[%add3A_211, %dma_wait3A_217] : memref<327680x128xf32, #tpu.memory_space<hbm>> -> memref<256x64xf32, #tpu.memory_space<hbm>>
        %dma_wait3A_219 = arith.constant 0 : i32
        %dma_wait3A_220 = tpu.memref_slice %arg6[%add3A_211, %dma_wait3A_219] : memref<327680x128xf32, #tpu.memory_space<hbm>> -> memref<256x64xf32, #tpu.memory_space<hbm>>
        %dma_wait3A_221 = arith.constant 0 : i32
        %dma_wait3A_222 = arith.constant 0 : i32
        %dma_wait3A_223 = tpu.memref_slice %arg9[%dma_wait3A_212, %dma_wait3A_221, %dma_wait3A_222] : memref<2x256x64xf32, #tpu.memory_space<vmem>> -> memref<1x256x64xf32, #tpu.memory_space<vmem>>
        %dma_wait3A_224 = tpu.memref_squeeze %dma_wait3A_223 : memref<1x256x64xf32, #tpu.memory_space<vmem>> -> memref<256x64xf32, #tpu.memory_space<vmem>>
        tpu.wait_dma2 semaphore(%arg13 : memref<!tpu.dma_semaphore, #tpu.memory_space<semaphore_mem>>) src(%dma_wait3A_224 : memref<256x64xf32, #tpu.memory_space<vmem>>) dst(%dma_wait3A_220 : memref<256x64xf32, #tpu.memory_space<hbm>>)
        %dma_wait3A_225 = arith.constant 0 : i32
        %dma_wait3A_226 = arith.constant 0 : i32
        %dma_wait3A_227 = arith.constant 0 : i32
        %dma_wait3A_228 = tpu.memref_slice %arg10[%dma_wait3A_225, %dma_wait3A_226, %dma_wait3A_227] : memref<2x256x64xf32, #tpu.memory_space<vmem>> -> memref<1x256x64xf32, #tpu.memory_space<vmem>>
        %dma_wait3A_229 = tpu.memref_squeeze %dma_wait3A_228 : memref<1x256x64xf32, #tpu.memory_space<vmem>> -> memref<256x64xf32, #tpu.memory_space<vmem>>
        %dma_wait3A_230 = arith.constant 64 : i32
        %dma_wait3A_231 = tpu.memref_slice %arg6[%add3A_211, %dma_wait3A_230] : memref<327680x128xf32, #tpu.memory_space<hbm>> -> memref<256x64xf32, #tpu.memory_space<hbm>>
        %dma_wait3A_232 = arith.constant 64 : i32
        %dma_wait3A_233 = tpu.memref_slice %arg6[%add3A_211, %dma_wait3A_232] : memref<327680x128xf32, #tpu.memory_space<hbm>> -> memref<256x64xf32, #tpu.memory_space<hbm>>
        %dma_wait3A_234 = arith.constant 0 : i32
        %dma_wait3A_235 = arith.constant 0 : i32
        %dma_wait3A_236 = tpu.memref_slice %arg10[%dma_wait3A_225, %dma_wait3A_234, %dma_wait3A_235] : memref<2x256x64xf32, #tpu.memory_space<vmem>> -> memref<1x256x64xf32, #tpu.memory_space<vmem>>
        %dma_wait3A_237 = tpu.memref_squeeze %dma_wait3A_236 : memref<1x256x64xf32, #tpu.memory_space<vmem>> -> memref<256x64xf32, #tpu.memory_space<vmem>>
        tpu.wait_dma2 semaphore(%arg13 : memref<!tpu.dma_semaphore, #tpu.memory_space<semaphore_mem>>) src(%dma_wait3A_237 : memref<256x64xf32, #tpu.memory_space<vmem>>) dst(%dma_wait3A_233 : memref<256x64xf32, #tpu.memory_space<hbm>>)
      } else {
      }
      %lt3A_152 = arith.cmpi slt, %add3A_146, %sub3A_3 : i32
      %convert_element_type3A_153 = arith.extui %lt3A_152 : i1 to i32
      %cond3A_154 = arith.constant 0 : i32
      %cond3A_155 = arith.cmpi ne, %convert_element_type3A_153, %cond3A_154 : i32
      scf.if %cond3A_155 {
        %dma_start3A_207 = arith.constant 0 : i32
        %dma_start3A_208 = arith.constant 0 : i32
        %dma_start3A_209 = arith.constant 0 : i32
        %dma_start3A_210 = tpu.memref_slice %arg9[%dma_start3A_207, %dma_start3A_208, %dma_start3A_209] : memref<2x256x64xf32, #tpu.memory_space<vmem>> -> memref<1x256x64xf32, #tpu.memory_space<vmem>>
        %dma_start3A_211 = tpu.memref_squeeze %dma_start3A_210 : memref<1x256x64xf32, #tpu.memory_space<vmem>> -> memref<256x64xf32, #tpu.memory_space<vmem>>
        %dma_start3A_212 = arith.constant 0 : i32
        %dma_start3A_213 = tpu.memref_slice %arg7[%add3A_146, %dma_start3A_212] : memref<60x256xi32, #tpu.memory_space<vmem>> -> memref<1x256xi32, #tpu.memory_space<vmem>>
        %dma_start3A_214 = tpu.memref_squeeze %dma_start3A_213 : memref<1x256xi32, #tpu.memory_space<vmem>> -> memref<256xi32, #tpu.memory_space<vmem>>
        %dma_start3A_215 = arith.constant 0 : i32
        %dma_start3A_216 = arith.constant 0 : i32
        %dma_start3A_217 = tpu.memref_slice %arg2[%dma_start3A_215, %dma_start3A_216] : memref<10000x64xf32, #tpu.memory_space<hbm>> -> memref<10000x64xf32, #tpu.memory_space<hbm>>
        tpu.enqueue_indirect_dma source(%dma_start3A_217 : memref<10000x64xf32, #tpu.memory_space<hbm>>) target(%dma_start3A_211 : memref<256x64xf32, #tpu.memory_space<vmem>>) offsets(%dma_start3A_214 : memref<256xi32, #tpu.memory_space<vmem>>) semaphore(%arg11 : memref<!tpu.dma_semaphore, #tpu.memory_space<semaphore_mem>>)
        %dma_start3A_218 = arith.constant 0 : i32
        %dma_start3A_219 = arith.constant 0 : i32
        %dma_start3A_220 = arith.constant 0 : i32
        %dma_start3A_221 = tpu.memref_slice %arg10[%dma_start3A_218, %dma_start3A_219, %dma_start3A_220] : memref<2x256x64xf32, #tpu.memory_space<vmem>> -> memref<1x256x64xf32, #tpu.memory_space<vmem>>
        %dma_start3A_222 = tpu.memref_squeeze %dma_start3A_221 : memref<1x256x64xf32, #tpu.memory_space<vmem>> -> memref<256x64xf32, #tpu.memory_space<vmem>>
        %dma_start3A_223 = arith.constant 0 : i32
        %dma_start3A_224 = tpu.memref_slice %arg8[%add3A_146, %dma_start3A_223] : memref<60x256xi32, #tpu.memory_space<vmem>> -> memref<1x256xi32, #tpu.memory_space<vmem>>
        %dma_start3A_225 = tpu.memref_squeeze %dma_start3A_224 : memref<1x256xi32, #tpu.memory_space<vmem>> -> memref<256xi32, #tpu.memory_space<vmem>>
        %dma_start3A_226 = arith.constant 0 : i32
        %dma_start3A_227 = arith.constant 0 : i32
        %dma_start3A_228 = tpu.memref_slice %arg3[%dma_start3A_226, %dma_start3A_227] : memref<10000x64xf32, #tpu.memory_space<hbm>> -> memref<10000x64xf32, #tpu.memory_space<hbm>>
        tpu.enqueue_indirect_dma source(%dma_start3A_228 : memref<10000x64xf32, #tpu.memory_space<hbm>>) target(%dma_start3A_222 : memref<256x64xf32, #tpu.memory_space<vmem>>) offsets(%dma_start3A_225 : memref<256xi32, #tpu.memory_space<vmem>>) semaphore(%arg12 : memref<!tpu.dma_semaphore, #tpu.memory_space<semaphore_mem>>)
      } else {
      }
      %dma_wait3A_156 = arith.constant 1 : i32
      %dma_wait3A_157 = arith.constant 0 : i32
      %dma_wait3A_158 = arith.constant 0 : i32
      %dma_wait3A_159 = tpu.memref_slice %arg9[%dma_wait3A_156, %dma_wait3A_157, %dma_wait3A_158] : memref<2x256x64xf32, #tpu.memory_space<vmem>> -> memref<1x256x64xf32, #tpu.memory_space<vmem>>
      %dma_wait3A_160 = tpu.memref_squeeze %dma_wait3A_159 : memref<1x256x64xf32, #tpu.memory_space<vmem>> -> memref<256x64xf32, #tpu.memory_space<vmem>>
      %dma_wait3A_161 = arith.constant 0 : i32
      %dma_wait3A_162 = tpu.memref_slice %arg7[%add3A_144, %dma_wait3A_161] : memref<60x256xi32, #tpu.memory_space<vmem>> -> memref<1x256xi32, #tpu.memory_space<vmem>>
      %dma_wait3A_163 = tpu.memref_squeeze %dma_wait3A_162 : memref<1x256xi32, #tpu.memory_space<vmem>> -> memref<256xi32, #tpu.memory_space<vmem>>
      %dma_wait3A_164 = arith.constant 0 : i32
      %dma_wait3A_165 = arith.constant 0 : i32
      %dma_wait3A_166 = tpu.memref_slice %arg2[%dma_wait3A_164, %dma_wait3A_165] : memref<10000x64xf32, #tpu.memory_space<hbm>> -> memref<10000x64xf32, #tpu.memory_space<hbm>>
      tpu.wait_indirect_dma semaphore(%arg11 : memref<!tpu.dma_semaphore, #tpu.memory_space<semaphore_mem>>) src(%dma_wait3A_166 : memref<10000x64xf32, #tpu.memory_space<hbm>>) dst(%dma_wait3A_160 : memref<256x64xf32, #tpu.memory_space<vmem>>)
      %dma_wait3A_167 = arith.constant 1 : i32
      %dma_wait3A_168 = arith.constant 0 : i32
      %dma_wait3A_169 = arith.constant 0 : i32
      %dma_wait3A_170 = tpu.memref_slice %arg10[%dma_wait3A_167, %dma_wait3A_168, %dma_wait3A_169] : memref<2x256x64xf32, #tpu.memory_space<vmem>> -> memref<1x256x64xf32, #tpu.memory_space<vmem>>
      %dma_wait3A_171 = tpu.memref_squeeze %dma_wait3A_170 : memref<1x256x64xf32, #tpu.memory_space<vmem>> -> memref<256x64xf32, #tpu.memory_space<vmem>>
      %dma_wait3A_172 = arith.constant 0 : i32
      %dma_wait3A_173 = tpu.memref_slice %arg8[%add3A_144, %dma_wait3A_172] : memref<60x256xi32, #tpu.memory_space<vmem>> -> memref<1x256xi32, #tpu.memory_space<vmem>>
      %dma_wait3A_174 = tpu.memref_squeeze %dma_wait3A_173 : memref<1x256xi32, #tpu.memory_space<vmem>> -> memref<256xi32, #tpu.memory_space<vmem>>
      %dma_wait3A_175 = arith.constant 0 : i32
      %dma_wait3A_176 = arith.constant 0 : i32
      %dma_wait3A_177 = tpu.memref_slice %arg3[%dma_wait3A_175, %dma_wait3A_176] : memref<10000x64xf32, #tpu.memory_space<hbm>> -> memref<10000x64xf32, #tpu.memory_space<hbm>>
      tpu.wait_indirect_dma semaphore(%arg12 : memref<!tpu.dma_semaphore, #tpu.memory_space<semaphore_mem>>) src(%dma_wait3A_177 : memref<10000x64xf32, #tpu.memory_space<hbm>>) dst(%dma_wait3A_171 : memref<256x64xf32, #tpu.memory_space<vmem>>)
      %mul3A_178 = arith.constant 256 : i32
      %mul3A_179 = arith.muli %add3A_144, %mul3A_178 : i32
      %add3A_180 = arith.addi %mul3A_9, %mul3A_179 : i32
      %dma_start3A_181 = arith.constant 1 : i32
      %dma_start3A_182 = arith.constant 0 : i32
      %dma_start3A_183 = arith.constant 0 : i32
      %dma_start3A_184 = tpu.memref_slice %arg9[%dma_start3A_181, %dma_start3A_182, %dma_start3A_183] : memref<2x256x64xf32, #tpu.memory_space<vmem>> -> memref<1x256x64xf32, #tpu.memory_space<vmem>>
      %dma_start3A_185 = tpu.memref_squeeze %dma_start3A_184 : memref<1x256x64xf32, #tpu.memory_space<vmem>> -> memref<256x64xf32, #tpu.memory_space<vmem>>
      %dma_start3A_186 = arith.constant 0 : i32
      %dma_start3A_187 = tpu.memref_slice %arg6[%add3A_180, %dma_start3A_186] : memref<327680x128xf32, #tpu.memory_space<hbm>> -> memref<256x64xf32, #tpu.memory_space<hbm>>
      %dma_start3A_188 = arith.constant 0 : i32
      %dma_start3A_189 = tpu.memref_slice %arg6[%add3A_180, %dma_start3A_188] : memref<327680x128xf32, #tpu.memory_space<hbm>> -> memref<256x64xf32, #tpu.memory_space<hbm>>
      %dma_start3A_190 = arith.constant 0 : i32
      %dma_start3A_191 = arith.constant 0 : i32
      %dma_start3A_192 = tpu.memref_slice %arg9[%dma_start3A_181, %dma_start3A_190, %dma_start3A_191] : memref<2x256x64xf32, #tpu.memory_space<vmem>> -> memref<1x256x64xf32, #tpu.memory_space<vmem>>
      %dma_start3A_193 = tpu.memref_squeeze %dma_start3A_192 : memref<1x256x64xf32, #tpu.memory_space<vmem>> -> memref<256x64xf32, #tpu.memory_space<vmem>>
      tpu.enqueue_dma source(%dma_start3A_193 : memref<256x64xf32, #tpu.memory_space<vmem>>) target(%dma_start3A_189 : memref<256x64xf32, #tpu.memory_space<hbm>>) target_semaphore(%arg13 : memref<!tpu.dma_semaphore, #tpu.memory_space<semaphore_mem>>)
      %dma_start3A_194 = arith.constant 1 : i32
      %dma_start3A_195 = arith.constant 0 : i32
      %dma_start3A_196 = arith.constant 0 : i32
      %dma_start3A_197 = tpu.memref_slice %arg10[%dma_start3A_194, %dma_start3A_195, %dma_start3A_196] : memref<2x256x64xf32, #tpu.memory_space<vmem>> -> memref<1x256x64xf32, #tpu.memory_space<vmem>>
      %dma_start3A_198 = tpu.memref_squeeze %dma_start3A_197 : memref<1x256x64xf32, #tpu.memory_space<vmem>> -> memref<256x64xf32, #tpu.memory_space<vmem>>
      %dma_start3A_199 = arith.constant 64 : i32
      %dma_start3A_200 = tpu.memref_slice %arg6[%add3A_180, %dma_start3A_199] : memref<327680x128xf32, #tpu.memory_space<hbm>> -> memref<256x64xf32, #tpu.memory_space<hbm>>
      %dma_start3A_201 = arith.constant 64 : i32
      %dma_start3A_202 = tpu.memref_slice %arg6[%add3A_180, %dma_start3A_201] : memref<327680x128xf32, #tpu.memory_space<hbm>> -> memref<256x64xf32, #tpu.memory_space<hbm>>
      %dma_start3A_203 = arith.constant 0 : i32
      %dma_start3A_204 = arith.constant 0 : i32
      %dma_start3A_205 = tpu.memref_slice %arg10[%dma_start3A_194, %dma_start3A_203, %dma_start3A_204] : memref<2x256x64xf32, #tpu.memory_space<vmem>> -> memref<1x256x64xf32, #tpu.memory_space<vmem>>
      %dma_start3A_206 = tpu.memref_squeeze %dma_start3A_205 : memref<1x256x64xf32, #tpu.memory_space<vmem>> -> memref<256x64xf32, #tpu.memory_space<vmem>>
      tpu.enqueue_dma source(%dma_start3A_206 : memref<256x64xf32, #tpu.memory_space<vmem>>) target(%dma_start3A_202 : memref<256x64xf32, #tpu.memory_space<hbm>>) target_semaphore(%arg13 : memref<!tpu.dma_semaphore, #tpu.memory_space<semaphore_mem>>)
    }
    %while3A_49 = arith.constant 1 : i32
    scf.for %while3A_80 = %while3A_47 to %while3A_43 step %while3A_49  : i32 {
      %mul3A_81 = arith.muli %while3A_80, %while3A : i32
      %add3A_82 = arith.addi %while3A_40, %mul3A_81 : i32
      %add3A_83 = arith.constant 0 : i32
      %add3A_84 = arith.addi %add3A_82, %add3A_83 : i32
      %add3A_85 = arith.constant 1 : i32
      %add3A_86 = arith.addi %add3A_84, %add3A_85 : i32
      %ge3A = arith.constant 1 : i32
      %ge3A_87 = arith.cmpi sge, %add3A_84, %ge3A : i32
      %convert_element_type3A = arith.extui %ge3A_87 : i1 to i32
      %cond3A = arith.constant 0 : i32
      %cond3A_88 = arith.cmpi ne, %convert_element_type3A, %cond3A : i32
      scf.if %cond3A_88 {
        %sub3A_207 = arith.constant 1 : i32
        %sub3A_208 = arith.subi %add3A_84, %sub3A_207 : i32
        %mul3A_209 = arith.constant 256 : i32
        %mul3A_210 = arith.muli %sub3A_208, %mul3A_209 : i32
        %add3A_211 = arith.addi %mul3A_9, %mul3A_210 : i32
        %dma_wait3A_212 = arith.constant 1 : i32
        %dma_wait3A_213 = arith.constant 0 : i32
        %dma_wait3A_214 = arith.constant 0 : i32
        %dma_wait3A_215 = tpu.memref_slice %arg9[%dma_wait3A_212, %dma_wait3A_213, %dma_wait3A_214] : memref<2x256x64xf32, #tpu.memory_space<vmem>> -> memref<1x256x64xf32, #tpu.memory_space<vmem>>
        %dma_wait3A_216 = tpu.memref_squeeze %dma_wait3A_215 : memref<1x256x64xf32, #tpu.memory_space<vmem>> -> memref<256x64xf32, #tpu.memory_space<vmem>>
        %dma_wait3A_217 = arith.constant 0 : i32
        %dma_wait3A_218 = tpu.memref_slice %arg6[%add3A_211, %dma_wait3A_217] : memref<327680x128xf32, #tpu.memory_space<hbm>> -> memref<256x64xf32, #tpu.memory_space<hbm>>
        %dma_wait3A_219 = arith.constant 0 : i32
        %dma_wait3A_220 = tpu.memref_slice %arg6[%add3A_211, %dma_wait3A_219] : memref<327680x128xf32, #tpu.memory_space<hbm>> -> memref<256x64xf32, #tpu.memory_space<hbm>>
        %dma_wait3A_221 = arith.constant 0 : i32
        %dma_wait3A_222 = arith.constant 0 : i32
        %dma_wait3A_223 = tpu.memref_slice %arg9[%dma_wait3A_212, %dma_wait3A_221, %dma_wait3A_222] : memref<2x256x64xf32, #tpu.memory_space<vmem>> -> memref<1x256x64xf32, #tpu.memory_space<vmem>>
        %dma_wait3A_224 = tpu.memref_squeeze %dma_wait3A_223 : memref<1x256x64xf32, #tpu.memory_space<vmem>> -> memref<256x64xf32, #tpu.memory_space<vmem>>
        tpu.wait_dma2 semaphore(%arg13 : memref<!tpu.dma_semaphore, #tpu.memory_space<semaphore_mem>>) src(%dma_wait3A_224 : memref<256x64xf32, #tpu.memory_space<vmem>>) dst(%dma_wait3A_220 : memref<256x64xf32, #tpu.memory_space<hbm>>)
        %dma_wait3A_225 = arith.constant 1 : i32
        %dma_wait3A_226 = arith.constant 0 : i32
        %dma_wait3A_227 = arith.constant 0 : i32
        %dma_wait3A_228 = tpu.memref_slice %arg10[%dma_wait3A_225, %dma_wait3A_226, %dma_wait3A_227] : memref<2x256x64xf32, #tpu.memory_space<vmem>> -> memref<1x256x64xf32, #tpu.memory_space<vmem>>
        %dma_wait3A_229 = tpu.memref_squeeze %dma_wait3A_228 : memref<1x256x64xf32, #tpu.memory_space<vmem>> -> memref<256x64xf32, #tpu.memory_space<vmem>>
        %dma_wait3A_230 = arith.constant 64 : i32
        %dma_wait3A_231 = tpu.memref_slice %arg6[%add3A_211, %dma_wait3A_230] : memref<327680x128xf32, #tpu.memory_space<hbm>> -> memref<256x64xf32, #tpu.memory_space<hbm>>
        %dma_wait3A_232 = arith.constant 64 : i32
        %dma_wait3A_233 = tpu.memref_slice %arg6[%add3A_211, %dma_wait3A_232] : memref<327680x128xf32, #tpu.memory_space<hbm>> -> memref<256x64xf32, #tpu.memory_space<hbm>>
        %dma_wait3A_234 = arith.constant 0 : i32
        %dma_wait3A_235 = arith.constant 0 : i32
        %dma_wait3A_236 = tpu.memref_slice %arg10[%dma_wait3A_225, %dma_wait3A_234, %dma_wait3A_235] : memref<2x256x64xf32, #tpu.memory_space<vmem>> -> memref<1x256x64xf32, #tpu.memory_space<vmem>>
        %dma_wait3A_237 = tpu.memref_squeeze %dma_wait3A_236 : memref<1x256x64xf32, #tpu.memory_space<vmem>> -> memref<256x64xf32, #tpu.memory_space<vmem>>
        tpu.wait_dma2 semaphore(%arg13 : memref<!tpu.dma_semaphore, #tpu.memory_space<semaphore_mem>>) src(%dma_wait3A_237 : memref<256x64xf32, #tpu.memory_space<vmem>>) dst(%dma_wait3A_233 : memref<256x64xf32, #tpu.memory_space<hbm>>)
      } else {
      }
      %lt3A = arith.cmpi slt, %add3A_86, %sub3A_3 : i32
      %convert_element_type3A_89 = arith.extui %lt3A : i1 to i32
      %cond3A_90 = arith.constant 0 : i32
      %cond3A_91 = arith.cmpi ne, %convert_element_type3A_89, %cond3A_90 : i32
      scf.if %cond3A_91 {
        %dma_start3A_207 = arith.constant 1 : i32
        %dma_start3A_208 = arith.constant 0 : i32
        %dma_start3A_209 = arith.constant 0 : i32
        %dma_start3A_210 = tpu.memref_slice %arg9[%dma_start3A_207, %dma_start3A_208, %dma_start3A_209] : memref<2x256x64xf32, #tpu.memory_space<vmem>> -> memref<1x256x64xf32, #tpu.memory_space<vmem>>
        %dma_start3A_211 = tpu.memref_squeeze %dma_start3A_210 : memref<1x256x64xf32, #tpu.memory_space<vmem>> -> memref<256x64xf32, #tpu.memory_space<vmem>>
        %dma_start3A_212 = arith.constant 0 : i32
        %dma_start3A_213 = tpu.memref_slice %arg7[%add3A_86, %dma_start3A_212] : memref<60x256xi32, #tpu.memory_space<vmem>> -> memref<1x256xi32, #tpu.memory_space<vmem>>
        %dma_start3A_214 = tpu.memref_squeeze %dma_start3A_213 : memref<1x256xi32, #tpu.memory_space<vmem>> -> memref<256xi32, #tpu.memory_space<vmem>>
        %dma_start3A_215 = arith.constant 0 : i32
        %dma_start3A_216 = arith.constant 0 : i32
        %dma_start3A_217 = tpu.memref_slice %arg2[%dma_start3A_215, %dma_start3A_216] : memref<10000x64xf32, #tpu.memory_space<hbm>> -> memref<10000x64xf32, #tpu.memory_space<hbm>>
        tpu.enqueue_indirect_dma source(%dma_start3A_217 : memref<10000x64xf32, #tpu.memory_space<hbm>>) target(%dma_start3A_211 : memref<256x64xf32, #tpu.memory_space<vmem>>) offsets(%dma_start3A_214 : memref<256xi32, #tpu.memory_space<vmem>>) semaphore(%arg11 : memref<!tpu.dma_semaphore, #tpu.memory_space<semaphore_mem>>)
        %dma_start3A_218 = arith.constant 1 : i32
        %dma_start3A_219 = arith.constant 0 : i32
        %dma_start3A_220 = arith.constant 0 : i32
        %dma_start3A_221 = tpu.memref_slice %arg10[%dma_start3A_218, %dma_start3A_219, %dma_start3A_220] : memref<2x256x64xf32, #tpu.memory_space<vmem>> -> memref<1x256x64xf32, #tpu.memory_space<vmem>>
        %dma_start3A_222 = tpu.memref_squeeze %dma_start3A_221 : memref<1x256x64xf32, #tpu.memory_space<vmem>> -> memref<256x64xf32, #tpu.memory_space<vmem>>
        %dma_start3A_223 = arith.constant 0 : i32
        %dma_start3A_224 = tpu.memref_slice %arg8[%add3A_86, %dma_start3A_223] : memref<60x256xi32, #tpu.memory_space<vmem>> -> memref<1x256xi32, #tpu.memory_space<vmem>>
        %dma_start3A_225 = tpu.memref_squeeze %dma_start3A_224 : memref<1x256xi32, #tpu.memory_space<vmem>> -> memref<256xi32, #tpu.memory_space<vmem>>
        %dma_start3A_226 = arith.constant 0 : i32
        %dma_start3A_227 = arith.constant 0 : i32
        %dma_start3A_228 = tpu.memref_slice %arg3[%dma_start3A_226, %dma_start3A_227] : memref<10000x64xf32, #tpu.memory_space<hbm>> -> memref<10000x64xf32, #tpu.memory_space<hbm>>
        tpu.enqueue_indirect_dma source(%dma_start3A_228 : memref<10000x64xf32, #tpu.memory_space<hbm>>) target(%dma_start3A_222 : memref<256x64xf32, #tpu.memory_space<vmem>>) offsets(%dma_start3A_225 : memref<256xi32, #tpu.memory_space<vmem>>) semaphore(%arg12 : memref<!tpu.dma_semaphore, #tpu.memory_space<semaphore_mem>>)
      } else {
      }
      %dma_wait3A_92 = arith.constant 0 : i32
      %dma_wait3A_93 = arith.constant 0 : i32
      %dma_wait3A_94 = arith.constant 0 : i32
      %dma_wait3A_95 = tpu.memref_slice %arg9[%dma_wait3A_92, %dma_wait3A_93, %dma_wait3A_94] : memref<2x256x64xf32, #tpu.memory_space<vmem>> -> memref<1x256x64xf32, #tpu.memory_space<vmem>>
      %dma_wait3A_96 = tpu.memref_squeeze %dma_wait3A_95 : memref<1x256x64xf32, #tpu.memory_space<vmem>> -> memref<256x64xf32, #tpu.memory_space<vmem>>
      %dma_wait3A_97 = arith.constant 0 : i32
      %dma_wait3A_98 = tpu.memref_slice %arg7[%add3A_84, %dma_wait3A_97] : memref<60x256xi32, #tpu.memory_space<vmem>> -> memref<1x256xi32, #tpu.memory_space<vmem>>
      %dma_wait3A_99 = tpu.memref_squeeze %dma_wait3A_98 : memref<1x256xi32, #tpu.memory_space<vmem>> -> memref<256xi32, #tpu.memory_space<vmem>>
      %dma_wait3A_100 = arith.constant 0 : i32
      %dma_wait3A_101 = arith.constant 0 : i32
      %dma_wait3A_102 = tpu.memref_slice %arg2[%dma_wait3A_100, %dma_wait3A_101] : memref<10000x64xf32, #tpu.memory_space<hbm>> -> memref<10000x64xf32, #tpu.memory_space<hbm>>
      tpu.wait_indirect_dma semaphore(%arg11 : memref<!tpu.dma_semaphore, #tpu.memory_space<semaphore_mem>>) src(%dma_wait3A_102 : memref<10000x64xf32, #tpu.memory_space<hbm>>) dst(%dma_wait3A_96 : memref<256x64xf32, #tpu.memory_space<vmem>>)
      %dma_wait3A_103 = arith.constant 0 : i32
      %dma_wait3A_104 = arith.constant 0 : i32
      %dma_wait3A_105 = arith.constant 0 : i32
      %dma_wait3A_106 = tpu.memref_slice %arg10[%dma_wait3A_103, %dma_wait3A_104, %dma_wait3A_105] : memref<2x256x64xf32, #tpu.memory_space<vmem>> -> memref<1x256x64xf32, #tpu.memory_space<vmem>>
      %dma_wait3A_107 = tpu.memref_squeeze %dma_wait3A_106 : memref<1x256x64xf32, #tpu.memory_space<vmem>> -> memref<256x64xf32, #tpu.memory_space<vmem>>
      %dma_wait3A_108 = arith.constant 0 : i32
      %dma_wait3A_109 = tpu.memref_slice %arg8[%add3A_84, %dma_wait3A_108] : memref<60x256xi32, #tpu.memory_space<vmem>> -> memref<1x256xi32, #tpu.memory_space<vmem>>
      %dma_wait3A_110 = tpu.memref_squeeze %dma_wait3A_109 : memref<1x256xi32, #tpu.memory_space<vmem>> -> memref<256xi32, #tpu.memory_space<vmem>>
      %dma_wait3A_111 = arith.constant 0 : i32
      %dma_wait3A_112 = arith.constant 0 : i32
      %dma_wait3A_113 = tpu.memref_slice %arg3[%dma_wait3A_111, %dma_wait3A_112] : memref<10000x64xf32, #tpu.memory_space<hbm>> -> memref<10000x64xf32, #tpu.memory_space<hbm>>
      tpu.wait_indirect_dma semaphore(%arg12 : memref<!tpu.dma_semaphore, #tpu.memory_space<semaphore_mem>>) src(%dma_wait3A_113 : memref<10000x64xf32, #tpu.memory_space<hbm>>) dst(%dma_wait3A_107 : memref<256x64xf32, #tpu.memory_space<vmem>>)
      %mul3A_114 = arith.constant 256 : i32
      %mul3A_115 = arith.muli %add3A_84, %mul3A_114 : i32
      %add3A_116 = arith.addi %mul3A_9, %mul3A_115 : i32
      %dma_start3A_117 = arith.constant 0 : i32
      %dma_start3A_118 = arith.constant 0 : i32
      %dma_start3A_119 = arith.constant 0 : i32
      %dma_start3A_120 = tpu.memref_slice %arg9[%dma_start3A_117, %dma_start3A_118, %dma_start3A_119] : memref<2x256x64xf32, #tpu.memory_space<vmem>> -> memref<1x256x64xf32, #tpu.memory_space<vmem>>
      %dma_start3A_121 = tpu.memref_squeeze %dma_start3A_120 : memref<1x256x64xf32, #tpu.memory_space<vmem>> -> memref<256x64xf32, #tpu.memory_space<vmem>>
      %dma_start3A_122 = arith.constant 0 : i32
      %dma_start3A_123 = tpu.memref_slice %arg6[%add3A_116, %dma_start3A_122] : memref<327680x128xf32, #tpu.memory_space<hbm>> -> memref<256x64xf32, #tpu.memory_space<hbm>>
      %dma_start3A_124 = arith.constant 0 : i32
      %dma_start3A_125 = tpu.memref_slice %arg6[%add3A_116, %dma_start3A_124] : memref<327680x128xf32, #tpu.memory_space<hbm>> -> memref<256x64xf32, #tpu.memory_space<hbm>>
      %dma_start3A_126 = arith.constant 0 : i32
      %dma_start3A_127 = arith.constant 0 : i32
      %dma_start3A_128 = tpu.memref_slice %arg9[%dma_start3A_117, %dma_start3A_126, %dma_start3A_127] : memref<2x256x64xf32, #tpu.memory_space<vmem>> -> memref<1x256x64xf32, #tpu.memory_space<vmem>>
      %dma_start3A_129 = tpu.memref_squeeze %dma_start3A_128 : memref<1x256x64xf32, #tpu.memory_space<vmem>> -> memref<256x64xf32, #tpu.memory_space<vmem>>
      tpu.enqueue_dma source(%dma_start3A_129 : memref<256x64xf32, #tpu.memory_space<vmem>>) target(%dma_start3A_125 : memref<256x64xf32, #tpu.memory_space<hbm>>) target_semaphore(%arg13 : memref<!tpu.dma_semaphore, #tpu.memory_space<semaphore_mem>>)
      %dma_start3A_130 = arith.constant 0 : i32
      %dma_start3A_131 = arith.constant 0 : i32
      %dma_start3A_132 = arith.constant 0 : i32
      %dma_start3A_133 = tpu.memref_slice %arg10[%dma_start3A_130, %dma_start3A_131, %dma_start3A_132] : memref<2x256x64xf32, #tpu.memory_space<vmem>> -> memref<1x256x64xf32, #tpu.memory_space<vmem>>
      %dma_start3A_134 = tpu.memref_squeeze %dma_start3A_133 : memref<1x256x64xf32, #tpu.memory_space<vmem>> -> memref<256x64xf32, #tpu.memory_space<vmem>>
      %dma_start3A_135 = arith.constant 64 : i32
      %dma_start3A_136 = tpu.memref_slice %arg6[%add3A_116, %dma_start3A_135] : memref<327680x128xf32, #tpu.memory_space<hbm>> -> memref<256x64xf32, #tpu.memory_space<hbm>>
      %dma_start3A_137 = arith.constant 64 : i32
      %dma_start3A_138 = tpu.memref_slice %arg6[%add3A_116, %dma_start3A_137] : memref<327680x128xf32, #tpu.memory_space<hbm>> -> memref<256x64xf32, #tpu.memory_space<hbm>>
      %dma_start3A_139 = arith.constant 0 : i32
      %dma_start3A_140 = arith.constant 0 : i32
      %dma_start3A_141 = tpu.memref_slice %arg10[%dma_start3A_130, %dma_start3A_139, %dma_start3A_140] : memref<2x256x64xf32, #tpu.memory_space<vmem>> -> memref<1x256x64xf32, #tpu.memory_space<vmem>>
      %dma_start3A_142 = tpu.memref_squeeze %dma_start3A_141 : memref<1x256x64xf32, #tpu.memory_space<vmem>> -> memref<256x64xf32, #tpu.memory_space<vmem>>
      tpu.enqueue_dma source(%dma_start3A_142 : memref<256x64xf32, #tpu.memory_space<vmem>>) target(%dma_start3A_138 : memref<256x64xf32, #tpu.memory_space<hbm>>) target_semaphore(%arg13 : memref<!tpu.dma_semaphore, #tpu.memory_space<semaphore_mem>>)
      %add3A_143 = arith.constant 1 : i32
      %add3A_144 = arith.addi %add3A_82, %add3A_143 : i32
      %add3A_145 = arith.constant 1 : i32
      %add3A_146 = arith.addi %add3A_144, %add3A_145 : i32
      %ge3A_147 = arith.constant 1 : i32
      %ge3A_148 = arith.cmpi sge, %add3A_144, %ge3A_147 : i32
      %convert_element_type3A_149 = arith.extui %ge3A_148 : i1 to i32
      %cond3A_150 = arith.constant 0 : i32
      %cond3A_151 = arith.cmpi ne, %convert_element_type3A_149, %cond3A_150 : i32
      scf.if %cond3A_151 {
        %sub3A_207 = arith.constant 1 : i32
        %sub3A_208 = arith.subi %add3A_144, %sub3A_207 : i32
        %mul3A_209 = arith.constant 256 : i32
        %mul3A_210 = arith.muli %sub3A_208, %mul3A_209 : i32
        %add3A_211 = arith.addi %mul3A_9, %mul3A_210 : i32
        %dma_wait3A_212 = arith.constant 0 : i32
        %dma_wait3A_213 = arith.constant 0 : i32
        %dma_wait3A_214 = arith.constant 0 : i32
        %dma_wait3A_215 = tpu.memref_slice %arg9[%dma_wait3A_212, %dma_wait3A_213, %dma_wait3A_214] : memref<2x256x64xf32, #tpu.memory_space<vmem>> -> memref<1x256x64xf32, #tpu.memory_space<vmem>>
        %dma_wait3A_216 = tpu.memref_squeeze %dma_wait3A_215 : memref<1x256x64xf32, #tpu.memory_space<vmem>> -> memref<256x64xf32, #tpu.memory_space<vmem>>
        %dma_wait3A_217 = arith.constant 0 : i32
        %dma_wait3A_218 = tpu.memref_slice %arg6[%add3A_211, %dma_wait3A_217] : memref<327680x128xf32, #tpu.memory_space<hbm>> -> memref<256x64xf32, #tpu.memory_space<hbm>>
        %dma_wait3A_219 = arith.constant 0 : i32
        %dma_wait3A_220 = tpu.memref_slice %arg6[%add3A_211, %dma_wait3A_219] : memref<327680x128xf32, #tpu.memory_space<hbm>> -> memref<256x64xf32, #tpu.memory_space<hbm>>
        %dma_wait3A_221 = arith.constant 0 : i32
        %dma_wait3A_222 = arith.constant 0 : i32
        %dma_wait3A_223 = tpu.memref_slice %arg9[%dma_wait3A_212, %dma_wait3A_221, %dma_wait3A_222] : memref<2x256x64xf32, #tpu.memory_space<vmem>> -> memref<1x256x64xf32, #tpu.memory_space<vmem>>
        %dma_wait3A_224 = tpu.memref_squeeze %dma_wait3A_223 : memref<1x256x64xf32, #tpu.memory_space<vmem>> -> memref<256x64xf32, #tpu.memory_space<vmem>>
        tpu.wait_dma2 semaphore(%arg13 : memref<!tpu.dma_semaphore, #tpu.memory_space<semaphore_mem>>) src(%dma_wait3A_224 : memref<256x64xf32, #tpu.memory_space<vmem>>) dst(%dma_wait3A_220 : memref<256x64xf32, #tpu.memory_space<hbm>>)
        %dma_wait3A_225 = arith.constant 0 : i32
        %dma_wait3A_226 = arith.constant 0 : i32
        %dma_wait3A_227 = arith.constant 0 : i32
        %dma_wait3A_228 = tpu.memref_slice %arg10[%dma_wait3A_225, %dma_wait3A_226, %dma_wait3A_227] : memref<2x256x64xf32, #tpu.memory_space<vmem>> -> memref<1x256x64xf32, #tpu.memory_space<vmem>>
        %dma_wait3A_229 = tpu.memref_squeeze %dma_wait3A_228 : memref<1x256x64xf32, #tpu.memory_space<vmem>> -> memref<256x64xf32, #tpu.memory_space<vmem>>
        %dma_wait3A_230 = arith.constant 64 : i32
        %dma_wait3A_231 = tpu.memref_slice %arg6[%add3A_211, %dma_wait3A_230] : memref<327680x128xf32, #tpu.memory_space<hbm>> -> memref<256x64xf32, #tpu.memory_space<hbm>>
        %dma_wait3A_232 = arith.constant 64 : i32
        %dma_wait3A_233 = tpu.memref_slice %arg6[%add3A_211, %dma_wait3A_232] : memref<327680x128xf32, #tpu.memory_space<hbm>> -> memref<256x64xf32, #tpu.memory_space<hbm>>
        %dma_wait3A_234 = arith.constant 0 : i32
        %dma_wait3A_235 = arith.constant 0 : i32
        %dma_wait3A_236 = tpu.memref_slice %arg10[%dma_wait3A_225, %dma_wait3A_234, %dma_wait3A_235] : memref<2x256x64xf32, #tpu.memory_space<vmem>> -> memref<1x256x64xf32, #tpu.memory_space<vmem>>
        %dma_wait3A_237 = tpu.memref_squeeze %dma_wait3A_236 : memref<1x256x64xf32, #tpu.memory_space<vmem>> -> memref<256x64xf32, #tpu.memory_space<vmem>>
        tpu.wait_dma2 semaphore(%arg13 : memref<!tpu.dma_semaphore, #tpu.memory_space<semaphore_mem>>) src(%dma_wait3A_237 : memref<256x64xf32, #tpu.memory_space<vmem>>) dst(%dma_wait3A_233 : memref<256x64xf32, #tpu.memory_space<hbm>>)
      } else {
      }
      %lt3A_152 = arith.cmpi slt, %add3A_146, %sub3A_3 : i32
      %convert_element_type3A_153 = arith.extui %lt3A_152 : i1 to i32
      %cond3A_154 = arith.constant 0 : i32
      %cond3A_155 = arith.cmpi ne, %convert_element_type3A_153, %cond3A_154 : i32
      scf.if %cond3A_155 {
        %dma_start3A_207 = arith.constant 0 : i32
        %dma_start3A_208 = arith.constant 0 : i32
        %dma_start3A_209 = arith.constant 0 : i32
        %dma_start3A_210 = tpu.memref_slice %arg9[%dma_start3A_207, %dma_start3A_208, %dma_start3A_209] : memref<2x256x64xf32, #tpu.memory_space<vmem>> -> memref<1x256x64xf32, #tpu.memory_space<vmem>>
        %dma_start3A_211 = tpu.memref_squeeze %dma_start3A_210 : memref<1x256x64xf32, #tpu.memory_space<vmem>> -> memref<256x64xf32, #tpu.memory_space<vmem>>
        %dma_start3A_212 = arith.constant 0 : i32
        %dma_start3A_213 = tpu.memref_slice %arg7[%add3A_146, %dma_start3A_212] : memref<60x256xi32, #tpu.memory_space<vmem>> -> memref<1x256xi32, #tpu.memory_space<vmem>>
        %dma_start3A_214 = tpu.memref_squeeze %dma_start3A_213 : memref<1x256xi32, #tpu.memory_space<vmem>> -> memref<256xi32, #tpu.memory_space<vmem>>
        %dma_start3A_215 = arith.constant 0 : i32
        %dma_start3A_216 = arith.constant 0 : i32
        %dma_start3A_217 = tpu.memref_slice %arg2[%dma_start3A_215, %dma_start3A_216] : memref<10000x64xf32, #tpu.memory_space<hbm>> -> memref<10000x64xf32, #tpu.memory_space<hbm>>
        tpu.enqueue_indirect_dma source(%dma_start3A_217 : memref<10000x64xf32, #tpu.memory_space<hbm>>) target(%dma_start3A_211 : memref<256x64xf32, #tpu.memory_space<vmem>>) offsets(%dma_start3A_214 : memref<256xi32, #tpu.memory_space<vmem>>) semaphore(%arg11 : memref<!tpu.dma_semaphore, #tpu.memory_space<semaphore_mem>>)
        %dma_start3A_218 = arith.constant 0 : i32
        %dma_start3A_219 = arith.constant 0 : i32
        %dma_start3A_220 = arith.constant 0 : i32
        %dma_start3A_221 = tpu.memref_slice %arg10[%dma_start3A_218, %dma_start3A_219, %dma_start3A_220] : memref<2x256x64xf32, #tpu.memory_space<vmem>> -> memref<1x256x64xf32, #tpu.memory_space<vmem>>
        %dma_start3A_222 = tpu.memref_squeeze %dma_start3A_221 : memref<1x256x64xf32, #tpu.memory_space<vmem>> -> memref<256x64xf32, #tpu.memory_space<vmem>>
        %dma_start3A_223 = arith.constant 0 : i32
        %dma_start3A_224 = tpu.memref_slice %arg8[%add3A_146, %dma_start3A_223] : memref<60x256xi32, #tpu.memory_space<vmem>> -> memref<1x256xi32, #tpu.memory_space<vmem>>
        %dma_start3A_225 = tpu.memref_squeeze %dma_start3A_224 : memref<1x256xi32, #tpu.memory_space<vmem>> -> memref<256xi32, #tpu.memory_space<vmem>>
        %dma_start3A_226 = arith.constant 0 : i32
        %dma_start3A_227 = arith.constant 0 : i32
        %dma_start3A_228 = tpu.memref_slice %arg3[%dma_start3A_226, %dma_start3A_227] : memref<10000x64xf32, #tpu.memory_space<hbm>> -> memref<10000x64xf32, #tpu.memory_space<hbm>>
        tpu.enqueue_indirect_dma source(%dma_start3A_228 : memref<10000x64xf32, #tpu.memory_space<hbm>>) target(%dma_start3A_222 : memref<256x64xf32, #tpu.memory_space<vmem>>) offsets(%dma_start3A_225 : memref<256xi32, #tpu.memory_space<vmem>>) semaphore(%arg12 : memref<!tpu.dma_semaphore, #tpu.memory_space<semaphore_mem>>)
      } else {
      }
      %dma_wait3A_156 = arith.constant 1 : i32
      %dma_wait3A_157 = arith.constant 0 : i32
      %dma_wait3A_158 = arith.constant 0 : i32
      %dma_wait3A_159 = tpu.memref_slice %arg9[%dma_wait3A_156, %dma_wait3A_157, %dma_wait3A_158] : memref<2x256x64xf32, #tpu.memory_space<vmem>> -> memref<1x256x64xf32, #tpu.memory_space<vmem>>
      %dma_wait3A_160 = tpu.memref_squeeze %dma_wait3A_159 : memref<1x256x64xf32, #tpu.memory_space<vmem>> -> memref<256x64xf32, #tpu.memory_space<vmem>>
      %dma_wait3A_161 = arith.constant 0 : i32
      %dma_wait3A_162 = tpu.memref_slice %arg7[%add3A_144, %dma_wait3A_161] : memref<60x256xi32, #tpu.memory_space<vmem>> -> memref<1x256xi32, #tpu.memory_space<vmem>>
      %dma_wait3A_163 = tpu.memref_squeeze %dma_wait3A_162 : memref<1x256xi32, #tpu.memory_space<vmem>> -> memref<256xi32, #tpu.memory_space<vmem>>
      %dma_wait3A_164 = arith.constant 0 : i32
      %dma_wait3A_165 = arith.constant 0 : i32
      %dma_wait3A_166 = tpu.memref_slice %arg2[%dma_wait3A_164, %dma_wait3A_165] : memref<10000x64xf32, #tpu.memory_space<hbm>> -> memref<10000x64xf32, #tpu.memory_space<hbm>>
      tpu.wait_indirect_dma semaphore(%arg11 : memref<!tpu.dma_semaphore, #tpu.memory_space<semaphore_mem>>) src(%dma_wait3A_166 : memref<10000x64xf32, #tpu.memory_space<hbm>>) dst(%dma_wait3A_160 : memref<256x64xf32, #tpu.memory_space<vmem>>)
      %dma_wait3A_167 = arith.constant 1 : i32
      %dma_wait3A_168 = arith.constant 0 : i32
      %dma_wait3A_169 = arith.constant 0 : i32
      %dma_wait3A_170 = tpu.memref_slice %arg10[%dma_wait3A_167, %dma_wait3A_168, %dma_wait3A_169] : memref<2x256x64xf32, #tpu.memory_space<vmem>> -> memref<1x256x64xf32, #tpu.memory_space<vmem>>
      %dma_wait3A_171 = tpu.memref_squeeze %dma_wait3A_170 : memref<1x256x64xf32, #tpu.memory_space<vmem>> -> memref<256x64xf32, #tpu.memory_space<vmem>>
      %dma_wait3A_172 = arith.constant 0 : i32
      %dma_wait3A_173 = tpu.memref_slice %arg8[%add3A_144, %dma_wait3A_172] : memref<60x256xi32, #tpu.memory_space<vmem>> -> memref<1x256xi32, #tpu.memory_space<vmem>>
      %dma_wait3A_174 = tpu.memref_squeeze %dma_wait3A_173 : memref<1x256xi32, #tpu.memory_space<vmem>> -> memref<256xi32, #tpu.memory_space<vmem>>
      %dma_wait3A_175 = arith.constant 0 : i32
      %dma_wait3A_176 = arith.constant 0 : i32
      %dma_wait3A_177 = tpu.memref_slice %arg3[%dma_wait3A_175, %dma_wait3A_176] : memref<10000x64xf32, #tpu.memory_space<hbm>> -> memref<10000x64xf32, #tpu.memory_space<hbm>>
      tpu.wait_indirect_dma semaphore(%arg12 : memref<!tpu.dma_semaphore, #tpu.memory_space<semaphore_mem>>) src(%dma_wait3A_177 : memref<10000x64xf32, #tpu.memory_space<hbm>>) dst(%dma_wait3A_171 : memref<256x64xf32, #tpu.memory_space<vmem>>)
      %mul3A_178 = arith.constant 256 : i32
      %mul3A_179 = arith.muli %add3A_144, %mul3A_178 : i32
      %add3A_180 = arith.addi %mul3A_9, %mul3A_179 : i32
      %dma_start3A_181 = arith.constant 1 : i32
      %dma_start3A_182 = arith.constant 0 : i32
      %dma_start3A_183 = arith.constant 0 : i32
      %dma_start3A_184 = tpu.memref_slice %arg9[%dma_start3A_181, %dma_start3A_182, %dma_start3A_183] : memref<2x256x64xf32, #tpu.memory_space<vmem>> -> memref<1x256x64xf32, #tpu.memory_space<vmem>>
      %dma_start3A_185 = tpu.memref_squeeze %dma_start3A_184 : memref<1x256x64xf32, #tpu.memory_space<vmem>> -> memref<256x64xf32, #tpu.memory_space<vmem>>
      %dma_start3A_186 = arith.constant 0 : i32
      %dma_start3A_187 = tpu.memref_slice %arg6[%add3A_180, %dma_start3A_186] : memref<327680x128xf32, #tpu.memory_space<hbm>> -> memref<256x64xf32, #tpu.memory_space<hbm>>
      %dma_start3A_188 = arith.constant 0 : i32
      %dma_start3A_189 = tpu.memref_slice %arg6[%add3A_180, %dma_start3A_188] : memref<327680x128xf32, #tpu.memory_space<hbm>> -> memref<256x64xf32, #tpu.memory_space<hbm>>
      %dma_start3A_190 = arith.constant 0 : i32
      %dma_start3A_191 = arith.constant 0 : i32
      %dma_start3A_192 = tpu.memref_slice %arg9[%dma_start3A_181, %dma_start3A_190, %dma_start3A_191] : memref<2x256x64xf32, #tpu.memory_space<vmem>> -> memref<1x256x64xf32, #tpu.memory_space<vmem>>
      %dma_start3A_193 = tpu.memref_squeeze %dma_start3A_192 : memref<1x256x64xf32, #tpu.memory_space<vmem>> -> memref<256x64xf32, #tpu.memory_space<vmem>>
      tpu.enqueue_dma source(%dma_start3A_193 : memref<256x64xf32, #tpu.memory_space<vmem>>) target(%dma_start3A_189 : memref<256x64xf32, #tpu.memory_space<hbm>>) target_semaphore(%arg13 : memref<!tpu.dma_semaphore, #tpu.memory_space<semaphore_mem>>)
      %dma_start3A_194 = arith.constant 1 : i32
      %dma_start3A_195 = arith.constant 0 : i32
      %dma_start3A_196 = arith.constant 0 : i32
      %dma_start3A_197 = tpu.memref_slice %arg10[%dma_start3A_194, %dma_start3A_195, %dma_start3A_196] : memref<2x256x64xf32, #tpu.memory_space<vmem>> -> memref<1x256x64xf32, #tpu.memory_space<vmem>>
      %dma_start3A_198 = tpu.memref_squeeze %dma_start3A_197 : memref<1x256x64xf32, #tpu.memory_space<vmem>> -> memref<256x64xf32, #tpu.memory_space<vmem>>
      %dma_start3A_199 = arith.constant 64 : i32
      %dma_start3A_200 = tpu.memref_slice %arg6[%add3A_180, %dma_start3A_199] : memref<327680x128xf32, #tpu.memory_space<hbm>> -> memref<256x64xf32, #tpu.memory_space<hbm>>
      %dma_start3A_201 = arith.constant 64 : i32
      %dma_start3A_202 = tpu.memref_slice %arg6[%add3A_180, %dma_start3A_201] : memref<327680x128xf32, #tpu.memory_space<hbm>> -> memref<256x64xf32, #tpu.memory_space<hbm>>
      %dma_start3A_203 = arith.constant 0 : i32
      %dma_start3A_204 = arith.constant 0 : i32
      %dma_start3A_205 = tpu.memref_slice %arg10[%dma_start3A_194, %dma_start3A_203, %dma_start3A_204] : memref<2x256x64xf32, #tpu.memory_space<vmem>> -> memref<1x256x64xf32, #tpu.memory_space<vmem>>
      %dma_start3A_206 = tpu.memref_squeeze %dma_start3A_205 : memref<1x256x64xf32, #tpu.memory_space<vmem>> -> memref<256x64xf32, #tpu.memory_space<vmem>>
      tpu.enqueue_dma source(%dma_start3A_206 : memref<256x64xf32, #tpu.memory_space<vmem>>) target(%dma_start3A_202 : memref<256x64xf32, #tpu.memory_space<hbm>>) target_semaphore(%arg13 : memref<!tpu.dma_semaphore, #tpu.memory_space<semaphore_mem>>)
    }
    %sub3A_50 = arith.constant 1 : i32
    %sub3A_51 = arith.subi %sub3A_3, %sub3A_50 : i32
    %mul3A_52 = arith.constant 256 : i32
    %mul3A_53 = arith.muli %sub3A_51, %mul3A_52 : i32
    %add3A_54 = arith.addi %mul3A_9, %mul3A_53 : i32
    %dma_wait3A = arith.constant 1 : i32
    %dma_wait3A_55 = arith.constant 0 : i32
    %dma_wait3A_56 = arith.constant 0 : i32
    %dma_wait3A_57 = tpu.memref_slice %arg9[%dma_wait3A, %dma_wait3A_55, %dma_wait3A_56] : memref<2x256x64xf32, #tpu.memory_space<vmem>> -> memref<1x256x64xf32, #tpu.memory_space<vmem>>
    %dma_wait3A_58 = tpu.memref_squeeze %dma_wait3A_57 : memref<1x256x64xf32, #tpu.memory_space<vmem>> -> memref<256x64xf32, #tpu.memory_space<vmem>>
    %dma_wait3A_59 = arith.constant 0 : i32
    %dma_wait3A_60 = tpu.memref_slice %arg6[%add3A_54, %dma_wait3A_59] : memref<327680x128xf32, #tpu.memory_space<hbm>> -> memref<256x64xf32, #tpu.memory_space<hbm>>
    %dma_wait3A_61 = arith.constant 0 : i32
    %dma_wait3A_62 = tpu.memref_slice %arg6[%add3A_54, %dma_wait3A_61] : memref<327680x128xf32, #tpu.memory_space<hbm>> -> memref<256x64xf32, #tpu.memory_space<hbm>>
    %dma_wait3A_63 = arith.constant 0 : i32
    %dma_wait3A_64 = arith.constant 0 : i32
    %dma_wait3A_65 = tpu.memref_slice %arg9[%dma_wait3A, %dma_wait3A_63, %dma_wait3A_64] : memref<2x256x64xf32, #tpu.memory_space<vmem>> -> memref<1x256x64xf32, #tpu.memory_space<vmem>>
    %dma_wait3A_66 = tpu.memref_squeeze %dma_wait3A_65 : memref<1x256x64xf32, #tpu.memory_space<vmem>> -> memref<256x64xf32, #tpu.memory_space<vmem>>
    tpu.wait_dma2 semaphore(%arg13 : memref<!tpu.dma_semaphore, #tpu.memory_space<semaphore_mem>>) src(%dma_wait3A_66 : memref<256x64xf32, #tpu.memory_space<vmem>>) dst(%dma_wait3A_62 : memref<256x64xf32, #tpu.memory_space<hbm>>)
    %dma_wait3A_67 = arith.constant 1 : i32
    %dma_wait3A_68 = arith.constant 0 : i32
    %dma_wait3A_69 = arith.constant 0 : i32
    %dma_wait3A_70 = tpu.memref_slice %arg10[%dma_wait3A_67, %dma_wait3A_68, %dma_wait3A_69] : memref<2x256x64xf32, #tpu.memory_space<vmem>> -> memref<1x256x64xf32, #tpu.memory_space<vmem>>
    %dma_wait3A_71 = tpu.memref_squeeze %dma_wait3A_70 : memref<1x256x64xf32, #tpu.memory_space<vmem>> -> memref<256x64xf32, #tpu.memory_space<vmem>>
    %dma_wait3A_72 = arith.constant 64 : i32
    %dma_wait3A_73 = tpu.memref_slice %arg6[%add3A_54, %dma_wait3A_72] : memref<327680x128xf32, #tpu.memory_space<hbm>> -> memref<256x64xf32, #tpu.memory_space<hbm>>
    %dma_wait3A_74 = arith.constant 64 : i32
    %dma_wait3A_75 = tpu.memref_slice %arg6[%add3A_54, %dma_wait3A_74] : memref<327680x128xf32, #tpu.memory_space<hbm>> -> memref<256x64xf32, #tpu.memory_space<hbm>>
    %dma_wait3A_76 = arith.constant 0 : i32
    %dma_wait3A_77 = arith.constant 0 : i32
    %dma_wait3A_78 = tpu.memref_slice %arg10[%dma_wait3A_67, %dma_wait3A_76, %dma_wait3A_77] : memref<2x256x64xf32, #tpu.memory_space<vmem>> -> memref<1x256x64xf32, #tpu.memory_space<vmem>>
    %dma_wait3A_79 = tpu.memref_squeeze %dma_wait3A_78 : memref<1x256x64xf32, #tpu.memory_space<vmem>> -> memref<256x64xf32, #tpu.memory_space<vmem>>
    tpu.wait_dma2 semaphore(%arg13 : memref<!tpu.dma_semaphore, #tpu.memory_space<semaphore_mem>>) src(%dma_wait3A_79 : memref<256x64xf32, #tpu.memory_space<vmem>>) dst(%dma_wait3A_75 : memref<256x64xf32, #tpu.memory_space<hbm>>)
    return
  }
}

module attributes {stable_mosaic.version = 14 : i64} {
  func.func @_tc0_body(%arg0: i32, %arg1: memref<2x2000x1xf32, #tpu.memory_space<vmem>>, %arg2: memref<2000x128xf32, #tpu.memory_space<vmem>>, %arg3: memref<128x64xf32, #tpu.memory_space<vmem>>, %arg4: memref<2000x1xf32, #tpu.memory_space<vmem>>, %arg5: memref<2000x64xf32, #tpu.memory_space<vmem>>) attributes {dimension_semantics = [#tpu.dimension_semantics<arbitrary>], iteration_bounds = array<i64: 5>, scalar_prefetch = 0 : i64, scratch_operands = 0 : i64, tpu.core_type = #tpu.core_type<tc>, window_params = [{transform_indices = @transform_0, window_bounds = array<i64: 2, 2000, 1>}, {transform_indices = @transform_1, window_bounds = array<i64: 2000, 128>}, {pipeline_mode = #tpu.pipeline_mode<synchronous>, transform_indices = @transform_2, window_bounds = array<i64: 128, 64>}, {transform_indices = @transform_3, window_bounds = array<i64: 2000, 1>}, {transform_indices = @transform_4, window_bounds = array<i64: 2000, 64>}]} {
    %get3A = arith.constant 0 : index
    %get3A_0 = arith.constant 0 : index
    %get3A_1 = arith.constant 0 : index
    %get3A_2 = vector.load %arg1[%get3A, %get3A_0, %get3A_1] : memref<2x2000x1xf32, #tpu.memory_space<vmem>>, vector<1x2000x1xf32>
    %get3A_3 = vector.shape_cast %get3A_2 : vector<1x2000x1xf32> to vector<2000x1xf32>
    %get3A_4 = arith.constant 1 : index
    %get3A_5 = arith.constant 0 : index
    %get3A_6 = arith.constant 0 : index
    %get3A_7 = vector.load %arg1[%get3A_4, %get3A_5, %get3A_6] : memref<2x2000x1xf32, #tpu.memory_space<vmem>>, vector<1x2000x1xf32>
    %get3A_8 = vector.shape_cast %get3A_7 : vector<1x2000x1xf32> to vector<2000x1xf32>
    %add3A = arith.addf %get3A_3, %get3A_8 : vector<2000x1xf32>
    %add3A_9 = arith.constant 1.000000e+00 : f32
    %add3A_10 = vector.broadcast %add3A_9 : f32 to vector<2000x1xf32>
    %add3A_11 = arith.addf %add3A, %add3A_10 : vector<2000x1xf32>
    %rsqrt3A = math.rsqrt %add3A_11 : vector<2000x1xf32>
    %swap3A = arith.constant 0 : index
    %swap3A_12 = arith.constant 0 : index
    %swap3A_13 = vector.load %arg4[%swap3A, %swap3A_12] : memref<2000x1xf32, #tpu.memory_space<vmem>>, vector<2000x1xf32>
    tpu.vector_store %arg4[%swap3A, %swap3A_12], %rsqrt3A {strides = array<i32>} : memref<2000x1xf32, #tpu.memory_space<vmem>>, vector<2000x1xf32>,
    %get3A_14 = arith.constant 0 : index
    %get3A_15 = arith.constant 0 : index
    %get3A_16 = vector.load %arg2[%get3A_14, %get3A_15] : memref<2000x128xf32, #tpu.memory_space<vmem>>, vector<2000x128xf32>
    %get3A_17 = arith.constant 0 : index
    %get3A_18 = arith.constant 0 : index
    %get3A_19 = vector.load %arg3[%get3A_17, %get3A_18] : memref<128x64xf32, #tpu.memory_space<vmem>>, vector<128x64xf32>
    %dot_general3A = arith.constant dense<0.000000e+00> : vector<2000x64xf32>
    %dot_general3A_20 = tpu.matmul %get3A_16, %get3A_19, %dot_general3A {dimension_numbers = #tpu.dot_dimension_numbers<[1], [0], [0], [1], [0, 0, 1, 1], [], []>, transpose_lhs_hint = false} : vector<2000x128xf32>, vector<128x64xf32>, vector<2000x64xf32> -> vector<2000x64xf32>
    %mul3A = vector.broadcast %rsqrt3A : vector<2000x1xf32> to vector<2000x64xf32>
    %mul3A_21 = arith.mulf %dot_general3A_20, %mul3A : vector<2000x64xf32>
    %swap3A_22 = arith.constant 0 : index
    %swap3A_23 = arith.constant 0 : index
    %swap3A_24 = vector.load %arg5[%swap3A_22, %swap3A_23] : memref<2000x64xf32, #tpu.memory_space<vmem>>, vector<2000x64xf32>
    tpu.vector_store %arg5[%swap3A_22, %swap3A_23], %mul3A_21 {strides = array<i32>} : memref<2000x64xf32, #tpu.memory_space<vmem>>, vector<2000x64xf32>,
    return
  }
  func.func @transform_0(%arg0: i32) -> (i32, i32, i32) {
    %c0_i32 = arith.constant 0 : i32
    %c0_i32_0 = arith.constant 0 : i32
    %c0_i32_1 = arith.constant 0 : i32
    return %c0_i32, %arg0, %c0_i32_0 : i32, i32, i32
  }
  func.func @transform_1(%arg0: i32) -> (i32, i32) {
    %c0_i32 = arith.constant 0 : i32
    %c0_i32_0 = arith.constant 0 : i32
    return %arg0, %c0_i32 : i32, i32
  }
  func.func @transform_2(%arg0: i32) -> (i32, i32) {
    %c0_i32 = arith.constant 0 : i32
    %c0_i32_0 = arith.constant 0 : i32
    %c0_i32_1 = arith.constant 0 : i32
    return %c0_i32, %c0_i32_0 : i32, i32
  }
  func.func @transform_3(%arg0: i32) -> (i32, i32) {
    %c0_i32 = arith.constant 0 : i32
    %c0_i32_0 = arith.constant 0 : i32
    return %arg0, %c0_i32 : i32, i32
  }
  func.func @transform_4(%arg0: i32) -> (i32, i32) {
    %c0_i32 = arith.constant 0 : i32
    %c0_i32_0 = arith.constant 0 : i32
    return %arg0, %c0_i32 : i32, i32
  }
}

module attributes {stable_mosaic.version = 14 : i64} {
  func.func @_tc_layer_body(%arg0: i32, %arg1: memref<2x2000x128xf32, #tpu.memory_space<vmem>>, %arg2: memref<2000x64xf32, #tpu.memory_space<vmem>>, %arg3: memref<2000x1xf32, #tpu.memory_space<vmem>>, %arg4: memref<2000x64xf32, #tpu.memory_space<vmem>>, %arg5: memref<2000x64xf32, #tpu.memory_space<vmem>>, %arg6: memref<1x64xf32, #tpu.memory_space<vmem>>, %arg7: memref<64x64xf32, #tpu.memory_space<vmem>>, %arg8: memref<64x64xf32, #tpu.memory_space<vmem>>, %arg9: memref<64x64xf32, #tpu.memory_space<vmem>>, %arg10: memref<2000x64xf32, #tpu.memory_space<vmem>>, %arg11: memref<2000x64xf32, #tpu.memory_space<vmem>>, %arg12: memref<2000x64xf32, #tpu.memory_space<vmem>>) attributes {dimension_semantics = [#tpu.dimension_semantics<arbitrary>], iteration_bounds = array<i64: 5>, scalar_prefetch = 0 : i64, scratch_operands = 0 : i64, tpu.core_type = #tpu.core_type<tc>, window_params = [{transform_indices = @transform_0, window_bounds = array<i64: 2, 2000, 128>}, {transform_indices = @transform_1, window_bounds = array<i64: 2000, 64>}, {transform_indices = @transform_2, window_bounds = array<i64: 2000, 1>}, {transform_indices = @transform_3, window_bounds = array<i64: 2000, 64>}, {transform_indices = @transform_4, window_bounds = array<i64: 2000, 64>}, {pipeline_mode = #tpu.pipeline_mode<synchronous>, transform_indices = @transform_5, window_bounds = array<i64: 1, 64>}, {pipeline_mode = #tpu.pipeline_mode<synchronous>, transform_indices = @transform_6, window_bounds = array<i64: 64, 64>}, {pipeline_mode = #tpu.pipeline_mode<synchronous>, transform_indices = @transform_7, window_bounds = array<i64: 64, 64>}, {pipeline_mode = #tpu.pipeline_mode<synchronous>, transform_indices = @transform_8, window_bounds = array<i64: 64, 64>}, {transform_indices = @transform_9, window_bounds = array<i64: 2000, 64>}, {transform_indices = @transform_10, window_bounds = array<i64: 2000, 64>}, {transform_indices = @transform_11, window_bounds = array<i64: 2000, 64>}]} {
    %get3A = arith.constant 0 : index
    %get3A_0 = arith.constant 0 : index
    %get3A_1 = vector.load %arg3[%get3A, %get3A_0] : memref<2000x1xf32, #tpu.memory_space<vmem>>, vector<2000x1xf32>
    %get3A_2 = arith.constant 0 : index
    %get3A_3 = arith.constant 0 : index
    %get3A_4 = arith.constant 0 : index
    %get3A_5 = vector.load %arg1[%get3A_2, %get3A_3, %get3A_4] : memref<2x2000x128xf32, #tpu.memory_space<vmem>>, vector<1x2000x64xf32>
    %get3A_6 = vector.shape_cast %get3A_5 : vector<1x2000x64xf32> to vector<2000x64xf32>
    %get3A_7 = arith.constant 1 : index
    %get3A_8 = arith.constant 0 : index
    %get3A_9 = arith.constant 0 : index
    %get3A_10 = vector.load %arg1[%get3A_7, %get3A_8, %get3A_9] : memref<2x2000x128xf32, #tpu.memory_space<vmem>>, vector<1x2000x64xf32>
    %get3A_11 = vector.shape_cast %get3A_10 : vector<1x2000x64xf32> to vector<2000x64xf32>
    %add3A = arith.addf %get3A_6, %get3A_11 : vector<2000x64xf32>
    %get3A_12 = arith.constant 0 : index
    %get3A_13 = arith.constant 0 : index
    %get3A_14 = vector.load %arg2[%get3A_12, %get3A_13] : memref<2000x64xf32, #tpu.memory_space<vmem>>, vector<2000x64xf32>
    %add3A_15 = arith.addf %add3A, %get3A_14 : vector<2000x64xf32>
    %mul3A = vector.broadcast %get3A_1 : vector<2000x1xf32> to vector<2000x64xf32>
    %mul3A_16 = arith.mulf %mul3A, %add3A_15 : vector<2000x64xf32>
    %get3A_17 = arith.constant 0 : index
    %get3A_18 = arith.constant 0 : index
    %get3A_19 = vector.load %arg6[%get3A_17, %get3A_18] : memref<1x64xf32, #tpu.memory_space<vmem>>, vector<1x64xf32>
    %add3A_20 = vector.broadcast %get3A_19 : vector<1x64xf32> to vector<2000x64xf32>
    %add3A_21 = arith.addf %mul3A_16, %add3A_20 : vector<2000x64xf32>
    %max3A = arith.constant 0.000000e+00 : f32
    %max3A_22 = vector.broadcast %max3A : f32 to vector<2000x64xf32>
    %max3A_23 = arith.maximumf %add3A_21, %max3A_22 : vector<2000x64xf32>
    %get3A_24 = arith.constant 0 : index
    %get3A_25 = arith.constant 0 : index
    %get3A_26 = vector.load %arg7[%get3A_24, %get3A_25] : memref<64x64xf32, #tpu.memory_space<vmem>>, vector<64x64xf32>
    %dot_general3A = arith.constant dense<0.000000e+00> : vector<2000x64xf32>
    %dot_general3A_27 = tpu.matmul %max3A_23, %get3A_26, %dot_general3A {dimension_numbers = #tpu.dot_dimension_numbers<[1], [0], [0], [1], [0, 0, 1, 1], [], []>, transpose_lhs_hint = false} : vector<2000x64xf32>, vector<64x64xf32>, vector<2000x64xf32> -> vector<2000x64xf32>
    %mul3A_28 = vector.broadcast %get3A_1 : vector<2000x1xf32> to vector<2000x64xf32>
    %mul3A_29 = arith.mulf %dot_general3A_27, %mul3A_28 : vector<2000x64xf32>
    %swap3A = arith.constant 0 : index
    %swap3A_30 = arith.constant 0 : index
    %swap3A_31 = vector.load %arg10[%swap3A, %swap3A_30] : memref<2000x64xf32, #tpu.memory_space<vmem>>, vector<2000x64xf32>
    tpu.vector_store %arg10[%swap3A, %swap3A_30], %mul3A_29 {strides = array<i32>} : memref<2000x64xf32, #tpu.memory_space<vmem>>, vector<2000x64xf32>,
    %get3A_32 = arith.constant 0 : index
    %get3A_33 = arith.constant 0 : index
    %get3A_34 = vector.load %arg4[%get3A_32, %get3A_33] : memref<2000x64xf32, #tpu.memory_space<vmem>>, vector<2000x64xf32>
    %get3A_35 = arith.constant 0 : index
    %get3A_36 = arith.constant 0 : index
    %get3A_37 = vector.load %arg8[%get3A_35, %get3A_36] : memref<64x64xf32, #tpu.memory_space<vmem>>, vector<64x64xf32>
    %dot_general3A_38 = arith.constant dense<0.000000e+00> : vector<2000x64xf32>
    %dot_general3A_39 = tpu.matmul %max3A_23, %get3A_37, %dot_general3A_38 {dimension_numbers = #tpu.dot_dimension_numbers<[1], [0], [0], [1], [0, 0, 1, 1], [], []>, transpose_lhs_hint = false} : vector<2000x64xf32>, vector<64x64xf32>, vector<2000x64xf32> -> vector<2000x64xf32>
    %add3A_40 = arith.addf %get3A_34, %dot_general3A_39 : vector<2000x64xf32>
    %swap3A_41 = arith.constant 0 : index
    %swap3A_42 = arith.constant 0 : index
    %swap3A_43 = vector.load %arg11[%swap3A_41, %swap3A_42] : memref<2000x64xf32, #tpu.memory_space<vmem>>, vector<2000x64xf32>
    tpu.vector_store %arg11[%swap3A_41, %swap3A_42], %add3A_40 {strides = array<i32>} : memref<2000x64xf32, #tpu.memory_space<vmem>>, vector<2000x64xf32>,
    %get3A_44 = arith.constant 0 : index
    %get3A_45 = arith.constant 0 : index
    %get3A_46 = vector.load %arg5[%get3A_44, %get3A_45] : memref<2000x64xf32, #tpu.memory_space<vmem>>, vector<2000x64xf32>
    %get3A_47 = arith.constant 0 : index
    %get3A_48 = arith.constant 0 : index
    %get3A_49 = vector.load %arg9[%get3A_47, %get3A_48] : memref<64x64xf32, #tpu.memory_space<vmem>>, vector<64x64xf32>
    %dot_general3A_50 = arith.constant dense<0.000000e+00> : vector<2000x64xf32>
    %dot_general3A_51 = tpu.matmul %max3A_23, %get3A_49, %dot_general3A_50 {dimension_numbers = #tpu.dot_dimension_numbers<[1], [0], [0], [1], [0, 0, 1, 1], [], []>, transpose_lhs_hint = false} : vector<2000x64xf32>, vector<64x64xf32>, vector<2000x64xf32> -> vector<2000x64xf32>
    %add3A_52 = arith.addf %get3A_46, %dot_general3A_51 : vector<2000x64xf32>
    %swap3A_53 = arith.constant 0 : index
    %swap3A_54 = arith.constant 0 : index
    %swap3A_55 = vector.load %arg12[%swap3A_53, %swap3A_54] : memref<2000x64xf32, #tpu.memory_space<vmem>>, vector<2000x64xf32>
    tpu.vector_store %arg12[%swap3A_53, %swap3A_54], %add3A_52 {strides = array<i32>} : memref<2000x64xf32, #tpu.memory_space<vmem>>, vector<2000x64xf32>,
    return
  }
  func.func @transform_0(%arg0: i32) -> (i32, i32, i32) {
    %c0_i32 = arith.constant 0 : i32
    %c0_i32_0 = arith.constant 0 : i32
    %c0_i32_1 = arith.constant 0 : i32
    return %c0_i32, %arg0, %c0_i32_0 : i32, i32, i32
  }
  func.func @transform_1(%arg0: i32) -> (i32, i32) {
    %c0_i32 = arith.constant 0 : i32
    %c0_i32_0 = arith.constant 0 : i32
    return %arg0, %c0_i32 : i32, i32
  }
  func.func @transform_2(%arg0: i32) -> (i32, i32) {
    %c0_i32 = arith.constant 0 : i32
    %c0_i32_0 = arith.constant 0 : i32
    return %arg0, %c0_i32 : i32, i32
  }
  func.func @transform_3(%arg0: i32) -> (i32, i32) {
    %c0_i32 = arith.constant 0 : i32
    %c0_i32_0 = arith.constant 0 : i32
    return %arg0, %c0_i32 : i32, i32
  }
  func.func @transform_4(%arg0: i32) -> (i32, i32) {
    %c0_i32 = arith.constant 0 : i32
    %c0_i32_0 = arith.constant 0 : i32
    return %arg0, %c0_i32 : i32, i32
  }
  func.func @transform_5(%arg0: i32) -> (i32, i32) {
    %c0_i32 = arith.constant 0 : i32
    %c0_i32_0 = arith.constant 0 : i32
    %c0_i32_1 = arith.constant 0 : i32
    return %c0_i32, %c0_i32_0 : i32, i32
  }
  func.func @transform_6(%arg0: i32) -> (i32, i32) {
    %c0_i32 = arith.constant 0 : i32
    %c0_i32_0 = arith.constant 0 : i32
    %c0_i32_1 = arith.constant 0 : i32
    return %c0_i32, %c0_i32_0 : i32, i32
  }
  func.func @transform_7(%arg0: i32) -> (i32, i32) {
    %c0_i32 = arith.constant 0 : i32
    %c0_i32_0 = arith.constant 0 : i32
    %c0_i32_1 = arith.constant 0 : i32
    return %c0_i32, %c0_i32_0 : i32, i32
  }
  func.func @transform_8(%arg0: i32) -> (i32, i32) {
    %c0_i32 = arith.constant 0 : i32
    %c0_i32_0 = arith.constant 0 : i32
    %c0_i32_1 = arith.constant 0 : i32
    return %c0_i32, %c0_i32_0 : i32, i32
  }
  func.func @transform_9(%arg0: i32) -> (i32, i32) {
    %c0_i32 = arith.constant 0 : i32
    %c0_i32_0 = arith.constant 0 : i32
    return %arg0, %c0_i32 : i32, i32
  }
  func.func @transform_10(%arg0: i32) -> (i32, i32) {
    %c0_i32 = arith.constant 0 : i32
    %c0_i32_0 = arith.constant 0 : i32
    return %arg0, %c0_i32 : i32, i32
  }
  func.func @transform_11(%arg0: i32) -> (i32, i32) {
    %c0_i32 = arith.constant 0 : i32
    %c0_i32_0 = arith.constant 0 : i32
    return %arg0, %c0_i32 : i32, i32
  }
}

module attributes {stable_mosaic.version = 14 : i64} {
  func.func @_tc_layer_body(%arg0: i32, %arg1: memref<2x2000x128xf32, #tpu.memory_space<vmem>>, %arg2: memref<2000x64xf32, #tpu.memory_space<vmem>>, %arg3: memref<2000x1xf32, #tpu.memory_space<vmem>>, %arg4: memref<2000x64xf32, #tpu.memory_space<vmem>>, %arg5: memref<2000x64xf32, #tpu.memory_space<vmem>>, %arg6: memref<1x64xf32, #tpu.memory_space<vmem>>, %arg7: memref<64x64xf32, #tpu.memory_space<vmem>>, %arg8: memref<64x64xf32, #tpu.memory_space<vmem>>, %arg9: memref<64x64xf32, #tpu.memory_space<vmem>>, %arg10: memref<2000x64xf32, #tpu.memory_space<vmem>>, %arg11: memref<2000x64xf32, #tpu.memory_space<vmem>>, %arg12: memref<2000x64xf32, #tpu.memory_space<vmem>>) attributes {dimension_semantics = [#tpu.dimension_semantics<arbitrary>], iteration_bounds = array<i64: 5>, scalar_prefetch = 0 : i64, scratch_operands = 0 : i64, tpu.core_type = #tpu.core_type<tc>, window_params = [{transform_indices = @transform_0, window_bounds = array<i64: 2, 2000, 128>}, {transform_indices = @transform_1, window_bounds = array<i64: 2000, 64>}, {transform_indices = @transform_2, window_bounds = array<i64: 2000, 1>}, {transform_indices = @transform_3, window_bounds = array<i64: 2000, 64>}, {transform_indices = @transform_4, window_bounds = array<i64: 2000, 64>}, {pipeline_mode = #tpu.pipeline_mode<synchronous>, transform_indices = @transform_5, window_bounds = array<i64: 1, 64>}, {pipeline_mode = #tpu.pipeline_mode<synchronous>, transform_indices = @transform_6, window_bounds = array<i64: 64, 64>}, {pipeline_mode = #tpu.pipeline_mode<synchronous>, transform_indices = @transform_7, window_bounds = array<i64: 64, 64>}, {pipeline_mode = #tpu.pipeline_mode<synchronous>, transform_indices = @transform_8, window_bounds = array<i64: 64, 64>}, {transform_indices = @transform_9, window_bounds = array<i64: 2000, 64>}, {transform_indices = @transform_10, window_bounds = array<i64: 2000, 64>}, {transform_indices = @transform_11, window_bounds = array<i64: 2000, 64>}]} {
    %get3A = arith.constant 0 : index
    %get3A_0 = arith.constant 0 : index
    %get3A_1 = vector.load %arg3[%get3A, %get3A_0] : memref<2000x1xf32, #tpu.memory_space<vmem>>, vector<2000x1xf32>
    %get3A_2 = arith.constant 0 : index
    %get3A_3 = arith.constant 0 : index
    %get3A_4 = arith.constant 0 : index
    %get3A_5 = vector.load %arg1[%get3A_2, %get3A_3, %get3A_4] : memref<2x2000x128xf32, #tpu.memory_space<vmem>>, vector<1x2000x64xf32>
    %get3A_6 = vector.shape_cast %get3A_5 : vector<1x2000x64xf32> to vector<2000x64xf32>
    %get3A_7 = arith.constant 1 : index
    %get3A_8 = arith.constant 0 : index
    %get3A_9 = arith.constant 0 : index
    %get3A_10 = vector.load %arg1[%get3A_7, %get3A_8, %get3A_9] : memref<2x2000x128xf32, #tpu.memory_space<vmem>>, vector<1x2000x64xf32>
    %get3A_11 = vector.shape_cast %get3A_10 : vector<1x2000x64xf32> to vector<2000x64xf32>
    %add3A = arith.addf %get3A_6, %get3A_11 : vector<2000x64xf32>
    %get3A_12 = arith.constant 0 : index
    %get3A_13 = arith.constant 0 : index
    %get3A_14 = vector.load %arg2[%get3A_12, %get3A_13] : memref<2000x64xf32, #tpu.memory_space<vmem>>, vector<2000x64xf32>
    %add3A_15 = arith.addf %add3A, %get3A_14 : vector<2000x64xf32>
    %mul3A = vector.broadcast %get3A_1 : vector<2000x1xf32> to vector<2000x64xf32>
    %mul3A_16 = arith.mulf %mul3A, %add3A_15 : vector<2000x64xf32>
    %get3A_17 = arith.constant 0 : index
    %get3A_18 = arith.constant 0 : index
    %get3A_19 = vector.load %arg6[%get3A_17, %get3A_18] : memref<1x64xf32, #tpu.memory_space<vmem>>, vector<1x64xf32>
    %add3A_20 = vector.broadcast %get3A_19 : vector<1x64xf32> to vector<2000x64xf32>
    %add3A_21 = arith.addf %mul3A_16, %add3A_20 : vector<2000x64xf32>
    %max3A = arith.constant 0.000000e+00 : f32
    %max3A_22 = vector.broadcast %max3A : f32 to vector<2000x64xf32>
    %max3A_23 = arith.maximumf %add3A_21, %max3A_22 : vector<2000x64xf32>
    %get3A_24 = arith.constant 0 : index
    %get3A_25 = arith.constant 0 : index
    %get3A_26 = vector.load %arg7[%get3A_24, %get3A_25] : memref<64x64xf32, #tpu.memory_space<vmem>>, vector<64x64xf32>
    %dot_general3A = arith.constant dense<0.000000e+00> : vector<2000x64xf32>
    %dot_general3A_27 = tpu.matmul %max3A_23, %get3A_26, %dot_general3A {dimension_numbers = #tpu.dot_dimension_numbers<[1], [0], [0], [1], [0, 0, 1, 1], [], []>, transpose_lhs_hint = false} : vector<2000x64xf32>, vector<64x64xf32>, vector<2000x64xf32> -> vector<2000x64xf32>
    %mul3A_28 = vector.broadcast %get3A_1 : vector<2000x1xf32> to vector<2000x64xf32>
    %mul3A_29 = arith.mulf %dot_general3A_27, %mul3A_28 : vector<2000x64xf32>
    %swap3A = arith.constant 0 : index
    %swap3A_30 = arith.constant 0 : index
    %swap3A_31 = vector.load %arg10[%swap3A, %swap3A_30] : memref<2000x64xf32, #tpu.memory_space<vmem>>, vector<2000x64xf32>
    tpu.vector_store %arg10[%swap3A, %swap3A_30], %mul3A_29 {strides = array<i32>} : memref<2000x64xf32, #tpu.memory_space<vmem>>, vector<2000x64xf32>,
    %get3A_32 = arith.constant 0 : index
    %get3A_33 = arith.constant 0 : index
    %get3A_34 = vector.load %arg4[%get3A_32, %get3A_33] : memref<2000x64xf32, #tpu.memory_space<vmem>>, vector<2000x64xf32>
    %get3A_35 = arith.constant 0 : index
    %get3A_36 = arith.constant 0 : index
    %get3A_37 = vector.load %arg8[%get3A_35, %get3A_36] : memref<64x64xf32, #tpu.memory_space<vmem>>, vector<64x64xf32>
    %dot_general3A_38 = arith.constant dense<0.000000e+00> : vector<2000x64xf32>
    %dot_general3A_39 = tpu.matmul %max3A_23, %get3A_37, %dot_general3A_38 {dimension_numbers = #tpu.dot_dimension_numbers<[1], [0], [0], [1], [0, 0, 1, 1], [], []>, transpose_lhs_hint = false} : vector<2000x64xf32>, vector<64x64xf32>, vector<2000x64xf32> -> vector<2000x64xf32>
    %add3A_40 = arith.addf %get3A_34, %dot_general3A_39 : vector<2000x64xf32>
    %swap3A_41 = arith.constant 0 : index
    %swap3A_42 = arith.constant 0 : index
    %swap3A_43 = vector.load %arg11[%swap3A_41, %swap3A_42] : memref<2000x64xf32, #tpu.memory_space<vmem>>, vector<2000x64xf32>
    tpu.vector_store %arg11[%swap3A_41, %swap3A_42], %add3A_40 {strides = array<i32>} : memref<2000x64xf32, #tpu.memory_space<vmem>>, vector<2000x64xf32>,
    %get3A_44 = arith.constant 0 : index
    %get3A_45 = arith.constant 0 : index
    %get3A_46 = vector.load %arg5[%get3A_44, %get3A_45] : memref<2000x64xf32, #tpu.memory_space<vmem>>, vector<2000x64xf32>
    %get3A_47 = arith.constant 0 : index
    %get3A_48 = arith.constant 0 : index
    %get3A_49 = vector.load %arg9[%get3A_47, %get3A_48] : memref<64x64xf32, #tpu.memory_space<vmem>>, vector<64x64xf32>
    %dot_general3A_50 = arith.constant dense<0.000000e+00> : vector<2000x64xf32>
    %dot_general3A_51 = tpu.matmul %max3A_23, %get3A_49, %dot_general3A_50 {dimension_numbers = #tpu.dot_dimension_numbers<[1], [0], [0], [1], [0, 0, 1, 1], [], []>, transpose_lhs_hint = false} : vector<2000x64xf32>, vector<64x64xf32>, vector<2000x64xf32> -> vector<2000x64xf32>
    %add3A_52 = arith.addf %get3A_46, %dot_general3A_51 : vector<2000x64xf32>
    %swap3A_53 = arith.constant 0 : index
    %swap3A_54 = arith.constant 0 : index
    %swap3A_55 = vector.load %arg12[%swap3A_53, %swap3A_54] : memref<2000x64xf32, #tpu.memory_space<vmem>>, vector<2000x64xf32>
    tpu.vector_store %arg12[%swap3A_53, %swap3A_54], %add3A_52 {strides = array<i32>} : memref<2000x64xf32, #tpu.memory_space<vmem>>, vector<2000x64xf32>,
    return
  }
  func.func @transform_0(%arg0: i32) -> (i32, i32, i32) {
    %c0_i32 = arith.constant 0 : i32
    %c0_i32_0 = arith.constant 0 : i32
    %c0_i32_1 = arith.constant 0 : i32
    return %c0_i32, %arg0, %c0_i32_0 : i32, i32, i32
  }
  func.func @transform_1(%arg0: i32) -> (i32, i32) {
    %c0_i32 = arith.constant 0 : i32
    %c0_i32_0 = arith.constant 0 : i32
    return %arg0, %c0_i32 : i32, i32
  }
  func.func @transform_2(%arg0: i32) -> (i32, i32) {
    %c0_i32 = arith.constant 0 : i32
    %c0_i32_0 = arith.constant 0 : i32
    return %arg0, %c0_i32 : i32, i32
  }
  func.func @transform_3(%arg0: i32) -> (i32, i32) {
    %c0_i32 = arith.constant 0 : i32
    %c0_i32_0 = arith.constant 0 : i32
    return %arg0, %c0_i32 : i32, i32
  }
  func.func @transform_4(%arg0: i32) -> (i32, i32) {
    %c0_i32 = arith.constant 0 : i32
    %c0_i32_0 = arith.constant 0 : i32
    return %arg0, %c0_i32 : i32, i32
  }
  func.func @transform_5(%arg0: i32) -> (i32, i32) {
    %c0_i32 = arith.constant 0 : i32
    %c0_i32_0 = arith.constant 0 : i32
    %c0_i32_1 = arith.constant 0 : i32
    return %c0_i32, %c0_i32_0 : i32, i32
  }
  func.func @transform_6(%arg0: i32) -> (i32, i32) {
    %c0_i32 = arith.constant 0 : i32
    %c0_i32_0 = arith.constant 0 : i32
    %c0_i32_1 = arith.constant 0 : i32
    return %c0_i32, %c0_i32_0 : i32, i32
  }
  func.func @transform_7(%arg0: i32) -> (i32, i32) {
    %c0_i32 = arith.constant 0 : i32
    %c0_i32_0 = arith.constant 0 : i32
    %c0_i32_1 = arith.constant 0 : i32
    return %c0_i32, %c0_i32_0 : i32, i32
  }
  func.func @transform_8(%arg0: i32) -> (i32, i32) {
    %c0_i32 = arith.constant 0 : i32
    %c0_i32_0 = arith.constant 0 : i32
    %c0_i32_1 = arith.constant 0 : i32
    return %c0_i32, %c0_i32_0 : i32, i32
  }
  func.func @transform_9(%arg0: i32) -> (i32, i32) {
    %c0_i32 = arith.constant 0 : i32
    %c0_i32_0 = arith.constant 0 : i32
    return %arg0, %c0_i32 : i32, i32
  }
  func.func @transform_10(%arg0: i32) -> (i32, i32) {
    %c0_i32 = arith.constant 0 : i32
    %c0_i32_0 = arith.constant 0 : i32
    return %arg0, %c0_i32 : i32, i32
  }
  func.func @transform_11(%arg0: i32) -> (i32, i32) {
    %c0_i32 = arith.constant 0 : i32
    %c0_i32_0 = arith.constant 0 : i32
    return %arg0, %c0_i32 : i32, i32
  }
}

module attributes {stable_mosaic.version = 14 : i64} {
  func.func @_tc_edge_body(%arg0: i32, %arg1: memref<512x16xf32, #tpu.memory_space<vmem>>, %arg2: memref<512x128xf32, #tpu.memory_space<vmem>>, %arg3: memref<16x64xf32, #tpu.memory_space<vmem>>, %arg4: memref<64x64xf32, #tpu.memory_space<vmem>>, %arg5: memref<64x16xf32, #tpu.memory_space<vmem>>, %arg6: memref<1x64xf32, #tpu.memory_space<vmem>>, %arg7: memref<1x64xf32, #tpu.memory_space<vmem>>, %arg8: memref<1x16xf32, #tpu.memory_space<vmem>>, %arg9: memref<512x16xf32, #tpu.memory_space<vmem>>) attributes {dimension_semantics = [#tpu.dimension_semantics<arbitrary>], iteration_bounds = array<i64: 625>, scalar_prefetch = 0 : i64, scratch_operands = 0 : i64, tpu.core_type = #tpu.core_type<tc>, window_params = [{transform_indices = @transform_0, window_bounds = array<i64: 512, 16>}, {transform_indices = @transform_1, window_bounds = array<i64: 512, 128>}, {pipeline_mode = #tpu.pipeline_mode<synchronous>, transform_indices = @transform_2, window_bounds = array<i64: 16, 64>}, {pipeline_mode = #tpu.pipeline_mode<synchronous>, transform_indices = @transform_3, window_bounds = array<i64: 64, 64>}, {pipeline_mode = #tpu.pipeline_mode<synchronous>, transform_indices = @transform_4, window_bounds = array<i64: 64, 16>}, {pipeline_mode = #tpu.pipeline_mode<synchronous>, transform_indices = @transform_5, window_bounds = array<i64: 1, 64>}, {pipeline_mode = #tpu.pipeline_mode<synchronous>, transform_indices = @transform_6, window_bounds = array<i64: 1, 64>}, {pipeline_mode = #tpu.pipeline_mode<synchronous>, transform_indices = @transform_7, window_bounds = array<i64: 1, 16>}, {transform_indices = @transform_8, window_bounds = array<i64: 512, 16>}]} {
    %get3A = arith.constant 0 : index
    %get3A_0 = arith.constant 0 : index
    %get3A_1 = vector.load %arg1[%get3A, %get3A_0] : memref<512x16xf32, #tpu.memory_space<vmem>>, vector<512x16xf32>
    %get3A_2 = arith.constant 0 : index
    %get3A_3 = arith.constant 0 : index
    %get3A_4 = vector.load %arg3[%get3A_2, %get3A_3] : memref<16x64xf32, #tpu.memory_space<vmem>>, vector<16x64xf32>
    %dot_general3A = arith.constant dense<0.000000e+00> : vector<512x64xf32>
    %dot_general3A_5 = tpu.matmul %get3A_1, %get3A_4, %dot_general3A {dimension_numbers = #tpu.dot_dimension_numbers<[1], [0], [0], [1], [0, 0, 1, 1], [], []>, transpose_lhs_hint = false} : vector<512x16xf32>, vector<16x64xf32>, vector<512x64xf32> -> vector<512x64xf32>
    %get3A_6 = arith.constant 0 : index
    %get3A_7 = arith.constant 0 : index
    %get3A_8 = vector.load %arg6[%get3A_6, %get3A_7] : memref<1x64xf32, #tpu.memory_space<vmem>>, vector<1x64xf32>
    %add3A = vector.broadcast %get3A_8 : vector<1x64xf32> to vector<512x64xf32>
    %add3A_9 = arith.addf %dot_general3A_5, %add3A : vector<512x64xf32>
    %max3A = arith.constant 0.000000e+00 : f32
    %max3A_10 = vector.broadcast %max3A : f32 to vector<512x64xf32>
    %max3A_11 = arith.maximumf %add3A_9, %max3A_10 : vector<512x64xf32>
    %get3A_12 = arith.constant 0 : index
    %get3A_13 = arith.constant 0 : index
    %get3A_14 = vector.load %arg4[%get3A_12, %get3A_13] : memref<64x64xf32, #tpu.memory_space<vmem>>, vector<64x64xf32>
    %dot_general3A_15 = arith.constant dense<0.000000e+00> : vector<512x64xf32>
    %dot_general3A_16 = tpu.matmul %max3A_11, %get3A_14, %dot_general3A_15 {dimension_numbers = #tpu.dot_dimension_numbers<[1], [0], [0], [1], [0, 0, 1, 1], [], []>, transpose_lhs_hint = false} : vector<512x64xf32>, vector<64x64xf32>, vector<512x64xf32> -> vector<512x64xf32>
    %get3A_17 = arith.constant 0 : index
    %get3A_18 = arith.constant 0 : index
    %get3A_19 = vector.load %arg7[%get3A_17, %get3A_18] : memref<1x64xf32, #tpu.memory_space<vmem>>, vector<1x64xf32>
    %add3A_20 = vector.broadcast %get3A_19 : vector<1x64xf32> to vector<512x64xf32>
    %add3A_21 = arith.addf %dot_general3A_16, %add3A_20 : vector<512x64xf32>
    %get3A_22 = arith.constant 0 : index
    %get3A_23 = arith.constant 0 : index
    %get3A_24 = vector.load %arg2[%get3A_22, %get3A_23] : memref<512x128xf32, #tpu.memory_space<vmem>>, vector<512x128xf32>
    %slice3A = vector.extract_strided_slice %get3A_24 {offsets = [0, 0], sizes = [512, 64], strides = [1, 1]} : vector<512x128xf32> to vector<512x64xf32>
    %add3A_25 = arith.addf %add3A_21, %slice3A : vector<512x64xf32>
    %slice3A_26 = vector.extract_strided_slice %get3A_24 {offsets = [0, 64], sizes = [512, 64], strides = [1, 1]} : vector<512x128xf32> to vector<512x64xf32>
    %add3A_27 = arith.addf %add3A_25, %slice3A_26 : vector<512x64xf32>
    %max3A_28 = arith.constant 0.000000e+00 : f32
    %max3A_29 = vector.broadcast %max3A_28 : f32 to vector<512x64xf32>
    %max3A_30 = arith.maximumf %add3A_27, %max3A_29 : vector<512x64xf32>
    %get3A_31 = arith.constant 0 : index
    %get3A_32 = arith.constant 0 : index
    %get3A_33 = vector.load %arg5[%get3A_31, %get3A_32] : memref<64x16xf32, #tpu.memory_space<vmem>>, vector<64x16xf32>
    %dot_general3A_34 = arith.constant dense<0.000000e+00> : vector<512x16xf32>
    %dot_general3A_35 = tpu.matmul %max3A_30, %get3A_33, %dot_general3A_34 {dimension_numbers = #tpu.dot_dimension_numbers<[1], [0], [0], [1], [0, 0, 1, 1], [], []>, transpose_lhs_hint = false} : vector<512x64xf32>, vector<64x16xf32>, vector<512x16xf32> -> vector<512x16xf32>
    %get3A_36 = arith.constant 0 : index
    %get3A_37 = arith.constant 0 : index
    %get3A_38 = vector.load %arg8[%get3A_36, %get3A_37] : memref<1x16xf32, #tpu.memory_space<vmem>>, vector<1x16xf32>
    %add3A_39 = vector.broadcast %get3A_38 : vector<1x16xf32> to vector<512x16xf32>
    %add3A_40 = arith.addf %dot_general3A_35, %add3A_39 : vector<512x16xf32>
    %swap3A = arith.constant 0 : index
    %swap3A_41 = arith.constant 0 : index
    %swap3A_42 = vector.load %arg9[%swap3A, %swap3A_41] : memref<512x16xf32, #tpu.memory_space<vmem>>, vector<512x16xf32>
    tpu.vector_store %arg9[%swap3A, %swap3A_41], %add3A_40 {strides = array<i32>} : memref<512x16xf32, #tpu.memory_space<vmem>>, vector<512x16xf32>,
    return
  }
  func.func @transform_0(%arg0: i32) -> (i32, i32) {
    %c0_i32 = arith.constant 0 : i32
    %c0_i32_0 = arith.constant 0 : i32
    return %arg0, %c0_i32 : i32, i32
  }
  func.func @transform_1(%arg0: i32) -> (i32, i32) {
    %c0_i32 = arith.constant 0 : i32
    %c0_i32_0 = arith.constant 0 : i32
    return %arg0, %c0_i32 : i32, i32
  }
  func.func @transform_2(%arg0: i32) -> (i32, i32) {
    %c0_i32 = arith.constant 0 : i32
    %c0_i32_0 = arith.constant 0 : i32
    %c0_i32_1 = arith.constant 0 : i32
    return %c0_i32, %c0_i32_0 : i32, i32
  }
  func.func @transform_3(%arg0: i32) -> (i32, i32) {
    %c0_i32 = arith.constant 0 : i32
    %c0_i32_0 = arith.constant 0 : i32
    %c0_i32_1 = arith.constant 0 : i32
    return %c0_i32, %c0_i32_0 : i32, i32
  }
  func.func @transform_4(%arg0: i32) -> (i32, i32) {
    %c0_i32 = arith.constant 0 : i32
    %c0_i32_0 = arith.constant 0 : i32
    %c0_i32_1 = arith.constant 0 : i32
    return %c0_i32, %c0_i32_0 : i32, i32
  }
  func.func @transform_5(%arg0: i32) -> (i32, i32) {
    %c0_i32 = arith.constant 0 : i32
    %c0_i32_0 = arith.constant 0 : i32
    %c0_i32_1 = arith.constant 0 : i32
    return %c0_i32, %c0_i32_0 : i32, i32
  }
  func.func @transform_6(%arg0: i32) -> (i32, i32) {
    %c0_i32 = arith.constant 0 : i32
    %c0_i32_0 = arith.constant 0 : i32
    %c0_i32_1 = arith.constant 0 : i32
    return %c0_i32, %c0_i32_0 : i32, i32
  }
  func.func @transform_7(%arg0: i32) -> (i32, i32) {
    %c0_i32 = arith.constant 0 : i32
    %c0_i32_0 = arith.constant 0 : i32
    %c0_i32_1 = arith.constant 0 : i32
    return %c0_i32, %c0_i32_0 : i32, i32
  }
  func.func @transform_8(%arg0: i32) -> (i32, i32) {
    %c0_i32 = arith.constant 0 : i32
    %c0_i32_0 = arith.constant 0 : i32
    return %arg0, %c0_i32 : i32, i32
  }
}

</mosaic_0001>

<sc_bundles>
// kernel: kernel.12.cloned.1.call-start
scs
__scs_entry_jumppad:
0x0: {  	(pc) =	sbr.rel $0x88, $3  }
0x1: {  	(tag) =	ssettag $0x0;
	lr =	simm.s32 $0x1  }
0x2: {  	[smem:$0x3F90] =	sst lr;
	_ =	strace $0xD0000000  }
0x3: {  	_ = 	snop  }
0x4: {  	_ = 	snop  }
0x5: {  	_ = 	snop  }
0x6: {  	_ = 	snop  }
0x7: {  	_ = 	snop  }
__scs_overlays_trampoline_lowered:
0x8: {  	[smem:$0x3F9F] =	sst s0  }
0x9: {  	[smem:$0x3FA0] =	sst s1  }
0xa: {  	[smem:$0x3FA1] =	sst s2  }
0xb: {  	[smem:$0x3FA2] =	sst s3  }
0xc: {  	[smem:$0x3FA3] =	sst s4  }
0xd: {  	[smem:$0x3FA4] =	sst s5  }
0xe: {  	[smem:$0x3FA5] =	sst s6  }
0xf: {  	[smem:$0x3FA6] =	sst s7  }
0x10: {  	[smem:$0x3FA7] =	sst s8  }
0x11: {  	[smem:$0x3FA8] =	sst s9;
	s0 =	simm.s32 @!p0 $0x0  }
0x12: {  	s1 =	sld [smem:$0x3F8E];
	s0 =	simm.s32 @p0 $0x1  }
0x13: {  	[smem:$0x3FA9] =	sst s0;
	s0 =	simm.s32 @!p1 $0x0  }
0x14: {  	s2 =	sld [smem:$0x3F8D];
	s0 =	simm.s32 @p1 $0x1  }
0x15: {  	[smem:$0x3FAA] =	sst s0;
	s0 =	simm.s32 @!p2 $0x0  }
0x16: {  	s3 =	sld [smem:$0x3FDB];
	s0 =	simm.s32 @p2 $0x1  }
0x17: {  	s4 =	simm.s32 $0x1BF5;
	[smem:$0x3FAC] =	sst s0  }
0x18: {  	s0 =	sld [smem:$0x3F8F];
	_ =	swait.ge [sflag:s4], $0x0  }
0x19: {  	s7 =	sld [smem:$0x3F90]  }
0x1a: {  	s8 =	sadd.s32 $0xFFFFE003, lr  }
0x1b: {  	s9 =	sadd.s32 $0xFFFFFEF7, lr;
	s5 =	simm.s32 $0xFFFFFFFF;
	p2 =	slt.u32 s8, $0xFFFFF086  }
0x1c: {  	p1 =	slt.u32 s9, $0xF7A;
	s5 =	simm.s32 @!p2 $0x0  }
0x1d: {  	s5 =	simm.s32 @p1 $0x1;
	p0 =	seq.s32 s7, s2  }
0x1e: {  	s7 =	smul.u32 @!p0 $0xF7A, s2;
	p2 =	seq.s32 @!p0 s5, $0x0  }
0x1f: {  	s9 =	smul.u32 $0xF7A, s1;
	s8 =	simm.s32 @!p0 $0x1BF5;
	p2 =	por !p2, p0  }
0x20: {  	[sflag:s8] =	ssyncset.s32 @!p0 $0xFFFFF086;
	s6 =	sadd.s32 @!p0 s3, s7;
	s7 =	simm.s32 @!p0 $0x108  }
0x21: {  	s3 =	sadd.s32 s3, s9;
	s6 =	sadd.s32 @!p0 $0x88, s6;
	s7 =	simm.s32 @p2 $0x1082  }
0x22: {  	[simem:s7], [sflag:s8] =	dma.local @!p0 [hbm:s6], $0xF7A  }
0x23: {  	s9 =	sor.u32 $0xD0000000, s2;
	s6 =	simm.s32 $0x108;
	_ =	swait.ge @!p0 [sflag:s8], $0x0  }
0x24: {  	s3 =	sadd.s32 $0x88, s3;
	s6 =	simm.s32 @!p1 $0x1082;
	[sflag:s4] =	ssyncset.s32 $0xFFFFF086  }
0x25: {  	[simem:s6], [sflag:s4] =	dma.local [hbm:s3], $0xF7A  }
0x26: {  	[smem:$0x3F90] =	sst s1;
	(tag) =	ssettag s2;
	_ =	strace s9  }
0x27: {  	s1 =	sld [smem:$0x3FA0]  }
0x28: {  	s2 =	sld [smem:$0x3FA1]  }
0x29: {  	s4 =	sld [smem:$0x3FA3]  }
0x2a: {  	p0 =	seq.s32 s5, $0x0;
	s5 =	sld [smem:$0x3FA4]  }
0x2b: {  	s6 =	sld [smem:$0x3FA5]  }
0x2c: {  	s7 =	sld [smem:$0x3FA6]  }
0x2d: {  	s3 =	simm.s32 $0x108;
	s8 =	sld [smem:$0x3FA7]  }
0x2e: {  	s3 =	simm.s32 @!p0 $0x1082;
	s9 =	sld [smem:$0x3FA8]  }
0x2f: {  	lr =	sadd.s32 s0, s3;
	s0 =	sld [smem:$0x3F9F]  }
0x30: {  	s3 =	sld [smem:$0x3FA2]  }
0x31: {  	[smem:$0x3FAB] =	sst s10  }
0x32: {  	s10 =	sld [smem:$0x3FA9];
	_ =	sdelay $0x3  }
0x33: {  	p0 =	seq.s32 s10, $0x1;
	s10 =	sld [smem:$0x3FAB];
	_ =	sdelay $0x3  }
0x34: {  	[smem:$0x3FAB] =	sst s10  }
0x35: {  	s10 =	sld [smem:$0x3FAA];
	_ =	sdelay $0x3  }
0x36: {  	p1 =	seq.s32 s10, $0x1;
	s10 =	sld [smem:$0x3FAB];
	_ =	sdelay $0x3  }
0x37: {  	[smem:$0x3FAB] =	sst s10  }
0x38: {  	s10 =	sld [smem:$0x3FAC]  }
0x39: {  	_ = 	snop;
	(pc) =	sbr.ind lr, $3  }
0x3a: {  	_ = 	snop  }
0x3b: {  	_ = 	snop  }
0x3c: {  	p2 =	seq.s32 s10, $0x1;
	s10 =	sld [smem:$0x3FAB]  }
0x3d: {  	_ =	shalt  }
0x3e: {  	_ =	shalt  }
0x3f: {  	_ =	shalt  }
0x40: {  	_ =	shalt  }
0x41: {  	_ =	shalt  }
0x42: {  	_ =	shalt  }
0x43: {  	_ =	shalt  }
0x44: {  	_ =	shalt  }
0x45: {  	_ =	shalt  }
0x46: {  	_ =	shalt  }
0x47: {  	_ =	shalt  }
0x48: {  	_ =	shalt  }
0x49: {  	_ =	shalt  }
0x4a: {  	_ =	shalt  }
0x4b: {  	_ =	shalt  }
0x4c: {  	_ =	shalt  }
0x4d: {  	_ =	shalt  }
0x4e: {  	_ =	shalt  }
0x4f: {  	_ =	shalt  }
0x50: {  	_ =	shalt  }
0x51: {  	_ =	shalt  }
0x52: {  	_ =	shalt  }
0x53: {  	_ =	shalt  }
0x54: {  	_ =	shalt  }
0x55: {  	_ =	shalt  }
0x56: {  	_ =	shalt  }
0x57: {  	_ =	shalt  }
0x58: {  	_ =	shalt  }
0x59: {  	_ =	shalt  }
0x5a: {  	_ =	shalt  }
0x5b: {  	_ =	shalt  }
0x5c: {  	_ =	shalt  }
0x5d: {  	_ =	shalt  }
0x5e: {  	_ =	shalt  }
0x5f: {  	_ =	shalt  }
0x60: {  	_ =	shalt  }
0x61: {  	_ =	shalt  }
0x62: {  	_ =	shalt  }
0x63: {  	_ =	shalt  }
0x64: {  	_ =	shalt  }
0x65: {  	_ =	shalt  }
0x66: {  	_ =	shalt  }
0x67: {  	_ =	shalt  }
0x68: {  	_ =	shalt  }
0x69: {  	_ =	shalt  }
0x6a: {  	_ =	shalt  }
0x6b: {  	_ =	shalt  }
0x6c: {  	_ =	shalt  }
0x6d: {  	_ =	shalt  }
0x6e: {  	_ =	shalt  }
0x6f: {  	_ =	shalt  }
0x70: {  	_ =	shalt  }
0x71: {  	_ =	shalt  }
0x72: {  	_ =	shalt  }
0x73: {  	_ =	shalt  }
0x74: {  	_ =	shalt  }
0x75: {  	_ =	shalt  }
0x76: {  	_ =	shalt  }
0x77: {  	_ =	shalt  }
0x78: {  	_ =	shalt  }
0x79: {  	_ =	shalt  }
0x7a: {  	_ =	shalt  }
0x7b: {  	_ =	shalt  }
0x7c: {  	_ =	shalt  }
0x7d: {  	_ =	shalt  }
0x7e: {  	_ =	shalt  }
0x7f: {  	_ =	shalt  }
0x80: {  	_ =	shalt  }
0x81: {  	_ =	shalt  }
0x82: {  	_ =	shalt  }
0x83: {  	_ =	shalt  }
0x84: {  	_ =	shalt  }
0x85: {  	_ =	shalt  }
0x86: {  	_ =	shalt  }
0x87: {  	_ =	shalt  }
.Lfunc_end0:
.L_simem_size_0:
called_computation_lowered:
.L_overlay_start_0:
0x88: {  	s2 =	sld [smem:$0x3FD9]  }
0x89: {  	s3 =	sld [smem:$0x3FFE];
	_ =	sdelay $0x1  }
0x8a: {  	s1 =	srdreg.scid  }
0x8b: {  	s0 =	sand.u32 $0x1, s1  }
0x8c: {  	s17 =	sshll.u32 s0, $0xA;
	s2 =	sadd.s32 s3, s2  }
0x8d: {  	s2 =	sadd.s32 s2, s17  }
0x8e: {  	[smem:$0x3FB7] =	sst s2  }
0x8f: {  	_ = 	snop  }
0x90: {  	s2 =	sld [smem:$0x3FD0];
	(tm) =	ssettm $0x1  }
0x91: {  	s18 =	sld [smem:$0x3FFB];
	_ =	sdelay $0x3  }
0x92: {  	_ =	strace s18  }
0x93: {  	s3 =	sld [smem:$0x3FFC];
	_ =	sdelay $0x3  }
0x94: {  	_ =	strace s3  }
0x95: {  	s3 =	sld [smem:$0x3FFD];
	_ =	sdelay $0x3  }
0x96: {  	_ =	strace s3  }
0x97: {  	_ =	strace $0x8FFFFFFF  }
0x98: {  	s19 =	sld [smem:$0x3FDB];
	_ =	sdelay $0x1  }
0x99: {  	s4 =	simm.s32 $_scs_section_size  }
0x9a: {  	s5 =	simm.s32 $_size__tile_overlayer_lowered;
	s6 =	simm.s32 $_tile_overlayer_lowered  }
0x9b: {  	s22 =	simm.s32 $0x1BFF;
	s21 =	sshll.u32 s6, $0x1;
	s3 =	sadd.s32 s4, s19  }
0x9c: {  	s7 =	simm.s32 $0x0;
	s20 =	sshll.u32 s5, $0x1;
	s5 =	sadd.s32 s21, s3  }
0x9d: {  	[timem:s7], [sflag:s22] =	dma.local [hbm:s5], s20  }
0x9e: {  	_ =	swait.ge [sflag:s22], s20  }
0x9f: {  	s4 =	ssub.s32 $0x0, s20;
	[sflag:s22] =	ssyncset.done $0x0  }
0xa0: {  	[sflag:s22] =	ssyncadd.s32 s4;
	_ =	sdelay $0x1  }
0xa1: {  	s23 =	simm.s32 $0x1B8B  }
0xa2: {  	_ =	swait.ge [sflag:s23], $0x1  }
0xa3: {  	[sflag:s23] =	ssyncset.done $0x0  }
0xa4: {  	s25 =	simm.s32 $0x1B8E;
	s24 =	sld [smem:$0x3FFE];
	[sflag:s23] =	ssyncadd.s32 $0xFFFFFFFF  }
0xa5: {  	s26 =	simm.s32 $execute0_lowered;
	[smem:$0x3FD2] =	sst s25  }
0xa6: {  	s5 =	sshll.u32 s26, $0x1;
	_ =	strace $0x80000046;
	[dreg:$0x1] =	wrdreg $0xFFFFFFFF  }
0xa7: {  	s28 =	simm.s32 $_size_execute0_lowered;
	s3 =	sadd.s32 s3, s5;
	[dreg:$0x0] =	wrdreg $0x0  }
0xa8: {  	s5 =	sshll.u32 s28, $0x1;
	[dreg:$0x2] =	wrdreg s3  }
0xa9: {  	[dreg:$0x3] =	wrdreg s5  }
0xaa: {  	[dreg:$0x4] =	wrdreg $0xC0  }
0xab: {  	_ =	task [dreg:s7], $0x5FFFF  }
0xac: {  	[dreg:$0x1] =	wrdreg $0xFFFFFFFF  }
0xad: {  	[dreg:$0x0] =	wrdreg $0x60  }
0xae: {  	[dreg:$0x2] =	wrdreg s24  }
0xaf: {  	[dreg:$0x3] =	wrdreg s2  }
0xb0: {  	[dreg:$0x4] =	wrdreg $0x50000  }
0xb1: {  	[dreg:$0x5] =	wrdreg $0x9  }
0xb2: {  	_ =	task.clear_ibuf [dreg:s7], $0x6FFFF;
	_ =	strace $0x90000046  }
0xb3: {  	s29 =	simm.s32 $0x9;
	_ =	strace $0x80000048  }
0xb4: {  	_ =	swait.ge [sflag:s29], $0x1  }
0xb5: {  	[sflag:s29] =	ssyncadd.s32 $0xFFFFFFFF  }
0xb6: {  	_ =	strace $0x90000048  }
0xb7: {  	_ =	sfence  }
0xb8: {  	s30 =	sld [smem:$0x0];
	_ =	sdelay $0x2  }
0xb9: {  	s31 =	sshll.u32 s1, $0xD;
	s1 =	sshrl.u32 s1, $0x2  }
0xba: {  	s3 =	sand.u32 $0x4000, s31;
	s1 =	sadd.s32 s1, s30  }
0xbb: {  	s0 =	sor.u32 s3, s0;
	s1 =	sshll.u32 s1, $0x11  }
0xbc: {  	s0 =	sor.u32 s1, s0  }
0xbd: {  	s0 =	sadd.s32 $0x8F2B, s0  }
0xbe: {  	[sflag:s0] =	ssyncadd.remote.s32 $0x1  }
0xbf: {  	_ =	sfence.sel $0xFFFF  }
0xc0: {  	[dreg:$0x0] =	wrdreg $0xFFFFFFFF;
	(pc) =	sbr.abs _section_cstart, $3  }
0xc1: {  	[dreg:$0x1] =	wrdreg $0xFFFFFFFF  }
0xc2: {  	_ =	task.clear_ibuf [dreg:s7], $0x2FFFF;
	_ =	strace $0x9FFFFFFF  }
0xc3: {  	(tm) =	ssettm $0x7FFFFFFF  }
tec
execute0_lowered:
.L_overlay_start_1:
0x0: {  	(tag) =	ssettag $0x1  }
0x1: {  	s10 =	rddreg [dreg:$0x0]  }
0x2: {  	s11 =	rddreg [dreg:$0x1]  }
0x3: {  	s2 =	rddreg [dreg:$0x2]  }
0x4: {  	s0 =	rddreg [dreg:$0x3];
	s1 =	stileid.u32  }
0x5: {  	s3 =	simm.s32 $0x0;
	s4 =	srdreg.scid;
	s13 =	smul.u32 $0x280, s1  }
0x6: {  	[smem:$0x7FF] =	sst s3;
	s12 =	sand.u32 $0x1, s4;
	s4 =	sadd.s32 $0xE800, s10  }
0x7: {  	s5 =	sshll.u32 s1, $0x6;
	_ =	strace $0x80000047;
	s6 =	sadd.s32 s13, s2  }
0x8: {  	s5 =	sor.u32 $0x1C01, s5;
	s7 =	sshrl.u32 s6, $0x3;
	s6 =	simm.s32 $0x1  }
0x9: {  	[spmem:s7], [sflag:s5] =	dma.local [hbm:s4], $0x50  }
0xa: {  	s8 =	sshll.u32 s12, $0x4;
	_ =	swait.ge [sflag:s6], $0x50  }
0xb: {  	s9 =	simm.s32 $0x2800;
	s8 =	sor.u32 s1, s8;
	[sflag:s6] =	ssyncset.done $0x0  }
0xc: {  	s14 =	smul.u32 $0x500, s8;
	s8 =	sadd.s32 $0xEA00, s10;
	[sflag:s6] =	ssyncadd.s32 $0xFFFFFFB0  }
0xd: {  	[tilespmem:s9], [sflag:$0x1] =	stream.linear.gather [hbm4b:s8+s3], $0x2800, $0x38;
	[tilespmem:$0x5280] =	vst v63  }
0xe: {  	_ =	swait.ge [sflag:s6], $0x2800  }
0xf: {  	s10 =	sadd.s32 s14, s10;
	[sflag:s6] =	ssyncset.done $0x0  }
0x10: {  	s10 =	sadd.s32 $0x4800, s10;
	[sflag:s6] =	ssyncadd.s32 $0xFFFFD800  }
0x11: {  	[tilespmem:s3], [sflag:$0x1] =	stream.linear.gather [hbm4b:s10+s3], $0x2800, $0x38;
	[tilespmem:$0x5280] =	vst v63  }
0x12: {  	_ =	swait.ge [sflag:s6], $0x2800  }
0x13: {  	s30 =	smul.u32 $0x2800, s12;
	s12 =	ssub.s32 $0x2, s12;
	[sflag:s6] =	ssyncset.done $0x0  }
0x14: {  	s31 =	sshrl.u32 s12, $0x1;
	[sflag:s6] =	ssyncadd.s32 $0xFFFFD800  }
0x15: {  	s12 =	ssub.s32 s12, s31;
	[bflag:$0x0] =	sbarrier.arrive $0xFFFF  }
0x16: {  	[spmem:s2] =	stream.indirect.scatter.add.f32 [tilespmem:s9], [sflag:$0x1], $0x1, s3, s9, $0xb8;
	[tilespmem:$0x5280] =	vst v63  }
0x17: {  	s12 =	smax.u32 s12, $0x1;
	_ =	swait.ge [sflag:s6], $0x2800  }
0x18: {  	s13 =	sadd.s32 s13, s30;
	p0 =	sne.s32 s12, $0x1;
	[sflag:s6] =	ssyncset.done $0x0  }
.Ltmp0:
0x19: {  	s13 =	sshrl.u32 s13, $0x3;
	[sflag:s6] =	ssyncadd.s32 $0xFFFFD800;
	(pc) =	sbr.rel @!p0 .LBB2_2-.Ltmp0, $4  }
0x1a: {  	s11 =	sadd.s32 s11, s13;
	[bflag:$0x0] =	sbarrier.arrive $0xFFFF  }
0x1b: {  	[hbm:s11], [sflag:s5] =	dma.local [spmem:s7], $0x50  }
0x1c: {  	_ =	swait.ge [sflag:s6], $0x50  }
0x1d: {  	s12 =	sadd.s32 $0xFFFFFFFF, s12;
	[sflag:s6] =	ssyncset.done $0x0  }
.LBB2_1:
0x1e: {  	p0 =	sne.s32 s12, $0x1;
	s12 =	sadd.s32 $0xFFFFFFFF, s12;
	[sflag:s6] =	ssyncadd.s32 $0xFFFFFFB0  }
0x1f: {  	[spmem:s7], [sflag:s5] =	dma.local [hbm:s4], $0x50  }
0x20: {  	_ =	swait.ge [sflag:s6], $0x50  }
0x21: {  	[sflag:s6] =	ssyncset.done $0x0  }
0x22: {  	[sflag:s6] =	ssyncadd.s32 $0xFFFFFFB0  }
0x23: {  	[tilespmem:s9], [sflag:$0x1] =	stream.linear.gather [hbm4b:s8+s3], $0x2800, $0x38;
	[tilespmem:$0x5280] =	vst v63  }
0x24: {  	_ =	swait.ge [sflag:s6], $0x2800  }
0x25: {  	[sflag:s6] =	ssyncset.done $0x0  }
0x26: {  	[sflag:s6] =	ssyncadd.s32 $0xFFFFD800  }
0x27: {  	[tilespmem:s3], [sflag:$0x1] =	stream.linear.gather [hbm4b:s10+s3], $0x2800, $0x38;
	[tilespmem:$0x5280] =	vst v63  }
0x28: {  	_ =	swait.ge [sflag:s6], $0x2800  }
0x29: {  	[sflag:s6] =	ssyncset.done $0x0  }
0x2a: {  	[sflag:s6] =	ssyncadd.s32 $0xFFFFD800  }
0x2b: {  	[bflag:$0x0] =	sbarrier.arrive $0xFFFF  }
0x2c: {  	[spmem:s2] =	stream.indirect.scatter.add.f32 [tilespmem:s9], [sflag:$0x1], $0x1, s3, s9, $0xb8;
	[tilespmem:$0x5280] =	vst v63  }
0x2d: {  	_ =	swait.ge [sflag:s6], $0x2800  }
0x2e: {  	[sflag:s6] =	ssyncset.done $0x0  }
.Ltmp1:
0x2f: {  	[sflag:s6] =	ssyncadd.s32 $0xFFFFD800;
	(pc) =	sbr.rel @p0 .LBB2_1-.Ltmp1, $4  }
0x30: {  	[bflag:$0x0] =	sbarrier.arrive $0xFFFF  }
0x31: {  	[hbm:s11], [sflag:s5] =	dma.local [spmem:s7], $0x50  }
0x32: {  	_ =	swait.ge [sflag:s6], $0x50  }
0x33: {  	[sflag:s6] =	ssyncset.done $0x0  }
.LBB2_2:
0x34: {  	[sflag:s6] =	ssyncadd.s32 $0xFFFFFFB0  }
0x35: {  	_ =	sfence.sel $0x180000  }
0x36: {  	[bflag:$0x0] =	sbarrier.arrive $0xFFFF  }
0x37: {  	p0 =	sne.s32 s1, $0x0;
	_ =	strace $0x90000047  }
0x38: {  	s0 =	sadd.s32 @!p0 $0x100000, s0;
	[bflag:$0x2] =	sbarrier.arrive $0xFFFF  }
0x39: {  	[sflag:s0] =	ssyncadd.tile.s32 @!p0 $0x1;
	_ =	shalt  }
.Lfunc_end2:
_tile_overlayer_lowered:
.L_overlay_start_2:
0x3a: {  	(tag) =	ssettag $0x2  }
0x3b: {  	s0 =	rddreg [dreg:$0x0];
	s2 =	stileid.u32  }
0x3c: {  	s1 =	rddreg [dreg:$0x1];
	p0 =	sne.s32 s2, $0x0  }
0x3d: {  	s3 =	rddreg [dreg:$0x2];
	[bflag:$0x3] =	sbarrier.arrive $0xFFFF;
	s2 =	simm.s32 @!p0 $0x1C01  }
0x3e: {  	[timem:s3], [sflag:s2] =	dma.local @!p0 [hbm:s0], s1  }
0x3f: {  	s0 =	simm.s32 @!p0 $0x1  }
0x40: {  	_ =	swait.ge @!p0 [sflag:s0], s1  }
0x41: {  	s1 =	ssub.s32 @!p0 $0x0, s1;
	[sflag:s0] =	ssyncset.done @!p0 $0x0  }
0x42: {  	[sflag:s0] =	ssyncadd.s32 @!p0 s1  }
0x43: {  	[bflag:$0x3] =	sbarrier.arrive $0xFFFF  }
0x44: {  	_ =	shalt  }

// kernel: kernel.15.cloned.1.call-start
scs
__scs_entry_jumppad:
0x0: {  	(pc) =	sbr.rel $0x88, $3  }
0x1: {  	(tag) =	ssettag $0x0;
	lr =	simm.s32 $0x1  }
0x2: {  	[smem:$0x3F90] =	sst lr;
	_ =	strace $0xD0000000  }
0x3: {  	_ = 	snop  }
0x4: {  	_ = 	snop  }
0x5: {  	_ = 	snop  }
0x6: {  	_ = 	snop  }
0x7: {  	_ = 	snop  }
__scs_overlays_trampoline_lowered:
0x8: {  	[smem:$0x3F9F] =	sst s0  }
0x9: {  	[smem:$0x3FA0] =	sst s1  }
0xa: {  	[smem:$0x3FA1] =	sst s2  }
0xb: {  	[smem:$0x3FA2] =	sst s3  }
0xc: {  	[smem:$0x3FA3] =	sst s4  }
0xd: {  	[smem:$0x3FA4] =	sst s5  }
0xe: {  	[smem:$0x3FA5] =	sst s6  }
0xf: {  	[smem:$0x3FA6] =	sst s7  }
0x10: {  	[smem:$0x3FA7] =	sst s8  }
0x11: {  	[smem:$0x3FA8] =	sst s9;
	s0 =	simm.s32 @!p0 $0x0  }
0x12: {  	s1 =	sld [smem:$0x3F8E];
	s0 =	simm.s32 @p0 $0x1  }
0x13: {  	[smem:$0x3FA9] =	sst s0;
	s0 =	simm.s32 @!p1 $0x0  }
0x14: {  	s2 =	sld [smem:$0x3F8D];
	s0 =	simm.s32 @p1 $0x1  }
0x15: {  	[smem:$0x3FAA] =	sst s0;
	s0 =	simm.s32 @!p2 $0x0  }
0x16: {  	s3 =	sld [smem:$0x3FDB];
	s0 =	simm.s32 @p2 $0x1  }
0x17: {  	s4 =	simm.s32 $0x1BF5;
	[smem:$0x3FAC] =	sst s0  }
0x18: {  	s0 =	sld [smem:$0x3F8F];
	_ =	swait.ge [sflag:s4], $0x0  }
0x19: {  	s7 =	sld [smem:$0x3F90]  }
0x1a: {  	s8 =	sadd.s32 $0xFFFFE003, lr  }
0x1b: {  	s9 =	sadd.s32 $0xFFFFFEF7, lr;
	s5 =	simm.s32 $0xFFFFFFFF;
	p2 =	slt.u32 s8, $0xFFFFF086  }
0x1c: {  	p1 =	slt.u32 s9, $0xF7A;
	s5 =	simm.s32 @!p2 $0x0  }
0x1d: {  	s5 =	simm.s32 @p1 $0x1;
	p0 =	seq.s32 s7, s2  }
0x1e: {  	s7 =	smul.u32 @!p0 $0xF7A, s2;
	p2 =	seq.s32 @!p0 s5, $0x0  }
0x1f: {  	s9 =	smul.u32 $0xF7A, s1;
	s8 =	simm.s32 @!p0 $0x1BF5;
	p2 =	por !p2, p0  }
0x20: {  	[sflag:s8] =	ssyncset.s32 @!p0 $0xFFFFF086;
	s6 =	sadd.s32 @!p0 s3, s7;
	s7 =	simm.s32 @!p0 $0x108  }
0x21: {  	s3 =	sadd.s32 s3, s9;
	s6 =	sadd.s32 @!p0 $0x88, s6;
	s7 =	simm.s32 @p2 $0x1082  }
0x22: {  	[simem:s7], [sflag:s8] =	dma.local @!p0 [hbm:s6], $0xF7A  }
0x23: {  	s9 =	sor.u32 $0xD0000000, s2;
	s6 =	simm.s32 $0x108;
	_ =	swait.ge @!p0 [sflag:s8], $0x0  }
0x24: {  	s3 =	sadd.s32 $0x88, s3;
	s6 =	simm.s32 @!p1 $0x1082;
	[sflag:s4] =	ssyncset.s32 $0xFFFFF086  }
0x25: {  	[simem:s6], [sflag:s4] =	dma.local [hbm:s3], $0xF7A  }
0x26: {  	[smem:$0x3F90] =	sst s1;
	(tag) =	ssettag s2;
	_ =	strace s9  }
0x27: {  	s1 =	sld [smem:$0x3FA0]  }
0x28: {  	s2 =	sld [smem:$0x3FA1]  }
0x29: {  	s4 =	sld [smem:$0x3FA3]  }
0x2a: {  	p0 =	seq.s32 s5, $0x0;
	s5 =	sld [smem:$0x3FA4]  }
0x2b: {  	s6 =	sld [smem:$0x3FA5]  }
0x2c: {  	s7 =	sld [smem:$0x3FA6]  }
0x2d: {  	s3 =	simm.s32 $0x108;
	s8 =	sld [smem:$0x3FA7]  }
0x2e: {  	s3 =	simm.s32 @!p0 $0x1082;
	s9 =	sld [smem:$0x3FA8]  }
0x2f: {  	lr =	sadd.s32 s0, s3;
	s0 =	sld [smem:$0x3F9F]  }
0x30: {  	s3 =	sld [smem:$0x3FA2]  }
0x31: {  	[smem:$0x3FAB] =	sst s10  }
0x32: {  	s10 =	sld [smem:$0x3FA9];
	_ =	sdelay $0x3  }
0x33: {  	p0 =	seq.s32 s10, $0x1;
	s10 =	sld [smem:$0x3FAB];
	_ =	sdelay $0x3  }
0x34: {  	[smem:$0x3FAB] =	sst s10  }
0x35: {  	s10 =	sld [smem:$0x3FAA];
	_ =	sdelay $0x3  }
0x36: {  	p1 =	seq.s32 s10, $0x1;
	s10 =	sld [smem:$0x3FAB];
	_ =	sdelay $0x3  }
0x37: {  	[smem:$0x3FAB] =	sst s10  }
0x38: {  	s10 =	sld [smem:$0x3FAC]  }
0x39: {  	_ = 	snop;
	(pc) =	sbr.ind lr, $3  }
0x3a: {  	_ = 	snop  }
0x3b: {  	_ = 	snop  }
0x3c: {  	p2 =	seq.s32 s10, $0x1;
	s10 =	sld [smem:$0x3FAB]  }
0x3d: {  	_ =	shalt  }
0x3e: {  	_ =	shalt  }
0x3f: {  	_ =	shalt  }
0x40: {  	_ =	shalt  }
0x41: {  	_ =	shalt  }
0x42: {  	_ =	shalt  }
0x43: {  	_ =	shalt  }
0x44: {  	_ =	shalt  }
0x45: {  	_ =	shalt  }
0x46: {  	_ =	shalt  }
0x47: {  	_ =	shalt  }
0x48: {  	_ =	shalt  }
0x49: {  	_ =	shalt  }
0x4a: {  	_ =	shalt  }
0x4b: {  	_ =	shalt  }
0x4c: {  	_ =	shalt  }
0x4d: {  	_ =	shalt  }
0x4e: {  	_ =	shalt  }
0x4f: {  	_ =	shalt  }
0x50: {  	_ =	shalt  }
0x51: {  	_ =	shalt  }
0x52: {  	_ =	shalt  }
0x53: {  	_ =	shalt  }
0x54: {  	_ =	shalt  }
0x55: {  	_ =	shalt  }
0x56: {  	_ =	shalt  }
0x57: {  	_ =	shalt  }
0x58: {  	_ =	shalt  }
0x59: {  	_ =	shalt  }
0x5a: {  	_ =	shalt  }
0x5b: {  	_ =	shalt  }
0x5c: {  	_ =	shalt  }
0x5d: {  	_ =	shalt  }
0x5e: {  	_ =	shalt  }
0x5f: {  	_ =	shalt  }
0x60: {  	_ =	shalt  }
0x61: {  	_ =	shalt  }
0x62: {  	_ =	shalt  }
0x63: {  	_ =	shalt  }
0x64: {  	_ =	shalt  }
0x65: {  	_ =	shalt  }
0x66: {  	_ =	shalt  }
0x67: {  	_ =	shalt  }
0x68: {  	_ =	shalt  }
0x69: {  	_ =	shalt  }
0x6a: {  	_ =	shalt  }
0x6b: {  	_ =	shalt  }
0x6c: {  	_ =	shalt  }
0x6d: {  	_ =	shalt  }
0x6e: {  	_ =	shalt  }
0x6f: {  	_ =	shalt  }
0x70: {  	_ =	shalt  }
0x71: {  	_ =	shalt  }
0x72: {  	_ =	shalt  }
0x73: {  	_ =	shalt  }
0x74: {  	_ =	shalt  }
0x75: {  	_ =	shalt  }
0x76: {  	_ =	shalt  }
0x77: {  	_ =	shalt  }
0x78: {  	_ =	shalt  }
0x79: {  	_ =	shalt  }
0x7a: {  	_ =	shalt  }
0x7b: {  	_ =	shalt  }
0x7c: {  	_ =	shalt  }
0x7d: {  	_ =	shalt  }
0x7e: {  	_ =	shalt  }
0x7f: {  	_ =	shalt  }
0x80: {  	_ =	shalt  }
0x81: {  	_ =	shalt  }
0x82: {  	_ =	shalt  }
0x83: {  	_ =	shalt  }
0x84: {  	_ =	shalt  }
0x85: {  	_ =	shalt  }
0x86: {  	_ =	shalt  }
0x87: {  	_ =	shalt  }
.Lfunc_end0:
.L_simem_size_0:
called_computation.1_lowered:
.L_overlay_start_0:
0x88: {  	s2 =	sld [smem:$0x3FD9]  }
0x89: {  	s3 =	sld [smem:$0x3FFE];
	_ =	sdelay $0x1  }
0x8a: {  	s1 =	srdreg.scid  }
0x8b: {  	s0 =	sand.u32 $0x1, s1  }
0x8c: {  	s17 =	sshll.u32 s0, $0xA;
	s2 =	sadd.s32 s3, s2  }
0x8d: {  	s2 =	sadd.s32 s2, s17  }
0x8e: {  	[smem:$0x3FB7] =	sst s2  }
0x8f: {  	_ = 	snop  }
0x90: {  	s2 =	sld [smem:$0x3FD0];
	(tm) =	ssettm $0x1  }
0x91: {  	s18 =	sld [smem:$0x3FFB];
	_ =	sdelay $0x3  }
0x92: {  	_ =	strace s18  }
0x93: {  	s3 =	sld [smem:$0x3FFC];
	_ =	sdelay $0x3  }
0x94: {  	_ =	strace s3  }
0x95: {  	s3 =	sld [smem:$0x3FFD];
	_ =	sdelay $0x3  }
0x96: {  	_ =	strace s3  }
0x97: {  	_ =	strace $0x8FFFFFFF  }
0x98: {  	s19 =	sld [smem:$0x3FDB];
	_ =	sdelay $0x1  }
0x99: {  	s4 =	simm.s32 $_scs_section_size  }
0x9a: {  	s5 =	simm.s32 $_size__tile_overlayer_lowered;
	s6 =	simm.s32 $_tile_overlayer_lowered  }
0x9b: {  	s22 =	simm.s32 $0x1BFF;
	s21 =	sshll.u32 s6, $0x1;
	s3 =	sadd.s32 s4, s19  }
0x9c: {  	s7 =	simm.s32 $0x0;
	s20 =	sshll.u32 s5, $0x1;
	s5 =	sadd.s32 s21, s3  }
0x9d: {  	[timem:s7], [sflag:s22] =	dma.local [hbm:s5], s20  }
0x9e: {  	_ =	swait.ge [sflag:s22], s20  }
0x9f: {  	s4 =	ssub.s32 $0x0, s20;
	[sflag:s22] =	ssyncset.done $0x0  }
0xa0: {  	[sflag:s22] =	ssyncadd.s32 s4;
	_ =	sdelay $0x1  }
0xa1: {  	s23 =	simm.s32 $0x1B8B  }
0xa2: {  	_ =	swait.ge [sflag:s23], $0x1  }
0xa3: {  	[sflag:s23] =	ssyncset.done $0x0  }
0xa4: {  	s25 =	simm.s32 $0x1B8E;
	s24 =	sld [smem:$0x3FFE];
	[sflag:s23] =	ssyncadd.s32 $0xFFFFFFFF  }
0xa5: {  	s26 =	simm.s32 $execute0_lowered;
	[smem:$0x3FD2] =	sst s25  }
0xa6: {  	s5 =	sshll.u32 s26, $0x1;
	_ =	strace $0x80000049;
	[dreg:$0x1] =	wrdreg $0xFFFFFFFF  }
0xa7: {  	s28 =	simm.s32 $_size_execute0_lowered;
	s3 =	sadd.s32 s3, s5;
	[dreg:$0x0] =	wrdreg $0x0  }
0xa8: {  	s5 =	sshll.u32 s28, $0x1;
	[dreg:$0x2] =	wrdreg s3  }
0xa9: {  	[dreg:$0x3] =	wrdreg s5  }
0xaa: {  	[dreg:$0x4] =	wrdreg $0xC0  }
0xab: {  	_ =	task [dreg:s7], $0x5FFFF  }
0xac: {  	[dreg:$0x1] =	wrdreg $0xFFFFFFFF  }
0xad: {  	[dreg:$0x0] =	wrdreg $0x60  }
0xae: {  	[dreg:$0x2] =	wrdreg s24  }
0xaf: {  	[dreg:$0x3] =	wrdreg s2  }
0xb0: {  	[dreg:$0x4] =	wrdreg $0x150000  }
0xb1: {  	[dreg:$0x5] =	wrdreg $0x9  }
0xb2: {  	_ =	task.clear_ibuf [dreg:s7], $0x6FFFF;
	_ =	strace $0x90000049  }
0xb3: {  	s29 =	simm.s32 $0x9;
	_ =	strace $0x8000004B  }
0xb4: {  	_ =	swait.ge [sflag:s29], $0x1  }
0xb5: {  	[sflag:s29] =	ssyncadd.s32 $0xFFFFFFFF  }
0xb6: {  	_ =	strace $0x9000004B  }
0xb7: {  	_ =	sfence  }
0xb8: {  	s30 =	sld [smem:$0x0];
	_ =	sdelay $0x2  }
0xb9: {  	s31 =	sshll.u32 s1, $0xD;
	s1 =	sshrl.u32 s1, $0x2  }
0xba: {  	s3 =	sand.u32 $0x4000, s31;
	s1 =	sadd.s32 s1, s30  }
0xbb: {  	s0 =	sor.u32 s3, s0;
	s1 =	sshll.u32 s1, $0x11  }
0xbc: {  	s0 =	sor.u32 s1, s0  }
0xbd: {  	s0 =	sadd.s32 $0x8F2B, s0  }
0xbe: {  	[sflag:s0] =	ssyncadd.remote.s32 $0x1  }
0xbf: {  	_ =	sfence.sel $0xFFFF  }
0xc0: {  	[dreg:$0x0] =	wrdreg $0xFFFFFFFF;
	(pc) =	sbr.abs _section_cstart, $3  }
0xc1: {  	[dreg:$0x1] =	wrdreg $0xFFFFFFFF  }
0xc2: {  	_ =	task.clear_ibuf [dreg:s7], $0x2FFFF;
	_ =	strace $0x9FFFFFFF  }
0xc3: {  	(tm) =	ssettm $0x7FFFFFFF  }
tec
execute0_lowered:
.L_overlay_start_1:
0x0: {  	(tag) =	ssettag $0x1  }
0x1: {  	s0 =	srdreg.scid;
	s9 =	rddreg [dreg:$0x0]  }
0x2: {  	s4 =	rddreg [dreg:$0x1];
	s1 =	sand.u32 $0x1, s0  }
0x3: {  	s3 =	simm.s32 $0x0;
	s0 =	stileid.u32;
	s2 =	sshll.u32 s1, $0x4  }
0x4: {  	[smem:$0x7FF] =	sst s3;
	s2 =	sor.u32 s0, s2  }
0x5: {  	s11 =	simm.s32 $0x800;
	s5 =	smul.u32 $0x500, s2;
	s2 =	rddreg [dreg:$0x2]  }
0x6: {  	s12 =	simm.s32 $0x2E00;
	_ =	strace $0x8000004A;
	[dreg:$0xf] =	wrdreg s11  }
0x7: {  	s13 =	simm.s32 $0xA00;
	[dreg:$0x10] =	wrdreg s12  }
0x8: {  	s14 =	simm.s32 $0x3000;
	[dreg:$0x11] =	wrdreg s13  }
0x9: {  	s15 =	simm.s32 $0xC00;
	[dreg:$0x12] =	wrdreg s14  }
0xa: {  	s16 =	simm.s32 $0x3200;
	s7 =	smul.u32 $0x140000, s1;
	[dreg:$0x13] =	wrdreg s15  }
0xb: {  	s17 =	simm.s32 $0xE00;
	s8 =	smul.u32 $0x14000, s0;
	[dreg:$0x14] =	wrdreg s16  }
0xc: {  	s18 =	simm.s32 $0x3400;
	s6 =	smul.u32 $0x28000, s0;
	[dreg:$0x15] =	wrdreg s17  }
0xd: {  	s7 =	sadd.s32 s8, s7;
	s8 =	simm.s32 $0x600;
	[dreg:$0x16] =	wrdreg s18  }
0xe: {  	s11 =	simm.s32 $0x1A00;
	s7 =	sshrl.u32 s7, $0x3;
	[dreg:$0xd] =	wrdreg s8  }
0xf: {  	s6 =	sshrl.u32 s6, $0x2;
	[smem:$0x7FD] =	sst s11;
	s4 =	sadd.s32 s4, s7  }
0x10: {  	s5 =	sadd.s32 s5, s9;
	s7 =	simm.s32 $0x2A00;
	[dreg:$0x6] =	wrdreg s4  }
0x11: {  	s6 =	sadd.s32 s6, s2;
	s10 =	sadd.s32 $0xF000, s5;
	[dreg:$0xc] =	wrdreg s7  }
0x12: {  	s19 =	sadd.s32 $0x2000, s6;
	s5 =	sadd.s32 $0x4800, s5;
	[dreg:$0x4] =	wrdreg s10  }
0x13: {  	s20 =	sadd.s32 $0x4000, s6;
	s21 =	sshrl.u32 s19, $0x3;
	[dreg:$0x5] =	wrdreg s5  }
0x14: {  	s22 =	sadd.s32 $0x6000, s6;
	s23 =	sshrl.u32 s20, $0x3;
	[dreg:$0x7] =	wrdreg s21  }
0x15: {  	s24 =	sadd.s32 $0x8000, s6;
	s25 =	sshrl.u32 s22, $0x3;
	[dreg:$0x8] =	wrdreg s23  }
0x16: {  	s26 =	sshrl.u32 s24, $0x3;
	[dreg:$0x9] =	wrdreg s25  }
0x17: {  	s19 =	simm.s32 $0x1000;
	[dreg:$0xa] =	wrdreg s26  }
0x18: {  	s20 =	simm.s32 $0x3600;
	[dreg:$0x17] =	wrdreg s19  }
0x19: {  	s22 =	simm.s32 $0x3800;
	[dreg:$0x18] =	wrdreg s20  }
0x1a: {  	s24 =	simm.s32 $0x3A00;
	[dreg:$0x1a] =	wrdreg s22  }
0x1b: {  	s7 =	simm.s32 $0x1800;
	[dreg:$0x1c] =	wrdreg s24  }
0x1c: {  	s5 =	simm.s32 $0x400;
	[dreg:$0x1f] =	wrdreg s7  }
0x1d: {  	s10 =	simm.s32 $0x2C00;
	[dreg:$0xb] =	wrdreg s5  }
0x1e: {  	s21 =	simm.s32 $0x1200;
	[dreg:$0xe] =	wrdreg s10  }
0x1f: {  	s23 =	simm.s32 $0x1400;
	[dreg:$0x19] =	wrdreg s21  }
0x20: {  	s8 =	sshll.u32 s0, $0x6;
	s25 =	simm.s32 $0x1600;
	[dreg:$0x1b] =	wrdreg s23  }
0x21: {  	s4 =	sadd.s32 $0xE800, s9;
	s26 =	simm.s32 $0x3C00;
	[dreg:$0x1d] =	wrdreg s25  }
0x22: {  	s7 =	sshrl.u32 s6, $0x3;
	[dreg:$0x1e] =	wrdreg s26;
	s10 =	simm.s32 $0x3E00  }
0x23: {  	s6 =	simm.s32 $0x3;
	s5 =	sor.u32 $0x1C03, s8;
	[smem:$0x7FC] =	sst s10  }
0x24: {  	[spmem:s7], [sflag:s5] =	dma.local [hbm:s4], $0x400  }
0x25: {  	_ =	swait.ge [sflag:s6], $0x400  }
0x26: {  	[sflag:s6] =	ssyncset.done $0x0  }
0x27: {  	s12 =	rddreg [dreg:$0x7];
	[sflag:s6] =	ssyncadd.s32 $0xFFFFFC00  }
0x28: {  	[spmem:s12], [sflag:s5] =	dma.local [hbm:s4], $0x400  }
0x29: {  	_ =	swait.ge [sflag:s6], $0x400  }
0x2a: {  	[sflag:s6] =	ssyncset.done $0x0  }
0x2b: {  	s13 =	rddreg [dreg:$0x8];
	[sflag:s6] =	ssyncadd.s32 $0xFFFFFC00  }
0x2c: {  	[spmem:s13], [sflag:s5] =	dma.local [hbm:s4], $0x400  }
0x2d: {  	_ =	swait.ge [sflag:s6], $0x400  }
0x2e: {  	[sflag:s6] =	ssyncset.done $0x0  }
0x2f: {  	s14 =	rddreg [dreg:$0x9];
	[sflag:s6] =	ssyncadd.s32 $0xFFFFFC00  }
0x30: {  	[spmem:s14], [sflag:s5] =	dma.local [hbm:s4], $0x400  }
0x31: {  	_ =	swait.ge [sflag:s6], $0x400  }
0x32: {  	[sflag:s6] =	ssyncset.done $0x0  }
0x33: {  	s15 =	rddreg [dreg:$0xa];
	[sflag:s6] =	ssyncadd.s32 $0xFFFFFC00  }
0x34: {  	[spmem:s15], [sflag:s5] =	dma.local [hbm:s4], $0x400  }
0x35: {  	_ =	swait.ge [sflag:s6], $0x400  }
0x36: {  	[sflag:s6] =	ssyncset.done $0x0  }
0x37: {  	s16 =	rddreg [dreg:$0x4];
	[sflag:s6] =	ssyncadd.s32 $0xFFFFFC00  }
0x38: {  	[tilespmem:s3], [sflag:$0x3] =	stream.linear.gather [hbm4b:s16+s3], $0x2800, $0x38;
	[tilespmem:$0x1F000] =	vst v63  }
0x39: {  	_ =	swait.ge [sflag:s6], $0x2800  }
0x3a: {  	[sflag:s6] =	ssyncset.done $0x0  }
0x3b: {  	s8 =	simm.s32 $0x2800;
	s17 =	rddreg [dreg:$0x5];
	[sflag:s6] =	ssyncadd.s32 $0xFFFFD800  }
0x3c: {  	[tilespmem:s8], [sflag:$0x3] =	stream.linear.gather [hbm4b:s17+s3], $0x2800, $0x38;
	[tilespmem:$0x1F000] =	vst v63  }
0x3d: {  	_ =	swait.ge [sflag:s6], $0x2800  }
0x3e: {  	[sflag:s6] =	ssyncset.done $0x0  }
0x3f: {  	s11 =	simm.s32 $0x5000;
	[sflag:s6] =	ssyncadd.s32 $0xFFFFD800  }
0x40: {  	s9 =	sadd.s32 $0x40200, s9;
	s10 =	simm.s32 $0x200;
	[bflag:$0x0] =	sbarrier.arrive $0xFFFF  }
0x41: {  	[tilespmem:s11], [sflag:$0x1] =	stream.indirect.gather [hbm4b:s9+s10], $0x40, s3, s10, $0xb8;
	[tilespmem:$0x1F000] =	vst v63  }
0x42: {  	s12 =	simm.s32 $0xD000;
	s13 =	simm.s32 $0x1  }
0x43: {  	[tilespmem:s12], [sflag:$0x2] =	stream.indirect.gather [hbm4b:s9+s10], $0x40, s10, s10, $0xb8;
	[tilespmem:$0x1F000] =	vst v63  }
0x44: {  	_ =	swait.ge [sflag:s13], $0x8000  }
0x45: {  	[sflag:s13] =	ssyncset.done $0x0  }
0x46: {  	[sflag:s13] =	ssyncadd.s32 $0xFFFF8000  }
0x47: {  	[spmem:s2] =	stream.indirect.scatter.add.f32 [tilespmem:s11], [sflag:$0x3], $0x40, s8, s10, $0xb8;
	[tilespmem:$0x1F000] =	vst v63  }
0x48: {  	_ =	swait.ge [sflag:s6], $0x8000  }
0x49: {  	[sflag:s6] =	ssyncset.done $0x0  }
0x4a: {  	s14 =	simm.s32 $0x2;
	s15 =	rddreg [dreg:$0xb];
	[sflag:s6] =	ssyncadd.s32 $0xFFFF8000  }
0x4b: {  	[tilespmem:s11], [sflag:$0x1] =	stream.indirect.gather [hbm4b:s9+s10], $0x40, s15, s10, $0xb8;
	[tilespmem:$0x1F000] =	vst v63  }
0x4c: {  	_ =	swait.ge [sflag:s14], $0x8000  }
0x4d: {  	[sflag:s14] =	ssyncset.done $0x0  }
0x4e: {  	s18 =	rddreg [dreg:$0xc];
	[sflag:s14] =	ssyncadd.s32 $0xFFFF8000  }
0x4f: {  	[spmem:s2] =	stream.indirect.scatter.add.f32 [tilespmem:s12], [sflag:$0x3], $0x40, s18, s10, $0xb8;
	[tilespmem:$0x1F000] =	vst v63  }
0x50: {  	_ =	swait.ge [sflag:s6], $0x8000  }
0x51: {  	[sflag:s6] =	ssyncset.done $0x0  }
0x52: {  	s19 =	rddreg [dreg:$0xd];
	[sflag:s6] =	ssyncadd.s32 $0xFFFF8000  }
0x53: {  	[tilespmem:s12], [sflag:$0x2] =	stream.indirect.gather [hbm4b:s9+s10], $0x40, s19, s10, $0xb8;
	[tilespmem:$0x1F000] =	vst v63  }
0x54: {  	_ =	swait.ge [sflag:s13], $0x8000  }
0x55: {  	[sflag:s13] =	ssyncset.done $0x0  }
0x56: {  	s20 =	rddreg [dreg:$0xe];
	[sflag:s13] =	ssyncadd.s32 $0xFFFF8000  }
0x57: {  	[spmem:s2] =	stream.indirect.scatter.add.f32 [tilespmem:s11], [sflag:$0x3], $0x40, s20, s10, $0xb8;
	[tilespmem:$0x1F000] =	vst v63  }
0x58: {  	_ =	swait.ge [sflag:s6], $0x8000  }
0x59: {  	[sflag:s6] =	ssyncset.done $0x0  }
0x5a: {  	s21 =	rddreg [dreg:$0xf];
	[sflag:s6] =	ssyncadd.s32 $0xFFFF8000  }
0x5b: {  	[tilespmem:s11], [sflag:$0x1] =	stream.indirect.gather [hbm4b:s9+s10], $0x40, s21, s10, $0xb8;
	[tilespmem:$0x1F000] =	vst v63  }
0x5c: {  	_ =	swait.ge [sflag:s14], $0x8000  }
0x5d: {  	[sflag:s14] =	ssyncset.done $0x0  }
0x5e: {  	s22 =	rddreg [dreg:$0x10];
	[sflag:s14] =	ssyncadd.s32 $0xFFFF8000  }
0x5f: {  	[spmem:s2] =	stream.indirect.scatter.add.f32 [tilespmem:s12], [sflag:$0x3], $0x40, s22, s10, $0xb8;
	[tilespmem:$0x1F000] =	vst v63  }
0x60: {  	_ =	swait.ge [sflag:s6], $0x8000  }
0x61: {  	[sflag:s6] =	ssyncset.done $0x0  }
0x62: {  	s23 =	rddreg [dreg:$0x11];
	[sflag:s6] =	ssyncadd.s32 $0xFFFF8000  }
0x63: {  	[tilespmem:s12], [sflag:$0x2] =	stream.indirect.gather [hbm4b:s9+s10], $0x40, s23, s10, $0xb8;
	[tilespmem:$0x1F000] =	vst v63  }
0x64: {  	_ =	swait.ge [sflag:s13], $0x8000  }
0x65: {  	[sflag:s13] =	ssyncset.done $0x0  }
0x66: {  	s24 =	rddreg [dreg:$0x12];
	[sflag:s13] =	ssyncadd.s32 $0xFFFF8000  }
0x67: {  	[spmem:s2] =	stream.indirect.scatter.add.f32 [tilespmem:s11], [sflag:$0x3], $0x40, s24, s10, $0xb8;
	[tilespmem:$0x1F000] =	vst v63  }
0x68: {  	_ =	swait.ge [sflag:s6], $0x8000  }
0x69: {  	[sflag:s6] =	ssyncset.done $0x0  }
0x6a: {  	s25 =	rddreg [dreg:$0x13];
	[sflag:s6] =	ssyncadd.s32 $0xFFFF8000  }
0x6b: {  	[tilespmem:s11], [sflag:$0x1] =	stream.indirect.gather [hbm4b:s9+s10], $0x40, s25, s10, $0xb8;
	[tilespmem:$0x1F000] =	vst v63  }
0x6c: {  	_ =	swait.ge [sflag:s14], $0x8000  }
0x6d: {  	[sflag:s14] =	ssyncset.done $0x0  }
0x6e: {  	s26 =	rddreg [dreg:$0x14];
	[sflag:s14] =	ssyncadd.s32 $0xFFFF8000  }
0x6f: {  	[spmem:s2] =	stream.indirect.scatter.add.f32 [tilespmem:s12], [sflag:$0x3], $0x40, s26, s10, $0xb8;
	[tilespmem:$0x1F000] =	vst v63  }
0x70: {  	_ =	swait.ge [sflag:s6], $0x8000  }
0x71: {  	[sflag:s6] =	ssyncset.done $0x0  }
0x72: {  	s0 =	rddreg [dreg:$0x15];
	[sflag:s6] =	ssyncadd.s32 $0xFFFF8000  }
0x73: {  	[tilespmem:s12], [sflag:$0x2] =	stream.indirect.gather [hbm4b:s9+s10], $0x40, s0, s10, $0xb8;
	[tilespmem:$0x1F000] =	vst v63  }
0x74: {  	_ =	swait.ge [sflag:s13], $0x8000  }
0x75: {  	[sflag:s13] =	ssyncset.done $0x0  }
0x76: {  	s16 =	rddreg [dreg:$0x16];
	[sflag:s13] =	ssyncadd.s32 $0xFFFF8000  }
0x77: {  	[spmem:s2] =	stream.indirect.scatter.add.f32 [tilespmem:s11], [sflag:$0x3], $0x40, s16, s10, $0xb8;
	[tilespmem:$0x1F000] =	vst v63  }
0x78: {  	_ =	swait.ge [sflag:s6], $0x8000  }
0x79: {  	[sflag:s6] =	ssyncset.done $0x0  }
0x7a: {  	s17 =	rddreg [dreg:$0x17];
	[sflag:s6] =	ssyncadd.s32 $0xFFFF8000  }
0x7b: {  	[tilespmem:s11], [sflag:$0x1] =	stream.indirect.gather [hbm4b:s9+s10], $0x40, s17, s10, $0xb8;
	[tilespmem:$0x1F000] =	vst v63  }
0x7c: {  	_ =	swait.ge [sflag:s14], $0x8000  }
0x7d: {  	[sflag:s14] =	ssyncset.done $0x0  }
0x7e: {  	s18 =	rddreg [dreg:$0x18];
	[sflag:s14] =	ssyncadd.s32 $0xFFFF8000  }
0x7f: {  	[spmem:s2] =	stream.indirect.scatter.add.f32 [tilespmem:s12], [sflag:$0x3], $0x40, s18, s10, $0xb8;
	[tilespmem:$0x1F000] =	vst v63  }
0x80: {  	_ =	swait.ge [sflag:s6], $0x8000  }
0x81: {  	[sflag:s6] =	ssyncset.done $0x0  }
0x82: {  	s19 =	rddreg [dreg:$0x19];
	[sflag:s6] =	ssyncadd.s32 $0xFFFF8000  }
0x83: {  	[tilespmem:s12], [sflag:$0x2] =	stream.indirect.gather [hbm4b:s9+s10], $0x40, s19, s10, $0xb8;
	[tilespmem:$0x1F000] =	vst v63  }
0x84: {  	_ =	swait.ge [sflag:s13], $0x8000  }
0x85: {  	[sflag:s13] =	ssyncset.done $0x0  }
0x86: {  	s20 =	rddreg [dreg:$0x1a];
	[sflag:s13] =	ssyncadd.s32 $0xFFFF8000  }
0x87: {  	[spmem:s2] =	stream.indirect.scatter.add.f32 [tilespmem:s11], [sflag:$0x3], $0x40, s20, s10, $0xb8;
	[tilespmem:$0x1F000] =	vst v63  }
0x88: {  	_ =	swait.ge [sflag:s6], $0x8000  }
0x89: {  	[sflag:s6] =	ssyncset.done $0x0  }
0x8a: {  	s21 =	rddreg [dreg:$0x1b];
	[sflag:s6] =	ssyncadd.s32 $0xFFFF8000  }
0x8b: {  	[tilespmem:s11], [sflag:$0x1] =	stream.indirect.gather [hbm4b:s9+s10], $0x40, s21, s10, $0xb8;
	[tilespmem:$0x1F000] =	vst v63  }
0x8c: {  	_ =	swait.ge [sflag:s14], $0x8000  }
0x8d: {  	[sflag:s14] =	ssyncset.done $0x0  }
0x8e: {  	s22 =	rddreg [dreg:$0x1c];
	[sflag:s14] =	ssyncadd.s32 $0xFFFF8000  }
0x8f: {  	[spmem:s2] =	stream.indirect.scatter.add.f32 [tilespmem:s12], [sflag:$0x3], $0x40, s22, s10, $0xb8;
	[tilespmem:$0x1F000] =	vst v63  }
0x90: {  	_ =	swait.ge [sflag:s6], $0x8000  }
0x91: {  	[sflag:s6] =	ssyncset.done $0x0  }
0x92: {  	s23 =	rddreg [dreg:$0x1d];
	[sflag:s6] =	ssyncadd.s32 $0xFFFF8000  }
0x93: {  	[tilespmem:s12], [sflag:$0x2] =	stream.indirect.gather [hbm4b:s9+s10], $0x40, s23, s10, $0xb8;
	[tilespmem:$0x1F000] =	vst v63  }
0x94: {  	_ =	swait.ge [sflag:s13], $0x8000  }
0x95: {  	[sflag:s13] =	ssyncset.done $0x0  }
0x96: {  	s24 =	rddreg [dreg:$0x1e];
	[sflag:s13] =	ssyncadd.s32 $0xFFFF8000  }
0x97: {  	[spmem:s2] =	stream.indirect.scatter.add.f32 [tilespmem:s11], [sflag:$0x3], $0x40, s24, s10, $0xb8;
	[tilespmem:$0x1F000] =	vst v63  }
0x98: {  	_ =	swait.ge [sflag:s6], $0x8000  }
0x99: {  	[sflag:s6] =	ssyncset.done $0x0  }
0x9a: {  	s25 =	rddreg [dreg:$0x1f];
	[sflag:s6] =	ssyncadd.s32 $0xFFFF8000  }
0x9b: {  	[tilespmem:s11], [sflag:$0x1] =	stream.indirect.gather [hbm4b:s9+s10], $0x40, s25, s10, $0xb8;
	[tilespmem:$0x1F000] =	vst v63  }
0x9c: {  	_ =	swait.ge [sflag:s14], $0x8000  }
0x9d: {  	s26 =	sld [smem:$0x7FC]  }
0x9e: {  	[sflag:s14] =	ssyncset.done $0x0  }
0x9f: {  	[sflag:s14] =	ssyncadd.s32 $0xFFFF8000  }
0xa0: {  	[spmem:s2] =	stream.indirect.scatter.add.f32 [tilespmem:s12], [sflag:$0x3], $0x40, s26, s10, $0xb8;
	[tilespmem:$0x1F000] =	vst v63  }
0xa1: {  	_ =	swait.ge [sflag:s6], $0x8000  }
0xa2: {  	s0 =	sld [smem:$0x7FD]  }
0xa3: {  	[sflag:s6] =	ssyncset.done $0x0  }
0xa4: {  	[sflag:s6] =	ssyncadd.s32 $0xFFFF8000  }
0xa5: {  	[tilespmem:s12], [sflag:$0x2] =	stream.indirect.gather [hbm4b:s9+s10], $0x40, s0, s10, $0xb8;
	[tilespmem:$0x1F000] =	vst v63  }
0xa6: {  	_ =	swait.ge [sflag:s13], $0x8000  }
0xa7: {  	[sflag:s13] =	ssyncset.done $0x0  }
0xa8: {  	s15 =	simm.s32 $0x4000;
	[sflag:s13] =	ssyncadd.s32 $0xFFFF8000  }
0xa9: {  	[spmem:s2] =	stream.indirect.scatter.add.f32 [tilespmem:s11], [sflag:$0x3], $0x40, s15, s10, $0xb8;
	[tilespmem:$0x1F000] =	vst v63  }
0xaa: {  	_ =	swait.ge [sflag:s6], $0x8000  }
0xab: {  	[sflag:s6] =	ssyncset.done $0x0  }
0xac: {  	s16 =	simm.s32 $0x1C00;
	[sflag:s6] =	ssyncadd.s32 $0xFFFF8000  }
0xad: {  	[tilespmem:s11], [sflag:$0x1] =	stream.indirect.gather [hbm4b:s9+s10], $0x40, s16, s10, $0xb8;
	[tilespmem:$0x1F000] =	vst v63  }
0xae: {  	_ =	swait.ge [sflag:s14], $0x8000  }
0xaf: {  	[sflag:s14] =	ssyncset.done $0x0  }
0xb0: {  	s17 =	simm.s32 $0x4200;
	[sflag:s14] =	ssyncadd.s32 $0xFFFF8000  }
0xb1: {  	[spmem:s2] =	stream.indirect.scatter.add.f32 [tilespmem:s12], [sflag:$0x3], $0x40, s17, s10, $0xb8;
	[tilespmem:$0x1F000] =	vst v63  }
0xb2: {  	_ =	swait.ge [sflag:s6], $0x8000  }
0xb3: {  	[sflag:s6] =	ssyncset.done $0x0  }
0xb4: {  	s18 =	simm.s32 $0x1E00;
	[sflag:s6] =	ssyncadd.s32 $0xFFFF8000  }
0xb5: {  	[tilespmem:s12], [sflag:$0x2] =	stream.indirect.gather [hbm4b:s9+s10], $0x40, s18, s10, $0xb8;
	[tilespmem:$0x1F000] =	vst v63  }
0xb6: {  	_ =	swait.ge [sflag:s13], $0x8000  }
0xb7: {  	[sflag:s13] =	ssyncset.done $0x0  }
0xb8: {  	s19 =	simm.s32 $0x4400;
	[sflag:s13] =	ssyncadd.s32 $0xFFFF8000  }
0xb9: {  	[spmem:s2] =	stream.indirect.scatter.add.f32 [tilespmem:s11], [sflag:$0x3], $0x40, s19, s10, $0xb8;
	[tilespmem:$0x1F000] =	vst v63  }
0xba: {  	_ =	swait.ge [sflag:s6], $0x8000  }
0xbb: {  	[sflag:s6] =	ssyncset.done $0x0  }
0xbc: {  	s20 =	simm.s32 $0x2000;
	[sflag:s6] =	ssyncadd.s32 $0xFFFF8000  }
0xbd: {  	[tilespmem:s11], [sflag:$0x1] =	stream.indirect.gather [hbm4b:s9+s10], $0x40, s20, s10, $0xb8;
	[tilespmem:$0x1F000] =	vst v63  }
0xbe: {  	_ =	swait.ge [sflag:s14], $0x8000  }
0xbf: {  	[sflag:s14] =	ssyncset.done $0x0  }
0xc0: {  	s21 =	simm.s32 $0x4600;
	[sflag:s14] =	ssyncadd.s32 $0xFFFF8000  }
0xc1: {  	[spmem:s2] =	stream.indirect.scatter.add.f32 [tilespmem:s12], [sflag:$0x3], $0x40, s21, s10, $0xb8;
	[tilespmem:$0x1F000] =	vst v63  }
0xc2: {  	_ =	swait.ge [sflag:s6], $0x8000  }
0xc3: {  	[sflag:s6] =	ssyncset.done $0x0  }
0xc4: {  	s22 =	simm.s32 $0x2200;
	[sflag:s6] =	ssyncadd.s32 $0xFFFF8000  }
0xc5: {  	[tilespmem:s12], [sflag:$0x2] =	stream.indirect.gather [hbm4b:s9+s10], $0x40, s22, s10, $0xb8;
	[tilespmem:$0x1F000] =	vst v63  }
0xc6: {  	_ =	swait.ge [sflag:s13], $0x8000  }
0xc7: {  	[sflag:s13] =	ssyncset.done $0x0  }
0xc8: {  	s23 =	simm.s32 $0x4800;
	[sflag:s13] =	ssyncadd.s32 $0xFFFF8000  }
0xc9: {  	[spmem:s2] =	stream.indirect.scatter.add.f32 [tilespmem:s11], [sflag:$0x3], $0x40, s23, s10, $0xb8;
	[tilespmem:$0x1F000] =	vst v63  }
0xca: {  	_ =	swait.ge [sflag:s6], $0x8000  }
0xcb: {  	[sflag:s6] =	ssyncset.done $0x0  }
0xcc: {  	s24 =	simm.s32 $0x2400;
	[sflag:s6] =	ssyncadd.s32 $0xFFFF8000  }
0xcd: {  	[tilespmem:s11], [sflag:$0x1] =	stream.indirect.gather [hbm4b:s9+s10], $0x40, s24, s10, $0xb8;
	[tilespmem:$0x1F000] =	vst v63  }
0xce: {  	_ =	swait.ge [sflag:s14], $0x8000  }
0xcf: {  	[sflag:s14] =	ssyncset.done $0x0  }
0xd0: {  	s25 =	simm.s32 $0x4A00;
	[sflag:s14] =	ssyncadd.s32 $0xFFFF8000  }
0xd1: {  	[spmem:s2] =	stream.indirect.scatter.add.f32 [tilespmem:s12], [sflag:$0x3], $0x40, s25, s10, $0xb8;
	[tilespmem:$0x1F000] =	vst v63  }
0xd2: {  	_ =	swait.ge [sflag:s6], $0x8000  }
0xd3: {  	[sflag:s6] =	ssyncset.done $0x0  }
0xd4: {  	s26 =	simm.s32 $0x2600;
	[sflag:s6] =	ssyncadd.s32 $0xFFFF8000  }
0xd5: {  	[tilespmem:s12], [sflag:$0x2] =	stream.indirect.gather [hbm4b:s9+s10], $0x40, s26, s10, $0xb8;
	[tilespmem:$0x1F000] =	vst v63  }
0xd6: {  	_ =	swait.ge [sflag:s13], $0x8000  }
0xd7: {  	[sflag:s13] =	ssyncset.done $0x0  }
0xd8: {  	s28 =	simm.s32 $0x4C00;
	[sflag:s13] =	ssyncadd.s32 $0xFFFF8000  }
0xd9: {  	[spmem:s2] =	stream.indirect.scatter.add.f32 [tilespmem:s11], [sflag:$0x3], $0x40, s28, s10, $0xb8;
	[tilespmem:$0x1F000] =	vst v63  }
0xda: {  	_ =	swait.ge [sflag:s6], $0x8000  }
0xdb: {  	[sflag:s6] =	ssyncset.done $0x0  }
0xdc: {  	[sflag:s6] =	ssyncadd.s32 $0xFFFF8000  }
0xdd: {  	_ =	swait.ge [sflag:s14], $0x8000  }
0xde: {  	s1 =	ssub.s32 $0x2, s1;
	[sflag:s14] =	ssyncset.done $0x0  }
0xdf: {  	s29 =	simm.s32 $0x4E00;
	s30 =	sshrl.u32 s1, $0x1;
	[sflag:s14] =	ssyncadd.s32 $0xFFFF8000  }
0xe0: {  	[spmem:s2] =	stream.indirect.scatter.add.f32 [tilespmem:s12], [sflag:$0x3], $0x40, s29, s10, $0xb8;
	[tilespmem:$0x1F000] =	vst v63  }
0xe1: {  	s1 =	ssub.s32 s1, s30;
	_ =	swait.ge [sflag:s6], $0x8000  }
0xe2: {  	s1 =	smax.u32 s1, $0x1;
	[sflag:s6] =	ssyncset.done $0x0  }
0xe3: {  	p0 =	sne.s32 s1, $0x1;
	[sflag:s6] =	ssyncadd.s32 $0xFFFF8000  }
.Ltmp0:
0xe4: {  	[bflag:$0x0] =	sbarrier.arrive $0xFFFF;
	(pc) =	sbr.rel @!p0 .LBB2_2-.Ltmp0, $4  }
0xe5: {  	s31 =	simm.s32 $0x8;
	s30 =	simm.s32 $0x10;
	s0 =	rddreg [dreg:$0x6]  }
0xe6: {  	[hbm:s0@s30], [sflag:s5] =	dma.strided [spmem:s7@s31], $0x1400, s13, $0x8   }
0xe7: {  	_ =	swait.ge [sflag:s6], $0x1400  }
0xe8: {  	s1 =	sadd.s32 $0xFFFFFFFF, s1;
	[sflag:s6] =	ssyncset.done $0x0  }
.LBB2_1:
0xe9: {  	[sflag:s6] =	ssyncadd.s32 $0xFFFFEC00  }
0xea: {  	[spmem:s7], [sflag:s5] =	dma.local [hbm:s4], $0x400  }
0xeb: {  	_ =	swait.ge [sflag:s6], $0x400  }
0xec: {  	[sflag:s6] =	ssyncset.done $0x0  }
0xed: {  	s0 =	rddreg [dreg:$0x7];
	[sflag:s6] =	ssyncadd.s32 $0xFFFFFC00  }
0xee: {  	[spmem:s0], [sflag:s5] =	dma.local [hbm:s4], $0x400  }
0xef: {  	_ =	swait.ge [sflag:s6], $0x400  }
0xf0: {  	[sflag:s6] =	ssyncset.done $0x0  }
0xf1: {  	s0 =	rddreg [dreg:$0x8];
	[sflag:s6] =	ssyncadd.s32 $0xFFFFFC00  }
0xf2: {  	[spmem:s0], [sflag:s5] =	dma.local [hbm:s4], $0x400  }
0xf3: {  	_ =	swait.ge [sflag:s6], $0x400  }
0xf4: {  	[sflag:s6] =	ssyncset.done $0x0  }
0xf5: {  	s0 =	rddreg [dreg:$0x9];
	[sflag:s6] =	ssyncadd.s32 $0xFFFFFC00  }
0xf6: {  	[spmem:s0], [sflag:s5] =	dma.local [hbm:s4], $0x400  }
0xf7: {  	_ =	swait.ge [sflag:s6], $0x400  }
0xf8: {  	[sflag:s6] =	ssyncset.done $0x0  }
0xf9: {  	s0 =	rddreg [dreg:$0xa];
	[sflag:s6] =	ssyncadd.s32 $0xFFFFFC00  }
0xfa: {  	[spmem:s0], [sflag:s5] =	dma.local [hbm:s4], $0x400  }
0xfb: {  	_ =	swait.ge [sflag:s6], $0x400  }
0xfc: {  	[sflag:s6] =	ssyncset.done $0x0  }
0xfd: {  	s0 =	rddreg [dreg:$0x4];
	[sflag:s6] =	ssyncadd.s32 $0xFFFFFC00  }
0xfe: {  	[tilespmem:s3], [sflag:$0x3] =	stream.linear.gather [hbm4b:s0+s3], $0x2800, $0x38;
	[tilespmem:$0x1F000] =	vst v63  }
0xff: {  	_ =	swait.ge [sflag:s6], $0x2800  }
0x100: {  	[sflag:s6] =	ssyncset.done $0x0  }
0x101: {  	s0 =	rddreg [dreg:$0x5];
	[sflag:s6] =	ssyncadd.s32 $0xFFFFD800  }
0x102: {  	[tilespmem:s8], [sflag:$0x3] =	stream.linear.gather [hbm4b:s0+s3], $0x2800, $0x38;
	[tilespmem:$0x1F000] =	vst v63  }
0x103: {  	_ =	swait.ge [sflag:s6], $0x2800  }
0x104: {  	[sflag:s6] =	ssyncset.done $0x0  }
0x105: {  	[sflag:s6] =	ssyncadd.s32 $0xFFFFD800  }
0x106: {  	[bflag:$0x0] =	sbarrier.arrive $0xFFFF  }
0x107: {  	[tilespmem:s11], [sflag:$0x1] =	stream.indirect.gather [hbm4b:s9+s10], $0x40, s3, s10, $0xb8;
	[tilespmem:$0x1F000] =	vst v63  }
0x108: {  	_ = 	snop  }
0x109: {  	[tilespmem:s12], [sflag:$0x2] =	stream.indirect.gather [hbm4b:s9+s10], $0x40, s10, s10, $0xb8;
	[tilespmem:$0x1F000] =	vst v63  }
0x10a: {  	_ =	swait.ge [sflag:s13], $0x8000  }
0x10b: {  	[sflag:s13] =	ssyncset.done $0x0  }
0x10c: {  	[sflag:s13] =	ssyncadd.s32 $0xFFFF8000  }
0x10d: {  	[spmem:s2] =	stream.indirect.scatter.add.f32 [tilespmem:s11], [sflag:$0x3], $0x40, s8, s10, $0xb8;
	[tilespmem:$0x1F000] =	vst v63  }
0x10e: {  	_ =	swait.ge [sflag:s6], $0x8000  }
0x10f: {  	[sflag:s6] =	ssyncset.done $0x0  }
0x110: {  	s0 =	rddreg [dreg:$0xb];
	[sflag:s6] =	ssyncadd.s32 $0xFFFF8000  }
0x111: {  	[tilespmem:s11], [sflag:$0x1] =	stream.indirect.gather [hbm4b:s9+s10], $0x40, s0, s10, $0xb8;
	[tilespmem:$0x1F000] =	vst v63  }
0x112: {  	_ =	swait.ge [sflag:s14], $0x8000  }
0x113: {  	[sflag:s14] =	ssyncset.done $0x0  }
0x114: {  	s0 =	rddreg [dreg:$0xc];
	[sflag:s14] =	ssyncadd.s32 $0xFFFF8000  }
0x115: {  	[spmem:s2] =	stream.indirect.scatter.add.f32 [tilespmem:s12], [sflag:$0x3], $0x40, s0, s10, $0xb8;
	[tilespmem:$0x1F000] =	vst v63  }
0x116: {  	_ =	swait.ge [sflag:s6], $0x8000  }
0x117: {  	[sflag:s6] =	ssyncset.done $0x0  }
0x118: {  	s0 =	rddreg [dreg:$0xd];
	[sflag:s6] =	ssyncadd.s32 $0xFFFF8000  }
0x119: {  	[tilespmem:s12], [sflag:$0x2] =	stream.indirect.gather [hbm4b:s9+s10], $0x40, s0, s10, $0xb8;
	[tilespmem:$0x1F000] =	vst v63  }
0x11a: {  	_ =	swait.ge [sflag:s13], $0x8000  }
0x11b: {  	[sflag:s13] =	ssyncset.done $0x0  }
0x11c: {  	s0 =	rddreg [dreg:$0xe];
	[sflag:s13] =	ssyncadd.s32 $0xFFFF8000  }
0x11d: {  	[spmem:s2] =	stream.indirect.scatter.add.f32 [tilespmem:s11], [sflag:$0x3], $0x40, s0, s10, $0xb8;
	[tilespmem:$0x1F000] =	vst v63  }
0x11e: {  	_ =	swait.ge [sflag:s6], $0x8000  }
0x11f: {  	[sflag:s6] =	ssyncset.done $0x0  }
0x120: {  	s0 =	rddreg [dreg:$0xf];
	[sflag:s6] =	ssyncadd.s32 $0xFFFF8000  }
0x121: {  	[tilespmem:s11], [sflag:$0x1] =	stream.indirect.gather [hbm4b:s9+s10], $0x40, s0, s10, $0xb8;
	[tilespmem:$0x1F000] =	vst v63  }
0x122: {  	_ =	swait.ge [sflag:s14], $0x8000  }
0x123: {  	[sflag:s14] =	ssyncset.done $0x0  }
0x124: {  	s0 =	rddreg [dreg:$0x10];
	[sflag:s14] =	ssyncadd.s32 $0xFFFF8000  }
0x125: {  	[spmem:s2] =	stream.indirect.scatter.add.f32 [tilespmem:s12], [sflag:$0x3], $0x40, s0, s10, $0xb8;
	[tilespmem:$0x1F000] =	vst v63  }
0x126: {  	_ =	swait.ge [sflag:s6], $0x8000  }
0x127: {  	[sflag:s6] =	ssyncset.done $0x0  }
0x128: {  	s0 =	rddreg [dreg:$0x11];
	[sflag:s6] =	ssyncadd.s32 $0xFFFF8000  }
0x129: {  	[tilespmem:s12], [sflag:$0x2] =	stream.indirect.gather [hbm4b:s9+s10], $0x40, s0, s10, $0xb8;
	[tilespmem:$0x1F000] =	vst v63  }
0x12a: {  	_ =	swait.ge [sflag:s13], $0x8000  }
0x12b: {  	[sflag:s13] =	ssyncset.done $0x0  }
0x12c: {  	s0 =	rddreg [dreg:$0x12];
	[sflag:s13] =	ssyncadd.s32 $0xFFFF8000  }
0x12d: {  	[spmem:s2] =	stream.indirect.scatter.add.f32 [tilespmem:s11], [sflag:$0x3], $0x40, s0, s10, $0xb8;
	[tilespmem:$0x1F000] =	vst v63  }
0x12e: {  	_ =	swait.ge [sflag:s6], $0x8000  }
0x12f: {  	[sflag:s6] =	ssyncset.done $0x0  }
0x130: {  	s0 =	rddreg [dreg:$0x13];
	[sflag:s6] =	ssyncadd.s32 $0xFFFF8000  }
0x131: {  	[tilespmem:s11], [sflag:$0x1] =	stream.indirect.gather [hbm4b:s9+s10], $0x40, s0, s10, $0xb8;
	[tilespmem:$0x1F000] =	vst v63  }
0x132: {  	_ =	swait.ge [sflag:s14], $0x8000  }
0x133: {  	[sflag:s14] =	ssyncset.done $0x0  }
0x134: {  	s0 =	rddreg [dreg:$0x14];
	[sflag:s14] =	ssyncadd.s32 $0xFFFF8000  }
0x135: {  	[spmem:s2] =	stream.indirect.scatter.add.f32 [tilespmem:s12], [sflag:$0x3], $0x40, s0, s10, $0xb8;
	[tilespmem:$0x1F000] =	vst v63  }
0x136: {  	_ =	swait.ge [sflag:s6], $0x8000  }
0x137: {  	[sflag:s6] =	ssyncset.done $0x0  }
0x138: {  	s0 =	rddreg [dreg:$0x15];
	[sflag:s6] =	ssyncadd.s32 $0xFFFF8000  }
0x139: {  	[tilespmem:s12], [sflag:$0x2] =	stream.indirect.gather [hbm4b:s9+s10], $0x40, s0, s10, $0xb8;
	[tilespmem:$0x1F000] =	vst v63  }
0x13a: {  	_ =	swait.ge [sflag:s13], $0x8000  }
0x13b: {  	[sflag:s13] =	ssyncset.done $0x0  }
0x13c: {  	s0 =	rddreg [dreg:$0x16];
	[sflag:s13] =	ssyncadd.s32 $0xFFFF8000  }
0x13d: {  	[spmem:s2] =	stream.indirect.scatter.add.f32 [tilespmem:s11], [sflag:$0x3], $0x40, s0, s10, $0xb8;
	[tilespmem:$0x1F000] =	vst v63  }
0x13e: {  	_ =	swait.ge [sflag:s6], $0x8000  }
0x13f: {  	[sflag:s6] =	ssyncset.done $0x0  }
0x140: {  	s0 =	rddreg [dreg:$0x17];
	[sflag:s6] =	ssyncadd.s32 $0xFFFF8000  }
0x141: {  	[tilespmem:s11], [sflag:$0x1] =	stream.indirect.gather [hbm4b:s9+s10], $0x40, s0, s10, $0xb8;
	[tilespmem:$0x1F000] =	vst v63  }
0x142: {  	_ =	swait.ge [sflag:s14], $0x8000  }
0x143: {  	[sflag:s14] =	ssyncset.done $0x0  }
0x144: {  	s0 =	rddreg [dreg:$0x18];
	[sflag:s14] =	ssyncadd.s32 $0xFFFF8000  }
0x145: {  	[spmem:s2] =	stream.indirect.scatter.add.f32 [tilespmem:s12], [sflag:$0x3], $0x40, s0, s10, $0xb8;
	[tilespmem:$0x1F000] =	vst v63  }
0x146: {  	_ =	swait.ge [sflag:s6], $0x8000  }
0x147: {  	[sflag:s6] =	ssyncset.done $0x0  }
0x148: {  	s0 =	rddreg [dreg:$0x19];
	[sflag:s6] =	ssyncadd.s32 $0xFFFF8000  }
0x149: {  	[tilespmem:s12], [sflag:$0x2] =	stream.indirect.gather [hbm4b:s9+s10], $0x40, s0, s10, $0xb8;
	[tilespmem:$0x1F000] =	vst v63  }
0x14a: {  	_ =	swait.ge [sflag:s13], $0x8000  }
0x14b: {  	[sflag:s13] =	ssyncset.done $0x0  }
0x14c: {  	s0 =	rddreg [dreg:$0x1a];
	[sflag:s13] =	ssyncadd.s32 $0xFFFF8000  }
0x14d: {  	[spmem:s2] =	stream.indirect.scatter.add.f32 [tilespmem:s11], [sflag:$0x3], $0x40, s0, s10, $0xb8;
	[tilespmem:$0x1F000] =	vst v63  }
0x14e: {  	_ =	swait.ge [sflag:s6], $0x8000  }
0x14f: {  	[sflag:s6] =	ssyncset.done $0x0  }
0x150: {  	s0 =	rddreg [dreg:$0x1b];
	[sflag:s6] =	ssyncadd.s32 $0xFFFF8000  }
0x151: {  	[tilespmem:s11], [sflag:$0x1] =	stream.indirect.gather [hbm4b:s9+s10], $0x40, s0, s10, $0xb8;
	[tilespmem:$0x1F000] =	vst v63  }
0x152: {  	_ =	swait.ge [sflag:s14], $0x8000  }
0x153: {  	[sflag:s14] =	ssyncset.done $0x0  }
0x154: {  	s0 =	rddreg [dreg:$0x1c];
	[sflag:s14] =	ssyncadd.s32 $0xFFFF8000  }
0x155: {  	[spmem:s2] =	stream.indirect.scatter.add.f32 [tilespmem:s12], [sflag:$0x3], $0x40, s0, s10, $0xb8;
	[tilespmem:$0x1F000] =	vst v63  }
0x156: {  	_ =	swait.ge [sflag:s6], $0x8000  }
0x157: {  	[sflag:s6] =	ssyncset.done $0x0  }
0x158: {  	s0 =	rddreg [dreg:$0x1d];
	[sflag:s6] =	ssyncadd.s32 $0xFFFF8000  }
0x159: {  	[tilespmem:s12], [sflag:$0x2] =	stream.indirect.gather [hbm4b:s9+s10], $0x40, s0, s10, $0xb8;
	[tilespmem:$0x1F000] =	vst v63  }
0x15a: {  	_ =	swait.ge [sflag:s13], $0x8000  }
0x15b: {  	[sflag:s13] =	ssyncset.done $0x0  }
0x15c: {  	s0 =	rddreg [dreg:$0x1e];
	[sflag:s13] =	ssyncadd.s32 $0xFFFF8000  }
0x15d: {  	[spmem:s2] =	stream.indirect.scatter.add.f32 [tilespmem:s11], [sflag:$0x3], $0x40, s0, s10, $0xb8;
	[tilespmem:$0x1F000] =	vst v63  }
0x15e: {  	_ =	swait.ge [sflag:s6], $0x8000  }
0x15f: {  	[sflag:s6] =	ssyncset.done $0x0  }
0x160: {  	s0 =	rddreg [dreg:$0x1f];
	[sflag:s6] =	ssyncadd.s32 $0xFFFF8000  }
0x161: {  	[tilespmem:s11], [sflag:$0x1] =	stream.indirect.gather [hbm4b:s9+s10], $0x40, s0, s10, $0xb8;
	[tilespmem:$0x1F000] =	vst v63  }
0x162: {  	_ =	swait.ge [sflag:s14], $0x8000  }
0x163: {  	s0 =	sld [smem:$0x7FC]  }
0x164: {  	[sflag:s14] =	ssyncset.done $0x0  }
0x165: {  	[sflag:s14] =	ssyncadd.s32 $0xFFFF8000  }
0x166: {  	[spmem:s2] =	stream.indirect.scatter.add.f32 [tilespmem:s12], [sflag:$0x3], $0x40, s0, s10, $0xb8;
	[tilespmem:$0x1F000] =	vst v63  }
0x167: {  	_ =	swait.ge [sflag:s6], $0x8000  }
0x168: {  	s0 =	sld [smem:$0x7FD]  }
0x169: {  	[sflag:s6] =	ssyncset.done $0x0  }
0x16a: {  	[sflag:s6] =	ssyncadd.s32 $0xFFFF8000  }
0x16b: {  	[tilespmem:s12], [sflag:$0x2] =	stream.indirect.gather [hbm4b:s9+s10], $0x40, s0, s10, $0xb8;
	[tilespmem:$0x1F000] =	vst v63  }
0x16c: {  	_ =	swait.ge [sflag:s13], $0x8000  }
0x16d: {  	[sflag:s13] =	ssyncset.done $0x0  }
0x16e: {  	[sflag:s13] =	ssyncadd.s32 $0xFFFF8000  }
0x16f: {  	[spmem:s2] =	stream.indirect.scatter.add.f32 [tilespmem:s11], [sflag:$0x3], $0x40, s15, s10, $0xb8;
	[tilespmem:$0x1F000] =	vst v63  }
0x170: {  	_ =	swait.ge [sflag:s6], $0x8000  }
0x171: {  	[sflag:s6] =	ssyncset.done $0x0  }
0x172: {  	[sflag:s6] =	ssyncadd.s32 $0xFFFF8000  }
0x173: {  	[tilespmem:s11], [sflag:$0x1] =	stream.indirect.gather [hbm4b:s9+s10], $0x40, s16, s10, $0xb8;
	[tilespmem:$0x1F000] =	vst v63  }
0x174: {  	_ =	swait.ge [sflag:s14], $0x8000  }
0x175: {  	[sflag:s14] =	ssyncset.done $0x0  }
0x176: {  	[sflag:s14] =	ssyncadd.s32 $0xFFFF8000  }
0x177: {  	[spmem:s2] =	stream.indirect.scatter.add.f32 [tilespmem:s12], [sflag:$0x3], $0x40, s17, s10, $0xb8;
	[tilespmem:$0x1F000] =	vst v63  }
0x178: {  	_ =	swait.ge [sflag:s6], $0x8000  }
0x179: {  	[sflag:s6] =	ssyncset.done $0x0  }
0x17a: {  	[sflag:s6] =	ssyncadd.s32 $0xFFFF8000  }
0x17b: {  	[tilespmem:s12], [sflag:$0x2] =	stream.indirect.gather [hbm4b:s9+s10], $0x40, s18, s10, $0xb8;
	[tilespmem:$0x1F000] =	vst v63  }
0x17c: {  	_ =	swait.ge [sflag:s13], $0x8000  }
0x17d: {  	[sflag:s13] =	ssyncset.done $0x0  }
0x17e: {  	[sflag:s13] =	ssyncadd.s32 $0xFFFF8000  }
0x17f: {  	[spmem:s2] =	stream.indirect.scatter.add.f32 [tilespmem:s11], [sflag:$0x3], $0x40, s19, s10, $0xb8;
	[tilespmem:$0x1F000] =	vst v63  }
0x180: {  	_ =	swait.ge [sflag:s6], $0x8000  }
0x181: {  	[sflag:s6] =	ssyncset.done $0x0  }
0x182: {  	[sflag:s6] =	ssyncadd.s32 $0xFFFF8000  }
0x183: {  	[tilespmem:s11], [sflag:$0x1] =	stream.indirect.gather [hbm4b:s9+s10], $0x40, s20, s10, $0xb8;
	[tilespmem:$0x1F000] =	vst v63  }
0x184: {  	_ =	swait.ge [sflag:s14], $0x8000  }
0x185: {  	[sflag:s14] =	ssyncset.done $0x0  }
0x186: {  	[sflag:s14] =	ssyncadd.s32 $0xFFFF8000  }
0x187: {  	[spmem:s2] =	stream.indirect.scatter.add.f32 [tilespmem:s12], [sflag:$0x3], $0x40, s21, s10, $0xb8;
	[tilespmem:$0x1F000] =	vst v63  }
0x188: {  	_ =	swait.ge [sflag:s6], $0x8000  }
0x189: {  	[sflag:s6] =	ssyncset.done $0x0  }
0x18a: {  	[sflag:s6] =	ssyncadd.s32 $0xFFFF8000  }
0x18b: {  	[tilespmem:s12], [sflag:$0x2] =	stream.indirect.gather [hbm4b:s9+s10], $0x40, s22, s10, $0xb8;
	[tilespmem:$0x1F000] =	vst v63  }
0x18c: {  	_ =	swait.ge [sflag:s13], $0x8000  }
0x18d: {  	[sflag:s13] =	ssyncset.done $0x0  }
0x18e: {  	[sflag:s13] =	ssyncadd.s32 $0xFFFF8000  }
0x18f: {  	[spmem:s2] =	stream.indirect.scatter.add.f32 [tilespmem:s11], [sflag:$0x3], $0x40, s23, s10, $0xb8;
	[tilespmem:$0x1F000] =	vst v63  }
0x190: {  	_ =	swait.ge [sflag:s6], $0x8000  }
0x191: {  	[sflag:s6] =	ssyncset.done $0x0  }
0x192: {  	[sflag:s6] =	ssyncadd.s32 $0xFFFF8000  }
0x193: {  	[tilespmem:s11], [sflag:$0x1] =	stream.indirect.gather [hbm4b:s9+s10], $0x40, s24, s10, $0xb8;
	[tilespmem:$0x1F000] =	vst v63  }
0x194: {  	_ =	swait.ge [sflag:s14], $0x8000  }
0x195: {  	[sflag:s14] =	ssyncset.done $0x0  }
0x196: {  	[sflag:s14] =	ssyncadd.s32 $0xFFFF8000  }
0x197: {  	[spmem:s2] =	stream.indirect.scatter.add.f32 [tilespmem:s12], [sflag:$0x3], $0x40, s25, s10, $0xb8;
	[tilespmem:$0x1F000] =	vst v63  }
0x198: {  	_ =	swait.ge [sflag:s6], $0x8000  }
0x199: {  	[sflag:s6] =	ssyncset.done $0x0  }
0x19a: {  	[sflag:s6] =	ssyncadd.s32 $0xFFFF8000  }
0x19b: {  	[tilespmem:s12], [sflag:$0x2] =	stream.indirect.gather [hbm4b:s9+s10], $0x40, s26, s10, $0xb8;
	[tilespmem:$0x1F000] =	vst v63  }
0x19c: {  	_ =	swait.ge [sflag:s13], $0x8000  }
0x19d: {  	[sflag:s13] =	ssyncset.done $0x0  }
0x19e: {  	[sflag:s13] =	ssyncadd.s32 $0xFFFF8000  }
0x19f: {  	[spmem:s2] =	stream.indirect.scatter.add.f32 [tilespmem:s11], [sflag:$0x3], $0x40, s28, s10, $0xb8;
	[tilespmem:$0x1F000] =	vst v63  }
0x1a0: {  	_ =	swait.ge [sflag:s6], $0x8000  }
0x1a1: {  	[sflag:s6] =	ssyncset.done $0x0  }
0x1a2: {  	[sflag:s6] =	ssyncadd.s32 $0xFFFF8000  }
0x1a3: {  	_ =	swait.ge [sflag:s14], $0x8000  }
0x1a4: {  	[sflag:s14] =	ssyncset.done $0x0  }
0x1a5: {  	[sflag:s14] =	ssyncadd.s32 $0xFFFF8000  }
0x1a6: {  	[spmem:s2] =	stream.indirect.scatter.add.f32 [tilespmem:s12], [sflag:$0x3], $0x40, s29, s10, $0xb8;
	[tilespmem:$0x1F000] =	vst v63  }
0x1a7: {  	_ =	swait.ge [sflag:s6], $0x8000  }
0x1a8: {  	[sflag:s6] =	ssyncset.done $0x0  }
0x1a9: {  	p0 =	sne.s32 s1, $0x1;
	[sflag:s6] =	ssyncadd.s32 $0xFFFF8000  }
.Ltmp1:
0x1aa: {  	[bflag:$0x0] =	sbarrier.arrive $0xFFFF;
	(pc) =	sbr.rel @p0 .LBB2_1-.Ltmp1, $4  }
0x1ab: {  	s0 =	rddreg [dreg:$0x6]  }
0x1ac: {  	[hbm:s0@s30], [sflag:s5] =	dma.strided [spmem:s7@s31], $0x1400, s13, $0x8   }
0x1ad: {  	_ =	swait.ge [sflag:s6], $0x1400  }
0x1ae: {  	s1 =	sadd.s32 $0xFFFFFFFF, s1;
	[sflag:s6] =	ssyncset.done $0x0  }
.LBB2_2:
0x1af: {  	[sflag:s6] =	ssyncadd.s32 $0xFFFFEC00  }
0x1b0: {  	_ =	sfence.sel $0x180000  }
0x1b1: {  	[bflag:$0x0] =	sbarrier.arrive $0xFFFF  }
0x1b2: {  	_ =	strace $0x9000004A  }
0x1b3: {  	s0 =	stileid.u32;
	[bflag:$0x2] =	sbarrier.arrive $0xFFFF  }
0x1b4: {  	p0 =	sne.s32 s0, $0x0;
	s0 =	rddreg [dreg:$0x3]  }
0x1b5: {  	s0 =	sadd.s32 @!p0 $0x100000, s0  }
0x1b6: {  	[sflag:s0] =	ssyncadd.tile.s32 @!p0 $0x1;
	_ =	shalt  }
.Lfunc_end2:
_tile_overlayer_lowered:
.L_overlay_start_2:
0x1b7: {  	(tag) =	ssettag $0x2  }
0x1b8: {  	s0 =	rddreg [dreg:$0x0];
	s2 =	stileid.u32  }
0x1b9: {  	s1 =	rddreg [dreg:$0x1];
	p0 =	sne.s32 s2, $0x0  }
0x1ba: {  	s3 =	rddreg [dreg:$0x2];
	[bflag:$0x3] =	sbarrier.arrive $0xFFFF;
	s2 =	simm.s32 @!p0 $0x1C03  }
0x1bb: {  	[timem:s3], [sflag:s2] =	dma.local @!p0 [hbm:s0], s1  }
0x1bc: {  	s0 =	simm.s32 @!p0 $0x3  }
0x1bd: {  	_ =	swait.ge @!p0 [sflag:s0], s1  }
0x1be: {  	s1 =	ssub.s32 @!p0 $0x0, s1;
	[sflag:s0] =	ssyncset.done @!p0 $0x0  }
0x1bf: {  	[sflag:s0] =	ssyncadd.s32 @!p0 s1  }
0x1c0: {  	[bflag:$0x3] =	sbarrier.arrive $0xFFFF  }
0x1c1: {  	_ =	shalt  }

// kernel: kernel.18.cloned.1.call-start
scs
__scs_entry_jumppad:
0x0: {  	(pc) =	sbr.rel $0x88, $3  }
0x1: {  	(tag) =	ssettag $0x0;
	lr =	simm.s32 $0x1  }
0x2: {  	[smem:$0x3F90] =	sst lr;
	_ =	strace $0xD0000000  }
0x3: {  	_ = 	snop  }
0x4: {  	_ = 	snop  }
0x5: {  	_ = 	snop  }
0x6: {  	_ = 	snop  }
0x7: {  	_ = 	snop  }
__scs_overlays_trampoline_lowered:
0x8: {  	[smem:$0x3F9F] =	sst s0  }
0x9: {  	[smem:$0x3FA0] =	sst s1  }
0xa: {  	[smem:$0x3FA1] =	sst s2  }
0xb: {  	[smem:$0x3FA2] =	sst s3  }
0xc: {  	[smem:$0x3FA3] =	sst s4  }
0xd: {  	[smem:$0x3FA4] =	sst s5  }
0xe: {  	[smem:$0x3FA5] =	sst s6  }
0xf: {  	[smem:$0x3FA6] =	sst s7  }
0x10: {  	[smem:$0x3FA7] =	sst s8  }
0x11: {  	[smem:$0x3FA8] =	sst s9;
	s0 =	simm.s32 @!p0 $0x0  }
0x12: {  	s1 =	sld [smem:$0x3F8E];
	s0 =	simm.s32 @p0 $0x1  }
0x13: {  	[smem:$0x3FA9] =	sst s0;
	s0 =	simm.s32 @!p1 $0x0  }
0x14: {  	s2 =	sld [smem:$0x3F8D];
	s0 =	simm.s32 @p1 $0x1  }
0x15: {  	[smem:$0x3FAA] =	sst s0;
	s0 =	simm.s32 @!p2 $0x0  }
0x16: {  	s3 =	sld [smem:$0x3FDB];
	s0 =	simm.s32 @p2 $0x1  }
0x17: {  	s4 =	simm.s32 $0x1BF5;
	[smem:$0x3FAC] =	sst s0  }
0x18: {  	s0 =	sld [smem:$0x3F8F];
	_ =	swait.ge [sflag:s4], $0x0  }
0x19: {  	s7 =	sld [smem:$0x3F90]  }
0x1a: {  	s8 =	sadd.s32 $0xFFFFE003, lr  }
0x1b: {  	s9 =	sadd.s32 $0xFFFFFEF7, lr;
	s5 =	simm.s32 $0xFFFFFFFF;
	p2 =	slt.u32 s8, $0xFFFFF086  }
0x1c: {  	p1 =	slt.u32 s9, $0xF7A;
	s5 =	simm.s32 @!p2 $0x0  }
0x1d: {  	s5 =	simm.s32 @p1 $0x1;
	p0 =	seq.s32 s7, s2  }
0x1e: {  	s7 =	smul.u32 @!p0 $0xF7A, s2;
	p2 =	seq.s32 @!p0 s5, $0x0  }
0x1f: {  	s9 =	smul.u32 $0xF7A, s1;
	s8 =	simm.s32 @!p0 $0x1BF5;
	p2 =	por !p2, p0  }
0x20: {  	[sflag:s8] =	ssyncset.s32 @!p0 $0xFFFFF086;
	s6 =	sadd.s32 @!p0 s3, s7;
	s7 =	simm.s32 @!p0 $0x108  }
0x21: {  	s3 =	sadd.s32 s3, s9;
	s6 =	sadd.s32 @!p0 $0x88, s6;
	s7 =	simm.s32 @p2 $0x1082  }
0x22: {  	[simem:s7], [sflag:s8] =	dma.local @!p0 [hbm:s6], $0xF7A  }
0x23: {  	s9 =	sor.u32 $0xD0000000, s2;
	s6 =	simm.s32 $0x108;
	_ =	swait.ge @!p0 [sflag:s8], $0x0  }
0x24: {  	s3 =	sadd.s32 $0x88, s3;
	s6 =	simm.s32 @!p1 $0x1082;
	[sflag:s4] =	ssyncset.s32 $0xFFFFF086  }
0x25: {  	[simem:s6], [sflag:s4] =	dma.local [hbm:s3], $0xF7A  }
0x26: {  	[smem:$0x3F90] =	sst s1;
	(tag) =	ssettag s2;
	_ =	strace s9  }
0x27: {  	s1 =	sld [smem:$0x3FA0]  }
0x28: {  	s2 =	sld [smem:$0x3FA1]  }
0x29: {  	s4 =	sld [smem:$0x3FA3]  }
0x2a: {  	p0 =	seq.s32 s5, $0x0;
	s5 =	sld [smem:$0x3FA4]  }
0x2b: {  	s6 =	sld [smem:$0x3FA5]  }
0x2c: {  	s7 =	sld [smem:$0x3FA6]  }
0x2d: {  	s3 =	simm.s32 $0x108;
	s8 =	sld [smem:$0x3FA7]  }
0x2e: {  	s3 =	simm.s32 @!p0 $0x1082;
	s9 =	sld [smem:$0x3FA8]  }
0x2f: {  	lr =	sadd.s32 s0, s3;
	s0 =	sld [smem:$0x3F9F]  }
0x30: {  	s3 =	sld [smem:$0x3FA2]  }
0x31: {  	[smem:$0x3FAB] =	sst s10  }
0x32: {  	s10 =	sld [smem:$0x3FA9];
	_ =	sdelay $0x3  }
0x33: {  	p0 =	seq.s32 s10, $0x1;
	s10 =	sld [smem:$0x3FAB];
	_ =	sdelay $0x3  }
0x34: {  	[smem:$0x3FAB] =	sst s10  }
0x35: {  	s10 =	sld [smem:$0x3FAA];
	_ =	sdelay $0x3  }
0x36: {  	p1 =	seq.s32 s10, $0x1;
	s10 =	sld [smem:$0x3FAB];
	_ =	sdelay $0x3  }
0x37: {  	[smem:$0x3FAB] =	sst s10  }
0x38: {  	s10 =	sld [smem:$0x3FAC]  }
0x39: {  	_ = 	snop;
	(pc) =	sbr.ind lr, $3  }
0x3a: {  	_ = 	snop  }
0x3b: {  	_ = 	snop  }
0x3c: {  	p2 =	seq.s32 s10, $0x1;
	s10 =	sld [smem:$0x3FAB]  }
0x3d: {  	_ =	shalt  }
0x3e: {  	_ =	shalt  }
0x3f: {  	_ =	shalt  }
0x40: {  	_ =	shalt  }
0x41: {  	_ =	shalt  }
0x42: {  	_ =	shalt  }
0x43: {  	_ =	shalt  }
0x44: {  	_ =	shalt  }
0x45: {  	_ =	shalt  }
0x46: {  	_ =	shalt  }
0x47: {  	_ =	shalt  }
0x48: {  	_ =	shalt  }
0x49: {  	_ =	shalt  }
0x4a: {  	_ =	shalt  }
0x4b: {  	_ =	shalt  }
0x4c: {  	_ =	shalt  }
0x4d: {  	_ =	shalt  }
0x4e: {  	_ =	shalt  }
0x4f: {  	_ =	shalt  }
0x50: {  	_ =	shalt  }
0x51: {  	_ =	shalt  }
0x52: {  	_ =	shalt  }
0x53: {  	_ =	shalt  }
0x54: {  	_ =	shalt  }
0x55: {  	_ =	shalt  }
0x56: {  	_ =	shalt  }
0x57: {  	_ =	shalt  }
0x58: {  	_ =	shalt  }
0x59: {  	_ =	shalt  }
0x5a: {  	_ =	shalt  }
0x5b: {  	_ =	shalt  }
0x5c: {  	_ =	shalt  }
0x5d: {  	_ =	shalt  }
0x5e: {  	_ =	shalt  }
0x5f: {  	_ =	shalt  }
0x60: {  	_ =	shalt  }
0x61: {  	_ =	shalt  }
0x62: {  	_ =	shalt  }
0x63: {  	_ =	shalt  }
0x64: {  	_ =	shalt  }
0x65: {  	_ =	shalt  }
0x66: {  	_ =	shalt  }
0x67: {  	_ =	shalt  }
0x68: {  	_ =	shalt  }
0x69: {  	_ =	shalt  }
0x6a: {  	_ =	shalt  }
0x6b: {  	_ =	shalt  }
0x6c: {  	_ =	shalt  }
0x6d: {  	_ =	shalt  }
0x6e: {  	_ =	shalt  }
0x6f: {  	_ =	shalt  }
0x70: {  	_ =	shalt  }
0x71: {  	_ =	shalt  }
0x72: {  	_ =	shalt  }
0x73: {  	_ =	shalt  }
0x74: {  	_ =	shalt  }
0x75: {  	_ =	shalt  }
0x76: {  	_ =	shalt  }
0x77: {  	_ =	shalt  }
0x78: {  	_ =	shalt  }
0x79: {  	_ =	shalt  }
0x7a: {  	_ =	shalt  }
0x7b: {  	_ =	shalt  }
0x7c: {  	_ =	shalt  }
0x7d: {  	_ =	shalt  }
0x7e: {  	_ =	shalt  }
0x7f: {  	_ =	shalt  }
0x80: {  	_ =	shalt  }
0x81: {  	_ =	shalt  }
0x82: {  	_ =	shalt  }
0x83: {  	_ =	shalt  }
0x84: {  	_ =	shalt  }
0x85: {  	_ =	shalt  }
0x86: {  	_ =	shalt  }
0x87: {  	_ =	shalt  }
.Lfunc_end0:
.L_simem_size_0:
called_computation.2_lowered:
.L_overlay_start_0:
0x88: {  	s2 =	sld [smem:$0x3FD9]  }
0x89: {  	s3 =	sld [smem:$0x3FFE];
	_ =	sdelay $0x1  }
0x8a: {  	s1 =	srdreg.scid  }
0x8b: {  	s0 =	sand.u32 $0x1, s1  }
0x8c: {  	s17 =	sshll.u32 s0, $0xA;
	s2 =	sadd.s32 s3, s2  }
0x8d: {  	s2 =	sadd.s32 s2, s17  }
0x8e: {  	[smem:$0x3FB7] =	sst s2  }
0x8f: {  	_ = 	snop  }
0x90: {  	s2 =	sld [smem:$0x3FD0];
	(tm) =	ssettm $0x1  }
0x91: {  	s18 =	sld [smem:$0x3FFB];
	_ =	sdelay $0x3  }
0x92: {  	_ =	strace s18  }
0x93: {  	s3 =	sld [smem:$0x3FFC];
	_ =	sdelay $0x3  }
0x94: {  	_ =	strace s3  }
0x95: {  	s3 =	sld [smem:$0x3FFD];
	_ =	sdelay $0x3  }
0x96: {  	_ =	strace s3  }
0x97: {  	_ =	strace $0x8FFFFFFF  }
0x98: {  	s19 =	sld [smem:$0x3FDB];
	_ =	sdelay $0x1  }
0x99: {  	s4 =	simm.s32 $_scs_section_size  }
0x9a: {  	s5 =	simm.s32 $_size__tile_overlayer_lowered;
	s6 =	simm.s32 $_tile_overlayer_lowered  }
0x9b: {  	s22 =	simm.s32 $0x1BFF;
	s21 =	sshll.u32 s6, $0x1;
	s3 =	sadd.s32 s4, s19  }
0x9c: {  	s7 =	simm.s32 $0x0;
	s20 =	sshll.u32 s5, $0x1;
	s5 =	sadd.s32 s21, s3  }
0x9d: {  	[timem:s7], [sflag:s22] =	dma.local [hbm:s5], s20  }
0x9e: {  	_ =	swait.ge [sflag:s22], s20  }
0x9f: {  	s4 =	ssub.s32 $0x0, s20;
	[sflag:s22] =	ssyncset.done $0x0  }
0xa0: {  	[sflag:s22] =	ssyncadd.s32 s4;
	_ =	sdelay $0x1  }
0xa1: {  	s23 =	simm.s32 $0x1B8B  }
0xa2: {  	_ =	swait.ge [sflag:s23], $0x1  }
0xa3: {  	[sflag:s23] =	ssyncset.done $0x0  }
0xa4: {  	s25 =	simm.s32 $0x1B8E;
	s24 =	sld [smem:$0x3FFE];
	[sflag:s23] =	ssyncadd.s32 $0xFFFFFFFF  }
0xa5: {  	s26 =	simm.s32 $execute0_lowered;
	[smem:$0x3FD2] =	sst s25  }
0xa6: {  	s5 =	sshll.u32 s26, $0x1;
	_ =	strace $0x8000004C;
	[dreg:$0x1] =	wrdreg $0xFFFFFFFF  }
0xa7: {  	s28 =	simm.s32 $_size_execute0_lowered;
	s3 =	sadd.s32 s3, s5;
	[dreg:$0x0] =	wrdreg $0x0  }
0xa8: {  	s5 =	sshll.u32 s28, $0x1;
	[dreg:$0x2] =	wrdreg s3  }
0xa9: {  	[dreg:$0x3] =	wrdreg s5  }
0xaa: {  	[dreg:$0x4] =	wrdreg $0xC0  }
0xab: {  	_ =	task [dreg:s7], $0x5FFFF  }
0xac: {  	[dreg:$0x1] =	wrdreg $0xFFFFFFFF  }
0xad: {  	[dreg:$0x0] =	wrdreg $0x60  }
0xae: {  	[dreg:$0x2] =	wrdreg s24  }
0xaf: {  	[dreg:$0x3] =	wrdreg s2  }
0xb0: {  	[dreg:$0x4] =	wrdreg $0x150000  }
0xb1: {  	[dreg:$0x5] =	wrdreg $0x9  }
0xb2: {  	_ =	task.clear_ibuf [dreg:s7], $0x6FFFF;
	_ =	strace $0x9000004C  }
0xb3: {  	s29 =	simm.s32 $0x9;
	_ =	strace $0x8000004E  }
0xb4: {  	_ =	swait.ge [sflag:s29], $0x1  }
0xb5: {  	[sflag:s29] =	ssyncadd.s32 $0xFFFFFFFF  }
0xb6: {  	_ =	strace $0x9000004E  }
0xb7: {  	_ =	sfence  }
0xb8: {  	s30 =	sld [smem:$0x0];
	_ =	sdelay $0x2  }
0xb9: {  	s31 =	sshll.u32 s1, $0xD;
	s1 =	sshrl.u32 s1, $0x2  }
0xba: {  	s3 =	sand.u32 $0x4000, s31;
	s1 =	sadd.s32 s1, s30  }
0xbb: {  	s0 =	sor.u32 s3, s0;
	s1 =	sshll.u32 s1, $0x11  }
0xbc: {  	s0 =	sor.u32 s1, s0  }
0xbd: {  	s0 =	sadd.s32 $0x8F2B, s0  }
0xbe: {  	[sflag:s0] =	ssyncadd.remote.s32 $0x1  }
0xbf: {  	_ =	sfence.sel $0xFFFF  }
0xc0: {  	[dreg:$0x0] =	wrdreg $0xFFFFFFFF;
	(pc) =	sbr.abs _section_cstart, $3  }
0xc1: {  	[dreg:$0x1] =	wrdreg $0xFFFFFFFF  }
0xc2: {  	_ =	task.clear_ibuf [dreg:s7], $0x2FFFF;
	_ =	strace $0x9FFFFFFF  }
0xc3: {  	(tm) =	ssettm $0x7FFFFFFF  }
tec
execute0_lowered:
.L_overlay_start_1:
0x0: {  	(tag) =	ssettag $0x1  }
0x1: {  	s0 =	srdreg.scid;
	s9 =	rddreg [dreg:$0x0]  }
0x2: {  	s4 =	rddreg [dreg:$0x1];
	s1 =	sand.u32 $0x1, s0  }
0x3: {  	s3 =	simm.s32 $0x0;
	s0 =	stileid.u32;
	s2 =	sshll.u32 s1, $0x4  }
0x4: {  	[smem:$0x7FF] =	sst s3;
	s2 =	sor.u32 s0, s2  }
0x5: {  	s11 =	simm.s32 $0x800;
	s5 =	smul.u32 $0x500, s2;
	s2 =	rddreg [dreg:$0x2]  }
0x6: {  	s12 =	simm.s32 $0x2E00;
	_ =	strace $0x8000004D;
	[dreg:$0xf] =	wrdreg s11  }
0x7: {  	s13 =	simm.s32 $0xA00;
	[dreg:$0x10] =	wrdreg s12  }
0x8: {  	s14 =	simm.s32 $0x3000;
	[dreg:$0x11] =	wrdreg s13  }
0x9: {  	s15 =	simm.s32 $0xC00;
	[dreg:$0x12] =	wrdreg s14  }
0xa: {  	s16 =	simm.s32 $0x3200;
	s7 =	smul.u32 $0x140000, s1;
	[dreg:$0x13] =	wrdreg s15  }
0xb: {  	s17 =	simm.s32 $0xE00;
	s8 =	smul.u32 $0x14000, s0;
	[dreg:$0x14] =	wrdreg s16  }
0xc: {  	s18 =	simm.s32 $0x3400;
	s6 =	smul.u32 $0x28000, s0;
	[dreg:$0x15] =	wrdreg s17  }
0xd: {  	s7 =	sadd.s32 s8, s7;
	s8 =	simm.s32 $0x600;
	[dreg:$0x16] =	wrdreg s18  }
0xe: {  	s11 =	simm.s32 $0x1A00;
	s7 =	sshrl.u32 s7, $0x3;
	[dreg:$0xd] =	wrdreg s8  }
0xf: {  	s6 =	sshrl.u32 s6, $0x2;
	[smem:$0x7FD] =	sst s11;
	s4 =	sadd.s32 s4, s7  }
0x10: {  	s5 =	sadd.s32 s5, s9;
	s7 =	simm.s32 $0x2A00;
	[dreg:$0x6] =	wrdreg s4  }
0x11: {  	s6 =	sadd.s32 s6, s2;
	s10 =	sadd.s32 $0xF000, s5;
	[dreg:$0xc] =	wrdreg s7  }
0x12: {  	s19 =	sadd.s32 $0x2000, s6;
	s5 =	sadd.s32 $0x4800, s5;
	[dreg:$0x4] =	wrdreg s10  }
0x13: {  	s20 =	sadd.s32 $0x4000, s6;
	s21 =	sshrl.u32 s19, $0x3;
	[dreg:$0x5] =	wrdreg s5  }
0x14: {  	s22 =	sadd.s32 $0x6000, s6;
	s23 =	sshrl.u32 s20, $0x3;
	[dreg:$0x7] =	wrdreg s21  }
0x15: {  	s24 =	sadd.s32 $0x8000, s6;
	s25 =	sshrl.u32 s22, $0x3;
	[dreg:$0x8] =	wrdreg s23  }
0x16: {  	s26 =	sshrl.u32 s24, $0x3;
	[dreg:$0x9] =	wrdreg s25  }
0x17: {  	s19 =	simm.s32 $0x1000;
	[dreg:$0xa] =	wrdreg s26  }
0x18: {  	s20 =	simm.s32 $0x3600;
	[dreg:$0x17] =	wrdreg s19  }
0x19: {  	s22 =	simm.s32 $0x3800;
	[dreg:$0x18] =	wrdreg s20  }
0x1a: {  	s24 =	simm.s32 $0x3A00;
	[dreg:$0x1a] =	wrdreg s22  }
0x1b: {  	s7 =	simm.s32 $0x1800;
	[dreg:$0x1c] =	wrdreg s24  }
0x1c: {  	s5 =	simm.s32 $0x400;
	[dreg:$0x1f] =	wrdreg s7  }
0x1d: {  	s10 =	simm.s32 $0x2C00;
	[dreg:$0xb] =	wrdreg s5  }
0x1e: {  	s21 =	simm.s32 $0x1200;
	[dreg:$0xe] =	wrdreg s10  }
0x1f: {  	s23 =	simm.s32 $0x1400;
	[dreg:$0x19] =	wrdreg s21  }
0x20: {  	s8 =	sshll.u32 s0, $0x6;
	s25 =	simm.s32 $0x1600;
	[dreg:$0x1b] =	wrdreg s23  }
0x21: {  	s4 =	sadd.s32 $0xE800, s9;
	s26 =	simm.s32 $0x3C00;
	[dreg:$0x1d] =	wrdreg s25  }
0x22: {  	s7 =	sshrl.u32 s6, $0x3;
	[dreg:$0x1e] =	wrdreg s26;
	s10 =	simm.s32 $0x3E00  }
0x23: {  	s6 =	simm.s32 $0x3;
	s5 =	sor.u32 $0x1C03, s8;
	[smem:$0x7FC] =	sst s10  }
0x24: {  	[spmem:s7], [sflag:s5] =	dma.local [hbm:s4], $0x400  }
0x25: {  	_ =	swait.ge [sflag:s6], $0x400  }
0x26: {  	[sflag:s6] =	ssyncset.done $0x0  }
0x27: {  	s12 =	rddreg [dreg:$0x7];
	[sflag:s6] =	ssyncadd.s32 $0xFFFFFC00  }
0x28: {  	[spmem:s12], [sflag:s5] =	dma.local [hbm:s4], $0x400  }
0x29: {  	_ =	swait.ge [sflag:s6], $0x400  }
0x2a: {  	[sflag:s6] =	ssyncset.done $0x0  }
0x2b: {  	s13 =	rddreg [dreg:$0x8];
	[sflag:s6] =	ssyncadd.s32 $0xFFFFFC00  }
0x2c: {  	[spmem:s13], [sflag:s5] =	dma.local [hbm:s4], $0x400  }
0x2d: {  	_ =	swait.ge [sflag:s6], $0x400  }
0x2e: {  	[sflag:s6] =	ssyncset.done $0x0  }
0x2f: {  	s14 =	rddreg [dreg:$0x9];
	[sflag:s6] =	ssyncadd.s32 $0xFFFFFC00  }
0x30: {  	[spmem:s14], [sflag:s5] =	dma.local [hbm:s4], $0x400  }
0x31: {  	_ =	swait.ge [sflag:s6], $0x400  }
0x32: {  	[sflag:s6] =	ssyncset.done $0x0  }
0x33: {  	s15 =	rddreg [dreg:$0xa];
	[sflag:s6] =	ssyncadd.s32 $0xFFFFFC00  }
0x34: {  	[spmem:s15], [sflag:s5] =	dma.local [hbm:s4], $0x400  }
0x35: {  	_ =	swait.ge [sflag:s6], $0x400  }
0x36: {  	[sflag:s6] =	ssyncset.done $0x0  }
0x37: {  	s16 =	rddreg [dreg:$0x4];
	[sflag:s6] =	ssyncadd.s32 $0xFFFFFC00  }
0x38: {  	[tilespmem:s3], [sflag:$0x3] =	stream.linear.gather [hbm4b:s16+s3], $0x2800, $0x38;
	[tilespmem:$0x1F000] =	vst v63  }
0x39: {  	_ =	swait.ge [sflag:s6], $0x2800  }
0x3a: {  	[sflag:s6] =	ssyncset.done $0x0  }
0x3b: {  	s8 =	simm.s32 $0x2800;
	s17 =	rddreg [dreg:$0x5];
	[sflag:s6] =	ssyncadd.s32 $0xFFFFD800  }
0x3c: {  	[tilespmem:s8], [sflag:$0x3] =	stream.linear.gather [hbm4b:s17+s3], $0x2800, $0x38;
	[tilespmem:$0x1F000] =	vst v63  }
0x3d: {  	_ =	swait.ge [sflag:s6], $0x2800  }
0x3e: {  	[sflag:s6] =	ssyncset.done $0x0  }
0x3f: {  	s11 =	simm.s32 $0x5000;
	[sflag:s6] =	ssyncadd.s32 $0xFFFFD800  }
0x40: {  	s9 =	sadd.s32 $0x8E600, s9;
	s10 =	simm.s32 $0x200;
	[bflag:$0x0] =	sbarrier.arrive $0xFFFF  }
0x41: {  	[tilespmem:s11], [sflag:$0x1] =	stream.indirect.gather [hbm4b:s9+s10], $0x40, s3, s10, $0xb8;
	[tilespmem:$0x1F000] =	vst v63  }
0x42: {  	s12 =	simm.s32 $0xD000;
	s13 =	simm.s32 $0x1  }
0x43: {  	[tilespmem:s12], [sflag:$0x2] =	stream.indirect.gather [hbm4b:s9+s10], $0x40, s10, s10, $0xb8;
	[tilespmem:$0x1F000] =	vst v63  }
0x44: {  	_ =	swait.ge [sflag:s13], $0x8000  }
0x45: {  	[sflag:s13] =	ssyncset.done $0x0  }
0x46: {  	[sflag:s13] =	ssyncadd.s32 $0xFFFF8000  }
0x47: {  	[spmem:s2] =	stream.indirect.scatter.add.f32 [tilespmem:s11], [sflag:$0x3], $0x40, s8, s10, $0xb8;
	[tilespmem:$0x1F000] =	vst v63  }
0x48: {  	_ =	swait.ge [sflag:s6], $0x8000  }
0x49: {  	[sflag:s6] =	ssyncset.done $0x0  }
0x4a: {  	s14 =	simm.s32 $0x2;
	s15 =	rddreg [dreg:$0xb];
	[sflag:s6] =	ssyncadd.s32 $0xFFFF8000  }
0x4b: {  	[tilespmem:s11], [sflag:$0x1] =	stream.indirect.gather [hbm4b:s9+s10], $0x40, s15, s10, $0xb8;
	[tilespmem:$0x1F000] =	vst v63  }
0x4c: {  	_ =	swait.ge [sflag:s14], $0x8000  }
0x4d: {  	[sflag:s14] =	ssyncset.done $0x0  }
0x4e: {  	s18 =	rddreg [dreg:$0xc];
	[sflag:s14] =	ssyncadd.s32 $0xFFFF8000  }
0x4f: {  	[spmem:s2] =	stream.indirect.scatter.add.f32 [tilespmem:s12], [sflag:$0x3], $0x40, s18, s10, $0xb8;
	[tilespmem:$0x1F000] =	vst v63  }
0x50: {  	_ =	swait.ge [sflag:s6], $0x8000  }
0x51: {  	[sflag:s6] =	ssyncset.done $0x0  }
0x52: {  	s19 =	rddreg [dreg:$0xd];
	[sflag:s6] =	ssyncadd.s32 $0xFFFF8000  }
0x53: {  	[tilespmem:s12], [sflag:$0x2] =	stream.indirect.gather [hbm4b:s9+s10], $0x40, s19, s10, $0xb8;
	[tilespmem:$0x1F000] =	vst v63  }
0x54: {  	_ =	swait.ge [sflag:s13], $0x8000  }
0x55: {  	[sflag:s13] =	ssyncset.done $0x0  }
0x56: {  	s20 =	rddreg [dreg:$0xe];
	[sflag:s13] =	ssyncadd.s32 $0xFFFF8000  }
0x57: {  	[spmem:s2] =	stream.indirect.scatter.add.f32 [tilespmem:s11], [sflag:$0x3], $0x40, s20, s10, $0xb8;
	[tilespmem:$0x1F000] =	vst v63  }
0x58: {  	_ =	swait.ge [sflag:s6], $0x8000  }
0x59: {  	[sflag:s6] =	ssyncset.done $0x0  }
0x5a: {  	s21 =	rddreg [dreg:$0xf];
	[sflag:s6] =	ssyncadd.s32 $0xFFFF8000  }
0x5b: {  	[tilespmem:s11], [sflag:$0x1] =	stream.indirect.gather [hbm4b:s9+s10], $0x40, s21, s10, $0xb8;
	[tilespmem:$0x1F000] =	vst v63  }
0x5c: {  	_ =	swait.ge [sflag:s14], $0x8000  }
0x5d: {  	[sflag:s14] =	ssyncset.done $0x0  }
0x5e: {  	s22 =	rddreg [dreg:$0x10];
	[sflag:s14] =	ssyncadd.s32 $0xFFFF8000  }
0x5f: {  	[spmem:s2] =	stream.indirect.scatter.add.f32 [tilespmem:s12], [sflag:$0x3], $0x40, s22, s10, $0xb8;
	[tilespmem:$0x1F000] =	vst v63  }
0x60: {  	_ =	swait.ge [sflag:s6], $0x8000  }
0x61: {  	[sflag:s6] =	ssyncset.done $0x0  }
0x62: {  	s23 =	rddreg [dreg:$0x11];
	[sflag:s6] =	ssyncadd.s32 $0xFFFF8000  }
0x63: {  	[tilespmem:s12], [sflag:$0x2] =	stream.indirect.gather [hbm4b:s9+s10], $0x40, s23, s10, $0xb8;
	[tilespmem:$0x1F000] =	vst v63  }
0x64: {  	_ =	swait.ge [sflag:s13], $0x8000  }
0x65: {  	[sflag:s13] =	ssyncset.done $0x0  }
0x66: {  	s24 =	rddreg [dreg:$0x12];
	[sflag:s13] =	ssyncadd.s32 $0xFFFF8000  }
0x67: {  	[spmem:s2] =	stream.indirect.scatter.add.f32 [tilespmem:s11], [sflag:$0x3], $0x40, s24, s10, $0xb8;
	[tilespmem:$0x1F000] =	vst v63  }
0x68: {  	_ =	swait.ge [sflag:s6], $0x8000  }
0x69: {  	[sflag:s6] =	ssyncset.done $0x0  }
0x6a: {  	s25 =	rddreg [dreg:$0x13];
	[sflag:s6] =	ssyncadd.s32 $0xFFFF8000  }
0x6b: {  	[tilespmem:s11], [sflag:$0x1] =	stream.indirect.gather [hbm4b:s9+s10], $0x40, s25, s10, $0xb8;
	[tilespmem:$0x1F000] =	vst v63  }
0x6c: {  	_ =	swait.ge [sflag:s14], $0x8000  }
0x6d: {  	[sflag:s14] =	ssyncset.done $0x0  }
0x6e: {  	s26 =	rddreg [dreg:$0x14];
	[sflag:s14] =	ssyncadd.s32 $0xFFFF8000  }
0x6f: {  	[spmem:s2] =	stream.indirect.scatter.add.f32 [tilespmem:s12], [sflag:$0x3], $0x40, s26, s10, $0xb8;
	[tilespmem:$0x1F000] =	vst v63  }
0x70: {  	_ =	swait.ge [sflag:s6], $0x8000  }
0x71: {  	[sflag:s6] =	ssyncset.done $0x0  }
0x72: {  	s0 =	rddreg [dreg:$0x15];
	[sflag:s6] =	ssyncadd.s32 $0xFFFF8000  }
0x73: {  	[tilespmem:s12], [sflag:$0x2] =	stream.indirect.gather [hbm4b:s9+s10], $0x40, s0, s10, $0xb8;
	[tilespmem:$0x1F000] =	vst v63  }
0x74: {  	_ =	swait.ge [sflag:s13], $0x8000  }
0x75: {  	[sflag:s13] =	ssyncset.done $0x0  }
0x76: {  	s16 =	rddreg [dreg:$0x16];
	[sflag:s13] =	ssyncadd.s32 $0xFFFF8000  }
0x77: {  	[spmem:s2] =	stream.indirect.scatter.add.f32 [tilespmem:s11], [sflag:$0x3], $0x40, s16, s10, $0xb8;
	[tilespmem:$0x1F000] =	vst v63  }
0x78: {  	_ =	swait.ge [sflag:s6], $0x8000  }
0x79: {  	[sflag:s6] =	ssyncset.done $0x0  }
0x7a: {  	s17 =	rddreg [dreg:$0x17];
	[sflag:s6] =	ssyncadd.s32 $0xFFFF8000  }
0x7b: {  	[tilespmem:s11], [sflag:$0x1] =	stream.indirect.gather [hbm4b:s9+s10], $0x40, s17, s10, $0xb8;
	[tilespmem:$0x1F000] =	vst v63  }
0x7c: {  	_ =	swait.ge [sflag:s14], $0x8000  }
0x7d: {  	[sflag:s14] =	ssyncset.done $0x0  }
0x7e: {  	s18 =	rddreg [dreg:$0x18];
	[sflag:s14] =	ssyncadd.s32 $0xFFFF8000  }
0x7f: {  	[spmem:s2] =	stream.indirect.scatter.add.f32 [tilespmem:s12], [sflag:$0x3], $0x40, s18, s10, $0xb8;
	[tilespmem:$0x1F000] =	vst v63  }
0x80: {  	_ =	swait.ge [sflag:s6], $0x8000  }
0x81: {  	[sflag:s6] =	ssyncset.done $0x0  }
0x82: {  	s19 =	rddreg [dreg:$0x19];
	[sflag:s6] =	ssyncadd.s32 $0xFFFF8000  }
0x83: {  	[tilespmem:s12], [sflag:$0x2] =	stream.indirect.gather [hbm4b:s9+s10], $0x40, s19, s10, $0xb8;
	[tilespmem:$0x1F000] =	vst v63  }
0x84: {  	_ =	swait.ge [sflag:s13], $0x8000  }
0x85: {  	[sflag:s13] =	ssyncset.done $0x0  }
0x86: {  	s20 =	rddreg [dreg:$0x1a];
	[sflag:s13] =	ssyncadd.s32 $0xFFFF8000  }
0x87: {  	[spmem:s2] =	stream.indirect.scatter.add.f32 [tilespmem:s11], [sflag:$0x3], $0x40, s20, s10, $0xb8;
	[tilespmem:$0x1F000] =	vst v63  }
0x88: {  	_ =	swait.ge [sflag:s6], $0x8000  }
0x89: {  	[sflag:s6] =	ssyncset.done $0x0  }
0x8a: {  	s21 =	rddreg [dreg:$0x1b];
	[sflag:s6] =	ssyncadd.s32 $0xFFFF8000  }
0x8b: {  	[tilespmem:s11], [sflag:$0x1] =	stream.indirect.gather [hbm4b:s9+s10], $0x40, s21, s10, $0xb8;
	[tilespmem:$0x1F000] =	vst v63  }
0x8c: {  	_ =	swait.ge [sflag:s14], $0x8000  }
0x8d: {  	[sflag:s14] =	ssyncset.done $0x0  }
0x8e: {  	s22 =	rddreg [dreg:$0x1c];
	[sflag:s14] =	ssyncadd.s32 $0xFFFF8000  }
0x8f: {  	[spmem:s2] =	stream.indirect.scatter.add.f32 [tilespmem:s12], [sflag:$0x3], $0x40, s22, s10, $0xb8;
	[tilespmem:$0x1F000] =	vst v63  }
0x90: {  	_ =	swait.ge [sflag:s6], $0x8000  }
0x91: {  	[sflag:s6] =	ssyncset.done $0x0  }
0x92: {  	s23 =	rddreg [dreg:$0x1d];
	[sflag:s6] =	ssyncadd.s32 $0xFFFF8000  }
0x93: {  	[tilespmem:s12], [sflag:$0x2] =	stream.indirect.gather [hbm4b:s9+s10], $0x40, s23, s10, $0xb8;
	[tilespmem:$0x1F000] =	vst v63  }
0x94: {  	_ =	swait.ge [sflag:s13], $0x8000  }
0x95: {  	[sflag:s13] =	ssyncset.done $0x0  }
0x96: {  	s24 =	rddreg [dreg:$0x1e];
	[sflag:s13] =	ssyncadd.s32 $0xFFFF8000  }
0x97: {  	[spmem:s2] =	stream.indirect.scatter.add.f32 [tilespmem:s11], [sflag:$0x3], $0x40, s24, s10, $0xb8;
	[tilespmem:$0x1F000] =	vst v63  }
0x98: {  	_ =	swait.ge [sflag:s6], $0x8000  }
0x99: {  	[sflag:s6] =	ssyncset.done $0x0  }
0x9a: {  	s25 =	rddreg [dreg:$0x1f];
	[sflag:s6] =	ssyncadd.s32 $0xFFFF8000  }
0x9b: {  	[tilespmem:s11], [sflag:$0x1] =	stream.indirect.gather [hbm4b:s9+s10], $0x40, s25, s10, $0xb8;
	[tilespmem:$0x1F000] =	vst v63  }
0x9c: {  	_ =	swait.ge [sflag:s14], $0x8000  }
0x9d: {  	s26 =	sld [smem:$0x7FC]  }
0x9e: {  	[sflag:s14] =	ssyncset.done $0x0  }
0x9f: {  	[sflag:s14] =	ssyncadd.s32 $0xFFFF8000  }
0xa0: {  	[spmem:s2] =	stream.indirect.scatter.add.f32 [tilespmem:s12], [sflag:$0x3], $0x40, s26, s10, $0xb8;
	[tilespmem:$0x1F000] =	vst v63  }
0xa1: {  	_ =	swait.ge [sflag:s6], $0x8000  }
0xa2: {  	s0 =	sld [smem:$0x7FD]  }
0xa3: {  	[sflag:s6] =	ssyncset.done $0x0  }
0xa4: {  	[sflag:s6] =	ssyncadd.s32 $0xFFFF8000  }
0xa5: {  	[tilespmem:s12], [sflag:$0x2] =	stream.indirect.gather [hbm4b:s9+s10], $0x40, s0, s10, $0xb8;
	[tilespmem:$0x1F000] =	vst v63  }
0xa6: {  	_ =	swait.ge [sflag:s13], $0x8000  }
0xa7: {  	[sflag:s13] =	ssyncset.done $0x0  }
0xa8: {  	s15 =	simm.s32 $0x4000;
	[sflag:s13] =	ssyncadd.s32 $0xFFFF8000  }
0xa9: {  	[spmem:s2] =	stream.indirect.scatter.add.f32 [tilespmem:s11], [sflag:$0x3], $0x40, s15, s10, $0xb8;
	[tilespmem:$0x1F000] =	vst v63  }
0xaa: {  	_ =	swait.ge [sflag:s6], $0x8000  }
0xab: {  	[sflag:s6] =	ssyncset.done $0x0  }
0xac: {  	s16 =	simm.s32 $0x1C00;
	[sflag:s6] =	ssyncadd.s32 $0xFFFF8000  }
0xad: {  	[tilespmem:s11], [sflag:$0x1] =	stream.indirect.gather [hbm4b:s9+s10], $0x40, s16, s10, $0xb8;
	[tilespmem:$0x1F000] =	vst v63  }
0xae: {  	_ =	swait.ge [sflag:s14], $0x8000  }
0xaf: {  	[sflag:s14] =	ssyncset.done $0x0  }
0xb0: {  	s17 =	simm.s32 $0x4200;
	[sflag:s14] =	ssyncadd.s32 $0xFFFF8000  }
0xb1: {  	[spmem:s2] =	stream.indirect.scatter.add.f32 [tilespmem:s12], [sflag:$0x3], $0x40, s17, s10, $0xb8;
	[tilespmem:$0x1F000] =	vst v63  }
0xb2: {  	_ =	swait.ge [sflag:s6], $0x8000  }
0xb3: {  	[sflag:s6] =	ssyncset.done $0x0  }
0xb4: {  	s18 =	simm.s32 $0x1E00;
	[sflag:s6] =	ssyncadd.s32 $0xFFFF8000  }
0xb5: {  	[tilespmem:s12], [sflag:$0x2] =	stream.indirect.gather [hbm4b:s9+s10], $0x40, s18, s10, $0xb8;
	[tilespmem:$0x1F000] =	vst v63  }
0xb6: {  	_ =	swait.ge [sflag:s13], $0x8000  }
0xb7: {  	[sflag:s13] =	ssyncset.done $0x0  }
0xb8: {  	s19 =	simm.s32 $0x4400;
	[sflag:s13] =	ssyncadd.s32 $0xFFFF8000  }
0xb9: {  	[spmem:s2] =	stream.indirect.scatter.add.f32 [tilespmem:s11], [sflag:$0x3], $0x40, s19, s10, $0xb8;
	[tilespmem:$0x1F000] =	vst v63  }
0xba: {  	_ =	swait.ge [sflag:s6], $0x8000  }
0xbb: {  	[sflag:s6] =	ssyncset.done $0x0  }
0xbc: {  	s20 =	simm.s32 $0x2000;
	[sflag:s6] =	ssyncadd.s32 $0xFFFF8000  }
0xbd: {  	[tilespmem:s11], [sflag:$0x1] =	stream.indirect.gather [hbm4b:s9+s10], $0x40, s20, s10, $0xb8;
	[tilespmem:$0x1F000] =	vst v63  }
0xbe: {  	_ =	swait.ge [sflag:s14], $0x8000  }
0xbf: {  	[sflag:s14] =	ssyncset.done $0x0  }
0xc0: {  	s21 =	simm.s32 $0x4600;
	[sflag:s14] =	ssyncadd.s32 $0xFFFF8000  }
0xc1: {  	[spmem:s2] =	stream.indirect.scatter.add.f32 [tilespmem:s12], [sflag:$0x3], $0x40, s21, s10, $0xb8;
	[tilespmem:$0x1F000] =	vst v63  }
0xc2: {  	_ =	swait.ge [sflag:s6], $0x8000  }
0xc3: {  	[sflag:s6] =	ssyncset.done $0x0  }
0xc4: {  	s22 =	simm.s32 $0x2200;
	[sflag:s6] =	ssyncadd.s32 $0xFFFF8000  }
0xc5: {  	[tilespmem:s12], [sflag:$0x2] =	stream.indirect.gather [hbm4b:s9+s10], $0x40, s22, s10, $0xb8;
	[tilespmem:$0x1F000] =	vst v63  }
0xc6: {  	_ =	swait.ge [sflag:s13], $0x8000  }
0xc7: {  	[sflag:s13] =	ssyncset.done $0x0  }
0xc8: {  	s23 =	simm.s32 $0x4800;
	[sflag:s13] =	ssyncadd.s32 $0xFFFF8000  }
0xc9: {  	[spmem:s2] =	stream.indirect.scatter.add.f32 [tilespmem:s11], [sflag:$0x3], $0x40, s23, s10, $0xb8;
	[tilespmem:$0x1F000] =	vst v63  }
0xca: {  	_ =	swait.ge [sflag:s6], $0x8000  }
0xcb: {  	[sflag:s6] =	ssyncset.done $0x0  }
0xcc: {  	s24 =	simm.s32 $0x2400;
	[sflag:s6] =	ssyncadd.s32 $0xFFFF8000  }
0xcd: {  	[tilespmem:s11], [sflag:$0x1] =	stream.indirect.gather [hbm4b:s9+s10], $0x40, s24, s10, $0xb8;
	[tilespmem:$0x1F000] =	vst v63  }
0xce: {  	_ =	swait.ge [sflag:s14], $0x8000  }
0xcf: {  	[sflag:s14] =	ssyncset.done $0x0  }
0xd0: {  	s25 =	simm.s32 $0x4A00;
	[sflag:s14] =	ssyncadd.s32 $0xFFFF8000  }
0xd1: {  	[spmem:s2] =	stream.indirect.scatter.add.f32 [tilespmem:s12], [sflag:$0x3], $0x40, s25, s10, $0xb8;
	[tilespmem:$0x1F000] =	vst v63  }
0xd2: {  	_ =	swait.ge [sflag:s6], $0x8000  }
0xd3: {  	[sflag:s6] =	ssyncset.done $0x0  }
0xd4: {  	s26 =	simm.s32 $0x2600;
	[sflag:s6] =	ssyncadd.s32 $0xFFFF8000  }
0xd5: {  	[tilespmem:s12], [sflag:$0x2] =	stream.indirect.gather [hbm4b:s9+s10], $0x40, s26, s10, $0xb8;
	[tilespmem:$0x1F000] =	vst v63  }
0xd6: {  	_ =	swait.ge [sflag:s13], $0x8000  }
0xd7: {  	[sflag:s13] =	ssyncset.done $0x0  }
0xd8: {  	s28 =	simm.s32 $0x4C00;
	[sflag:s13] =	ssyncadd.s32 $0xFFFF8000  }
0xd9: {  	[spmem:s2] =	stream.indirect.scatter.add.f32 [tilespmem:s11], [sflag:$0x3], $0x40, s28, s10, $0xb8;
	[tilespmem:$0x1F000] =	vst v63  }
0xda: {  	_ =	swait.ge [sflag:s6], $0x8000  }
0xdb: {  	[sflag:s6] =	ssyncset.done $0x0  }
0xdc: {  	[sflag:s6] =	ssyncadd.s32 $0xFFFF8000  }
0xdd: {  	_ =	swait.ge [sflag:s14], $0x8000  }
0xde: {  	s1 =	ssub.s32 $0x2, s1;
	[sflag:s14] =	ssyncset.done $0x0  }
0xdf: {  	s29 =	simm.s32 $0x4E00;
	s30 =	sshrl.u32 s1, $0x1;
	[sflag:s14] =	ssyncadd.s32 $0xFFFF8000  }
0xe0: {  	[spmem:s2] =	stream.indirect.scatter.add.f32 [tilespmem:s12], [sflag:$0x3], $0x40, s29, s10, $0xb8;
	[tilespmem:$0x1F000] =	vst v63  }
0xe1: {  	s1 =	ssub.s32 s1, s30;
	_ =	swait.ge [sflag:s6], $0x8000  }
0xe2: {  	s1 =	smax.u32 s1, $0x1;
	[sflag:s6] =	ssyncset.done $0x0  }
0xe3: {  	p0 =	sne.s32 s1, $0x1;
	[sflag:s6] =	ssyncadd.s32 $0xFFFF8000  }
.Ltmp0:
0xe4: {  	[bflag:$0x0] =	sbarrier.arrive $0xFFFF;
	(pc) =	sbr.rel @!p0 .LBB2_2-.Ltmp0, $4  }
0xe5: {  	s31 =	simm.s32 $0x8;
	s30 =	simm.s32 $0x10;
	s0 =	rddreg [dreg:$0x6]  }
0xe6: {  	[hbm:s0@s30], [sflag:s5] =	dma.strided [spmem:s7@s31], $0x1400, s13, $0x8   }
0xe7: {  	_ =	swait.ge [sflag:s6], $0x1400  }
0xe8: {  	s1 =	sadd.s32 $0xFFFFFFFF, s1;
	[sflag:s6] =	ssyncset.done $0x0  }
.LBB2_1:
0xe9: {  	[sflag:s6] =	ssyncadd.s32 $0xFFFFEC00  }
0xea: {  	[spmem:s7], [sflag:s5] =	dma.local [hbm:s4], $0x400  }
0xeb: {  	_ =	swait.ge [sflag:s6], $0x400  }
0xec: {  	[sflag:s6] =	ssyncset.done $0x0  }
0xed: {  	s0 =	rddreg [dreg:$0x7];
	[sflag:s6] =	ssyncadd.s32 $0xFFFFFC00  }
0xee: {  	[spmem:s0], [sflag:s5] =	dma.local [hbm:s4], $0x400  }
0xef: {  	_ =	swait.ge [sflag:s6], $0x400  }
0xf0: {  	[sflag:s6] =	ssyncset.done $0x0  }
0xf1: {  	s0 =	rddreg [dreg:$0x8];
	[sflag:s6] =	ssyncadd.s32 $0xFFFFFC00  }
0xf2: {  	[spmem:s0], [sflag:s5] =	dma.local [hbm:s4], $0x400  }
0xf3: {  	_ =	swait.ge [sflag:s6], $0x400  }
0xf4: {  	[sflag:s6] =	ssyncset.done $0x0  }
0xf5: {  	s0 =	rddreg [dreg:$0x9];
	[sflag:s6] =	ssyncadd.s32 $0xFFFFFC00  }
0xf6: {  	[spmem:s0], [sflag:s5] =	dma.local [hbm:s4], $0x400  }
0xf7: {  	_ =	swait.ge [sflag:s6], $0x400  }
0xf8: {  	[sflag:s6] =	ssyncset.done $0x0  }
0xf9: {  	s0 =	rddreg [dreg:$0xa];
	[sflag:s6] =	ssyncadd.s32 $0xFFFFFC00  }
0xfa: {  	[spmem:s0], [sflag:s5] =	dma.local [hbm:s4], $0x400  }
0xfb: {  	_ =	swait.ge [sflag:s6], $0x400  }
0xfc: {  	[sflag:s6] =	ssyncset.done $0x0  }
0xfd: {  	s0 =	rddreg [dreg:$0x4];
	[sflag:s6] =	ssyncadd.s32 $0xFFFFFC00  }
0xfe: {  	[tilespmem:s3], [sflag:$0x3] =	stream.linear.gather [hbm4b:s0+s3], $0x2800, $0x38;
	[tilespmem:$0x1F000] =	vst v63  }
0xff: {  	_ =	swait.ge [sflag:s6], $0x2800  }
0x100: {  	[sflag:s6] =	ssyncset.done $0x0  }
0x101: {  	s0 =	rddreg [dreg:$0x5];
	[sflag:s6] =	ssyncadd.s32 $0xFFFFD800  }
0x102: {  	[tilespmem:s8], [sflag:$0x3] =	stream.linear.gather [hbm4b:s0+s3], $0x2800, $0x38;
	[tilespmem:$0x1F000] =	vst v63  }
0x103: {  	_ =	swait.ge [sflag:s6], $0x2800  }
0x104: {  	[sflag:s6] =	ssyncset.done $0x0  }
0x105: {  	[sflag:s6] =	ssyncadd.s32 $0xFFFFD800  }
0x106: {  	[bflag:$0x0] =	sbarrier.arrive $0xFFFF  }
0x107: {  	[tilespmem:s11], [sflag:$0x1] =	stream.indirect.gather [hbm4b:s9+s10], $0x40, s3, s10, $0xb8;
	[tilespmem:$0x1F000] =	vst v63  }
0x108: {  	_ = 	snop  }
0x109: {  	[tilespmem:s12], [sflag:$0x2] =	stream.indirect.gather [hbm4b:s9+s10], $0x40, s10, s10, $0xb8;
	[tilespmem:$0x1F000] =	vst v63  }
0x10a: {  	_ =	swait.ge [sflag:s13], $0x8000  }
0x10b: {  	[sflag:s13] =	ssyncset.done $0x0  }
0x10c: {  	[sflag:s13] =	ssyncadd.s32 $0xFFFF8000  }
0x10d: {  	[spmem:s2] =	stream.indirect.scatter.add.f32 [tilespmem:s11], [sflag:$0x3], $0x40, s8, s10, $0xb8;
	[tilespmem:$0x1F000] =	vst v63  }
0x10e: {  	_ =	swait.ge [sflag:s6], $0x8000  }
0x10f: {  	[sflag:s6] =	ssyncset.done $0x0  }
0x110: {  	s0 =	rddreg [dreg:$0xb];
	[sflag:s6] =	ssyncadd.s32 $0xFFFF8000  }
0x111: {  	[tilespmem:s11], [sflag:$0x1] =	stream.indirect.gather [hbm4b:s9+s10], $0x40, s0, s10, $0xb8;
	[tilespmem:$0x1F000] =	vst v63  }
0x112: {  	_ =	swait.ge [sflag:s14], $0x8000  }
0x113: {  	[sflag:s14] =	ssyncset.done $0x0  }
0x114: {  	s0 =	rddreg [dreg:$0xc];
	[sflag:s14] =	ssyncadd.s32 $0xFFFF8000  }
0x115: {  	[spmem:s2] =	stream.indirect.scatter.add.f32 [tilespmem:s12], [sflag:$0x3], $0x40, s0, s10, $0xb8;
	[tilespmem:$0x1F000] =	vst v63  }
0x116: {  	_ =	swait.ge [sflag:s6], $0x8000  }
0x117: {  	[sflag:s6] =	ssyncset.done $0x0  }
0x118: {  	s0 =	rddreg [dreg:$0xd];
	[sflag:s6] =	ssyncadd.s32 $0xFFFF8000  }
0x119: {  	[tilespmem:s12], [sflag:$0x2] =	stream.indirect.gather [hbm4b:s9+s10], $0x40, s0, s10, $0xb8;
	[tilespmem:$0x1F000] =	vst v63  }
0x11a: {  	_ =	swait.ge [sflag:s13], $0x8000  }
0x11b: {  	[sflag:s13] =	ssyncset.done $0x0  }
0x11c: {  	s0 =	rddreg [dreg:$0xe];
	[sflag:s13] =	ssyncadd.s32 $0xFFFF8000  }
0x11d: {  	[spmem:s2] =	stream.indirect.scatter.add.f32 [tilespmem:s11], [sflag:$0x3], $0x40, s0, s10, $0xb8;
	[tilespmem:$0x1F000] =	vst v63  }
0x11e: {  	_ =	swait.ge [sflag:s6], $0x8000  }
0x11f: {  	[sflag:s6] =	ssyncset.done $0x0  }
0x120: {  	s0 =	rddreg [dreg:$0xf];
	[sflag:s6] =	ssyncadd.s32 $0xFFFF8000  }
0x121: {  	[tilespmem:s11], [sflag:$0x1] =	stream.indirect.gather [hbm4b:s9+s10], $0x40, s0, s10, $0xb8;
	[tilespmem:$0x1F000] =	vst v63  }
0x122: {  	_ =	swait.ge [sflag:s14], $0x8000  }
0x123: {  	[sflag:s14] =	ssyncset.done $0x0  }
0x124: {  	s0 =	rddreg [dreg:$0x10];
	[sflag:s14] =	ssyncadd.s32 $0xFFFF8000  }
0x125: {  	[spmem:s2] =	stream.indirect.scatter.add.f32 [tilespmem:s12], [sflag:$0x3], $0x40, s0, s10, $0xb8;
	[tilespmem:$0x1F000] =	vst v63  }
0x126: {  	_ =	swait.ge [sflag:s6], $0x8000  }
0x127: {  	[sflag:s6] =	ssyncset.done $0x0  }
0x128: {  	s0 =	rddreg [dreg:$0x11];
	[sflag:s6] =	ssyncadd.s32 $0xFFFF8000  }
0x129: {  	[tilespmem:s12], [sflag:$0x2] =	stream.indirect.gather [hbm4b:s9+s10], $0x40, s0, s10, $0xb8;
	[tilespmem:$0x1F000] =	vst v63  }
0x12a: {  	_ =	swait.ge [sflag:s13], $0x8000  }
0x12b: {  	[sflag:s13] =	ssyncset.done $0x0  }
0x12c: {  	s0 =	rddreg [dreg:$0x12];
	[sflag:s13] =	ssyncadd.s32 $0xFFFF8000  }
0x12d: {  	[spmem:s2] =	stream.indirect.scatter.add.f32 [tilespmem:s11], [sflag:$0x3], $0x40, s0, s10, $0xb8;
	[tilespmem:$0x1F000] =	vst v63  }
0x12e: {  	_ =	swait.ge [sflag:s6], $0x8000  }
0x12f: {  	[sflag:s6] =	ssyncset.done $0x0  }
0x130: {  	s0 =	rddreg [dreg:$0x13];
	[sflag:s6] =	ssyncadd.s32 $0xFFFF8000  }
0x131: {  	[tilespmem:s11], [sflag:$0x1] =	stream.indirect.gather [hbm4b:s9+s10], $0x40, s0, s10, $0xb8;
	[tilespmem:$0x1F000] =	vst v63  }
0x132: {  	_ =	swait.ge [sflag:s14], $0x8000  }
0x133: {  	[sflag:s14] =	ssyncset.done $0x0  }
0x134: {  	s0 =	rddreg [dreg:$0x14];
	[sflag:s14] =	ssyncadd.s32 $0xFFFF8000  }
0x135: {  	[spmem:s2] =	stream.indirect.scatter.add.f32 [tilespmem:s12], [sflag:$0x3], $0x40, s0, s10, $0xb8;
	[tilespmem:$0x1F000] =	vst v63  }
0x136: {  	_ =	swait.ge [sflag:s6], $0x8000  }
0x137: {  	[sflag:s6] =	ssyncset.done $0x0  }
0x138: {  	s0 =	rddreg [dreg:$0x15];
	[sflag:s6] =	ssyncadd.s32 $0xFFFF8000  }
0x139: {  	[tilespmem:s12], [sflag:$0x2] =	stream.indirect.gather [hbm4b:s9+s10], $0x40, s0, s10, $0xb8;
	[tilespmem:$0x1F000] =	vst v63  }
0x13a: {  	_ =	swait.ge [sflag:s13], $0x8000  }
0x13b: {  	[sflag:s13] =	ssyncset.done $0x0  }
0x13c: {  	s0 =	rddreg [dreg:$0x16];
	[sflag:s13] =	ssyncadd.s32 $0xFFFF8000  }
0x13d: {  	[spmem:s2] =	stream.indirect.scatter.add.f32 [tilespmem:s11], [sflag:$0x3], $0x40, s0, s10, $0xb8;
	[tilespmem:$0x1F000] =	vst v63  }
0x13e: {  	_ =	swait.ge [sflag:s6], $0x8000  }
0x13f: {  	[sflag:s6] =	ssyncset.done $0x0  }
0x140: {  	s0 =	rddreg [dreg:$0x17];
	[sflag:s6] =	ssyncadd.s32 $0xFFFF8000  }
0x141: {  	[tilespmem:s11], [sflag:$0x1] =	stream.indirect.gather [hbm4b:s9+s10], $0x40, s0, s10, $0xb8;
	[tilespmem:$0x1F000] =	vst v63  }
0x142: {  	_ =	swait.ge [sflag:s14], $0x8000  }
0x143: {  	[sflag:s14] =	ssyncset.done $0x0  }
0x144: {  	s0 =	rddreg [dreg:$0x18];
	[sflag:s14] =	ssyncadd.s32 $0xFFFF8000  }
0x145: {  	[spmem:s2] =	stream.indirect.scatter.add.f32 [tilespmem:s12], [sflag:$0x3], $0x40, s0, s10, $0xb8;
	[tilespmem:$0x1F000] =	vst v63  }
0x146: {  	_ =	swait.ge [sflag:s6], $0x8000  }
0x147: {  	[sflag:s6] =	ssyncset.done $0x0  }
0x148: {  	s0 =	rddreg [dreg:$0x19];
	[sflag:s6] =	ssyncadd.s32 $0xFFFF8000  }
0x149: {  	[tilespmem:s12], [sflag:$0x2] =	stream.indirect.gather [hbm4b:s9+s10], $0x40, s0, s10, $0xb8;
	[tilespmem:$0x1F000] =	vst v63  }
0x14a: {  	_ =	swait.ge [sflag:s13], $0x8000  }
0x14b: {  	[sflag:s13] =	ssyncset.done $0x0  }
0x14c: {  	s0 =	rddreg [dreg:$0x1a];
	[sflag:s13] =	ssyncadd.s32 $0xFFFF8000  }
0x14d: {  	[spmem:s2] =	stream.indirect.scatter.add.f32 [tilespmem:s11], [sflag:$0x3], $0x40, s0, s10, $0xb8;
	[tilespmem:$0x1F000] =	vst v63  }
0x14e: {  	_ =	swait.ge [sflag:s6], $0x8000  }
0x14f: {  	[sflag:s6] =	ssyncset.done $0x0  }
0x150: {  	s0 =	rddreg [dreg:$0x1b];
	[sflag:s6] =	ssyncadd.s32 $0xFFFF8000  }
0x151: {  	[tilespmem:s11], [sflag:$0x1] =	stream.indirect.gather [hbm4b:s9+s10], $0x40, s0, s10, $0xb8;
	[tilespmem:$0x1F000] =	vst v63  }
0x152: {  	_ =	swait.ge [sflag:s14], $0x8000  }
0x153: {  	[sflag:s14] =	ssyncset.done $0x0  }
0x154: {  	s0 =	rddreg [dreg:$0x1c];
	[sflag:s14] =	ssyncadd.s32 $0xFFFF8000  }
0x155: {  	[spmem:s2] =	stream.indirect.scatter.add.f32 [tilespmem:s12], [sflag:$0x3], $0x40, s0, s10, $0xb8;
	[tilespmem:$0x1F000] =	vst v63  }
0x156: {  	_ =	swait.ge [sflag:s6], $0x8000  }
0x157: {  	[sflag:s6] =	ssyncset.done $0x0  }
0x158: {  	s0 =	rddreg [dreg:$0x1d];
	[sflag:s6] =	ssyncadd.s32 $0xFFFF8000  }
0x159: {  	[tilespmem:s12], [sflag:$0x2] =	stream.indirect.gather [hbm4b:s9+s10], $0x40, s0, s10, $0xb8;
	[tilespmem:$0x1F000] =	vst v63  }
0x15a: {  	_ =	swait.ge [sflag:s13], $0x8000  }
0x15b: {  	[sflag:s13] =	ssyncset.done $0x0  }
0x15c: {  	s0 =	rddreg [dreg:$0x1e];
	[sflag:s13] =	ssyncadd.s32 $0xFFFF8000  }
0x15d: {  	[spmem:s2] =	stream.indirect.scatter.add.f32 [tilespmem:s11], [sflag:$0x3], $0x40, s0, s10, $0xb8;
	[tilespmem:$0x1F000] =	vst v63  }
0x15e: {  	_ =	swait.ge [sflag:s6], $0x8000  }
0x15f: {  	[sflag:s6] =	ssyncset.done $0x0  }
0x160: {  	s0 =	rddreg [dreg:$0x1f];
	[sflag:s6] =	ssyncadd.s32 $0xFFFF8000  }
0x161: {  	[tilespmem:s11], [sflag:$0x1] =	stream.indirect.gather [hbm4b:s9+s10], $0x40, s0, s10, $0xb8;
	[tilespmem:$0x1F000] =	vst v63  }
0x162: {  	_ =	swait.ge [sflag:s14], $0x8000  }
0x163: {  	s0 =	sld [smem:$0x7FC]  }
0x164: {  	[sflag:s14] =	ssyncset.done $0x0  }
0x165: {  	[sflag:s14] =	ssyncadd.s32 $0xFFFF8000  }
0x166: {  	[spmem:s2] =	stream.indirect.scatter.add.f32 [tilespmem:s12], [sflag:$0x3], $0x40, s0, s10, $0xb8;
	[tilespmem:$0x1F000] =	vst v63  }
0x167: {  	_ =	swait.ge [sflag:s6], $0x8000  }
0x168: {  	s0 =	sld [smem:$0x7FD]  }
0x169: {  	[sflag:s6] =	ssyncset.done $0x0  }
0x16a: {  	[sflag:s6] =	ssyncadd.s32 $0xFFFF8000  }
0x16b: {  	[tilespmem:s12], [sflag:$0x2] =	stream.indirect.gather [hbm4b:s9+s10], $0x40, s0, s10, $0xb8;
	[tilespmem:$0x1F000] =	vst v63  }
0x16c: {  	_ =	swait.ge [sflag:s13], $0x8000  }
0x16d: {  	[sflag:s13] =	ssyncset.done $0x0  }
0x16e: {  	[sflag:s13] =	ssyncadd.s32 $0xFFFF8000  }
0x16f: {  	[spmem:s2] =	stream.indirect.scatter.add.f32 [tilespmem:s11], [sflag:$0x3], $0x40, s15, s10, $0xb8;
	[tilespmem:$0x1F000] =	vst v63  }
0x170: {  	_ =	swait.ge [sflag:s6], $0x8000  }
0x171: {  	[sflag:s6] =	ssyncset.done $0x0  }
0x172: {  	[sflag:s6] =	ssyncadd.s32 $0xFFFF8000  }
0x173: {  	[tilespmem:s11], [sflag:$0x1] =	stream.indirect.gather [hbm4b:s9+s10], $0x40, s16, s10, $0xb8;
	[tilespmem:$0x1F000] =	vst v63  }
0x174: {  	_ =	swait.ge [sflag:s14], $0x8000  }
0x175: {  	[sflag:s14] =	ssyncset.done $0x0  }
0x176: {  	[sflag:s14] =	ssyncadd.s32 $0xFFFF8000  }
0x177: {  	[spmem:s2] =	stream.indirect.scatter.add.f32 [tilespmem:s12], [sflag:$0x3], $0x40, s17, s10, $0xb8;
	[tilespmem:$0x1F000] =	vst v63  }
0x178: {  	_ =	swait.ge [sflag:s6], $0x8000  }
0x179: {  	[sflag:s6] =	ssyncset.done $0x0  }
0x17a: {  	[sflag:s6] =	ssyncadd.s32 $0xFFFF8000  }
0x17b: {  	[tilespmem:s12], [sflag:$0x2] =	stream.indirect.gather [hbm4b:s9+s10], $0x40, s18, s10, $0xb8;
	[tilespmem:$0x1F000] =	vst v63  }
0x17c: {  	_ =	swait.ge [sflag:s13], $0x8000  }
0x17d: {  	[sflag:s13] =	ssyncset.done $0x0  }
0x17e: {  	[sflag:s13] =	ssyncadd.s32 $0xFFFF8000  }
0x17f: {  	[spmem:s2] =	stream.indirect.scatter.add.f32 [tilespmem:s11], [sflag:$0x3], $0x40, s19, s10, $0xb8;
	[tilespmem:$0x1F000] =	vst v63  }
0x180: {  	_ =	swait.ge [sflag:s6], $0x8000  }
0x181: {  	[sflag:s6] =	ssyncset.done $0x0  }
0x182: {  	[sflag:s6] =	ssyncadd.s32 $0xFFFF8000  }
0x183: {  	[tilespmem:s11], [sflag:$0x1] =	stream.indirect.gather [hbm4b:s9+s10], $0x40, s20, s10, $0xb8;
	[tilespmem:$0x1F000] =	vst v63  }
0x184: {  	_ =	swait.ge [sflag:s14], $0x8000  }
0x185: {  	[sflag:s14] =	ssyncset.done $0x0  }
0x186: {  	[sflag:s14] =	ssyncadd.s32 $0xFFFF8000  }
0x187: {  	[spmem:s2] =	stream.indirect.scatter.add.f32 [tilespmem:s12], [sflag:$0x3], $0x40, s21, s10, $0xb8;
	[tilespmem:$0x1F000] =	vst v63  }
0x188: {  	_ =	swait.ge [sflag:s6], $0x8000  }
0x189: {  	[sflag:s6] =	ssyncset.done $0x0  }
0x18a: {  	[sflag:s6] =	ssyncadd.s32 $0xFFFF8000  }
0x18b: {  	[tilespmem:s12], [sflag:$0x2] =	stream.indirect.gather [hbm4b:s9+s10], $0x40, s22, s10, $0xb8;
	[tilespmem:$0x1F000] =	vst v63  }
0x18c: {  	_ =	swait.ge [sflag:s13], $0x8000  }
0x18d: {  	[sflag:s13] =	ssyncset.done $0x0  }
0x18e: {  	[sflag:s13] =	ssyncadd.s32 $0xFFFF8000  }
0x18f: {  	[spmem:s2] =	stream.indirect.scatter.add.f32 [tilespmem:s11], [sflag:$0x3], $0x40, s23, s10, $0xb8;
	[tilespmem:$0x1F000] =	vst v63  }
0x190: {  	_ =	swait.ge [sflag:s6], $0x8000  }
0x191: {  	[sflag:s6] =	ssyncset.done $0x0  }
0x192: {  	[sflag:s6] =	ssyncadd.s32 $0xFFFF8000  }
0x193: {  	[tilespmem:s11], [sflag:$0x1] =	stream.indirect.gather [hbm4b:s9+s10], $0x40, s24, s10, $0xb8;
	[tilespmem:$0x1F000] =	vst v63  }
0x194: {  	_ =	swait.ge [sflag:s14], $0x8000  }
0x195: {  	[sflag:s14] =	ssyncset.done $0x0  }
0x196: {  	[sflag:s14] =	ssyncadd.s32 $0xFFFF8000  }
0x197: {  	[spmem:s2] =	stream.indirect.scatter.add.f32 [tilespmem:s12], [sflag:$0x3], $0x40, s25, s10, $0xb8;
	[tilespmem:$0x1F000] =	vst v63  }
0x198: {  	_ =	swait.ge [sflag:s6], $0x8000  }
0x199: {  	[sflag:s6] =	ssyncset.done $0x0  }
0x19a: {  	[sflag:s6] =	ssyncadd.s32 $0xFFFF8000  }
0x19b: {  	[tilespmem:s12], [sflag:$0x2] =	stream.indirect.gather [hbm4b:s9+s10], $0x40, s26, s10, $0xb8;
	[tilespmem:$0x1F000] =	vst v63  }
0x19c: {  	_ =	swait.ge [sflag:s13], $0x8000  }
0x19d: {  	[sflag:s13] =	ssyncset.done $0x0  }
0x19e: {  	[sflag:s13] =	ssyncadd.s32 $0xFFFF8000  }
0x19f: {  	[spmem:s2] =	stream.indirect.scatter.add.f32 [tilespmem:s11], [sflag:$0x3], $0x40, s28, s10, $0xb8;
	[tilespmem:$0x1F000] =	vst v63  }
0x1a0: {  	_ =	swait.ge [sflag:s6], $0x8000  }
0x1a1: {  	[sflag:s6] =	ssyncset.done $0x0  }
0x1a2: {  	[sflag:s6] =	ssyncadd.s32 $0xFFFF8000  }
0x1a3: {  	_ =	swait.ge [sflag:s14], $0x8000  }
0x1a4: {  	[sflag:s14] =	ssyncset.done $0x0  }
0x1a5: {  	[sflag:s14] =	ssyncadd.s32 $0xFFFF8000  }
0x1a6: {  	[spmem:s2] =	stream.indirect.scatter.add.f32 [tilespmem:s12], [sflag:$0x3], $0x40, s29, s10, $0xb8;
	[tilespmem:$0x1F000] =	vst v63  }
0x1a7: {  	_ =	swait.ge [sflag:s6], $0x8000  }
0x1a8: {  	[sflag:s6] =	ssyncset.done $0x0  }
0x1a9: {  	p0 =	sne.s32 s1, $0x1;
	[sflag:s6] =	ssyncadd.s32 $0xFFFF8000  }
.Ltmp1:
0x1aa: {  	[bflag:$0x0] =	sbarrier.arrive $0xFFFF;
	(pc) =	sbr.rel @p0 .LBB2_1-.Ltmp1, $4  }
0x1ab: {  	s0 =	rddreg [dreg:$0x6]  }
0x1ac: {  	[hbm:s0@s30], [sflag:s5] =	dma.strided [spmem:s7@s31], $0x1400, s13, $0x8   }
0x1ad: {  	_ =	swait.ge [sflag:s6], $0x1400  }
0x1ae: {  	s1 =	sadd.s32 $0xFFFFFFFF, s1;
	[sflag:s6] =	ssyncset.done $0x0  }
.LBB2_2:
0x1af: {  	[sflag:s6] =	ssyncadd.s32 $0xFFFFEC00  }
0x1b0: {  	_ =	sfence.sel $0x180000  }
0x1b1: {  	[bflag:$0x0] =	sbarrier.arrive $0xFFFF  }
0x1b2: {  	_ =	strace $0x9000004D  }
0x1b3: {  	s0 =	stileid.u32;
	[bflag:$0x2] =	sbarrier.arrive $0xFFFF  }
0x1b4: {  	p0 =	sne.s32 s0, $0x0;
	s0 =	rddreg [dreg:$0x3]  }
0x1b5: {  	s0 =	sadd.s32 @!p0 $0x100000, s0  }
0x1b6: {  	[sflag:s0] =	ssyncadd.tile.s32 @!p0 $0x1;
	_ =	shalt  }
.Lfunc_end2:
_tile_overlayer_lowered:
.L_overlay_start_2:
0x1b7: {  	(tag) =	ssettag $0x2  }
0x1b8: {  	s0 =	rddreg [dreg:$0x0];
	s2 =	stileid.u32  }
0x1b9: {  	s1 =	rddreg [dreg:$0x1];
	p0 =	sne.s32 s2, $0x0  }
0x1ba: {  	s3 =	rddreg [dreg:$0x2];
	[bflag:$0x3] =	sbarrier.arrive $0xFFFF;
	s2 =	simm.s32 @!p0 $0x1C03  }
0x1bb: {  	[timem:s3], [sflag:s2] =	dma.local @!p0 [hbm:s0], s1  }
0x1bc: {  	s0 =	simm.s32 @!p0 $0x3  }
0x1bd: {  	_ =	swait.ge @!p0 [sflag:s0], s1  }
0x1be: {  	s1 =	ssub.s32 @!p0 $0x0, s1;
	[sflag:s0] =	ssyncset.done @!p0 $0x0  }
0x1bf: {  	[sflag:s0] =	ssyncadd.s32 @!p0 s1  }
0x1c0: {  	[bflag:$0x3] =	sbarrier.arrive $0xFFFF  }
0x1c1: {  	_ =	shalt  }

// kernel: kernel.21.cloned.1.call-start
scs
__scs_entry_jumppad:
0x0: {  	(pc) =	sbr.rel $0x88, $3  }
0x1: {  	(tag) =	ssettag $0x0;
	lr =	simm.s32 $0x1  }
0x2: {  	[smem:$0x3F90] =	sst lr;
	_ =	strace $0xD0000000  }
0x3: {  	_ = 	snop  }
0x4: {  	_ = 	snop  }
0x5: {  	_ = 	snop  }
0x6: {  	_ = 	snop  }
0x7: {  	_ = 	snop  }
__scs_overlays_trampoline_lowered:
0x8: {  	[smem:$0x3F9F] =	sst s0  }
0x9: {  	[smem:$0x3FA0] =	sst s1  }
0xa: {  	[smem:$0x3FA1] =	sst s2  }
0xb: {  	[smem:$0x3FA2] =	sst s3  }
0xc: {  	[smem:$0x3FA3] =	sst s4  }
0xd: {  	[smem:$0x3FA4] =	sst s5  }
0xe: {  	[smem:$0x3FA5] =	sst s6  }
0xf: {  	[smem:$0x3FA6] =	sst s7  }
0x10: {  	[smem:$0x3FA7] =	sst s8  }
0x11: {  	[smem:$0x3FA8] =	sst s9;
	s0 =	simm.s32 @!p0 $0x0  }
0x12: {  	s1 =	sld [smem:$0x3F8E];
	s0 =	simm.s32 @p0 $0x1  }
0x13: {  	[smem:$0x3FA9] =	sst s0;
	s0 =	simm.s32 @!p1 $0x0  }
0x14: {  	s2 =	sld [smem:$0x3F8D];
	s0 =	simm.s32 @p1 $0x1  }
0x15: {  	[smem:$0x3FAA] =	sst s0;
	s0 =	simm.s32 @!p2 $0x0  }
0x16: {  	s3 =	sld [smem:$0x3FDB];
	s0 =	simm.s32 @p2 $0x1  }
0x17: {  	s4 =	simm.s32 $0x1BF5;
	[smem:$0x3FAC] =	sst s0  }
0x18: {  	s0 =	sld [smem:$0x3F8F];
	_ =	swait.ge [sflag:s4], $0x0  }
0x19: {  	s7 =	sld [smem:$0x3F90]  }
0x1a: {  	s8 =	sadd.s32 $0xFFFFE003, lr  }
0x1b: {  	s9 =	sadd.s32 $0xFFFFFEF7, lr;
	s5 =	simm.s32 $0xFFFFFFFF;
	p2 =	slt.u32 s8, $0xFFFFF086  }
0x1c: {  	p1 =	slt.u32 s9, $0xF7A;
	s5 =	simm.s32 @!p2 $0x0  }
0x1d: {  	s5 =	simm.s32 @p1 $0x1;
	p0 =	seq.s32 s7, s2  }
0x1e: {  	s7 =	smul.u32 @!p0 $0xF7A, s2;
	p2 =	seq.s32 @!p0 s5, $0x0  }
0x1f: {  	s9 =	smul.u32 $0xF7A, s1;
	s8 =	simm.s32 @!p0 $0x1BF5;
	p2 =	por !p2, p0  }
0x20: {  	[sflag:s8] =	ssyncset.s32 @!p0 $0xFFFFF086;
	s6 =	sadd.s32 @!p0 s3, s7;
	s7 =	simm.s32 @!p0 $0x108  }
0x21: {  	s3 =	sadd.s32 s3, s9;
	s6 =	sadd.s32 @!p0 $0x88, s6;
	s7 =	simm.s32 @p2 $0x1082  }
0x22: {  	[simem:s7], [sflag:s8] =	dma.local @!p0 [hbm:s6], $0xF7A  }
0x23: {  	s9 =	sor.u32 $0xD0000000, s2;
	s6 =	simm.s32 $0x108;
	_ =	swait.ge @!p0 [sflag:s8], $0x0  }
0x24: {  	s3 =	sadd.s32 $0x88, s3;
	s6 =	simm.s32 @!p1 $0x1082;
	[sflag:s4] =	ssyncset.s32 $0xFFFFF086  }
0x25: {  	[simem:s6], [sflag:s4] =	dma.local [hbm:s3], $0xF7A  }
0x26: {  	[smem:$0x3F90] =	sst s1;
	(tag) =	ssettag s2;
	_ =	strace s9  }
0x27: {  	s1 =	sld [smem:$0x3FA0]  }
0x28: {  	s2 =	sld [smem:$0x3FA1]  }
0x29: {  	s4 =	sld [smem:$0x3FA3]  }
0x2a: {  	p0 =	seq.s32 s5, $0x0;
	s5 =	sld [smem:$0x3FA4]  }
0x2b: {  	s6 =	sld [smem:$0x3FA5]  }
0x2c: {  	s7 =	sld [smem:$0x3FA6]  }
0x2d: {  	s3 =	simm.s32 $0x108;
	s8 =	sld [smem:$0x3FA7]  }
0x2e: {  	s3 =	simm.s32 @!p0 $0x1082;
	s9 =	sld [smem:$0x3FA8]  }
0x2f: {  	lr =	sadd.s32 s0, s3;
	s0 =	sld [smem:$0x3F9F]  }
0x30: {  	s3 =	sld [smem:$0x3FA2]  }
0x31: {  	[smem:$0x3FAB] =	sst s10  }
0x32: {  	s10 =	sld [smem:$0x3FA9];
	_ =	sdelay $0x3  }
0x33: {  	p0 =	seq.s32 s10, $0x1;
	s10 =	sld [smem:$0x3FAB];
	_ =	sdelay $0x3  }
0x34: {  	[smem:$0x3FAB] =	sst s10  }
0x35: {  	s10 =	sld [smem:$0x3FAA];
	_ =	sdelay $0x3  }
0x36: {  	p1 =	seq.s32 s10, $0x1;
	s10 =	sld [smem:$0x3FAB];
	_ =	sdelay $0x3  }
0x37: {  	[smem:$0x3FAB] =	sst s10  }
0x38: {  	s10 =	sld [smem:$0x3FAC]  }
0x39: {  	_ = 	snop;
	(pc) =	sbr.ind lr, $3  }
0x3a: {  	_ = 	snop  }
0x3b: {  	_ = 	snop  }
0x3c: {  	p2 =	seq.s32 s10, $0x1;
	s10 =	sld [smem:$0x3FAB]  }
0x3d: {  	_ =	shalt  }
0x3e: {  	_ =	shalt  }
0x3f: {  	_ =	shalt  }
0x40: {  	_ =	shalt  }
0x41: {  	_ =	shalt  }
0x42: {  	_ =	shalt  }
0x43: {  	_ =	shalt  }
0x44: {  	_ =	shalt  }
0x45: {  	_ =	shalt  }
0x46: {  	_ =	shalt  }
0x47: {  	_ =	shalt  }
0x48: {  	_ =	shalt  }
0x49: {  	_ =	shalt  }
0x4a: {  	_ =	shalt  }
0x4b: {  	_ =	shalt  }
0x4c: {  	_ =	shalt  }
0x4d: {  	_ =	shalt  }
0x4e: {  	_ =	shalt  }
0x4f: {  	_ =	shalt  }
0x50: {  	_ =	shalt  }
0x51: {  	_ =	shalt  }
0x52: {  	_ =	shalt  }
0x53: {  	_ =	shalt  }
0x54: {  	_ =	shalt  }
0x55: {  	_ =	shalt  }
0x56: {  	_ =	shalt  }
0x57: {  	_ =	shalt  }
0x58: {  	_ =	shalt  }
0x59: {  	_ =	shalt  }
0x5a: {  	_ =	shalt  }
0x5b: {  	_ =	shalt  }
0x5c: {  	_ =	shalt  }
0x5d: {  	_ =	shalt  }
0x5e: {  	_ =	shalt  }
0x5f: {  	_ =	shalt  }
0x60: {  	_ =	shalt  }
0x61: {  	_ =	shalt  }
0x62: {  	_ =	shalt  }
0x63: {  	_ =	shalt  }
0x64: {  	_ =	shalt  }
0x65: {  	_ =	shalt  }
0x66: {  	_ =	shalt  }
0x67: {  	_ =	shalt  }
0x68: {  	_ =	shalt  }
0x69: {  	_ =	shalt  }
0x6a: {  	_ =	shalt  }
0x6b: {  	_ =	shalt  }
0x6c: {  	_ =	shalt  }
0x6d: {  	_ =	shalt  }
0x6e: {  	_ =	shalt  }
0x6f: {  	_ =	shalt  }
0x70: {  	_ =	shalt  }
0x71: {  	_ =	shalt  }
0x72: {  	_ =	shalt  }
0x73: {  	_ =	shalt  }
0x74: {  	_ =	shalt  }
0x75: {  	_ =	shalt  }
0x76: {  	_ =	shalt  }
0x77: {  	_ =	shalt  }
0x78: {  	_ =	shalt  }
0x79: {  	_ =	shalt  }
0x7a: {  	_ =	shalt  }
0x7b: {  	_ =	shalt  }
0x7c: {  	_ =	shalt  }
0x7d: {  	_ =	shalt  }
0x7e: {  	_ =	shalt  }
0x7f: {  	_ =	shalt  }
0x80: {  	_ =	shalt  }
0x81: {  	_ =	shalt  }
0x82: {  	_ =	shalt  }
0x83: {  	_ =	shalt  }
0x84: {  	_ =	shalt  }
0x85: {  	_ =	shalt  }
0x86: {  	_ =	shalt  }
0x87: {  	_ =	shalt  }
.Lfunc_end0:
.L_simem_size_0:
called_computation.3_lowered:
.L_overlay_start_0:
0x88: {  	s2 =	sld [smem:$0x3FD9]  }
0x89: {  	s3 =	sld [smem:$0x3FFE];
	_ =	sdelay $0x1  }
0x8a: {  	s1 =	srdreg.scid  }
0x8b: {  	s0 =	sand.u32 $0x1, s1  }
0x8c: {  	s17 =	sshll.u32 s0, $0xA;
	s2 =	sadd.s32 s3, s2  }
0x8d: {  	s2 =	sadd.s32 s2, s17  }
0x8e: {  	[smem:$0x3FB7] =	sst s2  }
0x8f: {  	_ = 	snop  }
0x90: {  	s2 =	sld [smem:$0x3FD0];
	(tm) =	ssettm $0x1  }
0x91: {  	s18 =	sld [smem:$0x3FFB];
	_ =	sdelay $0x3  }
0x92: {  	_ =	strace s18  }
0x93: {  	s3 =	sld [smem:$0x3FFC];
	_ =	sdelay $0x3  }
0x94: {  	_ =	strace s3  }
0x95: {  	s3 =	sld [smem:$0x3FFD];
	_ =	sdelay $0x3  }
0x96: {  	_ =	strace s3  }
0x97: {  	_ =	strace $0x8FFFFFFF  }
0x98: {  	s19 =	sld [smem:$0x3FDB];
	_ =	sdelay $0x1  }
0x99: {  	s4 =	simm.s32 $_scs_section_size  }
0x9a: {  	s5 =	simm.s32 $_size__tile_overlayer_lowered;
	s6 =	simm.s32 $_tile_overlayer_lowered  }
0x9b: {  	s22 =	simm.s32 $0x1BFF;
	s21 =	sshll.u32 s6, $0x1;
	s3 =	sadd.s32 s4, s19  }
0x9c: {  	s7 =	simm.s32 $0x0;
	s20 =	sshll.u32 s5, $0x1;
	s5 =	sadd.s32 s21, s3  }
0x9d: {  	[timem:s7], [sflag:s22] =	dma.local [hbm:s5], s20  }
0x9e: {  	_ =	swait.ge [sflag:s22], s20  }
0x9f: {  	s4 =	ssub.s32 $0x0, s20;
	[sflag:s22] =	ssyncset.done $0x0  }
0xa0: {  	[sflag:s22] =	ssyncadd.s32 s4;
	_ =	sdelay $0x1  }
0xa1: {  	s23 =	simm.s32 $0x1B8B  }
0xa2: {  	_ =	swait.ge [sflag:s23], $0x1  }
0xa3: {  	[sflag:s23] =	ssyncset.done $0x0  }
0xa4: {  	s25 =	simm.s32 $0x1B8E;
	s24 =	sld [smem:$0x3FFE];
	[sflag:s23] =	ssyncadd.s32 $0xFFFFFFFF  }
0xa5: {  	s26 =	simm.s32 $execute0_lowered;
	[smem:$0x3FD2] =	sst s25  }
0xa6: {  	s5 =	sshll.u32 s26, $0x1;
	_ =	strace $0x8000004F;
	[dreg:$0x1] =	wrdreg $0xFFFFFFFF  }
0xa7: {  	s28 =	simm.s32 $_size_execute0_lowered;
	s3 =	sadd.s32 s3, s5;
	[dreg:$0x0] =	wrdreg $0x0  }
0xa8: {  	s5 =	sshll.u32 s28, $0x1;
	[dreg:$0x2] =	wrdreg s3  }
0xa9: {  	[dreg:$0x3] =	wrdreg s5  }
0xaa: {  	[dreg:$0x4] =	wrdreg $0xC0  }
0xab: {  	_ =	task [dreg:s7], $0x5FFFF  }
0xac: {  	[dreg:$0x1] =	wrdreg $0xFFFFFFFF  }
0xad: {  	[dreg:$0x0] =	wrdreg $0x60  }
0xae: {  	[dreg:$0x2] =	wrdreg s24  }
0xaf: {  	[dreg:$0x3] =	wrdreg s2  }
0xb0: {  	[dreg:$0x4] =	wrdreg $0x150000  }
0xb1: {  	[dreg:$0x5] =	wrdreg $0x9  }
0xb2: {  	_ =	task.clear_ibuf [dreg:s7], $0x6FFFF;
	_ =	strace $0x9000004F  }
0xb3: {  	s29 =	simm.s32 $0x9;
	_ =	strace $0x80000051  }
0xb4: {  	_ =	swait.ge [sflag:s29], $0x1  }
0xb5: {  	[sflag:s29] =	ssyncadd.s32 $0xFFFFFFFF  }
0xb6: {  	_ =	strace $0x90000051  }
0xb7: {  	_ =	sfence  }
0xb8: {  	s30 =	sld [smem:$0x0];
	_ =	sdelay $0x2  }
0xb9: {  	s31 =	sshll.u32 s1, $0xD;
	s1 =	sshrl.u32 s1, $0x2  }
0xba: {  	s3 =	sand.u32 $0x4000, s31;
	s1 =	sadd.s32 s1, s30  }
0xbb: {  	s0 =	sor.u32 s3, s0;
	s1 =	sshll.u32 s1, $0x11  }
0xbc: {  	s0 =	sor.u32 s1, s0  }
0xbd: {  	s0 =	sadd.s32 $0x8F2B, s0  }
0xbe: {  	[sflag:s0] =	ssyncadd.remote.s32 $0x1  }
0xbf: {  	_ =	sfence.sel $0xFFFF  }
0xc0: {  	[dreg:$0x0] =	wrdreg $0xFFFFFFFF;
	(pc) =	sbr.abs _section_cstart, $3  }
0xc1: {  	[dreg:$0x1] =	wrdreg $0xFFFFFFFF  }
0xc2: {  	_ =	task.clear_ibuf [dreg:s7], $0x2FFFF;
	_ =	strace $0x9FFFFFFF  }
0xc3: {  	(tm) =	ssettm $0x7FFFFFFF  }
tec
execute0_lowered:
.L_overlay_start_1:
0x0: {  	(tag) =	ssettag $0x1  }
0x1: {  	s0 =	srdreg.scid;
	s9 =	rddreg [dreg:$0x0]  }
0x2: {  	s4 =	rddreg [dreg:$0x1];
	s1 =	sand.u32 $0x1, s0  }
0x3: {  	s3 =	simm.s32 $0x0;
	s0 =	stileid.u32;
	s2 =	sshll.u32 s1, $0x4  }
0x4: {  	[smem:$0x7FF] =	sst s3;
	s2 =	sor.u32 s0, s2  }
0x5: {  	s11 =	simm.s32 $0x800;
	s5 =	smul.u32 $0x500, s2;
	s2 =	rddreg [dreg:$0x2]  }
0x6: {  	s12 =	simm.s32 $0x2E00;
	_ =	strace $0x80000050;
	[dreg:$0xf] =	wrdreg s11  }
0x7: {  	s13 =	simm.s32 $0xA00;
	[dreg:$0x10] =	wrdreg s12  }
0x8: {  	s14 =	simm.s32 $0x3000;
	[dreg:$0x11] =	wrdreg s13  }
0x9: {  	s15 =	simm.s32 $0xC00;
	[dreg:$0x12] =	wrdreg s14  }
0xa: {  	s16 =	simm.s32 $0x3200;
	s7 =	smul.u32 $0x140000, s1;
	[dreg:$0x13] =	wrdreg s15  }
0xb: {  	s17 =	simm.s32 $0xE00;
	s8 =	smul.u32 $0x14000, s0;
	[dreg:$0x14] =	wrdreg s16  }
0xc: {  	s18 =	simm.s32 $0x3400;
	s6 =	smul.u32 $0x28000, s0;
	[dreg:$0x15] =	wrdreg s17  }
0xd: {  	s7 =	sadd.s32 s8, s7;
	s8 =	simm.s32 $0x600;
	[dreg:$0x16] =	wrdreg s18  }
0xe: {  	s11 =	simm.s32 $0x1A00;
	s7 =	sshrl.u32 s7, $0x3;
	[dreg:$0xd] =	wrdreg s8  }
0xf: {  	s6 =	sshrl.u32 s6, $0x2;
	[smem:$0x7FD] =	sst s11;
	s4 =	sadd.s32 s4, s7  }
0x10: {  	s5 =	sadd.s32 s5, s9;
	s7 =	simm.s32 $0x2A00;
	[dreg:$0x6] =	wrdreg s4  }
0x11: {  	s6 =	sadd.s32 s6, s2;
	s10 =	sadd.s32 $0xF000, s5;
	[dreg:$0xc] =	wrdreg s7  }
0x12: {  	s19 =	sadd.s32 $0x2000, s6;
	s5 =	sadd.s32 $0x4800, s5;
	[dreg:$0x4] =	wrdreg s10  }
0x13: {  	s20 =	sadd.s32 $0x4000, s6;
	s21 =	sshrl.u32 s19, $0x3;
	[dreg:$0x5] =	wrdreg s5  }
0x14: {  	s22 =	sadd.s32 $0x6000, s6;
	s23 =	sshrl.u32 s20, $0x3;
	[dreg:$0x7] =	wrdreg s21  }
0x15: {  	s24 =	sadd.s32 $0x8000, s6;
	s25 =	sshrl.u32 s22, $0x3;
	[dreg:$0x8] =	wrdreg s23  }
0x16: {  	s26 =	sshrl.u32 s24, $0x3;
	[dreg:$0x9] =	wrdreg s25  }
0x17: {  	s19 =	simm.s32 $0x1000;
	[dreg:$0xa] =	wrdreg s26  }
0x18: {  	s20 =	simm.s32 $0x3600;
	[dreg:$0x17] =	wrdreg s19  }
0x19: {  	s22 =	simm.s32 $0x3800;
	[dreg:$0x18] =	wrdreg s20  }
0x1a: {  	s24 =	simm.s32 $0x3A00;
	[dreg:$0x1a] =	wrdreg s22  }
0x1b: {  	s7 =	simm.s32 $0x1800;
	[dreg:$0x1c] =	wrdreg s24  }
0x1c: {  	s5 =	simm.s32 $0x400;
	[dreg:$0x1f] =	wrdreg s7  }
0x1d: {  	s10 =	simm.s32 $0x2C00;
	[dreg:$0xb] =	wrdreg s5  }
0x1e: {  	s21 =	simm.s32 $0x1200;
	[dreg:$0xe] =	wrdreg s10  }
0x1f: {  	s23 =	simm.s32 $0x1400;
	[dreg:$0x19] =	wrdreg s21  }
0x20: {  	s8 =	sshll.u32 s0, $0x6;
	s25 =	simm.s32 $0x1600;
	[dreg:$0x1b] =	wrdreg s23  }
0x21: {  	s4 =	sadd.s32 $0xE800, s9;
	s26 =	simm.s32 $0x3C00;
	[dreg:$0x1d] =	wrdreg s25  }
0x22: {  	s7 =	sshrl.u32 s6, $0x3;
	[dreg:$0x1e] =	wrdreg s26;
	s10 =	simm.s32 $0x3E00  }
0x23: {  	s6 =	simm.s32 $0x3;
	s5 =	sor.u32 $0x1C03, s8;
	[smem:$0x7FC] =	sst s10  }
0x24: {  	[spmem:s7], [sflag:s5] =	dma.local [hbm:s4], $0x400  }
0x25: {  	_ =	swait.ge [sflag:s6], $0x400  }
0x26: {  	[sflag:s6] =	ssyncset.done $0x0  }
0x27: {  	s12 =	rddreg [dreg:$0x7];
	[sflag:s6] =	ssyncadd.s32 $0xFFFFFC00  }
0x28: {  	[spmem:s12], [sflag:s5] =	dma.local [hbm:s4], $0x400  }
0x29: {  	_ =	swait.ge [sflag:s6], $0x400  }
0x2a: {  	[sflag:s6] =	ssyncset.done $0x0  }
0x2b: {  	s13 =	rddreg [dreg:$0x8];
	[sflag:s6] =	ssyncadd.s32 $0xFFFFFC00  }
0x2c: {  	[spmem:s13], [sflag:s5] =	dma.local [hbm:s4], $0x400  }
0x2d: {  	_ =	swait.ge [sflag:s6], $0x400  }
0x2e: {  	[sflag:s6] =	ssyncset.done $0x0  }
0x2f: {  	s14 =	rddreg [dreg:$0x9];
	[sflag:s6] =	ssyncadd.s32 $0xFFFFFC00  }
0x30: {  	[spmem:s14], [sflag:s5] =	dma.local [hbm:s4], $0x400  }
0x31: {  	_ =	swait.ge [sflag:s6], $0x400  }
0x32: {  	[sflag:s6] =	ssyncset.done $0x0  }
0x33: {  	s15 =	rddreg [dreg:$0xa];
	[sflag:s6] =	ssyncadd.s32 $0xFFFFFC00  }
0x34: {  	[spmem:s15], [sflag:s5] =	dma.local [hbm:s4], $0x400  }
0x35: {  	_ =	swait.ge [sflag:s6], $0x400  }
0x36: {  	[sflag:s6] =	ssyncset.done $0x0  }
0x37: {  	s16 =	rddreg [dreg:$0x4];
	[sflag:s6] =	ssyncadd.s32 $0xFFFFFC00  }
0x38: {  	[tilespmem:s3], [sflag:$0x3] =	stream.linear.gather [hbm4b:s16+s3], $0x2800, $0x38;
	[tilespmem:$0x1F000] =	vst v63  }
0x39: {  	_ =	swait.ge [sflag:s6], $0x2800  }
0x3a: {  	[sflag:s6] =	ssyncset.done $0x0  }
0x3b: {  	s8 =	simm.s32 $0x2800;
	s17 =	rddreg [dreg:$0x5];
	[sflag:s6] =	ssyncadd.s32 $0xFFFFD800  }
0x3c: {  	[tilespmem:s8], [sflag:$0x3] =	stream.linear.gather [hbm4b:s17+s3], $0x2800, $0x38;
	[tilespmem:$0x1F000] =	vst v63  }
0x3d: {  	_ =	swait.ge [sflag:s6], $0x2800  }
0x3e: {  	[sflag:s6] =	ssyncset.done $0x0  }
0x3f: {  	s11 =	simm.s32 $0x5000;
	[sflag:s6] =	ssyncadd.s32 $0xFFFFD800  }
0x40: {  	s9 =	sadd.s32 $0x8E600, s9;
	s10 =	simm.s32 $0x200;
	[bflag:$0x0] =	sbarrier.arrive $0xFFFF  }
0x41: {  	[tilespmem:s11], [sflag:$0x1] =	stream.indirect.gather [hbm4b:s9+s10], $0x40, s3, s10, $0xb8;
	[tilespmem:$0x1F000] =	vst v63  }
0x42: {  	s12 =	simm.s32 $0xD000;
	s13 =	simm.s32 $0x1  }
0x43: {  	[tilespmem:s12], [sflag:$0x2] =	stream.indirect.gather [hbm4b:s9+s10], $0x40, s10, s10, $0xb8;
	[tilespmem:$0x1F000] =	vst v63  }
0x44: {  	_ =	swait.ge [sflag:s13], $0x8000  }
0x45: {  	[sflag:s13] =	ssyncset.done $0x0  }
0x46: {  	[sflag:s13] =	ssyncadd.s32 $0xFFFF8000  }
0x47: {  	[spmem:s2] =	stream.indirect.scatter.add.f32 [tilespmem:s11], [sflag:$0x3], $0x40, s8, s10, $0xb8;
	[tilespmem:$0x1F000] =	vst v63  }
0x48: {  	_ =	swait.ge [sflag:s6], $0x8000  }
0x49: {  	[sflag:s6] =	ssyncset.done $0x0  }
0x4a: {  	s14 =	simm.s32 $0x2;
	s15 =	rddreg [dreg:$0xb];
	[sflag:s6] =	ssyncadd.s32 $0xFFFF8000  }
0x4b: {  	[tilespmem:s11], [sflag:$0x1] =	stream.indirect.gather [hbm4b:s9+s10], $0x40, s15, s10, $0xb8;
	[tilespmem:$0x1F000] =	vst v63  }
0x4c: {  	_ =	swait.ge [sflag:s14], $0x8000  }
0x4d: {  	[sflag:s14] =	ssyncset.done $0x0  }
0x4e: {  	s18 =	rddreg [dreg:$0xc];
	[sflag:s14] =	ssyncadd.s32 $0xFFFF8000  }
0x4f: {  	[spmem:s2] =	stream.indirect.scatter.add.f32 [tilespmem:s12], [sflag:$0x3], $0x40, s18, s10, $0xb8;
	[tilespmem:$0x1F000] =	vst v63  }
0x50: {  	_ =	swait.ge [sflag:s6], $0x8000  }
0x51: {  	[sflag:s6] =	ssyncset.done $0x0  }
0x52: {  	s19 =	rddreg [dreg:$0xd];
	[sflag:s6] =	ssyncadd.s32 $0xFFFF8000  }
0x53: {  	[tilespmem:s12], [sflag:$0x2] =	stream.indirect.gather [hbm4b:s9+s10], $0x40, s19, s10, $0xb8;
	[tilespmem:$0x1F000] =	vst v63  }
0x54: {  	_ =	swait.ge [sflag:s13], $0x8000  }
0x55: {  	[sflag:s13] =	ssyncset.done $0x0  }
0x56: {  	s20 =	rddreg [dreg:$0xe];
	[sflag:s13] =	ssyncadd.s32 $0xFFFF8000  }
0x57: {  	[spmem:s2] =	stream.indirect.scatter.add.f32 [tilespmem:s11], [sflag:$0x3], $0x40, s20, s10, $0xb8;
	[tilespmem:$0x1F000] =	vst v63  }
0x58: {  	_ =	swait.ge [sflag:s6], $0x8000  }
0x59: {  	[sflag:s6] =	ssyncset.done $0x0  }
0x5a: {  	s21 =	rddreg [dreg:$0xf];
	[sflag:s6] =	ssyncadd.s32 $0xFFFF8000  }
0x5b: {  	[tilespmem:s11], [sflag:$0x1] =	stream.indirect.gather [hbm4b:s9+s10], $0x40, s21, s10, $0xb8;
	[tilespmem:$0x1F000] =	vst v63  }
0x5c: {  	_ =	swait.ge [sflag:s14], $0x8000  }
0x5d: {  	[sflag:s14] =	ssyncset.done $0x0  }
0x5e: {  	s22 =	rddreg [dreg:$0x10];
	[sflag:s14] =	ssyncadd.s32 $0xFFFF8000  }
0x5f: {  	[spmem:s2] =	stream.indirect.scatter.add.f32 [tilespmem:s12], [sflag:$0x3], $0x40, s22, s10, $0xb8;
	[tilespmem:$0x1F000] =	vst v63  }
0x60: {  	_ =	swait.ge [sflag:s6], $0x8000  }
0x61: {  	[sflag:s6] =	ssyncset.done $0x0  }
0x62: {  	s23 =	rddreg [dreg:$0x11];
	[sflag:s6] =	ssyncadd.s32 $0xFFFF8000  }
0x63: {  	[tilespmem:s12], [sflag:$0x2] =	stream.indirect.gather [hbm4b:s9+s10], $0x40, s23, s10, $0xb8;
	[tilespmem:$0x1F000] =	vst v63  }
0x64: {  	_ =	swait.ge [sflag:s13], $0x8000  }
0x65: {  	[sflag:s13] =	ssyncset.done $0x0  }
0x66: {  	s24 =	rddreg [dreg:$0x12];
	[sflag:s13] =	ssyncadd.s32 $0xFFFF8000  }
0x67: {  	[spmem:s2] =	stream.indirect.scatter.add.f32 [tilespmem:s11], [sflag:$0x3], $0x40, s24, s10, $0xb8;
	[tilespmem:$0x1F000] =	vst v63  }
0x68: {  	_ =	swait.ge [sflag:s6], $0x8000  }
0x69: {  	[sflag:s6] =	ssyncset.done $0x0  }
0x6a: {  	s25 =	rddreg [dreg:$0x13];
	[sflag:s6] =	ssyncadd.s32 $0xFFFF8000  }
0x6b: {  	[tilespmem:s11], [sflag:$0x1] =	stream.indirect.gather [hbm4b:s9+s10], $0x40, s25, s10, $0xb8;
	[tilespmem:$0x1F000] =	vst v63  }
0x6c: {  	_ =	swait.ge [sflag:s14], $0x8000  }
0x6d: {  	[sflag:s14] =	ssyncset.done $0x0  }
0x6e: {  	s26 =	rddreg [dreg:$0x14];
	[sflag:s14] =	ssyncadd.s32 $0xFFFF8000  }
0x6f: {  	[spmem:s2] =	stream.indirect.scatter.add.f32 [tilespmem:s12], [sflag:$0x3], $0x40, s26, s10, $0xb8;
	[tilespmem:$0x1F000] =	vst v63  }
0x70: {  	_ =	swait.ge [sflag:s6], $0x8000  }
0x71: {  	[sflag:s6] =	ssyncset.done $0x0  }
0x72: {  	s0 =	rddreg [dreg:$0x15];
	[sflag:s6] =	ssyncadd.s32 $0xFFFF8000  }
0x73: {  	[tilespmem:s12], [sflag:$0x2] =	stream.indirect.gather [hbm4b:s9+s10], $0x40, s0, s10, $0xb8;
	[tilespmem:$0x1F000] =	vst v63  }
0x74: {  	_ =	swait.ge [sflag:s13], $0x8000  }
0x75: {  	[sflag:s13] =	ssyncset.done $0x0  }
0x76: {  	s16 =	rddreg [dreg:$0x16];
	[sflag:s13] =	ssyncadd.s32 $0xFFFF8000  }
0x77: {  	[spmem:s2] =	stream.indirect.scatter.add.f32 [tilespmem:s11], [sflag:$0x3], $0x40, s16, s10, $0xb8;
	[tilespmem:$0x1F000] =	vst v63  }
0x78: {  	_ =	swait.ge [sflag:s6], $0x8000  }
0x79: {  	[sflag:s6] =	ssyncset.done $0x0  }
0x7a: {  	s17 =	rddreg [dreg:$0x17];
	[sflag:s6] =	ssyncadd.s32 $0xFFFF8000  }
0x7b: {  	[tilespmem:s11], [sflag:$0x1] =	stream.indirect.gather [hbm4b:s9+s10], $0x40, s17, s10, $0xb8;
	[tilespmem:$0x1F000] =	vst v63  }
0x7c: {  	_ =	swait.ge [sflag:s14], $0x8000  }
0x7d: {  	[sflag:s14] =	ssyncset.done $0x0  }
0x7e: {  	s18 =	rddreg [dreg:$0x18];
	[sflag:s14] =	ssyncadd.s32 $0xFFFF8000  }
0x7f: {  	[spmem:s2] =	stream.indirect.scatter.add.f32 [tilespmem:s12], [sflag:$0x3], $0x40, s18, s10, $0xb8;
	[tilespmem:$0x1F000] =	vst v63  }
0x80: {  	_ =	swait.ge [sflag:s6], $0x8000  }
0x81: {  	[sflag:s6] =	ssyncset.done $0x0  }
0x82: {  	s19 =	rddreg [dreg:$0x19];
	[sflag:s6] =	ssyncadd.s32 $0xFFFF8000  }
0x83: {  	[tilespmem:s12], [sflag:$0x2] =	stream.indirect.gather [hbm4b:s9+s10], $0x40, s19, s10, $0xb8;
	[tilespmem:$0x1F000] =	vst v63  }
0x84: {  	_ =	swait.ge [sflag:s13], $0x8000  }
0x85: {  	[sflag:s13] =	ssyncset.done $0x0  }
0x86: {  	s20 =	rddreg [dreg:$0x1a];
	[sflag:s13] =	ssyncadd.s32 $0xFFFF8000  }
0x87: {  	[spmem:s2] =	stream.indirect.scatter.add.f32 [tilespmem:s11], [sflag:$0x3], $0x40, s20, s10, $0xb8;
	[tilespmem:$0x1F000] =	vst v63  }
0x88: {  	_ =	swait.ge [sflag:s6], $0x8000  }
0x89: {  	[sflag:s6] =	ssyncset.done $0x0  }
0x8a: {  	s21 =	rddreg [dreg:$0x1b];
	[sflag:s6] =	ssyncadd.s32 $0xFFFF8000  }
0x8b: {  	[tilespmem:s11], [sflag:$0x1] =	stream.indirect.gather [hbm4b:s9+s10], $0x40, s21, s10, $0xb8;
	[tilespmem:$0x1F000] =	vst v63  }
0x8c: {  	_ =	swait.ge [sflag:s14], $0x8000  }
0x8d: {  	[sflag:s14] =	ssyncset.done $0x0  }
0x8e: {  	s22 =	rddreg [dreg:$0x1c];
	[sflag:s14] =	ssyncadd.s32 $0xFFFF8000  }
0x8f: {  	[spmem:s2] =	stream.indirect.scatter.add.f32 [tilespmem:s12], [sflag:$0x3], $0x40, s22, s10, $0xb8;
	[tilespmem:$0x1F000] =	vst v63  }
0x90: {  	_ =	swait.ge [sflag:s6], $0x8000  }
0x91: {  	[sflag:s6] =	ssyncset.done $0x0  }
0x92: {  	s23 =	rddreg [dreg:$0x1d];
	[sflag:s6] =	ssyncadd.s32 $0xFFFF8000  }
0x93: {  	[tilespmem:s12], [sflag:$0x2] =	stream.indirect.gather [hbm4b:s9+s10], $0x40, s23, s10, $0xb8;
	[tilespmem:$0x1F000] =	vst v63  }
0x94: {  	_ =	swait.ge [sflag:s13], $0x8000  }
0x95: {  	[sflag:s13] =	ssyncset.done $0x0  }
0x96: {  	s24 =	rddreg [dreg:$0x1e];
	[sflag:s13] =	ssyncadd.s32 $0xFFFF8000  }
0x97: {  	[spmem:s2] =	stream.indirect.scatter.add.f32 [tilespmem:s11], [sflag:$0x3], $0x40, s24, s10, $0xb8;
	[tilespmem:$0x1F000] =	vst v63  }
0x98: {  	_ =	swait.ge [sflag:s6], $0x8000  }
0x99: {  	[sflag:s6] =	ssyncset.done $0x0  }
0x9a: {  	s25 =	rddreg [dreg:$0x1f];
	[sflag:s6] =	ssyncadd.s32 $0xFFFF8000  }
0x9b: {  	[tilespmem:s11], [sflag:$0x1] =	stream.indirect.gather [hbm4b:s9+s10], $0x40, s25, s10, $0xb8;
	[tilespmem:$0x1F000] =	vst v63  }
0x9c: {  	_ =	swait.ge [sflag:s14], $0x8000  }
0x9d: {  	s26 =	sld [smem:$0x7FC]  }
0x9e: {  	[sflag:s14] =	ssyncset.done $0x0  }
0x9f: {  	[sflag:s14] =	ssyncadd.s32 $0xFFFF8000  }
0xa0: {  	[spmem:s2] =	stream.indirect.scatter.add.f32 [tilespmem:s12], [sflag:$0x3], $0x40, s26, s10, $0xb8;
	[tilespmem:$0x1F000] =	vst v63  }
0xa1: {  	_ =	swait.ge [sflag:s6], $0x8000  }
0xa2: {  	s0 =	sld [smem:$0x7FD]  }
0xa3: {  	[sflag:s6] =	ssyncset.done $0x0  }
0xa4: {  	[sflag:s6] =	ssyncadd.s32 $0xFFFF8000  }
0xa5: {  	[tilespmem:s12], [sflag:$0x2] =	stream.indirect.gather [hbm4b:s9+s10], $0x40, s0, s10, $0xb8;
	[tilespmem:$0x1F000] =	vst v63  }
0xa6: {  	_ =	swait.ge [sflag:s13], $0x8000  }
0xa7: {  	[sflag:s13] =	ssyncset.done $0x0  }
0xa8: {  	s15 =	simm.s32 $0x4000;
	[sflag:s13] =	ssyncadd.s32 $0xFFFF8000  }
0xa9: {  	[spmem:s2] =	stream.indirect.scatter.add.f32 [tilespmem:s11], [sflag:$0x3], $0x40, s15, s10, $0xb8;
	[tilespmem:$0x1F000] =	vst v63  }
0xaa: {  	_ =	swait.ge [sflag:s6], $0x8000  }
0xab: {  	[sflag:s6] =	ssyncset.done $0x0  }
0xac: {  	s16 =	simm.s32 $0x1C00;
	[sflag:s6] =	ssyncadd.s32 $0xFFFF8000  }
0xad: {  	[tilespmem:s11], [sflag:$0x1] =	stream.indirect.gather [hbm4b:s9+s10], $0x40, s16, s10, $0xb8;
	[tilespmem:$0x1F000] =	vst v63  }
0xae: {  	_ =	swait.ge [sflag:s14], $0x8000  }
0xaf: {  	[sflag:s14] =	ssyncset.done $0x0  }
0xb0: {  	s17 =	simm.s32 $0x4200;
	[sflag:s14] =	ssyncadd.s32 $0xFFFF8000  }
0xb1: {  	[spmem:s2] =	stream.indirect.scatter.add.f32 [tilespmem:s12], [sflag:$0x3], $0x40, s17, s10, $0xb8;
	[tilespmem:$0x1F000] =	vst v63  }
0xb2: {  	_ =	swait.ge [sflag:s6], $0x8000  }
0xb3: {  	[sflag:s6] =	ssyncset.done $0x0  }
0xb4: {  	s18 =	simm.s32 $0x1E00;
	[sflag:s6] =	ssyncadd.s32 $0xFFFF8000  }
0xb5: {  	[tilespmem:s12], [sflag:$0x2] =	stream.indirect.gather [hbm4b:s9+s10], $0x40, s18, s10, $0xb8;
	[tilespmem:$0x1F000] =	vst v63  }
0xb6: {  	_ =	swait.ge [sflag:s13], $0x8000  }
0xb7: {  	[sflag:s13] =	ssyncset.done $0x0  }
0xb8: {  	s19 =	simm.s32 $0x4400;
	[sflag:s13] =	ssyncadd.s32 $0xFFFF8000  }
0xb9: {  	[spmem:s2] =	stream.indirect.scatter.add.f32 [tilespmem:s11], [sflag:$0x3], $0x40, s19, s10, $0xb8;
	[tilespmem:$0x1F000] =	vst v63  }
0xba: {  	_ =	swait.ge [sflag:s6], $0x8000  }
0xbb: {  	[sflag:s6] =	ssyncset.done $0x0  }
0xbc: {  	s20 =	simm.s32 $0x2000;
	[sflag:s6] =	ssyncadd.s32 $0xFFFF8000  }
0xbd: {  	[tilespmem:s11], [sflag:$0x1] =	stream.indirect.gather [hbm4b:s9+s10], $0x40, s20, s10, $0xb8;
	[tilespmem:$0x1F000] =	vst v63  }
0xbe: {  	_ =	swait.ge [sflag:s14], $0x8000  }
0xbf: {  	[sflag:s14] =	ssyncset.done $0x0  }
0xc0: {  	s21 =	simm.s32 $0x4600;
	[sflag:s14] =	ssyncadd.s32 $0xFFFF8000  }
0xc1: {  	[spmem:s2] =	stream.indirect.scatter.add.f32 [tilespmem:s12], [sflag:$0x3], $0x40, s21, s10, $0xb8;
	[tilespmem:$0x1F000] =	vst v63  }
0xc2: {  	_ =	swait.ge [sflag:s6], $0x8000  }
0xc3: {  	[sflag:s6] =	ssyncset.done $0x0  }
0xc4: {  	s22 =	simm.s32 $0x2200;
	[sflag:s6] =	ssyncadd.s32 $0xFFFF8000  }
0xc5: {  	[tilespmem:s12], [sflag:$0x2] =	stream.indirect.gather [hbm4b:s9+s10], $0x40, s22, s10, $0xb8;
	[tilespmem:$0x1F000] =	vst v63  }
0xc6: {  	_ =	swait.ge [sflag:s13], $0x8000  }
0xc7: {  	[sflag:s13] =	ssyncset.done $0x0  }
0xc8: {  	s23 =	simm.s32 $0x4800;
	[sflag:s13] =	ssyncadd.s32 $0xFFFF8000  }
0xc9: {  	[spmem:s2] =	stream.indirect.scatter.add.f32 [tilespmem:s11], [sflag:$0x3], $0x40, s23, s10, $0xb8;
	[tilespmem:$0x1F000] =	vst v63  }
0xca: {  	_ =	swait.ge [sflag:s6], $0x8000  }
0xcb: {  	[sflag:s6] =	ssyncset.done $0x0  }
0xcc: {  	s24 =	simm.s32 $0x2400;
	[sflag:s6] =	ssyncadd.s32 $0xFFFF8000  }
0xcd: {  	[tilespmem:s11], [sflag:$0x1] =	stream.indirect.gather [hbm4b:s9+s10], $0x40, s24, s10, $0xb8;
	[tilespmem:$0x1F000] =	vst v63  }
0xce: {  	_ =	swait.ge [sflag:s14], $0x8000  }
0xcf: {  	[sflag:s14] =	ssyncset.done $0x0  }
0xd0: {  	s25 =	simm.s32 $0x4A00;
	[sflag:s14] =	ssyncadd.s32 $0xFFFF8000  }
0xd1: {  	[spmem:s2] =	stream.indirect.scatter.add.f32 [tilespmem:s12], [sflag:$0x3], $0x40, s25, s10, $0xb8;
	[tilespmem:$0x1F000] =	vst v63  }
0xd2: {  	_ =	swait.ge [sflag:s6], $0x8000  }
0xd3: {  	[sflag:s6] =	ssyncset.done $0x0  }
0xd4: {  	s26 =	simm.s32 $0x2600;
	[sflag:s6] =	ssyncadd.s32 $0xFFFF8000  }
0xd5: {  	[tilespmem:s12], [sflag:$0x2] =	stream.indirect.gather [hbm4b:s9+s10], $0x40, s26, s10, $0xb8;
	[tilespmem:$0x1F000] =	vst v63  }
0xd6: {  	_ =	swait.ge [sflag:s13], $0x8000  }
0xd7: {  	[sflag:s13] =	ssyncset.done $0x0  }
0xd8: {  	s28 =	simm.s32 $0x4C00;
	[sflag:s13] =	ssyncadd.s32 $0xFFFF8000  }
0xd9: {  	[spmem:s2] =	stream.indirect.scatter.add.f32 [tilespmem:s11], [sflag:$0x3], $0x40, s28, s10, $0xb8;
	[tilespmem:$0x1F000] =	vst v63  }
0xda: {  	_ =	swait.ge [sflag:s6], $0x8000  }
0xdb: {  	[sflag:s6] =	ssyncset.done $0x0  }
0xdc: {  	[sflag:s6] =	ssyncadd.s32 $0xFFFF8000  }
0xdd: {  	_ =	swait.ge [sflag:s14], $0x8000  }
0xde: {  	s1 =	ssub.s32 $0x2, s1;
	[sflag:s14] =	ssyncset.done $0x0  }
0xdf: {  	s29 =	simm.s32 $0x4E00;
	s30 =	sshrl.u32 s1, $0x1;
	[sflag:s14] =	ssyncadd.s32 $0xFFFF8000  }
0xe0: {  	[spmem:s2] =	stream.indirect.scatter.add.f32 [tilespmem:s12], [sflag:$0x3], $0x40, s29, s10, $0xb8;
	[tilespmem:$0x1F000] =	vst v63  }
0xe1: {  	s1 =	ssub.s32 s1, s30;
	_ =	swait.ge [sflag:s6], $0x8000  }
0xe2: {  	s1 =	smax.u32 s1, $0x1;
	[sflag:s6] =	ssyncset.done $0x0  }
0xe3: {  	p0 =	sne.s32 s1, $0x1;
	[sflag:s6] =	ssyncadd.s32 $0xFFFF8000  }
.Ltmp0:
0xe4: {  	[bflag:$0x0] =	sbarrier.arrive $0xFFFF;
	(pc) =	sbr.rel @!p0 .LBB2_2-.Ltmp0, $4  }
0xe5: {  	s31 =	simm.s32 $0x8;
	s30 =	simm.s32 $0x10;
	s0 =	rddreg [dreg:$0x6]  }
0xe6: {  	[hbm:s0@s30], [sflag:s5] =	dma.strided [spmem:s7@s31], $0x1400, s13, $0x8   }
0xe7: {  	_ =	swait.ge [sflag:s6], $0x1400  }
0xe8: {  	s1 =	sadd.s32 $0xFFFFFFFF, s1;
	[sflag:s6] =	ssyncset.done $0x0  }
.LBB2_1:
0xe9: {  	[sflag:s6] =	ssyncadd.s32 $0xFFFFEC00  }
0xea: {  	[spmem:s7], [sflag:s5] =	dma.local [hbm:s4], $0x400  }
0xeb: {  	_ =	swait.ge [sflag:s6], $0x400  }
0xec: {  	[sflag:s6] =	ssyncset.done $0x0  }
0xed: {  	s0 =	rddreg [dreg:$0x7];
	[sflag:s6] =	ssyncadd.s32 $0xFFFFFC00  }
0xee: {  	[spmem:s0], [sflag:s5] =	dma.local [hbm:s4], $0x400  }
0xef: {  	_ =	swait.ge [sflag:s6], $0x400  }
0xf0: {  	[sflag:s6] =	ssyncset.done $0x0  }
0xf1: {  	s0 =	rddreg [dreg:$0x8];
	[sflag:s6] =	ssyncadd.s32 $0xFFFFFC00  }
0xf2: {  	[spmem:s0], [sflag:s5] =	dma.local [hbm:s4], $0x400  }
0xf3: {  	_ =	swait.ge [sflag:s6], $0x400  }
0xf4: {  	[sflag:s6] =	ssyncset.done $0x0  }
0xf5: {  	s0 =	rddreg [dreg:$0x9];
	[sflag:s6] =	ssyncadd.s32 $0xFFFFFC00  }
0xf6: {  	[spmem:s0], [sflag:s5] =	dma.local [hbm:s4], $0x400  }
0xf7: {  	_ =	swait.ge [sflag:s6], $0x400  }
0xf8: {  	[sflag:s6] =	ssyncset.done $0x0  }
0xf9: {  	s0 =	rddreg [dreg:$0xa];
	[sflag:s6] =	ssyncadd.s32 $0xFFFFFC00  }
0xfa: {  	[spmem:s0], [sflag:s5] =	dma.local [hbm:s4], $0x400  }
0xfb: {  	_ =	swait.ge [sflag:s6], $0x400  }
0xfc: {  	[sflag:s6] =	ssyncset.done $0x0  }
0xfd: {  	s0 =	rddreg [dreg:$0x4];
	[sflag:s6] =	ssyncadd.s32 $0xFFFFFC00  }
0xfe: {  	[tilespmem:s3], [sflag:$0x3] =	stream.linear.gather [hbm4b:s0+s3], $0x2800, $0x38;
	[tilespmem:$0x1F000] =	vst v63  }
0xff: {  	_ =	swait.ge [sflag:s6], $0x2800  }
0x100: {  	[sflag:s6] =	ssyncset.done $0x0  }
0x101: {  	s0 =	rddreg [dreg:$0x5];
	[sflag:s6] =	ssyncadd.s32 $0xFFFFD800  }
0x102: {  	[tilespmem:s8], [sflag:$0x3] =	stream.linear.gather [hbm4b:s0+s3], $0x2800, $0x38;
	[tilespmem:$0x1F000] =	vst v63  }
0x103: {  	_ =	swait.ge [sflag:s6], $0x2800  }
0x104: {  	[sflag:s6] =	ssyncset.done $0x0  }
0x105: {  	[sflag:s6] =	ssyncadd.s32 $0xFFFFD800  }
0x106: {  	[bflag:$0x0] =	sbarrier.arrive $0xFFFF  }
0x107: {  	[tilespmem:s11], [sflag:$0x1] =	stream.indirect.gather [hbm4b:s9+s10], $0x40, s3, s10, $0xb8;
	[tilespmem:$0x1F000] =	vst v63  }
0x108: {  	_ = 	snop  }
0x109: {  	[tilespmem:s12], [sflag:$0x2] =	stream.indirect.gather [hbm4b:s9+s10], $0x40, s10, s10, $0xb8;
	[tilespmem:$0x1F000] =	vst v63  }
0x10a: {  	_ =	swait.ge [sflag:s13], $0x8000  }
0x10b: {  	[sflag:s13] =	ssyncset.done $0x0  }
0x10c: {  	[sflag:s13] =	ssyncadd.s32 $0xFFFF8000  }
0x10d: {  	[spmem:s2] =	stream.indirect.scatter.add.f32 [tilespmem:s11], [sflag:$0x3], $0x40, s8, s10, $0xb8;
	[tilespmem:$0x1F000] =	vst v63  }
0x10e: {  	_ =	swait.ge [sflag:s6], $0x8000  }
0x10f: {  	[sflag:s6] =	ssyncset.done $0x0  }
0x110: {  	s0 =	rddreg [dreg:$0xb];
	[sflag:s6] =	ssyncadd.s32 $0xFFFF8000  }
0x111: {  	[tilespmem:s11], [sflag:$0x1] =	stream.indirect.gather [hbm4b:s9+s10], $0x40, s0, s10, $0xb8;
	[tilespmem:$0x1F000] =	vst v63  }
0x112: {  	_ =	swait.ge [sflag:s14], $0x8000  }
0x113: {  	[sflag:s14] =	ssyncset.done $0x0  }
0x114: {  	s0 =	rddreg [dreg:$0xc];
	[sflag:s14] =	ssyncadd.s32 $0xFFFF8000  }
0x115: {  	[spmem:s2] =	stream.indirect.scatter.add.f32 [tilespmem:s12], [sflag:$0x3], $0x40, s0, s10, $0xb8;
	[tilespmem:$0x1F000] =	vst v63  }
0x116: {  	_ =	swait.ge [sflag:s6], $0x8000  }
0x117: {  	[sflag:s6] =	ssyncset.done $0x0  }
0x118: {  	s0 =	rddreg [dreg:$0xd];
	[sflag:s6] =	ssyncadd.s32 $0xFFFF8000  }
0x119: {  	[tilespmem:s12], [sflag:$0x2] =	stream.indirect.gather [hbm4b:s9+s10], $0x40, s0, s10, $0xb8;
	[tilespmem:$0x1F000] =	vst v63  }
0x11a: {  	_ =	swait.ge [sflag:s13], $0x8000  }
0x11b: {  	[sflag:s13] =	ssyncset.done $0x0  }
0x11c: {  	s0 =	rddreg [dreg:$0xe];
	[sflag:s13] =	ssyncadd.s32 $0xFFFF8000  }
0x11d: {  	[spmem:s2] =	stream.indirect.scatter.add.f32 [tilespmem:s11], [sflag:$0x3], $0x40, s0, s10, $0xb8;
	[tilespmem:$0x1F000] =	vst v63  }
0x11e: {  	_ =	swait.ge [sflag:s6], $0x8000  }
0x11f: {  	[sflag:s6] =	ssyncset.done $0x0  }
0x120: {  	s0 =	rddreg [dreg:$0xf];
	[sflag:s6] =	ssyncadd.s32 $0xFFFF8000  }
0x121: {  	[tilespmem:s11], [sflag:$0x1] =	stream.indirect.gather [hbm4b:s9+s10], $0x40, s0, s10, $0xb8;
	[tilespmem:$0x1F000] =	vst v63  }
0x122: {  	_ =	swait.ge [sflag:s14], $0x8000  }
0x123: {  	[sflag:s14] =	ssyncset.done $0x0  }
0x124: {  	s0 =	rddreg [dreg:$0x10];
	[sflag:s14] =	ssyncadd.s32 $0xFFFF8000  }
0x125: {  	[spmem:s2] =	stream.indirect.scatter.add.f32 [tilespmem:s12], [sflag:$0x3], $0x40, s0, s10, $0xb8;
	[tilespmem:$0x1F000] =	vst v63  }
0x126: {  	_ =	swait.ge [sflag:s6], $0x8000  }
0x127: {  	[sflag:s6] =	ssyncset.done $0x0  }
0x128: {  	s0 =	rddreg [dreg:$0x11];
	[sflag:s6] =	ssyncadd.s32 $0xFFFF8000  }
0x129: {  	[tilespmem:s12], [sflag:$0x2] =	stream.indirect.gather [hbm4b:s9+s10], $0x40, s0, s10, $0xb8;
	[tilespmem:$0x1F000] =	vst v63  }
0x12a: {  	_ =	swait.ge [sflag:s13], $0x8000  }
0x12b: {  	[sflag:s13] =	ssyncset.done $0x0  }
0x12c: {  	s0 =	rddreg [dreg:$0x12];
	[sflag:s13] =	ssyncadd.s32 $0xFFFF8000  }
0x12d: {  	[spmem:s2] =	stream.indirect.scatter.add.f32 [tilespmem:s11], [sflag:$0x3], $0x40, s0, s10, $0xb8;
	[tilespmem:$0x1F000] =	vst v63  }
0x12e: {  	_ =	swait.ge [sflag:s6], $0x8000  }
0x12f: {  	[sflag:s6] =	ssyncset.done $0x0  }
0x130: {  	s0 =	rddreg [dreg:$0x13];
	[sflag:s6] =	ssyncadd.s32 $0xFFFF8000  }
0x131: {  	[tilespmem:s11], [sflag:$0x1] =	stream.indirect.gather [hbm4b:s9+s10], $0x40, s0, s10, $0xb8;
	[tilespmem:$0x1F000] =	vst v63  }
0x132: {  	_ =	swait.ge [sflag:s14], $0x8000  }
0x133: {  	[sflag:s14] =	ssyncset.done $0x0  }
0x134: {  	s0 =	rddreg [dreg:$0x14];
	[sflag:s14] =	ssyncadd.s32 $0xFFFF8000  }
0x135: {  	[spmem:s2] =	stream.indirect.scatter.add.f32 [tilespmem:s12], [sflag:$0x3], $0x40, s0, s10, $0xb8;
	[tilespmem:$0x1F000] =	vst v63  }
0x136: {  	_ =	swait.ge [sflag:s6], $0x8000  }
0x137: {  	[sflag:s6] =	ssyncset.done $0x0  }
0x138: {  	s0 =	rddreg [dreg:$0x15];
	[sflag:s6] =	ssyncadd.s32 $0xFFFF8000  }
0x139: {  	[tilespmem:s12], [sflag:$0x2] =	stream.indirect.gather [hbm4b:s9+s10], $0x40, s0, s10, $0xb8;
	[tilespmem:$0x1F000] =	vst v63  }
0x13a: {  	_ =	swait.ge [sflag:s13], $0x8000  }
0x13b: {  	[sflag:s13] =	ssyncset.done $0x0  }
0x13c: {  	s0 =	rddreg [dreg:$0x16];
	[sflag:s13] =	ssyncadd.s32 $0xFFFF8000  }
0x13d: {  	[spmem:s2] =	stream.indirect.scatter.add.f32 [tilespmem:s11], [sflag:$0x3], $0x40, s0, s10, $0xb8;
	[tilespmem:$0x1F000] =	vst v63  }
0x13e: {  	_ =	swait.ge [sflag:s6], $0x8000  }
0x13f: {  	[sflag:s6] =	ssyncset.done $0x0  }
0x140: {  	s0 =	rddreg [dreg:$0x17];
	[sflag:s6] =	ssyncadd.s32 $0xFFFF8000  }
0x141: {  	[tilespmem:s11], [sflag:$0x1] =	stream.indirect.gather [hbm4b:s9+s10], $0x40, s0, s10, $0xb8;
	[tilespmem:$0x1F000] =	vst v63  }
0x142: {  	_ =	swait.ge [sflag:s14], $0x8000  }
0x143: {  	[sflag:s14] =	ssyncset.done $0x0  }
0x144: {  	s0 =	rddreg [dreg:$0x18];
	[sflag:s14] =	ssyncadd.s32 $0xFFFF8000  }
0x145: {  	[spmem:s2] =	stream.indirect.scatter.add.f32 [tilespmem:s12], [sflag:$0x3], $0x40, s0, s10, $0xb8;
	[tilespmem:$0x1F000] =	vst v63  }
0x146: {  	_ =	swait.ge [sflag:s6], $0x8000  }
0x147: {  	[sflag:s6] =	ssyncset.done $0x0  }
0x148: {  	s0 =	rddreg [dreg:$0x19];
	[sflag:s6] =	ssyncadd.s32 $0xFFFF8000  }
0x149: {  	[tilespmem:s12], [sflag:$0x2] =	stream.indirect.gather [hbm4b:s9+s10], $0x40, s0, s10, $0xb8;
	[tilespmem:$0x1F000] =	vst v63  }
0x14a: {  	_ =	swait.ge [sflag:s13], $0x8000  }
0x14b: {  	[sflag:s13] =	ssyncset.done $0x0  }
0x14c: {  	s0 =	rddreg [dreg:$0x1a];
	[sflag:s13] =	ssyncadd.s32 $0xFFFF8000  }
0x14d: {  	[spmem:s2] =	stream.indirect.scatter.add.f32 [tilespmem:s11], [sflag:$0x3], $0x40, s0, s10, $0xb8;
	[tilespmem:$0x1F000] =	vst v63  }
0x14e: {  	_ =	swait.ge [sflag:s6], $0x8000  }
0x14f: {  	[sflag:s6] =	ssyncset.done $0x0  }
0x150: {  	s0 =	rddreg [dreg:$0x1b];
	[sflag:s6] =	ssyncadd.s32 $0xFFFF8000  }
0x151: {  	[tilespmem:s11], [sflag:$0x1] =	stream.indirect.gather [hbm4b:s9+s10], $0x40, s0, s10, $0xb8;
	[tilespmem:$0x1F000] =	vst v63  }
0x152: {  	_ =	swait.ge [sflag:s14], $0x8000  }
0x153: {  	[sflag:s14] =	ssyncset.done $0x0  }
0x154: {  	s0 =	rddreg [dreg:$0x1c];
	[sflag:s14] =	ssyncadd.s32 $0xFFFF8000  }
0x155: {  	[spmem:s2] =	stream.indirect.scatter.add.f32 [tilespmem:s12], [sflag:$0x3], $0x40, s0, s10, $0xb8;
	[tilespmem:$0x1F000] =	vst v63  }
0x156: {  	_ =	swait.ge [sflag:s6], $0x8000  }
0x157: {  	[sflag:s6] =	ssyncset.done $0x0  }
0x158: {  	s0 =	rddreg [dreg:$0x1d];
	[sflag:s6] =	ssyncadd.s32 $0xFFFF8000  }
0x159: {  	[tilespmem:s12], [sflag:$0x2] =	stream.indirect.gather [hbm4b:s9+s10], $0x40, s0, s10, $0xb8;
	[tilespmem:$0x1F000] =	vst v63  }
0x15a: {  	_ =	swait.ge [sflag:s13], $0x8000  }
0x15b: {  	[sflag:s13] =	ssyncset.done $0x0  }
0x15c: {  	s0 =	rddreg [dreg:$0x1e];
	[sflag:s13] =	ssyncadd.s32 $0xFFFF8000  }
0x15d: {  	[spmem:s2] =	stream.indirect.scatter.add.f32 [tilespmem:s11], [sflag:$0x3], $0x40, s0, s10, $0xb8;
	[tilespmem:$0x1F000] =	vst v63  }
0x15e: {  	_ =	swait.ge [sflag:s6], $0x8000  }
0x15f: {  	[sflag:s6] =	ssyncset.done $0x0  }
0x160: {  	s0 =	rddreg [dreg:$0x1f];
	[sflag:s6] =	ssyncadd.s32 $0xFFFF8000  }
0x161: {  	[tilespmem:s11], [sflag:$0x1] =	stream.indirect.gather [hbm4b:s9+s10], $0x40, s0, s10, $0xb8;
	[tilespmem:$0x1F000] =	vst v63  }
0x162: {  	_ =	swait.ge [sflag:s14], $0x8000  }
0x163: {  	s0 =	sld [smem:$0x7FC]  }
0x164: {  	[sflag:s14] =	ssyncset.done $0x0  }
0x165: {  	[sflag:s14] =	ssyncadd.s32 $0xFFFF8000  }
0x166: {  	[spmem:s2] =	stream.indirect.scatter.add.f32 [tilespmem:s12], [sflag:$0x3], $0x40, s0, s10, $0xb8;
	[tilespmem:$0x1F000] =	vst v63  }
0x167: {  	_ =	swait.ge [sflag:s6], $0x8000  }
0x168: {  	s0 =	sld [smem:$0x7FD]  }
0x169: {  	[sflag:s6] =	ssyncset.done $0x0  }
0x16a: {  	[sflag:s6] =	ssyncadd.s32 $0xFFFF8000  }
0x16b: {  	[tilespmem:s12], [sflag:$0x2] =	stream.indirect.gather [hbm4b:s9+s10], $0x40, s0, s10, $0xb8;
	[tilespmem:$0x1F000] =	vst v63  }
0x16c: {  	_ =	swait.ge [sflag:s13], $0x8000  }
0x16d: {  	[sflag:s13] =	ssyncset.done $0x0  }
0x16e: {  	[sflag:s13] =	ssyncadd.s32 $0xFFFF8000  }
0x16f: {  	[spmem:s2] =	stream.indirect.scatter.add.f32 [tilespmem:s11], [sflag:$0x3], $0x40, s15, s10, $0xb8;
	[tilespmem:$0x1F000] =	vst v63  }
0x170: {  	_ =	swait.ge [sflag:s6], $0x8000  }
0x171: {  	[sflag:s6] =	ssyncset.done $0x0  }
0x172: {  	[sflag:s6] =	ssyncadd.s32 $0xFFFF8000  }
0x173: {  	[tilespmem:s11], [sflag:$0x1] =	stream.indirect.gather [hbm4b:s9+s10], $0x40, s16, s10, $0xb8;
	[tilespmem:$0x1F000] =	vst v63  }
0x174: {  	_ =	swait.ge [sflag:s14], $0x8000  }
0x175: {  	[sflag:s14] =	ssyncset.done $0x0  }
0x176: {  	[sflag:s14] =	ssyncadd.s32 $0xFFFF8000  }
0x177: {  	[spmem:s2] =	stream.indirect.scatter.add.f32 [tilespmem:s12], [sflag:$0x3], $0x40, s17, s10, $0xb8;
	[tilespmem:$0x1F000] =	vst v63  }
0x178: {  	_ =	swait.ge [sflag:s6], $0x8000  }
0x179: {  	[sflag:s6] =	ssyncset.done $0x0  }
0x17a: {  	[sflag:s6] =	ssyncadd.s32 $0xFFFF8000  }
0x17b: {  	[tilespmem:s12], [sflag:$0x2] =	stream.indirect.gather [hbm4b:s9+s10], $0x40, s18, s10, $0xb8;
	[tilespmem:$0x1F000] =	vst v63  }
0x17c: {  	_ =	swait.ge [sflag:s13], $0x8000  }
0x17d: {  	[sflag:s13] =	ssyncset.done $0x0  }
0x17e: {  	[sflag:s13] =	ssyncadd.s32 $0xFFFF8000  }
0x17f: {  	[spmem:s2] =	stream.indirect.scatter.add.f32 [tilespmem:s11], [sflag:$0x3], $0x40, s19, s10, $0xb8;
	[tilespmem:$0x1F000] =	vst v63  }
0x180: {  	_ =	swait.ge [sflag:s6], $0x8000  }
0x181: {  	[sflag:s6] =	ssyncset.done $0x0  }
0x182: {  	[sflag:s6] =	ssyncadd.s32 $0xFFFF8000  }
0x183: {  	[tilespmem:s11], [sflag:$0x1] =	stream.indirect.gather [hbm4b:s9+s10], $0x40, s20, s10, $0xb8;
	[tilespmem:$0x1F000] =	vst v63  }
0x184: {  	_ =	swait.ge [sflag:s14], $0x8000  }
0x185: {  	[sflag:s14] =	ssyncset.done $0x0  }
0x186: {  	[sflag:s14] =	ssyncadd.s32 $0xFFFF8000  }
0x187: {  	[spmem:s2] =	stream.indirect.scatter.add.f32 [tilespmem:s12], [sflag:$0x3], $0x40, s21, s10, $0xb8;
	[tilespmem:$0x1F000] =	vst v63  }
0x188: {  	_ =	swait.ge [sflag:s6], $0x8000  }
0x189: {  	[sflag:s6] =	ssyncset.done $0x0  }
0x18a: {  	[sflag:s6] =	ssyncadd.s32 $0xFFFF8000  }
0x18b: {  	[tilespmem:s12], [sflag:$0x2] =	stream.indirect.gather [hbm4b:s9+s10], $0x40, s22, s10, $0xb8;
	[tilespmem:$0x1F000] =	vst v63  }
0x18c: {  	_ =	swait.ge [sflag:s13], $0x8000  }
0x18d: {  	[sflag:s13] =	ssyncset.done $0x0  }
0x18e: {  	[sflag:s13] =	ssyncadd.s32 $0xFFFF8000  }
0x18f: {  	[spmem:s2] =	stream.indirect.scatter.add.f32 [tilespmem:s11], [sflag:$0x3], $0x40, s23, s10, $0xb8;
	[tilespmem:$0x1F000] =	vst v63  }
0x190: {  	_ =	swait.ge [sflag:s6], $0x8000  }
0x191: {  	[sflag:s6] =	ssyncset.done $0x0  }
0x192: {  	[sflag:s6] =	ssyncadd.s32 $0xFFFF8000  }
0x193: {  	[tilespmem:s11], [sflag:$0x1] =	stream.indirect.gather [hbm4b:s9+s10], $0x40, s24, s10, $0xb8;
	[tilespmem:$0x1F000] =	vst v63  }
0x194: {  	_ =	swait.ge [sflag:s14], $0x8000  }
0x195: {  	[sflag:s14] =	ssyncset.done $0x0  }
0x196: {  	[sflag:s14] =	ssyncadd.s32 $0xFFFF8000  }
0x197: {  	[spmem:s2] =	stream.indirect.scatter.add.f32 [tilespmem:s12], [sflag:$0x3], $0x40, s25, s10, $0xb8;
	[tilespmem:$0x1F000] =	vst v63  }
0x198: {  	_ =	swait.ge [sflag:s6], $0x8000  }
0x199: {  	[sflag:s6] =	ssyncset.done $0x0  }
0x19a: {  	[sflag:s6] =	ssyncadd.s32 $0xFFFF8000  }
0x19b: {  	[tilespmem:s12], [sflag:$0x2] =	stream.indirect.gather [hbm4b:s9+s10], $0x40, s26, s10, $0xb8;
	[tilespmem:$0x1F000] =	vst v63  }
0x19c: {  	_ =	swait.ge [sflag:s13], $0x8000  }
0x19d: {  	[sflag:s13] =	ssyncset.done $0x0  }
0x19e: {  	[sflag:s13] =	ssyncadd.s32 $0xFFFF8000  }
0x19f: {  	[spmem:s2] =	stream.indirect.scatter.add.f32 [tilespmem:s11], [sflag:$0x3], $0x40, s28, s10, $0xb8;
	[tilespmem:$0x1F000] =	vst v63  }
0x1a0: {  	_ =	swait.ge [sflag:s6], $0x8000  }
0x1a1: {  	[sflag:s6] =	ssyncset.done $0x0  }
0x1a2: {  	[sflag:s6] =	ssyncadd.s32 $0xFFFF8000  }
0x1a3: {  	_ =	swait.ge [sflag:s14], $0x8000  }
0x1a4: {  	[sflag:s14] =	ssyncset.done $0x0  }
0x1a5: {  	[sflag:s14] =	ssyncadd.s32 $0xFFFF8000  }
0x1a6: {  	[spmem:s2] =	stream.indirect.scatter.add.f32 [tilespmem:s12], [sflag:$0x3], $0x40, s29, s10, $0xb8;
	[tilespmem:$0x1F000] =	vst v63  }
0x1a7: {  	_ =	swait.ge [sflag:s6], $0x8000  }
0x1a8: {  	[sflag:s6] =	ssyncset.done $0x0  }
0x1a9: {  	p0 =	sne.s32 s1, $0x1;
	[sflag:s6] =	ssyncadd.s32 $0xFFFF8000  }
.Ltmp1:
0x1aa: {  	[bflag:$0x0] =	sbarrier.arrive $0xFFFF;
	(pc) =	sbr.rel @p0 .LBB2_1-.Ltmp1, $4  }
0x1ab: {  	s0 =	rddreg [dreg:$0x6]  }
0x1ac: {  	[hbm:s0@s30], [sflag:s5] =	dma.strided [spmem:s7@s31], $0x1400, s13, $0x8   }
0x1ad: {  	_ =	swait.ge [sflag:s6], $0x1400  }
0x1ae: {  	s1 =	sadd.s32 $0xFFFFFFFF, s1;
	[sflag:s6] =	ssyncset.done $0x0  }
.LBB2_2:
0x1af: {  	[sflag:s6] =	ssyncadd.s32 $0xFFFFEC00  }
0x1b0: {  	_ =	sfence.sel $0x180000  }
0x1b1: {  	[bflag:$0x0] =	sbarrier.arrive $0xFFFF  }
0x1b2: {  	_ =	strace $0x90000050  }
0x1b3: {  	s0 =	stileid.u32;
	[bflag:$0x2] =	sbarrier.arrive $0xFFFF  }
0x1b4: {  	p0 =	sne.s32 s0, $0x0;
	s0 =	rddreg [dreg:$0x3]  }
0x1b5: {  	s0 =	sadd.s32 @!p0 $0x100000, s0  }
0x1b6: {  	[sflag:s0] =	ssyncadd.tile.s32 @!p0 $0x1;
	_ =	shalt  }
.Lfunc_end2:
_tile_overlayer_lowered:
.L_overlay_start_2:
0x1b7: {  	(tag) =	ssettag $0x2  }
0x1b8: {  	s0 =	rddreg [dreg:$0x0];
	s2 =	stileid.u32  }
0x1b9: {  	s1 =	rddreg [dreg:$0x1];
	p0 =	sne.s32 s2, $0x0  }
0x1ba: {  	s3 =	rddreg [dreg:$0x2];
	[bflag:$0x3] =	sbarrier.arrive $0xFFFF;
	s2 =	simm.s32 @!p0 $0x1C03  }
0x1bb: {  	[timem:s3], [sflag:s2] =	dma.local @!p0 [hbm:s0], s1  }
0x1bc: {  	s0 =	simm.s32 @!p0 $0x3  }
0x1bd: {  	_ =	swait.ge @!p0 [sflag:s0], s1  }
0x1be: {  	s1 =	ssub.s32 @!p0 $0x0, s1;
	[sflag:s0] =	ssyncset.done @!p0 $0x0  }
0x1bf: {  	[sflag:s0] =	ssyncadd.s32 @!p0 s1  }
0x1c0: {  	[bflag:$0x3] =	sbarrier.arrive $0xFFFF  }
0x1c1: {  	_ =	shalt  }

// kernel: kernel.24.cloned.1.call-start
scs
__scs_entry_jumppad:
0x0: {  	(pc) =	sbr.rel $0x88, $3  }
0x1: {  	(tag) =	ssettag $0x0;
	lr =	simm.s32 $0x1  }
0x2: {  	[smem:$0x3F90] =	sst lr;
	_ =	strace $0xD0000000  }
0x3: {  	_ = 	snop  }
0x4: {  	_ = 	snop  }
0x5: {  	_ = 	snop  }
0x6: {  	_ = 	snop  }
0x7: {  	_ = 	snop  }
__scs_overlays_trampoline_lowered:
0x8: {  	[smem:$0x3F9F] =	sst s0  }
0x9: {  	[smem:$0x3FA0] =	sst s1  }
0xa: {  	[smem:$0x3FA1] =	sst s2  }
0xb: {  	[smem:$0x3FA2] =	sst s3  }
0xc: {  	[smem:$0x3FA3] =	sst s4  }
0xd: {  	[smem:$0x3FA4] =	sst s5  }
0xe: {  	[smem:$0x3FA5] =	sst s6  }
0xf: {  	[smem:$0x3FA6] =	sst s7  }
0x10: {  	[smem:$0x3FA7] =	sst s8  }
0x11: {  	[smem:$0x3FA8] =	sst s9;
	s0 =	simm.s32 @!p0 $0x0  }
0x12: {  	s1 =	sld [smem:$0x3F8E];
	s0 =	simm.s32 @p0 $0x1  }
0x13: {  	[smem:$0x3FA9] =	sst s0;
	s0 =	simm.s32 @!p1 $0x0  }
0x14: {  	s2 =	sld [smem:$0x3F8D];
	s0 =	simm.s32 @p1 $0x1  }
0x15: {  	[smem:$0x3FAA] =	sst s0;
	s0 =	simm.s32 @!p2 $0x0  }
0x16: {  	s3 =	sld [smem:$0x3FDB];
	s0 =	simm.s32 @p2 $0x1  }
0x17: {  	s4 =	simm.s32 $0x1BF5;
	[smem:$0x3FAC] =	sst s0  }
0x18: {  	s0 =	sld [smem:$0x3F8F];
	_ =	swait.ge [sflag:s4], $0x0  }
0x19: {  	s7 =	sld [smem:$0x3F90]  }
0x1a: {  	s8 =	sadd.s32 $0xFFFFE003, lr  }
0x1b: {  	s9 =	sadd.s32 $0xFFFFFEF7, lr;
	s5 =	simm.s32 $0xFFFFFFFF;
	p2 =	slt.u32 s8, $0xFFFFF086  }
0x1c: {  	p1 =	slt.u32 s9, $0xF7A;
	s5 =	simm.s32 @!p2 $0x0  }
0x1d: {  	s5 =	simm.s32 @p1 $0x1;
	p0 =	seq.s32 s7, s2  }
0x1e: {  	s7 =	smul.u32 @!p0 $0xF7A, s2;
	p2 =	seq.s32 @!p0 s5, $0x0  }
0x1f: {  	s9 =	smul.u32 $0xF7A, s1;
	s8 =	simm.s32 @!p0 $0x1BF5;
	p2 =	por !p2, p0  }
0x20: {  	[sflag:s8] =	ssyncset.s32 @!p0 $0xFFFFF086;
	s6 =	sadd.s32 @!p0 s3, s7;
	s7 =	simm.s32 @!p0 $0x108  }
0x21: {  	s3 =	sadd.s32 s3, s9;
	s6 =	sadd.s32 @!p0 $0x88, s6;
	s7 =	simm.s32 @p2 $0x1082  }
0x22: {  	[simem:s7], [sflag:s8] =	dma.local @!p0 [hbm:s6], $0xF7A  }
0x23: {  	s9 =	sor.u32 $0xD0000000, s2;
	s6 =	simm.s32 $0x108;
	_ =	swait.ge @!p0 [sflag:s8], $0x0  }
0x24: {  	s3 =	sadd.s32 $0x88, s3;
	s6 =	simm.s32 @!p1 $0x1082;
	[sflag:s4] =	ssyncset.s32 $0xFFFFF086  }
0x25: {  	[simem:s6], [sflag:s4] =	dma.local [hbm:s3], $0xF7A  }
0x26: {  	[smem:$0x3F90] =	sst s1;
	(tag) =	ssettag s2;
	_ =	strace s9  }
0x27: {  	s1 =	sld [smem:$0x3FA0]  }
0x28: {  	s2 =	sld [smem:$0x3FA1]  }
0x29: {  	s4 =	sld [smem:$0x3FA3]  }
0x2a: {  	p0 =	seq.s32 s5, $0x0;
	s5 =	sld [smem:$0x3FA4]  }
0x2b: {  	s6 =	sld [smem:$0x3FA5]  }
0x2c: {  	s7 =	sld [smem:$0x3FA6]  }
0x2d: {  	s3 =	simm.s32 $0x108;
	s8 =	sld [smem:$0x3FA7]  }
0x2e: {  	s3 =	simm.s32 @!p0 $0x1082;
	s9 =	sld [smem:$0x3FA8]  }
0x2f: {  	lr =	sadd.s32 s0, s3;
	s0 =	sld [smem:$0x3F9F]  }
0x30: {  	s3 =	sld [smem:$0x3FA2]  }
0x31: {  	[smem:$0x3FAB] =	sst s10  }
0x32: {  	s10 =	sld [smem:$0x3FA9];
	_ =	sdelay $0x3  }
0x33: {  	p0 =	seq.s32 s10, $0x1;
	s10 =	sld [smem:$0x3FAB];
	_ =	sdelay $0x3  }
0x34: {  	[smem:$0x3FAB] =	sst s10  }
0x35: {  	s10 =	sld [smem:$0x3FAA];
	_ =	sdelay $0x3  }
0x36: {  	p1 =	seq.s32 s10, $0x1;
	s10 =	sld [smem:$0x3FAB];
	_ =	sdelay $0x3  }
0x37: {  	[smem:$0x3FAB] =	sst s10  }
0x38: {  	s10 =	sld [smem:$0x3FAC]  }
0x39: {  	_ = 	snop;
	(pc) =	sbr.ind lr, $3  }
0x3a: {  	_ = 	snop  }
0x3b: {  	_ = 	snop  }
0x3c: {  	p2 =	seq.s32 s10, $0x1;
	s10 =	sld [smem:$0x3FAB]  }
0x3d: {  	_ =	shalt  }
0x3e: {  	_ =	shalt  }
0x3f: {  	_ =	shalt  }
0x40: {  	_ =	shalt  }
0x41: {  	_ =	shalt  }
0x42: {  	_ =	shalt  }
0x43: {  	_ =	shalt  }
0x44: {  	_ =	shalt  }
0x45: {  	_ =	shalt  }
0x46: {  	_ =	shalt  }
0x47: {  	_ =	shalt  }
0x48: {  	_ =	shalt  }
0x49: {  	_ =	shalt  }
0x4a: {  	_ =	shalt  }
0x4b: {  	_ =	shalt  }
0x4c: {  	_ =	shalt  }
0x4d: {  	_ =	shalt  }
0x4e: {  	_ =	shalt  }
0x4f: {  	_ =	shalt  }
0x50: {  	_ =	shalt  }
0x51: {  	_ =	shalt  }
0x52: {  	_ =	shalt  }
0x53: {  	_ =	shalt  }
0x54: {  	_ =	shalt  }
0x55: {  	_ =	shalt  }
0x56: {  	_ =	shalt  }
0x57: {  	_ =	shalt  }
0x58: {  	_ =	shalt  }
0x59: {  	_ =	shalt  }
0x5a: {  	_ =	shalt  }
0x5b: {  	_ =	shalt  }
0x5c: {  	_ =	shalt  }
0x5d: {  	_ =	shalt  }
0x5e: {  	_ =	shalt  }
0x5f: {  	_ =	shalt  }
0x60: {  	_ =	shalt  }
0x61: {  	_ =	shalt  }
0x62: {  	_ =	shalt  }
0x63: {  	_ =	shalt  }
0x64: {  	_ =	shalt  }
0x65: {  	_ =	shalt  }
0x66: {  	_ =	shalt  }
0x67: {  	_ =	shalt  }
0x68: {  	_ =	shalt  }
0x69: {  	_ =	shalt  }
0x6a: {  	_ =	shalt  }
0x6b: {  	_ =	shalt  }
0x6c: {  	_ =	shalt  }
0x6d: {  	_ =	shalt  }
0x6e: {  	_ =	shalt  }
0x6f: {  	_ =	shalt  }
0x70: {  	_ =	shalt  }
0x71: {  	_ =	shalt  }
0x72: {  	_ =	shalt  }
0x73: {  	_ =	shalt  }
0x74: {  	_ =	shalt  }
0x75: {  	_ =	shalt  }
0x76: {  	_ =	shalt  }
0x77: {  	_ =	shalt  }
0x78: {  	_ =	shalt  }
0x79: {  	_ =	shalt  }
0x7a: {  	_ =	shalt  }
0x7b: {  	_ =	shalt  }
0x7c: {  	_ =	shalt  }
0x7d: {  	_ =	shalt  }
0x7e: {  	_ =	shalt  }
0x7f: {  	_ =	shalt  }
0x80: {  	_ =	shalt  }
0x81: {  	_ =	shalt  }
0x82: {  	_ =	shalt  }
0x83: {  	_ =	shalt  }
0x84: {  	_ =	shalt  }
0x85: {  	_ =	shalt  }
0x86: {  	_ =	shalt  }
0x87: {  	_ =	shalt  }
.Lfunc_end0:
.L_simem_size_0:
called_computation.4_lowered:
.L_overlay_start_0:
0x88: {  	s2 =	sld [smem:$0x3FD9]  }
0x89: {  	s3 =	sld [smem:$0x3FFE];
	_ =	sdelay $0x1  }
0x8a: {  	s1 =	srdreg.scid  }
0x8b: {  	s0 =	sand.u32 $0x1, s1  }
0x8c: {  	s17 =	sshll.u32 s0, $0xA;
	s2 =	sadd.s32 s3, s2  }
0x8d: {  	s2 =	sadd.s32 s2, s17  }
0x8e: {  	[smem:$0x3FB7] =	sst s2  }
0x8f: {  	_ = 	snop  }
0x90: {  	s2 =	sld [smem:$0x3FD0];
	(tm) =	ssettm $0x1  }
0x91: {  	s18 =	sld [smem:$0x3FFB];
	_ =	sdelay $0x3  }
0x92: {  	_ =	strace s18  }
0x93: {  	s3 =	sld [smem:$0x3FFC];
	_ =	sdelay $0x3  }
0x94: {  	_ =	strace s3  }
0x95: {  	s3 =	sld [smem:$0x3FFD];
	_ =	sdelay $0x3  }
0x96: {  	_ =	strace s3  }
0x97: {  	_ =	strace $0x8FFFFFFF  }
0x98: {  	s19 =	sld [smem:$0x3FDB];
	_ =	sdelay $0x1  }
0x99: {  	s4 =	simm.s32 $_scs_section_size  }
0x9a: {  	s5 =	simm.s32 $_size__tile_overlayer_lowered;
	s6 =	simm.s32 $_tile_overlayer_lowered  }
0x9b: {  	s22 =	simm.s32 $0x1BFF;
	s21 =	sshll.u32 s6, $0x1;
	s3 =	sadd.s32 s4, s19  }
0x9c: {  	s7 =	simm.s32 $0x0;
	s20 =	sshll.u32 s5, $0x1;
	s5 =	sadd.s32 s21, s3  }
0x9d: {  	[timem:s7], [sflag:s22] =	dma.local [hbm:s5], s20  }
0x9e: {  	_ =	swait.ge [sflag:s22], s20  }
0x9f: {  	s4 =	ssub.s32 $0x0, s20;
	[sflag:s22] =	ssyncset.done $0x0  }
0xa0: {  	[sflag:s22] =	ssyncadd.s32 s4;
	_ =	sdelay $0x1  }
0xa1: {  	s23 =	simm.s32 $0x1B8B  }
0xa2: {  	_ =	swait.ge [sflag:s23], $0x1  }
0xa3: {  	[sflag:s23] =	ssyncset.done $0x0  }
0xa4: {  	s25 =	simm.s32 $0x1B8E;
	s24 =	sld [smem:$0x3FFE];
	[sflag:s23] =	ssyncadd.s32 $0xFFFFFFFF  }
0xa5: {  	s26 =	simm.s32 $execute0_lowered;
	[smem:$0x3FD2] =	sst s25  }
0xa6: {  	s5 =	sshll.u32 s26, $0x1;
	_ =	strace $0x80000052;
	[dreg:$0x1] =	wrdreg $0xFFFFFFFF  }
0xa7: {  	s28 =	simm.s32 $_size_execute0_lowered;
	s3 =	sadd.s32 s3, s5;
	[dreg:$0x0] =	wrdreg $0x0  }
0xa8: {  	s5 =	sshll.u32 s28, $0x1;
	[dreg:$0x2] =	wrdreg s3  }
0xa9: {  	[dreg:$0x3] =	wrdreg s5  }
0xaa: {  	[dreg:$0x4] =	wrdreg $0xC0  }
0xab: {  	_ =	task [dreg:s7], $0x5FFFF  }
0xac: {  	[dreg:$0x1] =	wrdreg $0xFFFFFFFF  }
0xad: {  	[dreg:$0x0] =	wrdreg $0x60  }
0xae: {  	[dreg:$0x2] =	wrdreg s2  }
0xaf: {  	[dreg:$0x3] =	wrdreg s24  }
0xb0: {  	[dreg:$0x4] =	wrdreg $0x9  }
0xb1: {  	_ =	task.clear_ibuf [dreg:s7], $0x5FFFF;
	_ =	strace $0x90000052  }
0xb2: {  	s29 =	simm.s32 $0x9;
	_ =	strace $0x80000054  }
0xb3: {  	_ =	swait.ge [sflag:s29], $0x1  }
0xb4: {  	[sflag:s29] =	ssyncadd.s32 $0xFFFFFFFF  }
0xb5: {  	_ =	strace $0x90000054  }
0xb6: {  	_ =	sfence  }
0xb7: {  	s30 =	sld [smem:$0x0];
	_ =	sdelay $0x2  }
0xb8: {  	s31 =	sshll.u32 s1, $0xD;
	s1 =	sshrl.u32 s1, $0x2  }
0xb9: {  	s3 =	sand.u32 $0x4000, s31;
	s1 =	sadd.s32 s1, s30  }
0xba: {  	s0 =	sor.u32 s3, s0;
	s1 =	sshll.u32 s1, $0x11  }
0xbb: {  	s0 =	sor.u32 s1, s0  }
0xbc: {  	s0 =	sadd.s32 $0x8F2B, s0  }
0xbd: {  	[sflag:s0] =	ssyncadd.remote.s32 $0x1  }
0xbe: {  	_ =	sfence.sel $0xFFFF  }
0xbf: {  	[dreg:$0x0] =	wrdreg $0xFFFFFFFF;
	(pc) =	sbr.abs _section_cstart, $3  }
0xc0: {  	[dreg:$0x1] =	wrdreg $0xFFFFFFFF  }
0xc1: {  	_ =	task.clear_ibuf [dreg:s7], $0x2FFFF;
	_ =	strace $0x9FFFFFFF  }
0xc2: {  	(tm) =	ssettm $0x7FFFFFFF  }
0xc3: {  	_ =	shalt  }
tec
execute0_lowered:
.L_overlay_start_1:
0x0: {  	(tag) =	ssettag $0x1  }
0x1: {  	s0 =	srdreg.scid;
	s3 =	rddreg [dreg:$0x0]  }
0x2: {  	s4 =	stileid.u32;
	s11 =	rddreg [dreg:$0x1]  }
0x3: {  	s14 =	simm.s32 $0x4;
	s15 =	simm.s32 $0x3C00;
	s16 =	simm.s32 $0x7800  }
0x4: {  	s17 =	simm.s32 $0xF800;
	s18 =	simm.s32 $0x1;
	s0 =	sand.u32 $0x1, s0  }
0x5: {  	s19 =	simm.s32 $0x2;
	s20 =	simm.s32 $0x40;
	s1 =	smul.u32 $0xFFFFFFD8, s0  }
0x6: {  	s30 =	simm.s32 $0xB800;
	s21 =	simm.s32 $0x80;
	s31 =	simm.s32 $0x13800  }
0x7: {  	s24 =	smul.u32 $0x3C0, s0;
	s0 =	ssub.s32 $0x2, s0;
	s2 =	sadd.s32 $0x3C, s1  }
0x8: {  	s22 =	simm.s32 $0x3;
	s7 =	sshrl.u32 s0, $0x1;
	s5 =	smul.u32 s4, s2  }
0x9: {  	s23 =	simm.s32 $0x0;
	s0 =	ssub.s32 s0, s7;
	s4 =	simm.s32 $0x0  }
0xa: {  	s28 =	sshrl.u32 s2, $0x1;
	[smem:$0x7FF] =	sst s4;
	s1 =	sadd.s32 s24, s5  }
0xb: {  	_ =	strace $0x80000053;
	[dreg:$0x7] =	wrdreg s28;
	s5 =	sshll.u32 s1, $0x5  }
0xc: {  	s12 =	smax.u32 s0, $0x1;
	[dreg:$0x3] =	wrdreg s30;
	s6 =	sand.u32 $0x1FFFFF80, s5  }
0xd: {  	[dreg:$0x4] =	wrdreg s31;
	s10 =	sshll.u32 s1, $0xF;
	s8 =	sadd.s32 s6, s11  }
0xe: {  	s29 =	sshll.u32 s1, $0xC;
	s5 =	sadd.s32 $0x4800, s11;
	s25 =	sadd.s32 $0xAC800, s8  }
0xf: {  	s13 =	sor.u32 $0x1000, s29;
	s26 =	sadd.s32 $0xA2000, s8;
	[dreg:$0x5] =	wrdreg s25  }
0x10: {  	s6 =	sadd.s32 $0xB7000, s11;
	s11 =	sadd.s32 $0xB7008, s11;
	[dreg:$0x6] =	wrdreg s26  }
.LBB2_1:
0x11: {  	s0 =	rddreg [dreg:$0x5]  }
0x12: {  	[tilespmem:s4], [sflag:$0x4] =	stream.linear.gather [hbm4b:s0+s4], $0x3C00, $0x38;
	[tilespmem:$0x17800] =	vst v63  }
0x13: {  	_ =	swait.ge [sflag:s14], $0x3C00  }
0x14: {  	[sflag:s14] =	ssyncset.done $0x0  }
0x15: {  	s30 =	rddreg [dreg:$0x6];
	[sflag:s14] =	ssyncadd.s32 $0xFFFFC400  }
0x16: {  	[tilespmem:s15], [sflag:$0x4] =	stream.linear.gather [hbm4b:s30+s4], $0x3C00, $0x38;
	[tilespmem:$0x17800] =	vst v63  }
0x17: {  	_ =	swait.ge [sflag:s14], $0x3C00  }
0x18: {  	s31 =	rddreg [dreg:$0x7]  }
0x19: {  	s1 =	sadd.s32 $0xFFFFFFFF, s31  }
0x1a: {  	p2 =	sne.s32 s1, $0x0  }
.Ltmp0:
0x1b: {  	s25 =	simm.s32 $0x100;
	[sflag:s14] =	ssyncset.done $0x0;
	(pc) =	sbr.rel @!p2 .LBB2_2-.Ltmp0, $4  }
0x1c: {  	s26 =	simm.s32 $0x3D00;
	p0 =	por $0x1, $0x1;
	[sflag:s14] =	ssyncadd.s32 $0xFFFFC400  }
0x1d: {  	[tilespmem:s16], [sflag:$0x1] =	stream.indirect.gather [hbm4b:s3+s25], $0x40, s4, s25, $0xb8;
	[tilespmem:$0x17800] =	vst v63  }
0x1e: {  	s24 =	simm.s32 $0x2;
	p1 =	por $0x0, $0x0;
	p0 =	por p0, p0  }
0x1f: {  	[tilespmem:s17], [sflag:$0x2] =	stream.indirect.gather [hbm4b:s5+s25], $0x40, s15, s25, $0xb8;
	[tilespmem:$0x17800] =	vst v63  }
0x20: {  	s0 =	simm.s32 @!p0 $0x3  }
0x21: {  	_ =	swait.ge @!p0 [sflag:s0], $0x4000  }
0x22: {  	[sflag:s0] =	ssyncset.done @!p0 $0x0  }
0x23: {  	[sflag:s0] =	ssyncadd.s32 @!p0 $0xFFFFC000  }
0x24: {  	_ =	swait.ge @!p0 [sflag:s0], $0x4000  }
0x25: {  	p1 =	sle.s32 s2, $0x1;
	[sflag:s0] =	ssyncset.done @!p0 $0x0  }
0x26: {  	s28 =	simm.s32 @!p1 $0xB800;
	[sflag:s0] =	ssyncadd.s32 @!p0 $0xFFFFC000;
	s0 =	simm.s32 @!p1 $0x100  }
0x27: {  	[tilespmem:s28], [sflag:$0x1] =	stream.indirect.gather @!p1 [hbm4b:s3+s0], $0x40, s25, s0, $0xb8;
	[tilespmem:$0x17800] =	vst v63  }
0x28: {  	s25 =	simm.s32 @!p1 $0x13800  }
0x29: {  	[tilespmem:s25], [sflag:$0x2] =	stream.indirect.gather @!p1 [hbm4b:s5+s0], $0x40, s26, s0, $0xb8;
	[tilespmem:$0x17800] =	vst v63  }
0x2a: {  	_ =	swait.ge [sflag:s18], $0x4000  }
0x2b: {  	[sflag:s18] =	ssyncset.done $0x0  }
0x2c: {  	[sflag:s18] =	ssyncadd.s32 $0xFFFFC000  }
0x2d: {  	_ =	swait.ge [sflag:s19], $0x4000  }
0x2e: {  	s7 =	sshrl.u32 s10, $0x3;
	[sflag:s19] =	ssyncset.done $0x0  }
0x2f: {  	s8 =	sadd.s32 s6, s7;
	[sflag:s19] =	ssyncadd.s32 $0xFFFFC000  }
0x30: {  	[hbm4b:s8+s20] =	stream.strided.scatter [tilespmem:s16], [sflag:$0x3], $0x4000, s21, s20, $0x38;
	[tilespmem:$0x17800] =	vst v63  }
0x31: {  	p0 =	por $0x0, $0x0;
	s0 =	sadd.s32 s7, s11  }
0x32: {  	[hbm4b:s0+s20] =	stream.strided.scatter [tilespmem:s17], [sflag:$0x3], $0x4000, s21, s20, $0x38;
	[tilespmem:$0x17800] =	vst v63  }
0x33: {  	s0 =	simm.s32 @!p0 $0x3  }
0x34: {  	_ =	swait.ge @!p0 [sflag:s0], $0x4000  }
0x35: {  	[sflag:s0] =	ssyncset.done @!p0 $0x0  }
0x36: {  	[sflag:s0] =	ssyncadd.s32 @!p0 $0xFFFFC000  }
0x37: {  	p1 =	sle.s32 s2, $0x2;
	_ =	swait.ge @!p0 [sflag:s0], $0x4000  }
0x38: {  	s25 =	simm.s32 @!p1 $0x7800;
	[sflag:s0] =	ssyncset.done @!p0 $0x0  }
0x39: {  	s26 =	simm.s32 @!p1 $0x200;
	s28 =	simm.s32 @!p1 $0x100;
	[sflag:s0] =	ssyncadd.s32 @!p0 $0xFFFFC000  }
0x3a: {  	[tilespmem:s25], [sflag:$0x1] =	stream.indirect.gather @!p1 [hbm4b:s3+s28], $0x40, s26, s28, $0xb8;
	[tilespmem:$0x17800] =	vst v63  }
0x3b: {  	p6 =	por $0x0, $0x0;
	s0 =	simm.s32 @!p1 $0x3E00;
	s25 =	simm.s32 @!p1 $0xF800  }
0x3c: {  	[tilespmem:s25], [sflag:$0x2] =	stream.indirect.gather @!p1 [hbm4b:s5+s28], $0x40, s0, s28, $0xb8;
	[tilespmem:$0x17800] =	vst v63  }
0x3d: {  	s31 =	sadd.s32 $0xFFFFFFFF, s1;
	s30 =	sand.u32 $0x1FFFF000, s13;
	_ =	swait.ge [sflag:s18], $0x4000  }
0x3e: {  	s29 =	simm.s32 $0x4;
	p2 =	sne.s32 s31, $0x0;
	[sflag:s18] =	ssyncset.done $0x0  }
0x3f: {  	p0 =	por p6, p6;
	s26 =	sadd.s32 s6, s30;
	[sflag:s18] =	ssyncadd.s32 $0xFFFFC000  }
.Ltmp1:
0x40: {  	s28 =	sadd.s32 $0x2000, s13;
	_ =	swait.ge [sflag:s19], $0x4000;
	(pc) =	sbr.rel @!p2 .LBB2_5-.Ltmp1, $4  }
0x41: {  	s25 =	simm.s32 $0x300;
	s0 =	sadd.s32 s30, s11;
	[sflag:s19] =	ssyncset.done $0x0  }
0x42: {  	s30 =	sadd.s32 $0x10000, s10;
	s9 =	rddreg [dreg:$0x3];
	[sflag:s19] =	ssyncadd.s32 $0xFFFFC000  }
0x43: {  	[hbm4b:s26+s20] =	stream.strided.scatter [tilespmem:s9], [sflag:$0x3], $0x4000, s21, s20, $0x38;
	[tilespmem:$0x17800] =	vst v63  }
0x44: {  	p1 =	por $0x1, $0x1;
	s1 =	rddreg [dreg:$0x4];
	s26 =	simm.s32 $0x3F00  }
.LBB2_4:
0x45: {  	s7 =	simm.s32 @!p0 $0x3  }
0x46: {  	[hbm4b:s0+s20] =	stream.strided.scatter [tilespmem:s1], [sflag:$0x3], $0x4000, s21, s20, $0x38;
	[tilespmem:$0x17800] =	vst v63  }
0x47: {  	_ =	swait.ge @!p0 [sflag:s7], $0x4000  }
0x48: {  	[sflag:s7] =	ssyncset.done @!p0 $0x0  }
0x49: {  	[sflag:s7] =	ssyncadd.s32 @!p0 $0xFFFFC000  }
0x4a: {  	s9 =	sadd.s32 $0x1, s24;
	_ =	swait.ge @!p0 [sflag:s7], $0x4000  }
0x4b: {  	p4 =	sge.s32 s9, s2;
	[sflag:s7] =	ssyncset.done @!p0 $0x0  }
0x4c: {  	s0 =	simm.s32 @!p4 $0x100;
	[sflag:s7] =	ssyncadd.s32 @!p0 $0xFFFFC000;
	s7 =	simm.s32 @!p4 $0xB800  }
0x4d: {  	[tilespmem:s7], [sflag:$0x1] =	stream.indirect.gather @!p4 [hbm4b:s3+s0], $0x40, s25, s0, $0xb8;
	[tilespmem:$0x17800] =	vst v63  }
0x4e: {  	s7 =	simm.s32 @!p4 $0x13800  }
0x4f: {  	[tilespmem:s7], [sflag:$0x2] =	stream.indirect.gather @!p4 [hbm4b:s5+s0], $0x40, s26, s0, $0xb8;
	[tilespmem:$0x17800] =	vst v63  }
0x50: {  	_ =	swait.ge [sflag:s18], $0x4000  }
0x51: {  	[sflag:s18] =	ssyncset.done $0x0  }
0x52: {  	[sflag:s18] =	ssyncadd.s32 $0xFFFFC000  }
0x53: {  	_ =	swait.ge [sflag:s19], $0x4000  }
0x54: {  	s8 =	sshrl.u32 s30, $0x3;
	[sflag:s19] =	ssyncset.done $0x0  }
0x55: {  	p3 =	slt.s32 s29, $0x1;
	s9 =	sadd.s32 s6, s8;
	[sflag:s19] =	ssyncadd.s32 $0xFFFFC000  }
0x56: {  	[hbm4b:s9+s20] =	stream.strided.scatter [tilespmem:s16], [sflag:$0x3], $0x4000, s21, s20, $0x38;
	[tilespmem:$0x17800] =	vst v63  }
0x57: {  	p0 =	por p3, p3;
	p3 =	slt.s32 s24, $0x0;
	s0 =	sadd.s32 s8, s11  }
0x58: {  	[hbm4b:s0+s20] =	stream.strided.scatter [tilespmem:s17], [sflag:$0x3], $0x4000, s21, s20, $0x38;
	[tilespmem:$0x17800] =	vst v63  }
0x59: {  	s0 =	simm.s32 @!p3 $0x3  }
0x5a: {  	_ =	swait.ge @!p3 [sflag:s0], $0x4000  }
0x5b: {  	[sflag:s0] =	ssyncset.done @!p3 $0x0  }
0x5c: {  	[sflag:s0] =	ssyncadd.s32 @!p3 $0xFFFFC000  }
0x5d: {  	s31 =	sadd.s32 $0xFFFFFFFF, s31;
	p4 =	sge.s32 s29, s2;
	_ =	swait.ge @!p3 [sflag:s0], $0x4000  }
0x5e: {  	s1 =	smov.u32 s28;
	s7 =	simm.s32 @!p4 $0x7800;
	[sflag:s0] =	ssyncset.done @!p3 $0x0  }
0x5f: {  	s8 =	sadd.s32 @!p4 $0x100, s25;
	s9 =	simm.s32 @!p4 $0x100;
	[sflag:s0] =	ssyncadd.s32 @!p3 $0xFFFFC000  }
0x60: {  	[tilespmem:s7], [sflag:$0x1] =	stream.indirect.gather @!p4 [hbm4b:s3+s9], $0x40, s8, s9, $0xb8;
	[tilespmem:$0x17800] =	vst v63  }
0x61: {  	s28 =	sadd.s32 $0x2000, s28;
	s0 =	sadd.s32 @!p4 $0x100, s26;
	s7 =	simm.s32 @!p4 $0xF800  }
0x62: {  	[tilespmem:s7], [sflag:$0x2] =	stream.indirect.gather @!p4 [hbm4b:s5+s9], $0x40, s0, s9, $0xb8;
	[tilespmem:$0x17800] =	vst v63  }
0x63: {  	s30 =	sadd.s32 $0x10000, s30;
	p2 =	sne.s32 s31, $0x0;
	_ =	swait.ge [sflag:s18], $0x4000  }
0x64: {  	s24 =	smov.u32 s29;
	s29 =	sadd.s32 $0x2, s29;
	[sflag:s18] =	ssyncset.done $0x0  }
.Ltmp2:
0x65: {  	s25 =	sadd.s32 $0x200, s25;
	[sflag:s18] =	ssyncadd.s32 $0xFFFFC000;
	(pc) =	sbr.rel @p2 .LBB2_4-.Ltmp2, $4  }
0x66: {  	s26 =	sadd.s32 $0x200, s26;
	s7 =	sand.u32 $0x1FFFF000, s1;
	_ =	swait.ge [sflag:s19], $0x4000  }
0x67: {  	s9 =	sadd.s32 s6, s7;
	[sflag:s19] =	ssyncset.done $0x0;
	s8 =	rddreg [dreg:$0x3]  }
0x68: {  	s0 =	sadd.s32 s7, s11;
	s1 =	rddreg [dreg:$0x4];
	[sflag:s19] =	ssyncadd.s32 $0xFFFFC000  }
0x69: {  	[hbm4b:s9+s20] =	stream.strided.scatter [tilespmem:s8], [sflag:$0x3], $0x4000, s21, s20, $0x38;
	[tilespmem:$0x17800] =	vst v63  }
.LBB2_5:
0x6a: {  	s7 =	simm.s32 @!p0 $0x3  }
0x6b: {  	[hbm4b:s0+s20] =	stream.strided.scatter @p1 [tilespmem:s1], [sflag:$0x3], $0x4000, s21, s20, $0x38;
	[tilespmem:$0x17800] =	vst v63  }
0x6c: {  	_ =	swait.ge @!p0 [sflag:s7], $0x4000  }
0x6d: {  	[sflag:s7] =	ssyncset.done @!p0 $0x0  }
0x6e: {  	[sflag:s7] =	ssyncadd.s32 @!p0 $0xFFFFC000  }
0x6f: {  	s1 =	sadd.s32 $0x1, s24;
	_ =	swait.ge @!p0 [sflag:s7], $0x4000  }
0x70: {  	p1 =	sge.s32 s1, s2;
	[sflag:s7] =	ssyncset.done @!p0 $0x0  }
0x71: {  	s0 =	simm.s32 @!p1 $0x100;
	s1 =	simm.s32 @!p1 $0xB800;
	[sflag:s7] =	ssyncadd.s32 @!p0 $0xFFFFC000  }
0x72: {  	[tilespmem:s1], [sflag:$0x1] =	stream.indirect.gather @!p1 [hbm4b:s3+s0], $0x40, s25, s0, $0xb8;
	[tilespmem:$0x17800] =	vst v63  }
0x73: {  	s1 =	simm.s32 @!p1 $0x13800  }
0x74: {  	[tilespmem:s1], [sflag:$0x2] =	stream.indirect.gather @!p1 [hbm4b:s5+s0], $0x40, s26, s0, $0xb8;
	[tilespmem:$0x17800] =	vst v63  }
0x75: {  	_ =	swait.ge [sflag:s18], $0x4000  }
0x76: {  	[sflag:s18] =	ssyncset.done $0x0  }
0x77: {  	[sflag:s18] =	ssyncadd.s32 $0xFFFFC000  }
0x78: {  	_ =	swait.ge [sflag:s19], $0x4000  }
0x79: {  	s8 =	sshrl.u32 s30, $0x3;
	[sflag:s19] =	ssyncset.done $0x0  }
0x7a: {  	s9 =	sadd.s32 s6, s8;
	[sflag:s19] =	ssyncadd.s32 $0xFFFFC000  }
0x7b: {  	[hbm4b:s9+s20] =	stream.strided.scatter [tilespmem:s16], [sflag:$0x3], $0x4000, s21, s20, $0x38;
	[tilespmem:$0x17800] =	vst v63  }
0x7c: {  	p0 =	slt.s32 s24, $0x0;
	s0 =	sadd.s32 s8, s11  }
0x7d: {  	[hbm4b:s0+s20] =	stream.strided.scatter [tilespmem:s17], [sflag:$0x3], $0x4000, s21, s20, $0x38;
	[tilespmem:$0x17800] =	vst v63  }
0x7e: {  	s0 =	simm.s32 @!p0 $0x3  }
0x7f: {  	_ =	swait.ge @!p0 [sflag:s0], $0x4000  }
0x80: {  	[sflag:s0] =	ssyncset.done @!p0 $0x0  }
0x81: {  	[sflag:s0] =	ssyncadd.s32 @!p0 $0xFFFFC000  }
0x82: {  	p1 =	sge.s32 s29, s2;
	_ =	swait.ge @!p0 [sflag:s0], $0x4000  }
0x83: {  	s1 =	simm.s32 @!p1 $0x7800;
	[sflag:s0] =	ssyncset.done @!p0 $0x0  }
0x84: {  	s7 =	sadd.s32 @!p1 $0x100, s25;
	s8 =	simm.s32 @!p1 $0x100;
	[sflag:s0] =	ssyncadd.s32 @!p0 $0xFFFFC000  }
0x85: {  	[tilespmem:s1], [sflag:$0x1] =	stream.indirect.gather @!p1 [hbm4b:s3+s8], $0x40, s7, s8, $0xb8;
	[tilespmem:$0x17800] =	vst v63  }
0x86: {  	s0 =	sadd.s32 @!p1 $0x100, s26;
	s1 =	simm.s32 @!p1 $0xF800  }
0x87: {  	[tilespmem:s1], [sflag:$0x2] =	stream.indirect.gather @!p1 [hbm4b:s5+s8], $0x40, s0, s8, $0xb8;
	[tilespmem:$0x17800] =	vst v63  }
0x88: {  	_ =	swait.ge [sflag:s18], $0x4000  }
0x89: {  	[sflag:s18] =	ssyncset.done $0x0  }
0x8a: {  	[sflag:s18] =	ssyncadd.s32 $0xFFFFC000  }
0x8b: {  	_ =	swait.ge [sflag:s19], $0x4000  }
0x8c: {  	s28 =	sand.u32 $0x1FFFF000, s28;
	[sflag:s19] =	ssyncset.done $0x0  }
0x8d: {  	s29 =	sadd.s32 s6, s28;
	s26 =	rddreg [dreg:$0x3];
	[sflag:s19] =	ssyncadd.s32 $0xFFFFC000  }
0x8e: {  	[hbm4b:s29+s20] =	stream.strided.scatter [tilespmem:s26], [sflag:$0x3], $0x4000, s21, s20, $0x38;
	[tilespmem:$0x17800] =	vst v63  }
0x8f: {  	s23 =	sadd.s32 $0x1, s23;
	s31 =	sadd.s32 s28, s11;
	s30 =	rddreg [dreg:$0x4]  }
0x90: {  	[hbm4b:s31+s20] =	stream.strided.scatter [tilespmem:s30], [sflag:$0x3], $0x4000, s21, s20, $0x38;
	[tilespmem:$0x17800] =	vst v63  }
0x91: {  	p0 =	sne.s32 s23, s12;
	_ =	swait.ge [sflag:s22], $0x4000  }
.Ltmp3:
0x92: {  	[sflag:s22] =	ssyncset.done $0x0;
	(pc) =	sbr.rel @p0 .LBB2_1-.Ltmp3, $4  }
.Ltmp4:
0x93: {  	[sflag:s22] =	ssyncadd.s32 $0xFFFFC000;
	(pc) =	sbr.rel @!p0 .LBB2_6-.Ltmp4, $4  }
0x94: {  	_ =	swait.ge [sflag:s22], $0x4000  }
0x95: {  	[sflag:s22] =	ssyncset.done $0x0  }
0x96: {  	[sflag:s22] =	ssyncadd.s32 $0xFFFFC000  }
0x97: {  	_ = 	snop  }
.LBB2_2:
.Ltmp5:
0x98: {  	(pc) =	sbr.rel .LBB2_5-.Ltmp5, $3  }
0x99: {  	_ =	sdelay $0x1  }
0x9a: {  	s29 =	simm.s32 $0x2  }
0x9b: {  	s28 =	smov.u32 s13;
	s24 =	simm.s32 $0x0;
	s30 =	smov.u32 s10  }
.LBB2_6:
0x9c: {  	_ =	sfence.sel $0x180000  }
0x9d: {  	[bflag:$0x0] =	sbarrier.arrive $0xFFFF  }
0x9e: {  	_ =	strace $0x90000053  }
0x9f: {  	s0 =	stileid.u32;
	[bflag:$0x2] =	sbarrier.arrive $0xFFFF  }
0xa0: {  	p0 =	sne.s32 s0, $0x0;
	s0 =	rddreg [dreg:$0x2]  }
0xa1: {  	s0 =	sadd.s32 @!p0 $0x100000, s0  }
0xa2: {  	[sflag:s0] =	ssyncadd.tile.s32 @!p0 $0x1;
	_ =	shalt  }
.Lfunc_end2:
_tile_overlayer_lowered:
.L_overlay_start_2:
0xa3: {  	(tag) =	ssettag $0x2  }
0xa4: {  	s0 =	rddreg [dreg:$0x0];
	s2 =	stileid.u32  }
0xa5: {  	s1 =	rddreg [dreg:$0x1];
	p0 =	sne.s32 s2, $0x0  }
0xa6: {  	s3 =	rddreg [dreg:$0x2];
	[bflag:$0x3] =	sbarrier.arrive $0xFFFF;
	s2 =	simm.s32 @!p0 $0x1C04  }
0xa7: {  	[timem:s3], [sflag:s2] =	dma.local @!p0 [hbm:s0], s1  }
0xa8: {  	s0 =	simm.s32 @!p0 $0x4  }
0xa9: {  	_ =	swait.ge @!p0 [sflag:s0], s1  }
0xaa: {  	s1 =	ssub.s32 @!p0 $0x0, s1;
	[sflag:s0] =	ssyncset.done @!p0 $0x0  }
0xab: {  	[sflag:s0] =	ssyncadd.s32 @!p0 s1  }
0xac: {  	[bflag:$0x3] =	sbarrier.arrive $0xFFFF  }
0xad: {  	_ =	shalt  }

</sc_bundles>
